<compile_context>
chip_gen: v7x
topology: tpu7x:2x2x1
jax: 0.10.2.dev20260603
libtpu: 0.0.44.dev20260713+nightly
codegen_flags: <defaults>
</compile_context>

<pallas_src>
import functools

import numpy as np
import jax
import jax.numpy as jnp
from jax import lax
from jax.experimental import pallas as pl
from jax.experimental.pallas import tpu as pltpu
from jax.experimental.pallas import tpu_sc as plsc

N = 10000
E = 320000
D = 128
H = 8
DH = 16

NC = 2
NS = 16
L = 16
NW = NC * NS
C = 128
NCH = E // C
NB = 80
NBLK = N // NB

_mesh = plsc.VectorSubcoreMesh(core_axis_name="c", subcore_axis_name="s")
_sc_params = pltpu.CompilerParams(needs_layout_passes=False)


def _tc0_body(x_ref, wq_ref, bq_ref, wk_ref, bk_ref, wv_ref, bv_ref,
              s1_ref, b1_ref, q_ref, k_ref, v_ref):
    x = x_ref[...]
    mu = jnp.mean(x, axis=-1, keepdims=True)
    var = jnp.mean((x - mu) ** 2, axis=-1, keepdims=True)
    h = (x - mu) * lax.rsqrt(var + 1e-5) * s1_ref[...] + b1_ref[...]
    scale = D ** (-0.5)
    q = jnp.dot(h, wq_ref[...], preferred_element_type=jnp.float32) + bq_ref[...]
    q_ref[...] = q * scale
    k_ref[...] = jnp.dot(h, wk_ref[...], preferred_element_type=jnp.float32) + bk_ref[...]
    v_ref[...] = jnp.dot(h, wv_ref[...], preferred_element_type=jnp.float32) + bv_ref[...]


def _tc0(x, wqt, bq, wkt, bk, wvt, bv, s1, b1):
    blk = 1000
    grid = N // blk
    row_spec = pl.BlockSpec((blk, D), lambda i: (i, 0))
    w_spec = pl.BlockSpec((D, D), lambda i: (0, 0))
    vec_spec = pl.BlockSpec((1, D), lambda i: (0, 0))
    return pl.pallas_call(
        _tc0_body,
        grid=(grid,),
        in_specs=[row_spec, w_spec, vec_spec, w_spec, vec_spec, w_spec,
                  vec_spec, vec_spec, vec_spec],
        out_specs=(row_spec, row_spec, row_spec),
        out_shape=(jax.ShapeDtypeStruct((N, D), jnp.float32),
                   jax.ShapeDtypeStruct((N, D), jnp.float32),
                   jax.ShapeDtypeStruct((N, D), jnp.float32)),
    )(x, wqt, bq, wkt, bk, wvt, bv, s1, b1)


@functools.partial(
    pl.kernel,
    out_type=jax.ShapeDtypeStruct((E * L,), jnp.float32),
    mesh=_mesh,
    compiler_params=_sc_params,
    scratch_types=[
        pltpu.VMEM((C,), jnp.int32),
        pltpu.VMEM((C,), jnp.int32),
        pltpu.VMEM((C, D), jnp.float32),
        pltpu.VMEM((C, D), jnp.float32),
        pltpu.VMEM((C * H,), jnp.float32),
        pltpu.VMEM((C * H,), jnp.float32),
        pltpu.VMEM((C * L,), jnp.float32),
        pltpu.VMEM((4 * L,), jnp.float32),
        pltpu.SemaphoreType.DMA,
        pltpu.SemaphoreType.DMA,
    ],
)
def _sc_attn(q_hbm, k_hbm, ei_hbm, dist_hbm, path_hbm,
             ew_hbm,
             sv, dv, qr, kr, db, pb, ewf, accs, sem1, sem2):
    cid = lax.axis_index("c")
    sid = lax.axis_index("s")
    wid = sid * NC + cid
    nt = (NCH - wid + NW - 1) // NW

    lane = lax.iota(jnp.int32, L)
    fold_idx = lane ^ 8
    lowmask = lane & 7

    def _chunk(g, carry):
        base = (wid + g * NW) * C
        cs1 = pltpu.async_copy(ei_hbm.at[0, 0, pl.ds(base, C)], sv, sem1)
        cs2 = pltpu.async_copy(ei_hbm.at[1, 0, pl.ds(base, C)], dv, sem1)
        cs3 = pltpu.async_copy(dist_hbm.at[pl.ds(base * H, C * H)], db, sem2)
        cs4 = pltpu.async_copy(path_hbm.at[pl.ds(base * H, C * H)], pb, sem2)
        cs1.wait()
        cs2.wait()
        cp1 = pltpu.async_copy(q_hbm.at[sv], qr, sem1)
        cp2 = pltpu.async_copy(k_hbm.at[dv], kr, sem2)
        cs3.wait()
        cs4.wait()
        cp1.wait()
        cp2.wait()

        def _edge(e4, ecarry):
            accv = []
            for j in range(4):
                e = e4 * 4 + j
                acc = qr[e, pl.ds(0, L)] * kr[e, pl.ds(0, L)]
                for i in range(1, 8):
                    acc = acc + qr[e, pl.ds(L * i, L)] * kr[e, pl.ds(L * i, L)]
                accs[pl.ds(L * j, L)] = acc
                accv.append(acc)
            for j in range(4):
                e = e4 * 4 + j
                full = accv[j] + plsc.load_gather(
                    accs, [jnp.full((L,), L * j, jnp.int32) + fold_idx])
                bidx = jnp.full((L,), e * H, jnp.int32) + lowmask
                bias = (plsc.load_gather(db, [bidx])
                        + plsc.load_gather(pb, [bidx]))
                ewf[pl.ds(e * L, L)] = jnp.exp(full + bias)
            return ecarry
        lax.fori_loop(0, C // 4, _edge, 0)
        pltpu.sync_copy(ewf, ew_hbm.at[pl.ds(base * L, C * L)])
        return carry
    lax.fori_loop(0, nt, _chunk, 0)


@functools.partial(
    pl.kernel,
    out_type=(jax.ShapeDtypeStruct((N, D), jnp.float32),
              jax.ShapeDtypeStruct((N, D), jnp.float32)),
    mesh=_mesh,
    compiler_params=_sc_params,
    scratch_types=[
        pltpu.VMEM((C,), jnp.int32),
        pltpu.VMEM((C, D), jnp.float32),
        pltpu.VMEM((C * L,), jnp.float32),
        pltpu.VMEM((NB, D), jnp.float32),
        pltpu.VMEM((NB,), jnp.int32),
        pltpu.VMEM_SHARED((N, D), jnp.float32),
        pltpu.SemaphoreType.DMA,
    ],
)
def _sc_den(ei_hbm, ew_hbm,
            den0_hbm, den1_hbm,
            dv, ewb, ewf, zbd, izb, den_sh, semd):
    cid = lax.axis_index("c")
    sid = lax.axis_index("s")
    wid = sid * NC + cid
    nt = (NCH - wid + NW - 1) // NW
    ntb = (NBLK - sid + NS - 1) // NS

    lane = lax.iota(jnp.int32, L)

    def _set_izb(rbase):
        for j in range(NB // L):
            izb[pl.ds(L * j, L)] = jnp.full((L,), rbase + L * j, jnp.int32) + lane

    def _zrow(i, carry):
        for j in range(8):
            zbd[i, pl.ds(L * j, L)] = jnp.zeros((L,), jnp.float32)
        return carry
    lax.fori_loop(0, NB, _zrow, 0)

    def _zblk(t, carry):
        _set_izb((sid + t * NS) * NB)
        pltpu.sync_copy(zbd, den_sh.at[izb])
        return carry
    lax.fori_loop(0, ntb, _zblk, 0)
    plsc.subcore_barrier()

    def _chunk(g, carry):
        base = (wid + g * NW) * C
        cs1 = pltpu.async_copy(ei_hbm.at[1, 0, pl.ds(base, C)], dv, semd)
        cs2 = pltpu.async_copy(ew_hbm.at[pl.ds(base * L, C * L)], ewf, semd)
        cs1.wait()
        cs2.wait()

        def _edge(e4, ecarry):
            for j in range(4):
                e = e4 * 4 + j
                for h in range(H):
                    ewb[e, pl.ds(L * h, L)] = plsc.load_gather(
                        ewf, [jnp.full((L,), e * L + h, jnp.int32)])
            return ecarry
        lax.fori_loop(0, C // 4, _edge, 0)
        pltpu.sync_copy(ewb, den_sh.at[dv], add=True)
        return carry
    lax.fori_loop(0, nt, _chunk, 0)
    plsc.subcore_barrier()

    def _writeout(den_out):
        def _oblk(t, carry):
            r = (sid + t * NS) * NB
            _set_izb(r)
            pltpu.sync_copy(den_sh.at[izb], zbd)
            pltpu.sync_copy(zbd, den_out.at[pl.ds(r, NB)])
            return carry
        lax.fori_loop(0, ntb, _oblk, 0)

    @pl.when(cid == 0)
    def _():
        _writeout(den0_hbm)

    @pl.when(cid == 1)
    def _():
        _writeout(den1_hbm)


@functools.partial(
    pl.kernel,
    out_type=(jax.ShapeDtypeStruct((N, D), jnp.float32),
              jax.ShapeDtypeStruct((N, D), jnp.float32)),
    mesh=_mesh,
    compiler_params=_sc_params,
    scratch_types=[
        pltpu.VMEM((C,), jnp.int32),
        pltpu.VMEM((C,), jnp.int32),
        pltpu.VMEM((C, D), jnp.float32),
        pltpu.VMEM((C, D), jnp.float32),
        pltpu.VMEM((C * L,), jnp.float32),
        pltpu.VMEM((NB, D), jnp.float32),
        pltpu.VMEM((NB,), jnp.int32),
        pltpu.VMEM_SHARED((N, D), jnp.float32),
        pltpu.SemaphoreType.DMA,
    ],
)
def _sc_agg(v_hbm, ei_hbm, ew_hbm,
            agg0_hbm, agg1_hbm,
            sv, dv, vr, he, ewf, zbd, izb, agg_sh, sem1):
    cid = lax.axis_index("c")
    sid = lax.axis_index("s")
    wid = sid * NC + cid
    nt = (NCH - wid + NW - 1) // NW
    ntb = (NBLK - sid + NS - 1) // NS

    lane = lax.iota(jnp.int32, L)

    def _set_izb(rbase):
        for j in range(NB // L):
            izb[pl.ds(L * j, L)] = jnp.full((L,), rbase + L * j, jnp.int32) + lane

    def _zrow(i, carry):
        for j in range(8):
            zbd[i, pl.ds(L * j, L)] = jnp.zeros((L,), jnp.float32)
        return carry
    lax.fori_loop(0, NB, _zrow, 0)

    def _zblk(t, carry):
        _set_izb((sid + t * NS) * NB)
        pltpu.sync_copy(zbd, agg_sh.at[izb])
        return carry
    lax.fori_loop(0, ntb, _zblk, 0)
    plsc.subcore_barrier()

    def _chunk(g, carry):
        base = (wid + g * NW) * C
        cs1 = pltpu.async_copy(ei_hbm.at[0, 0, pl.ds(base, C)], sv, sem1)
        cs2 = pltpu.async_copy(ei_hbm.at[1, 0, pl.ds(base, C)], dv, sem1)
        cs3 = pltpu.async_copy(ew_hbm.at[pl.ds(base * L, C * L)], ewf, sem1)
        cs1.wait()
        cs2.wait()
        cp1 = pltpu.async_copy(v_hbm.at[sv], vr, sem1)
        cs3.wait()
        cp1.wait()

        def _edge(e4, ecarry):
            for j in range(4):
                e = e4 * 4 + j
                for h in range(H):
                    m = plsc.load_gather(
                        ewf, [jnp.full((L,), e * L + h, jnp.int32)])
                    he[e, pl.ds(L * h, L)] = vr[e, pl.ds(L * h, L)] * m
            return ecarry
        lax.fori_loop(0, C // 4, _edge, 0)
        pltpu.sync_copy(he, agg_sh.at[dv], add=True)
        return carry
    lax.fori_loop(0, nt, _chunk, 0)
    plsc.subcore_barrier()

    def _writeout(agg_out):
        def _oblk(t, carry):
            r = (sid + t * NS) * NB
            _set_izb(r)
            pltpu.sync_copy(agg_sh.at[izb], zbd)
            pltpu.sync_copy(zbd, agg_out.at[pl.ds(r, NB)])
            return carry
        lax.fori_loop(0, ntb, _oblk, 0)

    @pl.when(cid == 0)
    def _():
        _writeout(agg0_hbm)

    @pl.when(cid == 1)
    def _():
        _writeout(agg1_hbm)


def _tcc_body(a0_ref, a1_ref, d0_ref, d1_ref, x0_ref, wo_ref, bo_ref,
              s2_ref, b2_ref, w1_ref, bf1_ref, w2_ref, bf2_ref, o_ref):
    den = jnp.maximum(d0_ref[...] + d1_ref[...], 1e-30)
    agg = (a0_ref[...] + a1_ref[...]) / den
    x = jnp.dot(agg, wo_ref[...], preferred_element_type=jnp.float32) + bo_ref[...]
    h1 = x0_ref[...] + x
    mu = jnp.mean(h1, axis=-1, keepdims=True)
    var = jnp.mean((h1 - mu) ** 2, axis=-1, keepdims=True)
    h2 = (h1 - mu) * lax.rsqrt(var + 1e-5) * s2_ref[...] + b2_ref[...]
    g = jax.nn.gelu(jnp.dot(h2, w1_ref[...], preferred_element_type=jnp.float32)
                    + bf1_ref[...])
    y = jnp.dot(g, w2_ref[...], preferred_element_type=jnp.float32) + bf2_ref[...]
    o_ref[...] = h1 + y


def _tcc(a0, a1, d0, d1, x0, wot, bo, s2, b2, w1t, bf1, w2t, bf2):
    blk = 1000
    grid = N // blk
    row_spec = pl.BlockSpec((blk, D), lambda i: (i, 0))
    return pl.pallas_call(
        _tcc_body,
        grid=(grid,),
        in_specs=[row_spec, row_spec, row_spec, row_spec, row_spec,
                  pl.BlockSpec((D, D), lambda i: (0, 0)),
                  pl.BlockSpec((1, D), lambda i: (0, 0)),
                  pl.BlockSpec((1, D), lambda i: (0, 0)),
                  pl.BlockSpec((1, D), lambda i: (0, 0)),
                  pl.BlockSpec((D, 4 * D), lambda i: (0, 0)),
                  pl.BlockSpec((1, 4 * D), lambda i: (0, 0)),
                  pl.BlockSpec((4 * D, D), lambda i: (0, 0)),
                  pl.BlockSpec((1, D), lambda i: (0, 0))],
        out_specs=row_spec,
        out_shape=jax.ShapeDtypeStruct((N, D), jnp.float32),
    )(a0, a1, d0, d1, x0, wot, bo, s2, b2, w1t, bf1, w2t, bf2)


def kernel(node_feature, edge_index, dist_attn, path_attn, qkv_w, qkv_b,
           out_w, out_b, ln1_s, ln1_b, ffn_w1, ffn_b1, ffn_w2, ffn_b2,
           ln2_s, ln2_b):
    w_ix = np.arange(D)
    perm = (w_ix % H) * DH + w_ix // H
    wq = qkv_w[perm]
    bq = qkv_b[perm].reshape(1, D)
    wk = qkv_w[D + perm]
    bk = qkv_b[D + perm].reshape(1, D)
    wv = qkv_w[2 * D:]
    bv = qkv_b[2 * D:].reshape(1, D)

    q2, k2, v2 = _tc0(node_feature, wq.T, bq, wk.T, bk, wv.T, bv,
                      ln1_s.reshape(1, D), ln1_b.reshape(1, D))
    ei3 = edge_index.reshape(2, 1, E)
    ew = _sc_attn(q2, k2, ei3,
                  dist_attn.reshape(E * H),
                  path_attn.reshape(E * H))
    den0, den1 = _sc_den(ei3, ew)
    agg0, agg1 = _sc_agg(v2, ei3, ew)
    return _tcc(agg0, agg1, den0, den1, node_feature,
                out_w.T, out_b.reshape(1, D),
                ln2_s.reshape(1, D), ln2_b.reshape(1, D),
                ffn_w1.T, ffn_b1.reshape(1, 4 * D),
                ffn_w2.T, ffn_b2.reshape(1, D))

# --- scband reference (transcript-rebuilt; emitter-appended) ---
"""Pipeline reference for scband-graph-transformer-layer-80633716015119 (READ-ONLY COPY).

The authoritative reference and input builder live on the scoring server;
editing this copy changes nothing except your own understanding.
"""

import jax, jax.numpy as jnp
import numpy as np

N = 10000
E = 320000
D = 128
H = 8
DH = D // H


def layer_norm(x, scale, bias, eps=1e-5):
    mu = jnp.mean(x, axis=-1, keepdims=True)
    var = jnp.var(x, axis=-1, keepdims=True)
    return (x - mu) / jnp.sqrt(var + eps) * scale + bias


def setup_inputs(seed: int = 0):
    key = jax.random.key(seed)
    ks = jax.random.split(key, 16)
    node_feature = jax.random.normal(ks[0], (N, D), dtype=jnp.float32)
    edge_index = jax.random.randint(ks[1], (2, E), 0, N, dtype=jnp.int32)
    dist_attn = jax.random.normal(ks[2], (E, H), dtype=jnp.float32)
    path_attn = jax.random.normal(ks[3], (E, H), dtype=jnp.float32)
    s = 0.02
    qkv_w = jax.random.normal(ks[4], (3 * D, D), dtype=jnp.float32) * s
    qkv_b = jnp.zeros((3 * D,), dtype=jnp.float32)
    out_w = jax.random.normal(ks[5], (D, D), dtype=jnp.float32) * s
    out_b = jnp.zeros((D,), dtype=jnp.float32)
    ln1_s = jnp.ones((D,), dtype=jnp.float32)
    ln1_b = jnp.zeros((D,), dtype=jnp.float32)
    ffn_w1 = jax.random.normal(ks[6], (4 * D, D), dtype=jnp.float32) * s
    ffn_b1 = jnp.zeros((4 * D,), dtype=jnp.float32)
    ffn_w2 = jax.random.normal(ks[7], (D, 4 * D), dtype=jnp.float32) * s
    ffn_b2 = jnp.zeros((D,), dtype=jnp.float32)
    ln2_s = jnp.ones((D,), dtype=jnp.float32)
    ln2_b = jnp.zeros((D,), dtype=jnp.float32)
    return {
        'node_feature': node_feature, 'edge_index': edge_index,
        'dist_attn': dist_attn, 'path_attn': path_attn,
        'qkv_w': qkv_w, 'qkv_b': qkv_b, 'out_w': out_w, 'out_b': out_b,
        'ln1_s': ln1_s, 'ln1_b': ln1_b,
        'ffn_w1': ffn_w1, 'ffn_b1': ffn_b1, 'ffn_w2': ffn_w2, 'ffn_b2': ffn_b2,
        'ln2_s': ln2_s, 'ln2_b': ln2_b,
    }


def reference(node_feature, edge_index, dist_attn, path_attn,
              qkv_w, qkv_b, out_w, out_b, ln1_s, ln1_b,
              ffn_w1, ffn_b1, ffn_w2, ffn_b2, ln2_s, ln2_b):
    src = edge_index[0].astype(jnp.int32)
    dst = edge_index[1].astype(jnp.int32)
    scale = D ** (-0.5)
    # --- GraphSelfAttentionNetwork ---
    res = node_feature
    h = layer_norm(node_feature, ln1_s, ln1_b)
    qkv = h @ qkv_w.T + qkv_b                      # (N, 3D)
    qkv = qkv.reshape(N, 3, H, DH)
    q = qkv[:, 0] * scale                          # (N, H, DH)
    k = qkv[:, 1]
    v = qkv[:, 2]
    # u_dot_v('Q','K'): dot of src Q with dst K per edge
    node_attn = jnp.sum(q[src] * k[dst], axis=-1, keepdims=True)   # (E, H, 1)
    a = node_attn + dist_attn[:, :, None] + path_attn[:, :, None]  # (E, H, 1)
    # edge_softmax over incoming edges per destination node
    amax = jax.ops.segment_max(a, dst, num_segments=N)
    amax = jax.lax.stop_gradient(amax)
    a_exp = jnp.exp(a - amax[dst])
    denom = jax.ops.segment_sum(a_exp, dst, num_segments=N)
    sa = a_exp / denom[dst]                        # (E, H, 1)
    he = (v[src] * sa).reshape(E, D)               # (E, D)
    agg = jax.ops.segment_sum(he, dst, num_segments=N)  # (N, D)
    x = agg @ out_w.T + out_b
    h1 = res + x
    # --- FeedForwardNetwork ---
    res2 = h1
    h2 = layer_norm(h1, ln2_s, ln2_b)
    h2 = jax.nn.gelu(h2 @ ffn_w1.T + ffn_b1)
    h2 = h2 @ ffn_w2.T + ffn_b2
    return res2 + h2

if __name__ == "__main__":
    import jax
    _d = setup_inputs()
    print(jax.jit(kernel)(*tuple(_d.values())))

</pallas_src>

<mosaic_0001>
#map = affine_map<(d0, d1) -> (0, 0)>
#map1 = affine_map<(d0, d1) -> (0, 0, 0)>
#map2 = affine_map<(d0, d1) -> (0)>
module attributes {stable_mosaic.version = 14 : i64} {
  func.func @_sc_attn(%arg0: i32, %arg1: i32, %arg2: memref<10000x128xf32, #tpu.memory_space<hbm>>, %arg3: memref<10000x128xf32, #tpu.memory_space<hbm>>, %arg4: memref<2x1x320000xi32, #tpu.memory_space<hbm>>, %arg5: memref<2560000xf32, #tpu.memory_space<hbm>>, %arg6: memref<2560000xf32, #tpu.memory_space<hbm>>, %arg7: memref<5120000xf32, #tpu.memory_space<hbm>>, %arg8: memref<128xi32, #tpu.memory_space<vmem>>, %arg9: memref<128xi32, #tpu.memory_space<vmem>>, %arg10: memref<128x128xf32, #tpu.memory_space<vmem>>, %arg11: memref<128x128xf32, #tpu.memory_space<vmem>>, %arg12: memref<1024xf32, #tpu.memory_space<vmem>>, %arg13: memref<1024xf32, #tpu.memory_space<vmem>>, %arg14: memref<2048xf32, #tpu.memory_space<vmem>>, %arg15: memref<64xf32, #tpu.memory_space<vmem>>, %arg16: memref<!tpu.dma_semaphore, #tpu.memory_space<semaphore_mem>>, %arg17: memref<!tpu.dma_semaphore, #tpu.memory_space<semaphore_mem>>) attributes {dimension_semantics = [#tpu.dimension_semantics<core_parallel>, #tpu.dimension_semantics<subcore_parallel>], iteration_bounds = array<i64: 2, 16>, scalar_prefetch = 0 : i64, scratch_operands = 10 : i64, tpu.core_type = #tpu.core_type<sc_vector_subcore>, window_params = [{transform_indices = #map}, {transform_indices = #map}, {transform_indices = #map1}, {transform_indices = #map2}, {transform_indices = #map2}, {transform_indices = #map2}]} {
    %mul3A = arith.constant 2 : i32
    %mul3A_0 = arith.muli %arg1, %mul3A : i32
    %add3A = arith.addi %mul3A_0, %arg0 : i32
    %sub3A = arith.constant 2500 : i32
    %sub3A_1 = arith.subi %sub3A, %add3A : i32
    %add3A_2 = arith.constant 32 : i32
    %add3A_3 = arith.addi %sub3A_1, %add3A_2 : i32
    %sub3A_4 = arith.constant 1 : i32
    %sub3A_5 = arith.subi %add3A_3, %sub3A_4 : i32
    %jit3A = arith.constant 32 : i32
    %div3A = arith.divsi %sub3A_5, %jit3A : i32
    %sign3A = arith.constant 0 : i32
    %sign3A_6 = arith.cmpi sgt, %sub3A_5, %sign3A : i32
    %sign3A_7 = arith.extui %sign3A_6 : i1 to i32
    %sign3A_8 = arith.constant 0 : i32
    %sign3A_9 = arith.cmpi slt, %sub3A_5, %sign3A_8 : i32
    %sign3A_10 = arith.extui %sign3A_9 : i1 to i32
    %sign3A_11 = arith.subi %sign3A_7, %sign3A_10 : i32
    %sign3A_12 = arith.constant 0 : i32
    %sign3A_13 = arith.cmpi sgt, %jit3A, %sign3A_12 : i32
    %sign3A_14 = arith.extui %sign3A_13 : i1 to i32
    %sign3A_15 = arith.constant 0 : i32
    %sign3A_16 = arith.cmpi slt, %jit3A, %sign3A_15 : i32
    %sign3A_17 = arith.extui %sign3A_16 : i1 to i32
    %sign3A_18 = arith.subi %sign3A_14, %sign3A_17 : i32
    %ne3A = arith.cmpi ne, %sign3A_11, %sign3A_18 : i32
    %rem3A = arith.remsi %sub3A_5, %jit3A : i32
    %ne3A_19 = arith.constant 0 : i32
    %ne3A_20 = arith.cmpi ne, %rem3A, %ne3A_19 : i32
    %and3A = arith.andi %ne3A, %ne3A_20 : i1
    %sub3A_21 = arith.constant 1 : i32
    %sub3A_22 = arith.subi %div3A, %sub3A_21 : i32
    %select_n3A = arith.select %and3A, %sub3A_22, %div3A : i32
    %iota3A = tpu.iota {dimensions = array<i32: 0>} : vector<16xi32>
    %xor3A = arith.constant 8 : i32
    %xor3A_23 = vector.broadcast %xor3A : i32 to vector<16xi32>
    %xor3A_24 = arith.xori %iota3A, %xor3A_23 : vector<16xi32>
    %and3A_25 = arith.constant 7 : i32
    %and3A_26 = vector.broadcast %and3A_25 : i32 to vector<16xi32>
    %and3A_27 = arith.andi %iota3A, %and3A_26 : vector<16xi32>
    %while3A = arith.constant 0 : i32
    %while3A_28 = arith.constant 0 : i32
    %while3A_29 = arith.subi %select_n3A, %while3A_28 : i32
    %while3A_30 = arith.addi %while3A_28, %while3A_29 : i32
    %while3A_31 = arith.constant 1 : i32
    %while3A_32 = arith.divsi %while3A_29, %while3A_31 : i32
    %while3A_33 = arith.muli %while3A_32, %while3A_31 : i32
    %while3A_34 = arith.addi %while3A_28, %while3A_33 : i32
    %while3A_35 = arith.constant 1 : i32
    scf.for %while3A_37 = %while3A_28 to %while3A_34 step %while3A_35  : i32 {
      %mul3A_38 = arith.constant 32 : i32
      %mul3A_39 = arith.muli %while3A_37, %mul3A_38 : i32
      %add3A_40 = arith.addi %add3A, %mul3A_39 : i32
      %mul3A_41 = arith.constant 128 : i32
      %mul3A_42 = arith.muli %add3A_40, %mul3A_41 : i32
      %dma_start3A = arith.constant 0 : i32
      %dma_start3A_43 = arith.constant 0 : i32
      %dma_start3A_44 = tpu.memref_slice %arg4[%dma_start3A, %dma_start3A_43, %mul3A_42] : memref<2x1x320000xi32, #tpu.memory_space<hbm>> -> memref<1x1x128xi32, #tpu.memory_space<hbm>>
      %dma_start3A_45 = tpu.memref_squeeze %dma_start3A_44 : memref<1x1x128xi32, #tpu.memory_space<hbm>> -> memref<128xi32, #tpu.memory_space<hbm>>
      %dma_start3A_46 = tpu.memref_slice %arg4[%dma_start3A, %dma_start3A_43, %mul3A_42] : memref<2x1x320000xi32, #tpu.memory_space<hbm>> -> memref<1x1x128xi32, #tpu.memory_space<hbm>>
      %dma_start3A_47 = tpu.memref_squeeze %dma_start3A_46 : memref<1x1x128xi32, #tpu.memory_space<hbm>> -> memref<128xi32, #tpu.memory_space<hbm>>
      tpu.enqueue_dma source(%dma_start3A_47 : memref<128xi32, #tpu.memory_space<hbm>>) target(%arg8 : memref<128xi32, #tpu.memory_space<vmem>>) target_semaphore(%arg16 : memref<!tpu.dma_semaphore, #tpu.memory_space<semaphore_mem>>)
      %dma_start3A_48 = arith.constant 1 : i32
      %dma_start3A_49 = arith.constant 0 : i32
      %dma_start3A_50 = tpu.memref_slice %arg4[%dma_start3A_48, %dma_start3A_49, %mul3A_42] : memref<2x1x320000xi32, #tpu.memory_space<hbm>> -> memref<1x1x128xi32, #tpu.memory_space<hbm>>
      %dma_start3A_51 = tpu.memref_squeeze %dma_start3A_50 : memref<1x1x128xi32, #tpu.memory_space<hbm>> -> memref<128xi32, #tpu.memory_space<hbm>>
      %dma_start3A_52 = tpu.memref_slice %arg4[%dma_start3A_48, %dma_start3A_49, %mul3A_42] : memref<2x1x320000xi32, #tpu.memory_space<hbm>> -> memref<1x1x128xi32, #tpu.memory_space<hbm>>
      %dma_start3A_53 = tpu.memref_squeeze %dma_start3A_52 : memref<1x1x128xi32, #tpu.memory_space<hbm>> -> memref<128xi32, #tpu.memory_space<hbm>>
      tpu.enqueue_dma source(%dma_start3A_53 : memref<128xi32, #tpu.memory_space<hbm>>) target(%arg9 : memref<128xi32, #tpu.memory_space<vmem>>) target_semaphore(%arg16 : memref<!tpu.dma_semaphore, #tpu.memory_space<semaphore_mem>>)
      %mul3A_54 = arith.constant 8 : i32
      %mul3A_55 = arith.muli %mul3A_42, %mul3A_54 : i32
      %dma_start3A_56 = tpu.memref_slice %arg5[%mul3A_55] : memref<2560000xf32, #tpu.memory_space<hbm>> -> memref<1024xf32, #tpu.memory_space<hbm>>
      %dma_start3A_57 = tpu.memref_slice %arg5[%mul3A_55] : memref<2560000xf32, #tpu.memory_space<hbm>> -> memref<1024xf32, #tpu.memory_space<hbm>>
      tpu.enqueue_dma source(%dma_start3A_57 : memref<1024xf32, #tpu.memory_space<hbm>>) target(%arg12 : memref<1024xf32, #tpu.memory_space<vmem>>) target_semaphore(%arg17 : memref<!tpu.dma_semaphore, #tpu.memory_space<semaphore_mem>>)
      %mul3A_58 = arith.constant 8 : i32
      %mul3A_59 = arith.muli %mul3A_42, %mul3A_58 : i32
      %dma_start3A_60 = tpu.memref_slice %arg6[%mul3A_59] : memref<2560000xf32, #tpu.memory_space<hbm>> -> memref<1024xf32, #tpu.memory_space<hbm>>
      %dma_start3A_61 = tpu.memref_slice %arg6[%mul3A_59] : memref<2560000xf32, #tpu.memory_space<hbm>> -> memref<1024xf32, #tpu.memory_space<hbm>>
      tpu.enqueue_dma source(%dma_start3A_61 : memref<1024xf32, #tpu.memory_space<hbm>>) target(%arg13 : memref<1024xf32, #tpu.memory_space<vmem>>) target_semaphore(%arg17 : memref<!tpu.dma_semaphore, #tpu.memory_space<semaphore_mem>>)
      %dma_wait3A = arith.constant 0 : i32
      %dma_wait3A_62 = arith.constant 0 : i32
      %dma_wait3A_63 = tpu.memref_slice %arg4[%dma_wait3A, %dma_wait3A_62, %mul3A_42] : memref<2x1x320000xi32, #tpu.memory_space<hbm>> -> memref<1x1x128xi32, #tpu.memory_space<hbm>>
      %dma_wait3A_64 = tpu.memref_squeeze %dma_wait3A_63 : memref<1x1x128xi32, #tpu.memory_space<hbm>> -> memref<128xi32, #tpu.memory_space<hbm>>
      %dma_wait3A_65 = tpu.memref_slice %arg4[%dma_wait3A, %dma_wait3A_62, %mul3A_42] : memref<2x1x320000xi32, #tpu.memory_space<hbm>> -> memref<1x1x128xi32, #tpu.memory_space<hbm>>
      %dma_wait3A_66 = tpu.memref_squeeze %dma_wait3A_65 : memref<1x1x128xi32, #tpu.memory_space<hbm>> -> memref<128xi32, #tpu.memory_space<hbm>>
      tpu.wait_dma2 semaphore(%arg16 : memref<!tpu.dma_semaphore, #tpu.memory_space<semaphore_mem>>) src(%dma_wait3A_66 : memref<128xi32, #tpu.memory_space<hbm>>) dst(%arg8 : memref<128xi32, #tpu.memory_space<vmem>>)
      %dma_wait3A_67 = arith.constant 1 : i32
      %dma_wait3A_68 = arith.constant 0 : i32
      %dma_wait3A_69 = tpu.memref_slice %arg4[%dma_wait3A_67, %dma_wait3A_68, %mul3A_42] : memref<2x1x320000xi32, #tpu.memory_space<hbm>> -> memref<1x1x128xi32, #tpu.memory_space<hbm>>
      %dma_wait3A_70 = tpu.memref_squeeze %dma_wait3A_69 : memref<1x1x128xi32, #tpu.memory_space<hbm>> -> memref<128xi32, #tpu.memory_space<hbm>>
      %dma_wait3A_71 = tpu.memref_slice %arg4[%dma_wait3A_67, %dma_wait3A_68, %mul3A_42] : memref<2x1x320000xi32, #tpu.memory_space<hbm>> -> memref<1x1x128xi32, #tpu.memory_space<hbm>>
      %dma_wait3A_72 = tpu.memref_squeeze %dma_wait3A_71 : memref<1x1x128xi32, #tpu.memory_space<hbm>> -> memref<128xi32, #tpu.memory_space<hbm>>
      tpu.wait_dma2 semaphore(%arg16 : memref<!tpu.dma_semaphore, #tpu.memory_space<semaphore_mem>>) src(%dma_wait3A_72 : memref<128xi32, #tpu.memory_space<hbm>>) dst(%arg9 : memref<128xi32, #tpu.memory_space<vmem>>)
      %dma_start3A_73 = arith.constant 0 : i32
      %dma_start3A_74 = arith.constant 0 : i32
      %dma_start3A_75 = tpu.memref_slice %arg2[%dma_start3A_73, %dma_start3A_74] : memref<10000x128xf32, #tpu.memory_space<hbm>> -> memref<10000x128xf32, #tpu.memory_space<hbm>>
      tpu.enqueue_indirect_dma source(%dma_start3A_75 : memref<10000x128xf32, #tpu.memory_space<hbm>>) target(%arg10 : memref<128x128xf32, #tpu.memory_space<vmem>>) offsets(%arg8 : memref<128xi32, #tpu.memory_space<vmem>>) semaphore(%arg16 : memref<!tpu.dma_semaphore, #tpu.memory_space<semaphore_mem>>)
      %dma_start3A_76 = arith.constant 0 : i32
      %dma_start3A_77 = arith.constant 0 : i32
      %dma_start3A_78 = tpu.memref_slice %arg3[%dma_start3A_76, %dma_start3A_77] : memref<10000x128xf32, #tpu.memory_space<hbm>> -> memref<10000x128xf32, #tpu.memory_space<hbm>>
      tpu.enqueue_indirect_dma source(%dma_start3A_78 : memref<10000x128xf32, #tpu.memory_space<hbm>>) target(%arg11 : memref<128x128xf32, #tpu.memory_space<vmem>>) offsets(%arg9 : memref<128xi32, #tpu.memory_space<vmem>>) semaphore(%arg17 : memref<!tpu.dma_semaphore, #tpu.memory_space<semaphore_mem>>)
      %dma_wait3A_79 = tpu.memref_slice %arg5[%mul3A_55] : memref<2560000xf32, #tpu.memory_space<hbm>> -> memref<1024xf32, #tpu.memory_space<hbm>>
      %dma_wait3A_80 = tpu.memref_slice %arg5[%mul3A_55] : memref<2560000xf32, #tpu.memory_space<hbm>> -> memref<1024xf32, #tpu.memory_space<hbm>>
      tpu.wait_dma2 semaphore(%arg17 : memref<!tpu.dma_semaphore, #tpu.memory_space<semaphore_mem>>) src(%dma_wait3A_80 : memref<1024xf32, #tpu.memory_space<hbm>>) dst(%arg12 : memref<1024xf32, #tpu.memory_space<vmem>>)
      %dma_wait3A_81 = tpu.memref_slice %arg6[%mul3A_59] : memref<2560000xf32, #tpu.memory_space<hbm>> -> memref<1024xf32, #tpu.memory_space<hbm>>
      %dma_wait3A_82 = tpu.memref_slice %arg6[%mul3A_59] : memref<2560000xf32, #tpu.memory_space<hbm>> -> memref<1024xf32, #tpu.memory_space<hbm>>
      tpu.wait_dma2 semaphore(%arg17 : memref<!tpu.dma_semaphore, #tpu.memory_space<semaphore_mem>>) src(%dma_wait3A_82 : memref<1024xf32, #tpu.memory_space<hbm>>) dst(%arg13 : memref<1024xf32, #tpu.memory_space<vmem>>)
      %dma_wait3A_83 = arith.constant 0 : i32
      %dma_wait3A_84 = arith.constant 0 : i32
      %dma_wait3A_85 = tpu.memref_slice %arg2[%dma_wait3A_83, %dma_wait3A_84] : memref<10000x128xf32, #tpu.memory_space<hbm>> -> memref<10000x128xf32, #tpu.memory_space<hbm>>
      tpu.wait_indirect_dma semaphore(%arg16 : memref<!tpu.dma_semaphore, #tpu.memory_space<semaphore_mem>>) src(%dma_wait3A_85 : memref<10000x128xf32, #tpu.memory_space<hbm>>) dst(%arg10 : memref<128x128xf32, #tpu.memory_space<vmem>>)
      %dma_wait3A_86 = arith.constant 0 : i32
      %dma_wait3A_87 = arith.constant 0 : i32
      %dma_wait3A_88 = tpu.memref_slice %arg3[%dma_wait3A_86, %dma_wait3A_87] : memref<10000x128xf32, #tpu.memory_space<hbm>> -> memref<10000x128xf32, #tpu.memory_space<hbm>>
      tpu.wait_indirect_dma semaphore(%arg17 : memref<!tpu.dma_semaphore, #tpu.memory_space<semaphore_mem>>) src(%dma_wait3A_88 : memref<10000x128xf32, #tpu.memory_space<hbm>>) dst(%arg11 : memref<128x128xf32, #tpu.memory_space<vmem>>)
      %scan3A = arith.constant 0 : i32
      %scan3A_89 = arith.constant 0 : i32
      %scan3A_90 = arith.constant 32 : i32
      %scan3A_91 = arith.addi %scan3A_89, %scan3A_90 : i32
      %scan3A_92 = arith.constant 1 : i32
      scf.for %scan3A_96 = %scan3A_89 to %scan3A_91 step %scan3A_92  : i32 {
        %mul3A_97 = arith.constant 4 : i32
        %mul3A_98 = arith.muli %scan3A_96, %mul3A_97 : i32
        %add3A_99 = arith.constant 0 : i32
        %add3A_100 = arith.addi %mul3A_98, %add3A_99 : i32
        %get3A = arith.index_cast %add3A_100 : i32 to index
        %get3A_101 = arith.constant 0 : index
        %get3A_102 = tpu.vector_load %arg10[%get3A, %get3A_101] {strides = array<i32>} : memref<128x128xf32, #tpu.memory_space<vmem>>, vector<16xf32>,
        %get3A_103 = arith.index_cast %add3A_100 : i32 to index
        %get3A_104 = arith.constant 0 : index
        %get3A_105 = tpu.vector_load %arg11[%get3A_103, %get3A_104] {strides = array<i32>} : memref<128x128xf32, #tpu.memory_space<vmem>>, vector<16xf32>,
        %mul3A_106 = arith.mulf %get3A_102, %get3A_105 : vector<16xf32>
        %get3A_107 = arith.index_cast %add3A_100 : i32 to index
        %get3A_108 = arith.constant 16 : index
        %get3A_109 = tpu.vector_load %arg10[%get3A_107, %get3A_108] {strides = array<i32>} : memref<128x128xf32, #tpu.memory_space<vmem>>, vector<16xf32>,
        %get3A_110 = arith.index_cast %add3A_100 : i32 to index
        %get3A_111 = arith.constant 16 : index
        %get3A_112 = tpu.vector_load %arg11[%get3A_110, %get3A_111] {strides = array<i32>} : memref<128x128xf32, #tpu.memory_space<vmem>>, vector<16xf32>,
        %mul3A_113 = arith.mulf %get3A_109, %get3A_112 : vector<16xf32>
        %add3A_114 = arith.addf %mul3A_106, %mul3A_113 : vector<16xf32>
        %get3A_115 = arith.index_cast %add3A_100 : i32 to index
        %get3A_116 = arith.constant 32 : index
        %get3A_117 = tpu.vector_load %arg10[%get3A_115, %get3A_116] {strides = array<i32>} : memref<128x128xf32, #tpu.memory_space<vmem>>, vector<16xf32>,
        %get3A_118 = arith.index_cast %add3A_100 : i32 to index
        %get3A_119 = arith.constant 32 : index
        %get3A_120 = tpu.vector_load %arg11[%get3A_118, %get3A_119] {strides = array<i32>} : memref<128x128xf32, #tpu.memory_space<vmem>>, vector<16xf32>,
        %mul3A_121 = arith.mulf %get3A_117, %get3A_120 : vector<16xf32>
        %add3A_122 = arith.addf %add3A_114, %mul3A_121 : vector<16xf32>
        %get3A_123 = arith.index_cast %add3A_100 : i32 to index
        %get3A_124 = arith.constant 48 : index
        %get3A_125 = tpu.vector_load %arg10[%get3A_123, %get3A_124] {strides = array<i32>} : memref<128x128xf32, #tpu.memory_space<vmem>>, vector<16xf32>,
        %get3A_126 = arith.index_cast %add3A_100 : i32 to index
        %get3A_127 = arith.constant 48 : index
        %get3A_128 = tpu.vector_load %arg11[%get3A_126, %get3A_127] {strides = array<i32>} : memref<128x128xf32, #tpu.memory_space<vmem>>, vector<16xf32>,
        %mul3A_129 = arith.mulf %get3A_125, %get3A_128 : vector<16xf32>
        %add3A_130 = arith.addf %add3A_122, %mul3A_129 : vector<16xf32>
        %get3A_131 = arith.index_cast %add3A_100 : i32 to index
        %get3A_132 = arith.constant 64 : index
        %get3A_133 = tpu.vector_load %arg10[%get3A_131, %get3A_132] {strides = array<i32>} : memref<128x128xf32, #tpu.memory_space<vmem>>, vector<16xf32>,
        %get3A_134 = arith.index_cast %add3A_100 : i32 to index
        %get3A_135 = arith.constant 64 : index
        %get3A_136 = tpu.vector_load %arg11[%get3A_134, %get3A_135] {strides = array<i32>} : memref<128x128xf32, #tpu.memory_space<vmem>>, vector<16xf32>,
        %mul3A_137 = arith.mulf %get3A_133, %get3A_136 : vector<16xf32>
        %add3A_138 = arith.addf %add3A_130, %mul3A_137 : vector<16xf32>
        %get3A_139 = arith.index_cast %add3A_100 : i32 to index
        %get3A_140 = arith.constant 80 : index
        %get3A_141 = tpu.vector_load %arg10[%get3A_139, %get3A_140] {strides = array<i32>} : memref<128x128xf32, #tpu.memory_space<vmem>>, vector<16xf32>,
        %get3A_142 = arith.index_cast %add3A_100 : i32 to index
        %get3A_143 = arith.constant 80 : index
        %get3A_144 = tpu.vector_load %arg11[%get3A_142, %get3A_143] {strides = array<i32>} : memref<128x128xf32, #tpu.memory_space<vmem>>, vector<16xf32>,
        %mul3A_145 = arith.mulf %get3A_141, %get3A_144 : vector<16xf32>
        %add3A_146 = arith.addf %add3A_138, %mul3A_145 : vector<16xf32>
        %get3A_147 = arith.index_cast %add3A_100 : i32 to index
        %get3A_148 = arith.constant 96 : index
        %get3A_149 = tpu.vector_load %arg10[%get3A_147, %get3A_148] {strides = array<i32>} : memref<128x128xf32, #tpu.memory_space<vmem>>, vector<16xf32>,
        %get3A_150 = arith.index_cast %add3A_100 : i32 to index
        %get3A_151 = arith.constant 96 : index
        %get3A_152 = tpu.vector_load %arg11[%get3A_150, %get3A_151] {strides = array<i32>} : memref<128x128xf32, #tpu.memory_space<vmem>>, vector<16xf32>,
        %mul3A_153 = arith.mulf %get3A_149, %get3A_152 : vector<16xf32>
        %add3A_154 = arith.addf %add3A_146, %mul3A_153 : vector<16xf32>
        %get3A_155 = arith.index_cast %add3A_100 : i32 to index
        %get3A_156 = arith.constant 112 : index
        %get3A_157 = tpu.vector_load %arg10[%get3A_155, %get3A_156] {strides = array<i32>} : memref<128x128xf32, #tpu.memory_space<vmem>>, vector<16xf32>,
        %get3A_158 = arith.index_cast %add3A_100 : i32 to index
        %get3A_159 = arith.constant 112 : index
        %get3A_160 = tpu.vector_load %arg11[%get3A_158, %get3A_159] {strides = array<i32>} : memref<128x128xf32, #tpu.memory_space<vmem>>, vector<16xf32>,
        %mul3A_161 = arith.mulf %get3A_157, %get3A_160 : vector<16xf32>
        %add3A_162 = arith.addf %add3A_154, %mul3A_161 : vector<16xf32>
        %swap3A = arith.constant 0 : index
        %swap3A_163 = tpu.vector_load %arg15[%swap3A] {strides = array<i32>} : memref<64xf32, #tpu.memory_space<vmem>>, vector<16xf32>,
        tpu.vector_store %arg15[%swap3A], %add3A_162 {strides = array<i32>} : memref<64xf32, #tpu.memory_space<vmem>>, vector<16xf32>,
        %mul3A_164 = arith.constant 4 : i32
        %mul3A_165 = arith.muli %scan3A_96, %mul3A_164 : i32
        %add3A_166 = arith.constant 1 : i32
        %add3A_167 = arith.addi %mul3A_165, %add3A_166 : i32
        %get3A_168 = arith.index_cast %add3A_167 : i32 to index
        %get3A_169 = arith.constant 0 : index
        %get3A_170 = tpu.vector_load %arg10[%get3A_168, %get3A_169] {strides = array<i32>} : memref<128x128xf32, #tpu.memory_space<vmem>>, vector<16xf32>,
        %get3A_171 = arith.index_cast %add3A_167 : i32 to index
        %get3A_172 = arith.constant 0 : index
        %get3A_173 = tpu.vector_load %arg11[%get3A_171, %get3A_172] {strides = array<i32>} : memref<128x128xf32, #tpu.memory_space<vmem>>, vector<16xf32>,
        %mul3A_174 = arith.mulf %get3A_170, %get3A_173 : vector<16xf32>
        %get3A_175 = arith.index_cast %add3A_167 : i32 to index
        %get3A_176 = arith.constant 16 : index
        %get3A_177 = tpu.vector_load %arg10[%get3A_175, %get3A_176] {strides = array<i32>} : memref<128x128xf32, #tpu.memory_space<vmem>>, vector<16xf32>,
        %get3A_178 = arith.index_cast %add3A_167 : i32 to index
        %get3A_179 = arith.constant 16 : index
        %get3A_180 = tpu.vector_load %arg11[%get3A_178, %get3A_179] {strides = array<i32>} : memref<128x128xf32, #tpu.memory_space<vmem>>, vector<16xf32>,
        %mul3A_181 = arith.mulf %get3A_177, %get3A_180 : vector<16xf32>
        %add3A_182 = arith.addf %mul3A_174, %mul3A_181 : vector<16xf32>
        %get3A_183 = arith.index_cast %add3A_167 : i32 to index
        %get3A_184 = arith.constant 32 : index
        %get3A_185 = tpu.vector_load %arg10[%get3A_183, %get3A_184] {strides = array<i32>} : memref<128x128xf32, #tpu.memory_space<vmem>>, vector<16xf32>,
        %get3A_186 = arith.index_cast %add3A_167 : i32 to index
        %get3A_187 = arith.constant 32 : index
        %get3A_188 = tpu.vector_load %arg11[%get3A_186, %get3A_187] {strides = array<i32>} : memref<128x128xf32, #tpu.memory_space<vmem>>, vector<16xf32>,
        %mul3A_189 = arith.mulf %get3A_185, %get3A_188 : vector<16xf32>
        %add3A_190 = arith.addf %add3A_182, %mul3A_189 : vector<16xf32>
        %get3A_191 = arith.index_cast %add3A_167 : i32 to index
        %get3A_192 = arith.constant 48 : index
        %get3A_193 = tpu.vector_load %arg10[%get3A_191, %get3A_192] {strides = array<i32>} : memref<128x128xf32, #tpu.memory_space<vmem>>, vector<16xf32>,
        %get3A_194 = arith.index_cast %add3A_167 : i32 to index
        %get3A_195 = arith.constant 48 : index
        %get3A_196 = tpu.vector_load %arg11[%get3A_194, %get3A_195] {strides = array<i32>} : memref<128x128xf32, #tpu.memory_space<vmem>>, vector<16xf32>,
        %mul3A_197 = arith.mulf %get3A_193, %get3A_196 : vector<16xf32>
        %add3A_198 = arith.addf %add3A_190, %mul3A_197 : vector<16xf32>
        %get3A_199 = arith.index_cast %add3A_167 : i32 to index
        %get3A_200 = arith.constant 64 : index
        %get3A_201 = tpu.vector_load %arg10[%get3A_199, %get3A_200] {strides = array<i32>} : memref<128x128xf32, #tpu.memory_space<vmem>>, vector<16xf32>,
        %get3A_202 = arith.index_cast %add3A_167 : i32 to index
        %get3A_203 = arith.constant 64 : index
        %get3A_204 = tpu.vector_load %arg11[%get3A_202, %get3A_203] {strides = array<i32>} : memref<128x128xf32, #tpu.memory_space<vmem>>, vector<16xf32>,
        %mul3A_205 = arith.mulf %get3A_201, %get3A_204 : vector<16xf32>
        %add3A_206 = arith.addf %add3A_198, %mul3A_205 : vector<16xf32>
        %get3A_207 = arith.index_cast %add3A_167 : i32 to index
        %get3A_208 = arith.constant 80 : index
        %get3A_209 = tpu.vector_load %arg10[%get3A_207, %get3A_208] {strides = array<i32>} : memref<128x128xf32, #tpu.memory_space<vmem>>, vector<16xf32>,
        %get3A_210 = arith.index_cast %add3A_167 : i32 to index
        %get3A_211 = arith.constant 80 : index
        %get3A_212 = tpu.vector_load %arg11[%get3A_210, %get3A_211] {strides = array<i32>} : memref<128x128xf32, #tpu.memory_space<vmem>>, vector<16xf32>,
        %mul3A_213 = arith.mulf %get3A_209, %get3A_212 : vector<16xf32>
        %add3A_214 = arith.addf %add3A_206, %mul3A_213 : vector<16xf32>
        %get3A_215 = arith.index_cast %add3A_167 : i32 to index
        %get3A_216 = arith.constant 96 : index
        %get3A_217 = tpu.vector_load %arg10[%get3A_215, %get3A_216] {strides = array<i32>} : memref<128x128xf32, #tpu.memory_space<vmem>>, vector<16xf32>,
        %get3A_218 = arith.index_cast %add3A_167 : i32 to index
        %get3A_219 = arith.constant 96 : index
        %get3A_220 = tpu.vector_load %arg11[%get3A_218, %get3A_219] {strides = array<i32>} : memref<128x128xf32, #tpu.memory_space<vmem>>, vector<16xf32>,
        %mul3A_221 = arith.mulf %get3A_217, %get3A_220 : vector<16xf32>
        %add3A_222 = arith.addf %add3A_214, %mul3A_221 : vector<16xf32>
        %get3A_223 = arith.index_cast %add3A_167 : i32 to index
        %get3A_224 = arith.constant 112 : index
        %get3A_225 = tpu.vector_load %arg10[%get3A_223, %get3A_224] {strides = array<i32>} : memref<128x128xf32, #tpu.memory_space<vmem>>, vector<16xf32>,
        %get3A_226 = arith.index_cast %add3A_167 : i32 to index
        %get3A_227 = arith.constant 112 : index
        %get3A_228 = tpu.vector_load %arg11[%get3A_226, %get3A_227] {strides = array<i32>} : memref<128x128xf32, #tpu.memory_space<vmem>>, vector<16xf32>,
        %mul3A_229 = arith.mulf %get3A_225, %get3A_228 : vector<16xf32>
        %add3A_230 = arith.addf %add3A_222, %mul3A_229 : vector<16xf32>
        %swap3A_231 = arith.constant 16 : index
        %swap3A_232 = tpu.vector_load %arg15[%swap3A_231] {strides = array<i32>} : memref<64xf32, #tpu.memory_space<vmem>>, vector<16xf32>,
        tpu.vector_store %arg15[%swap3A_231], %add3A_230 {strides = array<i32>} : memref<64xf32, #tpu.memory_space<vmem>>, vector<16xf32>,
        %mul3A_233 = arith.constant 4 : i32
        %mul3A_234 = arith.muli %scan3A_96, %mul3A_233 : i32
        %add3A_235 = arith.constant 2 : i32
        %add3A_236 = arith.addi %mul3A_234, %add3A_235 : i32
        %get3A_237 = arith.index_cast %add3A_236 : i32 to index
        %get3A_238 = arith.constant 0 : index
        %get3A_239 = tpu.vector_load %arg10[%get3A_237, %get3A_238] {strides = array<i32>} : memref<128x128xf32, #tpu.memory_space<vmem>>, vector<16xf32>,
        %get3A_240 = arith.index_cast %add3A_236 : i32 to index
        %get3A_241 = arith.constant 0 : index
        %get3A_242 = tpu.vector_load %arg11[%get3A_240, %get3A_241] {strides = array<i32>} : memref<128x128xf32, #tpu.memory_space<vmem>>, vector<16xf32>,
        %mul3A_243 = arith.mulf %get3A_239, %get3A_242 : vector<16xf32>
        %get3A_244 = arith.index_cast %add3A_236 : i32 to index
        %get3A_245 = arith.constant 16 : index
        %get3A_246 = tpu.vector_load %arg10[%get3A_244, %get3A_245] {strides = array<i32>} : memref<128x128xf32, #tpu.memory_space<vmem>>, vector<16xf32>,
        %get3A_247 = arith.index_cast %add3A_236 : i32 to index
        %get3A_248 = arith.constant 16 : index
        %get3A_249 = tpu.vector_load %arg11[%get3A_247, %get3A_248] {strides = array<i32>} : memref<128x128xf32, #tpu.memory_space<vmem>>, vector<16xf32>,
        %mul3A_250 = arith.mulf %get3A_246, %get3A_249 : vector<16xf32>
        %add3A_251 = arith.addf %mul3A_243, %mul3A_250 : vector<16xf32>
        %get3A_252 = arith.index_cast %add3A_236 : i32 to index
        %get3A_253 = arith.constant 32 : index
        %get3A_254 = tpu.vector_load %arg10[%get3A_252, %get3A_253] {strides = array<i32>} : memref<128x128xf32, #tpu.memory_space<vmem>>, vector<16xf32>,
        %get3A_255 = arith.index_cast %add3A_236 : i32 to index
        %get3A_256 = arith.constant 32 : index
        %get3A_257 = tpu.vector_load %arg11[%get3A_255, %get3A_256] {strides = array<i32>} : memref<128x128xf32, #tpu.memory_space<vmem>>, vector<16xf32>,
        %mul3A_258 = arith.mulf %get3A_254, %get3A_257 : vector<16xf32>
        %add3A_259 = arith.addf %add3A_251, %mul3A_258 : vector<16xf32>
        %get3A_260 = arith.index_cast %add3A_236 : i32 to index
        %get3A_261 = arith.constant 48 : index
        %get3A_262 = tpu.vector_load %arg10[%get3A_260, %get3A_261] {strides = array<i32>} : memref<128x128xf32, #tpu.memory_space<vmem>>, vector<16xf32>,
        %get3A_263 = arith.index_cast %add3A_236 : i32 to index
        %get3A_264 = arith.constant 48 : index
        %get3A_265 = tpu.vector_load %arg11[%get3A_263, %get3A_264] {strides = array<i32>} : memref<128x128xf32, #tpu.memory_space<vmem>>, vector<16xf32>,
        %mul3A_266 = arith.mulf %get3A_262, %get3A_265 : vector<16xf32>
        %add3A_267 = arith.addf %add3A_259, %mul3A_266 : vector<16xf32>
        %get3A_268 = arith.index_cast %add3A_236 : i32 to index
        %get3A_269 = arith.constant 64 : index
        %get3A_270 = tpu.vector_load %arg10[%get3A_268, %get3A_269] {strides = array<i32>} : memref<128x128xf32, #tpu.memory_space<vmem>>, vector<16xf32>,
        %get3A_271 = arith.index_cast %add3A_236 : i32 to index
        %get3A_272 = arith.constant 64 : index
        %get3A_273 = tpu.vector_load %arg11[%get3A_271, %get3A_272] {strides = array<i32>} : memref<128x128xf32, #tpu.memory_space<vmem>>, vector<16xf32>,
        %mul3A_274 = arith.mulf %get3A_270, %get3A_273 : vector<16xf32>
        %add3A_275 = arith.addf %add3A_267, %mul3A_274 : vector<16xf32>
        %get3A_276 = arith.index_cast %add3A_236 : i32 to index
        %get3A_277 = arith.constant 80 : index
        %get3A_278 = tpu.vector_load %arg10[%get3A_276, %get3A_277] {strides = array<i32>} : memref<128x128xf32, #tpu.memory_space<vmem>>, vector<16xf32>,
        %get3A_279 = arith.index_cast %add3A_236 : i32 to index
        %get3A_280 = arith.constant 80 : index
        %get3A_281 = tpu.vector_load %arg11[%get3A_279, %get3A_280] {strides = array<i32>} : memref<128x128xf32, #tpu.memory_space<vmem>>, vector<16xf32>,
        %mul3A_282 = arith.mulf %get3A_278, %get3A_281 : vector<16xf32>
        %add3A_283 = arith.addf %add3A_275, %mul3A_282 : vector<16xf32>
        %get3A_284 = arith.index_cast %add3A_236 : i32 to index
        %get3A_285 = arith.constant 96 : index
        %get3A_286 = tpu.vector_load %arg10[%get3A_284, %get3A_285] {strides = array<i32>} : memref<128x128xf32, #tpu.memory_space<vmem>>, vector<16xf32>,
        %get3A_287 = arith.index_cast %add3A_236 : i32 to index
        %get3A_288 = arith.constant 96 : index
        %get3A_289 = tpu.vector_load %arg11[%get3A_287, %get3A_288] {strides = array<i32>} : memref<128x128xf32, #tpu.memory_space<vmem>>, vector<16xf32>,
        %mul3A_290 = arith.mulf %get3A_286, %get3A_289 : vector<16xf32>
        %add3A_291 = arith.addf %add3A_283, %mul3A_290 : vector<16xf32>
        %get3A_292 = arith.index_cast %add3A_236 : i32 to index
        %get3A_293 = arith.constant 112 : index
        %get3A_294 = tpu.vector_load %arg10[%get3A_292, %get3A_293] {strides = array<i32>} : memref<128x128xf32, #tpu.memory_space<vmem>>, vector<16xf32>,
        %get3A_295 = arith.index_cast %add3A_236 : i32 to index
        %get3A_296 = arith.constant 112 : index
        %get3A_297 = tpu.vector_load %arg11[%get3A_295, %get3A_296] {strides = array<i32>} : memref<128x128xf32, #tpu.memory_space<vmem>>, vector<16xf32>,
        %mul3A_298 = arith.mulf %get3A_294, %get3A_297 : vector<16xf32>
        %add3A_299 = arith.addf %add3A_291, %mul3A_298 : vector<16xf32>
        %swap3A_300 = arith.constant 32 : index
        %swap3A_301 = tpu.vector_load %arg15[%swap3A_300] {strides = array<i32>} : memref<64xf32, #tpu.memory_space<vmem>>, vector<16xf32>,
        tpu.vector_store %arg15[%swap3A_300], %add3A_299 {strides = array<i32>} : memref<64xf32, #tpu.memory_space<vmem>>, vector<16xf32>,
        %mul3A_302 = arith.constant 4 : i32
        %mul3A_303 = arith.muli %scan3A_96, %mul3A_302 : i32
        %add3A_304 = arith.constant 3 : i32
        %add3A_305 = arith.addi %mul3A_303, %add3A_304 : i32
        %get3A_306 = arith.index_cast %add3A_305 : i32 to index
        %get3A_307 = arith.constant 0 : index
        %get3A_308 = tpu.vector_load %arg10[%get3A_306, %get3A_307] {strides = array<i32>} : memref<128x128xf32, #tpu.memory_space<vmem>>, vector<16xf32>,
        %get3A_309 = arith.index_cast %add3A_305 : i32 to index
        %get3A_310 = arith.constant 0 : index
        %get3A_311 = tpu.vector_load %arg11[%get3A_309, %get3A_310] {strides = array<i32>} : memref<128x128xf32, #tpu.memory_space<vmem>>, vector<16xf32>,
        %mul3A_312 = arith.mulf %get3A_308, %get3A_311 : vector<16xf32>
        %get3A_313 = arith.index_cast %add3A_305 : i32 to index
        %get3A_314 = arith.constant 16 : index
        %get3A_315 = tpu.vector_load %arg10[%get3A_313, %get3A_314] {strides = array<i32>} : memref<128x128xf32, #tpu.memory_space<vmem>>, vector<16xf32>,
        %get3A_316 = arith.index_cast %add3A_305 : i32 to index
        %get3A_317 = arith.constant 16 : index
        %get3A_318 = tpu.vector_load %arg11[%get3A_316, %get3A_317] {strides = array<i32>} : memref<128x128xf32, #tpu.memory_space<vmem>>, vector<16xf32>,
        %mul3A_319 = arith.mulf %get3A_315, %get3A_318 : vector<16xf32>
        %add3A_320 = arith.addf %mul3A_312, %mul3A_319 : vector<16xf32>
        %get3A_321 = arith.index_cast %add3A_305 : i32 to index
        %get3A_322 = arith.constant 32 : index
        %get3A_323 = tpu.vector_load %arg10[%get3A_321, %get3A_322] {strides = array<i32>} : memref<128x128xf32, #tpu.memory_space<vmem>>, vector<16xf32>,
        %get3A_324 = arith.index_cast %add3A_305 : i32 to index
        %get3A_325 = arith.constant 32 : index
        %get3A_326 = tpu.vector_load %arg11[%get3A_324, %get3A_325] {strides = array<i32>} : memref<128x128xf32, #tpu.memory_space<vmem>>, vector<16xf32>,
        %mul3A_327 = arith.mulf %get3A_323, %get3A_326 : vector<16xf32>
        %add3A_328 = arith.addf %add3A_320, %mul3A_327 : vector<16xf32>
        %get3A_329 = arith.index_cast %add3A_305 : i32 to index
        %get3A_330 = arith.constant 48 : index
        %get3A_331 = tpu.vector_load %arg10[%get3A_329, %get3A_330] {strides = array<i32>} : memref<128x128xf32, #tpu.memory_space<vmem>>, vector<16xf32>,
        %get3A_332 = arith.index_cast %add3A_305 : i32 to index
        %get3A_333 = arith.constant 48 : index
        %get3A_334 = tpu.vector_load %arg11[%get3A_332, %get3A_333] {strides = array<i32>} : memref<128x128xf32, #tpu.memory_space<vmem>>, vector<16xf32>,
        %mul3A_335 = arith.mulf %get3A_331, %get3A_334 : vector<16xf32>
        %add3A_336 = arith.addf %add3A_328, %mul3A_335 : vector<16xf32>
        %get3A_337 = arith.index_cast %add3A_305 : i32 to index
        %get3A_338 = arith.constant 64 : index
        %get3A_339 = tpu.vector_load %arg10[%get3A_337, %get3A_338] {strides = array<i32>} : memref<128x128xf32, #tpu.memory_space<vmem>>, vector<16xf32>,
        %get3A_340 = arith.index_cast %add3A_305 : i32 to index
        %get3A_341 = arith.constant 64 : index
        %get3A_342 = tpu.vector_load %arg11[%get3A_340, %get3A_341] {strides = array<i32>} : memref<128x128xf32, #tpu.memory_space<vmem>>, vector<16xf32>,
        %mul3A_343 = arith.mulf %get3A_339, %get3A_342 : vector<16xf32>
        %add3A_344 = arith.addf %add3A_336, %mul3A_343 : vector<16xf32>
        %get3A_345 = arith.index_cast %add3A_305 : i32 to index
        %get3A_346 = arith.constant 80 : index
        %get3A_347 = tpu.vector_load %arg10[%get3A_345, %get3A_346] {strides = array<i32>} : memref<128x128xf32, #tpu.memory_space<vmem>>, vector<16xf32>,
        %get3A_348 = arith.index_cast %add3A_305 : i32 to index
        %get3A_349 = arith.constant 80 : index
        %get3A_350 = tpu.vector_load %arg11[%get3A_348, %get3A_349] {strides = array<i32>} : memref<128x128xf32, #tpu.memory_space<vmem>>, vector<16xf32>,
        %mul3A_351 = arith.mulf %get3A_347, %get3A_350 : vector<16xf32>
        %add3A_352 = arith.addf %add3A_344, %mul3A_351 : vector<16xf32>
        %get3A_353 = arith.index_cast %add3A_305 : i32 to index
        %get3A_354 = arith.constant 96 : index
        %get3A_355 = tpu.vector_load %arg10[%get3A_353, %get3A_354] {strides = array<i32>} : memref<128x128xf32, #tpu.memory_space<vmem>>, vector<16xf32>,
        %get3A_356 = arith.index_cast %add3A_305 : i32 to index
        %get3A_357 = arith.constant 96 : index
        %get3A_358 = tpu.vector_load %arg11[%get3A_356, %get3A_357] {strides = array<i32>} : memref<128x128xf32, #tpu.memory_space<vmem>>, vector<16xf32>,
        %mul3A_359 = arith.mulf %get3A_355, %get3A_358 : vector<16xf32>
        %add3A_360 = arith.addf %add3A_352, %mul3A_359 : vector<16xf32>
        %get3A_361 = arith.index_cast %add3A_305 : i32 to index
        %get3A_362 = arith.constant 112 : index
        %get3A_363 = tpu.vector_load %arg10[%get3A_361, %get3A_362] {strides = array<i32>} : memref<128x128xf32, #tpu.memory_space<vmem>>, vector<16xf32>,
        %get3A_364 = arith.index_cast %add3A_305 : i32 to index
        %get3A_365 = arith.constant 112 : index
        %get3A_366 = tpu.vector_load %arg11[%get3A_364, %get3A_365] {strides = array<i32>} : memref<128x128xf32, #tpu.memory_space<vmem>>, vector<16xf32>,
        %mul3A_367 = arith.mulf %get3A_363, %get3A_366 : vector<16xf32>
        %add3A_368 = arith.addf %add3A_360, %mul3A_367 : vector<16xf32>
        %swap3A_369 = arith.constant 48 : index
        %swap3A_370 = tpu.vector_load %arg15[%swap3A_369] {strides = array<i32>} : memref<64xf32, #tpu.memory_space<vmem>>, vector<16xf32>,
        tpu.vector_store %arg15[%swap3A_369], %add3A_368 {strides = array<i32>} : memref<64xf32, #tpu.memory_space<vmem>>, vector<16xf32>,
        %mul3A_371 = arith.constant 4 : i32
        %mul3A_372 = arith.muli %scan3A_96, %mul3A_371 : i32
        %add3A_373 = arith.constant 0 : i32
        %add3A_374 = arith.addi %mul3A_372, %add3A_373 : i32
        %broadcast_in_dim3A = arith.constant 0 : i32
        %broadcast_in_dim3A_375 = vector.broadcast %broadcast_in_dim3A : i32 to vector<16xi32>
        %add3A_376 = arith.addi %broadcast_in_dim3A_375, %xor3A_24 : vector<16xi32>
        %gather3A = tpu.vector_load_idx %arg15[%add3A_376] : memref<64xf32, #tpu.memory_space<vmem>>[vector<16xi32>], vector<16xf32>,
        %add3A_377 = arith.addf %add3A_162, %gather3A : vector<16xf32>
        %mul3A_378 = arith.constant 8 : i32
        %mul3A_379 = arith.muli %add3A_374, %mul3A_378 : i32
        %broadcast_in_dim3A_380 = vector.broadcast %mul3A_379 : i32 to vector<16xi32>
        %add3A_381 = arith.addi %broadcast_in_dim3A_380, %and3A_27 : vector<16xi32>
        %gather3A_382 = tpu.vector_load_idx %arg12[%add3A_381] : memref<1024xf32, #tpu.memory_space<vmem>>[vector<16xi32>], vector<16xf32>,
        %gather3A_383 = tpu.vector_load_idx %arg13[%add3A_381] : memref<1024xf32, #tpu.memory_space<vmem>>[vector<16xi32>], vector<16xf32>,
        %add3A_384 = arith.addf %gather3A_382, %gather3A_383 : vector<16xf32>
        %add3A_385 = arith.addf %add3A_377, %add3A_384 : vector<16xf32>
        %exp3A = math.exp %add3A_385 : vector<16xf32>
        %mul3A_386 = arith.constant 16 : i32
        %mul3A_387 = arith.muli %add3A_374, %mul3A_386 : i32
        %swap3A_388 = arith.index_cast %mul3A_387 : i32 to index
        %swap3A_389 = tpu.vector_load %arg14[%swap3A_388] {strides = array<i32>} : memref<2048xf32, #tpu.memory_space<vmem>>, vector<16xf32>,
        tpu.vector_store %arg14[%swap3A_388], %exp3A {strides = array<i32>} : memref<2048xf32, #tpu.memory_space<vmem>>, vector<16xf32>,
        %mul3A_390 = arith.constant 4 : i32
        %mul3A_391 = arith.muli %scan3A_96, %mul3A_390 : i32
        %add3A_392 = arith.constant 1 : i32
        %add3A_393 = arith.addi %mul3A_391, %add3A_392 : i32
        %broadcast_in_dim3A_394 = arith.constant 16 : i32
        %broadcast_in_dim3A_395 = vector.broadcast %broadcast_in_dim3A_394 : i32 to vector<16xi32>
        %add3A_396 = arith.addi %broadcast_in_dim3A_395, %xor3A_24 : vector<16xi32>
        %gather3A_397 = tpu.vector_load_idx %arg15[%add3A_396] : memref<64xf32, #tpu.memory_space<vmem>>[vector<16xi32>], vector<16xf32>,
        %add3A_398 = arith.addf %add3A_230, %gather3A_397 : vector<16xf32>
        %mul3A_399 = arith.constant 8 : i32
        %mul3A_400 = arith.muli %add3A_393, %mul3A_399 : i32
        %broadcast_in_dim3A_401 = vector.broadcast %mul3A_400 : i32 to vector<16xi32>
        %add3A_402 = arith.addi %broadcast_in_dim3A_401, %and3A_27 : vector<16xi32>
        %gather3A_403 = tpu.vector_load_idx %arg12[%add3A_402] : memref<1024xf32, #tpu.memory_space<vmem>>[vector<16xi32>], vector<16xf32>,
        %gather3A_404 = tpu.vector_load_idx %arg13[%add3A_402] : memref<1024xf32, #tpu.memory_space<vmem>>[vector<16xi32>], vector<16xf32>,
        %add3A_405 = arith.addf %gather3A_403, %gather3A_404 : vector<16xf32>
        %add3A_406 = arith.addf %add3A_398, %add3A_405 : vector<16xf32>
        %exp3A_407 = math.exp %add3A_406 : vector<16xf32>
        %mul3A_408 = arith.constant 16 : i32
        %mul3A_409 = arith.muli %add3A_393, %mul3A_408 : i32
        %swap3A_410 = arith.index_cast %mul3A_409 : i32 to index
        %swap3A_411 = tpu.vector_load %arg14[%swap3A_410] {strides = array<i32>} : memref<2048xf32, #tpu.memory_space<vmem>>, vector<16xf32>,
        tpu.vector_store %arg14[%swap3A_410], %exp3A_407 {strides = array<i32>} : memref<2048xf32, #tpu.memory_space<vmem>>, vector<16xf32>,
        %mul3A_412 = arith.constant 4 : i32
        %mul3A_413 = arith.muli %scan3A_96, %mul3A_412 : i32
        %add3A_414 = arith.constant 2 : i32
        %add3A_415 = arith.addi %mul3A_413, %add3A_414 : i32
        %broadcast_in_dim3A_416 = arith.constant 32 : i32
        %broadcast_in_dim3A_417 = vector.broadcast %broadcast_in_dim3A_416 : i32 to vector<16xi32>
        %add3A_418 = arith.addi %broadcast_in_dim3A_417, %xor3A_24 : vector<16xi32>
        %gather3A_419 = tpu.vector_load_idx %arg15[%add3A_418] : memref<64xf32, #tpu.memory_space<vmem>>[vector<16xi32>], vector<16xf32>,
        %add3A_420 = arith.addf %add3A_299, %gather3A_419 : vector<16xf32>
        %mul3A_421 = arith.constant 8 : i32
        %mul3A_422 = arith.muli %add3A_415, %mul3A_421 : i32
        %broadcast_in_dim3A_423 = vector.broadcast %mul3A_422 : i32 to vector<16xi32>
        %add3A_424 = arith.addi %broadcast_in_dim3A_423, %and3A_27 : vector<16xi32>
        %gather3A_425 = tpu.vector_load_idx %arg12[%add3A_424] : memref<1024xf32, #tpu.memory_space<vmem>>[vector<16xi32>], vector<16xf32>,
        %gather3A_426 = tpu.vector_load_idx %arg13[%add3A_424] : memref<1024xf32, #tpu.memory_space<vmem>>[vector<16xi32>], vector<16xf32>,
        %add3A_427 = arith.addf %gather3A_425, %gather3A_426 : vector<16xf32>
        %add3A_428 = arith.addf %add3A_420, %add3A_427 : vector<16xf32>
        %exp3A_429 = math.exp %add3A_428 : vector<16xf32>
        %mul3A_430 = arith.constant 16 : i32
        %mul3A_431 = arith.muli %add3A_415, %mul3A_430 : i32
        %swap3A_432 = arith.index_cast %mul3A_431 : i32 to index
        %swap3A_433 = tpu.vector_load %arg14[%swap3A_432] {strides = array<i32>} : memref<2048xf32, #tpu.memory_space<vmem>>, vector<16xf32>,
        tpu.vector_store %arg14[%swap3A_432], %exp3A_429 {strides = array<i32>} : memref<2048xf32, #tpu.memory_space<vmem>>, vector<16xf32>,
        %mul3A_434 = arith.constant 4 : i32
        %mul3A_435 = arith.muli %scan3A_96, %mul3A_434 : i32
        %add3A_436 = arith.constant 3 : i32
        %add3A_437 = arith.addi %mul3A_435, %add3A_436 : i32
        %broadcast_in_dim3A_438 = arith.constant 48 : i32
        %broadcast_in_dim3A_439 = vector.broadcast %broadcast_in_dim3A_438 : i32 to vector<16xi32>
        %add3A_440 = arith.addi %broadcast_in_dim3A_439, %xor3A_24 : vector<16xi32>
        %gather3A_441 = tpu.vector_load_idx %arg15[%add3A_440] : memref<64xf32, #tpu.memory_space<vmem>>[vector<16xi32>], vector<16xf32>,
        %add3A_442 = arith.addf %add3A_368, %gather3A_441 : vector<16xf32>
        %mul3A_443 = arith.constant 8 : i32
        %mul3A_444 = arith.muli %add3A_437, %mul3A_443 : i32
        %broadcast_in_dim3A_445 = vector.broadcast %mul3A_444 : i32 to vector<16xi32>
        %add3A_446 = arith.addi %broadcast_in_dim3A_445, %and3A_27 : vector<16xi32>
        %gather3A_447 = tpu.vector_load_idx %arg12[%add3A_446] : memref<1024xf32, #tpu.memory_space<vmem>>[vector<16xi32>], vector<16xf32>,
        %gather3A_448 = tpu.vector_load_idx %arg13[%add3A_446] : memref<1024xf32, #tpu.memory_space<vmem>>[vector<16xi32>], vector<16xf32>,
        %add3A_449 = arith.addf %gather3A_447, %gather3A_448 : vector<16xf32>
        %add3A_450 = arith.addf %add3A_442, %add3A_449 : vector<16xf32>
        %exp3A_451 = math.exp %add3A_450 : vector<16xf32>
        %mul3A_452 = arith.constant 16 : i32
        %mul3A_453 = arith.muli %add3A_437, %mul3A_452 : i32
        %swap3A_454 = arith.index_cast %mul3A_453 : i32 to index
        %swap3A_455 = tpu.vector_load %arg14[%swap3A_454] {strides = array<i32>} : memref<2048xf32, #tpu.memory_space<vmem>>, vector<16xf32>,
        tpu.vector_store %arg14[%swap3A_454], %exp3A_451 {strides = array<i32>} : memref<2048xf32, #tpu.memory_space<vmem>>, vector<16xf32>,
      }
      %scan3A_93 = arith.constant 32 : i32
      %mul3A_94 = arith.constant 16 : i32
      %mul3A_95 = arith.muli %mul3A_42, %mul3A_94 : i32
      "tpu.region"() ({
        %run_scoped3A = tpu.sem_alloc : memref<!tpu.dma_semaphore, #tpu.memory_space<semaphore_mem>>
        %dma_start3A_96 = tpu.memref_slice %arg7[%mul3A_95] : memref<5120000xf32, #tpu.memory_space<hbm>> -> memref<2048xf32, #tpu.memory_space<hbm>>
        %dma_start3A_97 = tpu.memref_slice %arg7[%mul3A_95] : memref<5120000xf32, #tpu.memory_space<hbm>> -> memref<2048xf32, #tpu.memory_space<hbm>>
        tpu.enqueue_dma source(%arg14 : memref<2048xf32, #tpu.memory_space<vmem>>) target(%dma_start3A_97 : memref<2048xf32, #tpu.memory_space<hbm>>) target_semaphore(%run_scoped3A : memref<!tpu.dma_semaphore, #tpu.memory_space<semaphore_mem>>)
        %dma_wait3A_98 = tpu.memref_slice %arg7[%mul3A_95] : memref<5120000xf32, #tpu.memory_space<hbm>> -> memref<2048xf32, #tpu.memory_space<hbm>>
        %dma_wait3A_99 = tpu.memref_slice %arg7[%mul3A_95] : memref<5120000xf32, #tpu.memory_space<hbm>> -> memref<2048xf32, #tpu.memory_space<hbm>>
        tpu.wait_dma2 semaphore(%run_scoped3A : memref<!tpu.dma_semaphore, #tpu.memory_space<semaphore_mem>>) src(%arg14 : memref<2048xf32, #tpu.memory_space<vmem>>) dst(%dma_wait3A_99 : memref<2048xf32, #tpu.memory_space<hbm>>)
        tpu.yield
      }) : () -> ()
    }
    %while3A_36 = arith.constant 1 : i32
    scf.for %while3A_37 = %while3A_34 to %while3A_30 step %while3A_36  : i32 {
      %mul3A_38 = arith.constant 32 : i32
      %mul3A_39 = arith.muli %while3A_37, %mul3A_38 : i32
      %add3A_40 = arith.addi %add3A, %mul3A_39 : i32
      %mul3A_41 = arith.constant 128 : i32
      %mul3A_42 = arith.muli %add3A_40, %mul3A_41 : i32
      %dma_start3A = arith.constant 0 : i32
      %dma_start3A_43 = arith.constant 0 : i32
      %dma_start3A_44 = tpu.memref_slice %arg4[%dma_start3A, %dma_start3A_43, %mul3A_42] : memref<2x1x320000xi32, #tpu.memory_space<hbm>> -> memref<1x1x128xi32, #tpu.memory_space<hbm>>
      %dma_start3A_45 = tpu.memref_squeeze %dma_start3A_44 : memref<1x1x128xi32, #tpu.memory_space<hbm>> -> memref<128xi32, #tpu.memory_space<hbm>>
      %dma_start3A_46 = tpu.memref_slice %arg4[%dma_start3A, %dma_start3A_43, %mul3A_42] : memref<2x1x320000xi32, #tpu.memory_space<hbm>> -> memref<1x1x128xi32, #tpu.memory_space<hbm>>
      %dma_start3A_47 = tpu.memref_squeeze %dma_start3A_46 : memref<1x1x128xi32, #tpu.memory_space<hbm>> -> memref<128xi32, #tpu.memory_space<hbm>>
      tpu.enqueue_dma source(%dma_start3A_47 : memref<128xi32, #tpu.memory_space<hbm>>) target(%arg8 : memref<128xi32, #tpu.memory_space<vmem>>) target_semaphore(%arg16 : memref<!tpu.dma_semaphore, #tpu.memory_space<semaphore_mem>>)
      %dma_start3A_48 = arith.constant 1 : i32
      %dma_start3A_49 = arith.constant 0 : i32
      %dma_start3A_50 = tpu.memref_slice %arg4[%dma_start3A_48, %dma_start3A_49, %mul3A_42] : memref<2x1x320000xi32, #tpu.memory_space<hbm>> -> memref<1x1x128xi32, #tpu.memory_space<hbm>>
      %dma_start3A_51 = tpu.memref_squeeze %dma_start3A_50 : memref<1x1x128xi32, #tpu.memory_space<hbm>> -> memref<128xi32, #tpu.memory_space<hbm>>
      %dma_start3A_52 = tpu.memref_slice %arg4[%dma_start3A_48, %dma_start3A_49, %mul3A_42] : memref<2x1x320000xi32, #tpu.memory_space<hbm>> -> memref<1x1x128xi32, #tpu.memory_space<hbm>>
      %dma_start3A_53 = tpu.memref_squeeze %dma_start3A_52 : memref<1x1x128xi32, #tpu.memory_space<hbm>> -> memref<128xi32, #tpu.memory_space<hbm>>
      tpu.enqueue_dma source(%dma_start3A_53 : memref<128xi32, #tpu.memory_space<hbm>>) target(%arg9 : memref<128xi32, #tpu.memory_space<vmem>>) target_semaphore(%arg16 : memref<!tpu.dma_semaphore, #tpu.memory_space<semaphore_mem>>)
      %mul3A_54 = arith.constant 8 : i32
      %mul3A_55 = arith.muli %mul3A_42, %mul3A_54 : i32
      %dma_start3A_56 = tpu.memref_slice %arg5[%mul3A_55] : memref<2560000xf32, #tpu.memory_space<hbm>> -> memref<1024xf32, #tpu.memory_space<hbm>>
      %dma_start3A_57 = tpu.memref_slice %arg5[%mul3A_55] : memref<2560000xf32, #tpu.memory_space<hbm>> -> memref<1024xf32, #tpu.memory_space<hbm>>
      tpu.enqueue_dma source(%dma_start3A_57 : memref<1024xf32, #tpu.memory_space<hbm>>) target(%arg12 : memref<1024xf32, #tpu.memory_space<vmem>>) target_semaphore(%arg17 : memref<!tpu.dma_semaphore, #tpu.memory_space<semaphore_mem>>)
      %mul3A_58 = arith.constant 8 : i32
      %mul3A_59 = arith.muli %mul3A_42, %mul3A_58 : i32
      %dma_start3A_60 = tpu.memref_slice %arg6[%mul3A_59] : memref<2560000xf32, #tpu.memory_space<hbm>> -> memref<1024xf32, #tpu.memory_space<hbm>>
      %dma_start3A_61 = tpu.memref_slice %arg6[%mul3A_59] : memref<2560000xf32, #tpu.memory_space<hbm>> -> memref<1024xf32, #tpu.memory_space<hbm>>
      tpu.enqueue_dma source(%dma_start3A_61 : memref<1024xf32, #tpu.memory_space<hbm>>) target(%arg13 : memref<1024xf32, #tpu.memory_space<vmem>>) target_semaphore(%arg17 : memref<!tpu.dma_semaphore, #tpu.memory_space<semaphore_mem>>)
      %dma_wait3A = arith.constant 0 : i32
      %dma_wait3A_62 = arith.constant 0 : i32
      %dma_wait3A_63 = tpu.memref_slice %arg4[%dma_wait3A, %dma_wait3A_62, %mul3A_42] : memref<2x1x320000xi32, #tpu.memory_space<hbm>> -> memref<1x1x128xi32, #tpu.memory_space<hbm>>
      %dma_wait3A_64 = tpu.memref_squeeze %dma_wait3A_63 : memref<1x1x128xi32, #tpu.memory_space<hbm>> -> memref<128xi32, #tpu.memory_space<hbm>>
      %dma_wait3A_65 = tpu.memref_slice %arg4[%dma_wait3A, %dma_wait3A_62, %mul3A_42] : memref<2x1x320000xi32, #tpu.memory_space<hbm>> -> memref<1x1x128xi32, #tpu.memory_space<hbm>>
      %dma_wait3A_66 = tpu.memref_squeeze %dma_wait3A_65 : memref<1x1x128xi32, #tpu.memory_space<hbm>> -> memref<128xi32, #tpu.memory_space<hbm>>
      tpu.wait_dma2 semaphore(%arg16 : memref<!tpu.dma_semaphore, #tpu.memory_space<semaphore_mem>>) src(%dma_wait3A_66 : memref<128xi32, #tpu.memory_space<hbm>>) dst(%arg8 : memref<128xi32, #tpu.memory_space<vmem>>)
      %dma_wait3A_67 = arith.constant 1 : i32
      %dma_wait3A_68 = arith.constant 0 : i32
      %dma_wait3A_69 = tpu.memref_slice %arg4[%dma_wait3A_67, %dma_wait3A_68, %mul3A_42] : memref<2x1x320000xi32, #tpu.memory_space<hbm>> -> memref<1x1x128xi32, #tpu.memory_space<hbm>>
      %dma_wait3A_70 = tpu.memref_squeeze %dma_wait3A_69 : memref<1x1x128xi32, #tpu.memory_space<hbm>> -> memref<128xi32, #tpu.memory_space<hbm>>
      %dma_wait3A_71 = tpu.memref_slice %arg4[%dma_wait3A_67, %dma_wait3A_68, %mul3A_42] : memref<2x1x320000xi32, #tpu.memory_space<hbm>> -> memref<1x1x128xi32, #tpu.memory_space<hbm>>
      %dma_wait3A_72 = tpu.memref_squeeze %dma_wait3A_71 : memref<1x1x128xi32, #tpu.memory_space<hbm>> -> memref<128xi32, #tpu.memory_space<hbm>>
      tpu.wait_dma2 semaphore(%arg16 : memref<!tpu.dma_semaphore, #tpu.memory_space<semaphore_mem>>) src(%dma_wait3A_72 : memref<128xi32, #tpu.memory_space<hbm>>) dst(%arg9 : memref<128xi32, #tpu.memory_space<vmem>>)
      %dma_start3A_73 = arith.constant 0 : i32
      %dma_start3A_74 = arith.constant 0 : i32
      %dma_start3A_75 = tpu.memref_slice %arg2[%dma_start3A_73, %dma_start3A_74] : memref<10000x128xf32, #tpu.memory_space<hbm>> -> memref<10000x128xf32, #tpu.memory_space<hbm>>
      tpu.enqueue_indirect_dma source(%dma_start3A_75 : memref<10000x128xf32, #tpu.memory_space<hbm>>) target(%arg10 : memref<128x128xf32, #tpu.memory_space<vmem>>) offsets(%arg8 : memref<128xi32, #tpu.memory_space<vmem>>) semaphore(%arg16 : memref<!tpu.dma_semaphore, #tpu.memory_space<semaphore_mem>>)
      %dma_start3A_76 = arith.constant 0 : i32
      %dma_start3A_77 = arith.constant 0 : i32
      %dma_start3A_78 = tpu.memref_slice %arg3[%dma_start3A_76, %dma_start3A_77] : memref<10000x128xf32, #tpu.memory_space<hbm>> -> memref<10000x128xf32, #tpu.memory_space<hbm>>
      tpu.enqueue_indirect_dma source(%dma_start3A_78 : memref<10000x128xf32, #tpu.memory_space<hbm>>) target(%arg11 : memref<128x128xf32, #tpu.memory_space<vmem>>) offsets(%arg9 : memref<128xi32, #tpu.memory_space<vmem>>) semaphore(%arg17 : memref<!tpu.dma_semaphore, #tpu.memory_space<semaphore_mem>>)
      %dma_wait3A_79 = tpu.memref_slice %arg5[%mul3A_55] : memref<2560000xf32, #tpu.memory_space<hbm>> -> memref<1024xf32, #tpu.memory_space<hbm>>
      %dma_wait3A_80 = tpu.memref_slice %arg5[%mul3A_55] : memref<2560000xf32, #tpu.memory_space<hbm>> -> memref<1024xf32, #tpu.memory_space<hbm>>
      tpu.wait_dma2 semaphore(%arg17 : memref<!tpu.dma_semaphore, #tpu.memory_space<semaphore_mem>>) src(%dma_wait3A_80 : memref<1024xf32, #tpu.memory_space<hbm>>) dst(%arg12 : memref<1024xf32, #tpu.memory_space<vmem>>)
      %dma_wait3A_81 = tpu.memref_slice %arg6[%mul3A_59] : memref<2560000xf32, #tpu.memory_space<hbm>> -> memref<1024xf32, #tpu.memory_space<hbm>>
      %dma_wait3A_82 = tpu.memref_slice %arg6[%mul3A_59] : memref<2560000xf32, #tpu.memory_space<hbm>> -> memref<1024xf32, #tpu.memory_space<hbm>>
      tpu.wait_dma2 semaphore(%arg17 : memref<!tpu.dma_semaphore, #tpu.memory_space<semaphore_mem>>) src(%dma_wait3A_82 : memref<1024xf32, #tpu.memory_space<hbm>>) dst(%arg13 : memref<1024xf32, #tpu.memory_space<vmem>>)
      %dma_wait3A_83 = arith.constant 0 : i32
      %dma_wait3A_84 = arith.constant 0 : i32
      %dma_wait3A_85 = tpu.memref_slice %arg2[%dma_wait3A_83, %dma_wait3A_84] : memref<10000x128xf32, #tpu.memory_space<hbm>> -> memref<10000x128xf32, #tpu.memory_space<hbm>>
      tpu.wait_indirect_dma semaphore(%arg16 : memref<!tpu.dma_semaphore, #tpu.memory_space<semaphore_mem>>) src(%dma_wait3A_85 : memref<10000x128xf32, #tpu.memory_space<hbm>>) dst(%arg10 : memref<128x128xf32, #tpu.memory_space<vmem>>)
      %dma_wait3A_86 = arith.constant 0 : i32
      %dma_wait3A_87 = arith.constant 0 : i32
      %dma_wait3A_88 = tpu.memref_slice %arg3[%dma_wait3A_86, %dma_wait3A_87] : memref<10000x128xf32, #tpu.memory_space<hbm>> -> memref<10000x128xf32, #tpu.memory_space<hbm>>
      tpu.wait_indirect_dma semaphore(%arg17 : memref<!tpu.dma_semaphore, #tpu.memory_space<semaphore_mem>>) src(%dma_wait3A_88 : memref<10000x128xf32, #tpu.memory_space<hbm>>) dst(%arg11 : memref<128x128xf32, #tpu.memory_space<vmem>>)
      %scan3A = arith.constant 0 : i32
      %scan3A_89 = arith.constant 0 : i32
      %scan3A_90 = arith.constant 32 : i32
      %scan3A_91 = arith.addi %scan3A_89, %scan3A_90 : i32
      %scan3A_92 = arith.constant 1 : i32
      scf.for %scan3A_96 = %scan3A_89 to %scan3A_91 step %scan3A_92  : i32 {
        %mul3A_97 = arith.constant 4 : i32
        %mul3A_98 = arith.muli %scan3A_96, %mul3A_97 : i32
        %add3A_99 = arith.constant 0 : i32
        %add3A_100 = arith.addi %mul3A_98, %add3A_99 : i32
        %get3A = arith.index_cast %add3A_100 : i32 to index
        %get3A_101 = arith.constant 0 : index
        %get3A_102 = tpu.vector_load %arg10[%get3A, %get3A_101] {strides = array<i32>} : memref<128x128xf32, #tpu.memory_space<vmem>>, vector<16xf32>,
        %get3A_103 = arith.index_cast %add3A_100 : i32 to index
        %get3A_104 = arith.constant 0 : index
        %get3A_105 = tpu.vector_load %arg11[%get3A_103, %get3A_104] {strides = array<i32>} : memref<128x128xf32, #tpu.memory_space<vmem>>, vector<16xf32>,
        %mul3A_106 = arith.mulf %get3A_102, %get3A_105 : vector<16xf32>
        %get3A_107 = arith.index_cast %add3A_100 : i32 to index
        %get3A_108 = arith.constant 16 : index
        %get3A_109 = tpu.vector_load %arg10[%get3A_107, %get3A_108] {strides = array<i32>} : memref<128x128xf32, #tpu.memory_space<vmem>>, vector<16xf32>,
        %get3A_110 = arith.index_cast %add3A_100 : i32 to index
        %get3A_111 = arith.constant 16 : index
        %get3A_112 = tpu.vector_load %arg11[%get3A_110, %get3A_111] {strides = array<i32>} : memref<128x128xf32, #tpu.memory_space<vmem>>, vector<16xf32>,
        %mul3A_113 = arith.mulf %get3A_109, %get3A_112 : vector<16xf32>
        %add3A_114 = arith.addf %mul3A_106, %mul3A_113 : vector<16xf32>
        %get3A_115 = arith.index_cast %add3A_100 : i32 to index
        %get3A_116 = arith.constant 32 : index
        %get3A_117 = tpu.vector_load %arg10[%get3A_115, %get3A_116] {strides = array<i32>} : memref<128x128xf32, #tpu.memory_space<vmem>>, vector<16xf32>,
        %get3A_118 = arith.index_cast %add3A_100 : i32 to index
        %get3A_119 = arith.constant 32 : index
        %get3A_120 = tpu.vector_load %arg11[%get3A_118, %get3A_119] {strides = array<i32>} : memref<128x128xf32, #tpu.memory_space<vmem>>, vector<16xf32>,
        %mul3A_121 = arith.mulf %get3A_117, %get3A_120 : vector<16xf32>
        %add3A_122 = arith.addf %add3A_114, %mul3A_121 : vector<16xf32>
        %get3A_123 = arith.index_cast %add3A_100 : i32 to index
        %get3A_124 = arith.constant 48 : index
        %get3A_125 = tpu.vector_load %arg10[%get3A_123, %get3A_124] {strides = array<i32>} : memref<128x128xf32, #tpu.memory_space<vmem>>, vector<16xf32>,
        %get3A_126 = arith.index_cast %add3A_100 : i32 to index
        %get3A_127 = arith.constant 48 : index
        %get3A_128 = tpu.vector_load %arg11[%get3A_126, %get3A_127] {strides = array<i32>} : memref<128x128xf32, #tpu.memory_space<vmem>>, vector<16xf32>,
        %mul3A_129 = arith.mulf %get3A_125, %get3A_128 : vector<16xf32>
        %add3A_130 = arith.addf %add3A_122, %mul3A_129 : vector<16xf32>
        %get3A_131 = arith.index_cast %add3A_100 : i32 to index
        %get3A_132 = arith.constant 64 : index
        %get3A_133 = tpu.vector_load %arg10[%get3A_131, %get3A_132] {strides = array<i32>} : memref<128x128xf32, #tpu.memory_space<vmem>>, vector<16xf32>,
        %get3A_134 = arith.index_cast %add3A_100 : i32 to index
        %get3A_135 = arith.constant 64 : index
        %get3A_136 = tpu.vector_load %arg11[%get3A_134, %get3A_135] {strides = array<i32>} : memref<128x128xf32, #tpu.memory_space<vmem>>, vector<16xf32>,
        %mul3A_137 = arith.mulf %get3A_133, %get3A_136 : vector<16xf32>
        %add3A_138 = arith.addf %add3A_130, %mul3A_137 : vector<16xf32>
        %get3A_139 = arith.index_cast %add3A_100 : i32 to index
        %get3A_140 = arith.constant 80 : index
        %get3A_141 = tpu.vector_load %arg10[%get3A_139, %get3A_140] {strides = array<i32>} : memref<128x128xf32, #tpu.memory_space<vmem>>, vector<16xf32>,
        %get3A_142 = arith.index_cast %add3A_100 : i32 to index
        %get3A_143 = arith.constant 80 : index
        %get3A_144 = tpu.vector_load %arg11[%get3A_142, %get3A_143] {strides = array<i32>} : memref<128x128xf32, #tpu.memory_space<vmem>>, vector<16xf32>,
        %mul3A_145 = arith.mulf %get3A_141, %get3A_144 : vector<16xf32>
        %add3A_146 = arith.addf %add3A_138, %mul3A_145 : vector<16xf32>
        %get3A_147 = arith.index_cast %add3A_100 : i32 to index
        %get3A_148 = arith.constant 96 : index
        %get3A_149 = tpu.vector_load %arg10[%get3A_147, %get3A_148] {strides = array<i32>} : memref<128x128xf32, #tpu.memory_space<vmem>>, vector<16xf32>,
        %get3A_150 = arith.index_cast %add3A_100 : i32 to index
        %get3A_151 = arith.constant 96 : index
        %get3A_152 = tpu.vector_load %arg11[%get3A_150, %get3A_151] {strides = array<i32>} : memref<128x128xf32, #tpu.memory_space<vmem>>, vector<16xf32>,
        %mul3A_153 = arith.mulf %get3A_149, %get3A_152 : vector<16xf32>
        %add3A_154 = arith.addf %add3A_146, %mul3A_153 : vector<16xf32>
        %get3A_155 = arith.index_cast %add3A_100 : i32 to index
        %get3A_156 = arith.constant 112 : index
        %get3A_157 = tpu.vector_load %arg10[%get3A_155, %get3A_156] {strides = array<i32>} : memref<128x128xf32, #tpu.memory_space<vmem>>, vector<16xf32>,
        %get3A_158 = arith.index_cast %add3A_100 : i32 to index
        %get3A_159 = arith.constant 112 : index
        %get3A_160 = tpu.vector_load %arg11[%get3A_158, %get3A_159] {strides = array<i32>} : memref<128x128xf32, #tpu.memory_space<vmem>>, vector<16xf32>,
        %mul3A_161 = arith.mulf %get3A_157, %get3A_160 : vector<16xf32>
        %add3A_162 = arith.addf %add3A_154, %mul3A_161 : vector<16xf32>
        %swap3A = arith.constant 0 : index
        %swap3A_163 = tpu.vector_load %arg15[%swap3A] {strides = array<i32>} : memref<64xf32, #tpu.memory_space<vmem>>, vector<16xf32>,
        tpu.vector_store %arg15[%swap3A], %add3A_162 {strides = array<i32>} : memref<64xf32, #tpu.memory_space<vmem>>, vector<16xf32>,
        %mul3A_164 = arith.constant 4 : i32
        %mul3A_165 = arith.muli %scan3A_96, %mul3A_164 : i32
        %add3A_166 = arith.constant 1 : i32
        %add3A_167 = arith.addi %mul3A_165, %add3A_166 : i32
        %get3A_168 = arith.index_cast %add3A_167 : i32 to index
        %get3A_169 = arith.constant 0 : index
        %get3A_170 = tpu.vector_load %arg10[%get3A_168, %get3A_169] {strides = array<i32>} : memref<128x128xf32, #tpu.memory_space<vmem>>, vector<16xf32>,
        %get3A_171 = arith.index_cast %add3A_167 : i32 to index
        %get3A_172 = arith.constant 0 : index
        %get3A_173 = tpu.vector_load %arg11[%get3A_171, %get3A_172] {strides = array<i32>} : memref<128x128xf32, #tpu.memory_space<vmem>>, vector<16xf32>,
        %mul3A_174 = arith.mulf %get3A_170, %get3A_173 : vector<16xf32>
        %get3A_175 = arith.index_cast %add3A_167 : i32 to index
        %get3A_176 = arith.constant 16 : index
        %get3A_177 = tpu.vector_load %arg10[%get3A_175, %get3A_176] {strides = array<i32>} : memref<128x128xf32, #tpu.memory_space<vmem>>, vector<16xf32>,
        %get3A_178 = arith.index_cast %add3A_167 : i32 to index
        %get3A_179 = arith.constant 16 : index
        %get3A_180 = tpu.vector_load %arg11[%get3A_178, %get3A_179] {strides = array<i32>} : memref<128x128xf32, #tpu.memory_space<vmem>>, vector<16xf32>,
        %mul3A_181 = arith.mulf %get3A_177, %get3A_180 : vector<16xf32>
        %add3A_182 = arith.addf %mul3A_174, %mul3A_181 : vector<16xf32>
        %get3A_183 = arith.index_cast %add3A_167 : i32 to index
        %get3A_184 = arith.constant 32 : index
        %get3A_185 = tpu.vector_load %arg10[%get3A_183, %get3A_184] {strides = array<i32>} : memref<128x128xf32, #tpu.memory_space<vmem>>, vector<16xf32>,
        %get3A_186 = arith.index_cast %add3A_167 : i32 to index
        %get3A_187 = arith.constant 32 : index
        %get3A_188 = tpu.vector_load %arg11[%get3A_186, %get3A_187] {strides = array<i32>} : memref<128x128xf32, #tpu.memory_space<vmem>>, vector<16xf32>,
        %mul3A_189 = arith.mulf %get3A_185, %get3A_188 : vector<16xf32>
        %add3A_190 = arith.addf %add3A_182, %mul3A_189 : vector<16xf32>
        %get3A_191 = arith.index_cast %add3A_167 : i32 to index
        %get3A_192 = arith.constant 48 : index
        %get3A_193 = tpu.vector_load %arg10[%get3A_191, %get3A_192] {strides = array<i32>} : memref<128x128xf32, #tpu.memory_space<vmem>>, vector<16xf32>,
        %get3A_194 = arith.index_cast %add3A_167 : i32 to index
        %get3A_195 = arith.constant 48 : index
        %get3A_196 = tpu.vector_load %arg11[%get3A_194, %get3A_195] {strides = array<i32>} : memref<128x128xf32, #tpu.memory_space<vmem>>, vector<16xf32>,
        %mul3A_197 = arith.mulf %get3A_193, %get3A_196 : vector<16xf32>
        %add3A_198 = arith.addf %add3A_190, %mul3A_197 : vector<16xf32>
        %get3A_199 = arith.index_cast %add3A_167 : i32 to index
        %get3A_200 = arith.constant 64 : index
        %get3A_201 = tpu.vector_load %arg10[%get3A_199, %get3A_200] {strides = array<i32>} : memref<128x128xf32, #tpu.memory_space<vmem>>, vector<16xf32>,
        %get3A_202 = arith.index_cast %add3A_167 : i32 to index
        %get3A_203 = arith.constant 64 : index
        %get3A_204 = tpu.vector_load %arg11[%get3A_202, %get3A_203] {strides = array<i32>} : memref<128x128xf32, #tpu.memory_space<vmem>>, vector<16xf32>,
        %mul3A_205 = arith.mulf %get3A_201, %get3A_204 : vector<16xf32>
        %add3A_206 = arith.addf %add3A_198, %mul3A_205 : vector<16xf32>
        %get3A_207 = arith.index_cast %add3A_167 : i32 to index
        %get3A_208 = arith.constant 80 : index
        %get3A_209 = tpu.vector_load %arg10[%get3A_207, %get3A_208] {strides = array<i32>} : memref<128x128xf32, #tpu.memory_space<vmem>>, vector<16xf32>,
        %get3A_210 = arith.index_cast %add3A_167 : i32 to index
        %get3A_211 = arith.constant 80 : index
        %get3A_212 = tpu.vector_load %arg11[%get3A_210, %get3A_211] {strides = array<i32>} : memref<128x128xf32, #tpu.memory_space<vmem>>, vector<16xf32>,
        %mul3A_213 = arith.mulf %get3A_209, %get3A_212 : vector<16xf32>
        %add3A_214 = arith.addf %add3A_206, %mul3A_213 : vector<16xf32>
        %get3A_215 = arith.index_cast %add3A_167 : i32 to index
        %get3A_216 = arith.constant 96 : index
        %get3A_217 = tpu.vector_load %arg10[%get3A_215, %get3A_216] {strides = array<i32>} : memref<128x128xf32, #tpu.memory_space<vmem>>, vector<16xf32>,
        %get3A_218 = arith.index_cast %add3A_167 : i32 to index
        %get3A_219 = arith.constant 96 : index
        %get3A_220 = tpu.vector_load %arg11[%get3A_218, %get3A_219] {strides = array<i32>} : memref<128x128xf32, #tpu.memory_space<vmem>>, vector<16xf32>,
        %mul3A_221 = arith.mulf %get3A_217, %get3A_220 : vector<16xf32>
        %add3A_222 = arith.addf %add3A_214, %mul3A_221 : vector<16xf32>
        %get3A_223 = arith.index_cast %add3A_167 : i32 to index
        %get3A_224 = arith.constant 112 : index
        %get3A_225 = tpu.vector_load %arg10[%get3A_223, %get3A_224] {strides = array<i32>} : memref<128x128xf32, #tpu.memory_space<vmem>>, vector<16xf32>,
        %get3A_226 = arith.index_cast %add3A_167 : i32 to index
        %get3A_227 = arith.constant 112 : index
        %get3A_228 = tpu.vector_load %arg11[%get3A_226, %get3A_227] {strides = array<i32>} : memref<128x128xf32, #tpu.memory_space<vmem>>, vector<16xf32>,
        %mul3A_229 = arith.mulf %get3A_225, %get3A_228 : vector<16xf32>
        %add3A_230 = arith.addf %add3A_222, %mul3A_229 : vector<16xf32>
        %swap3A_231 = arith.constant 16 : index
        %swap3A_232 = tpu.vector_load %arg15[%swap3A_231] {strides = array<i32>} : memref<64xf32, #tpu.memory_space<vmem>>, vector<16xf32>,
        tpu.vector_store %arg15[%swap3A_231], %add3A_230 {strides = array<i32>} : memref<64xf32, #tpu.memory_space<vmem>>, vector<16xf32>,
        %mul3A_233 = arith.constant 4 : i32
        %mul3A_234 = arith.muli %scan3A_96, %mul3A_233 : i32
        %add3A_235 = arith.constant 2 : i32
        %add3A_236 = arith.addi %mul3A_234, %add3A_235 : i32
        %get3A_237 = arith.index_cast %add3A_236 : i32 to index
        %get3A_238 = arith.constant 0 : index
        %get3A_239 = tpu.vector_load %arg10[%get3A_237, %get3A_238] {strides = array<i32>} : memref<128x128xf32, #tpu.memory_space<vmem>>, vector<16xf32>,
        %get3A_240 = arith.index_cast %add3A_236 : i32 to index
        %get3A_241 = arith.constant 0 : index
        %get3A_242 = tpu.vector_load %arg11[%get3A_240, %get3A_241] {strides = array<i32>} : memref<128x128xf32, #tpu.memory_space<vmem>>, vector<16xf32>,
        %mul3A_243 = arith.mulf %get3A_239, %get3A_242 : vector<16xf32>
        %get3A_244 = arith.index_cast %add3A_236 : i32 to index
        %get3A_245 = arith.constant 16 : index
        %get3A_246 = tpu.vector_load %arg10[%get3A_244, %get3A_245] {strides = array<i32>} : memref<128x128xf32, #tpu.memory_space<vmem>>, vector<16xf32>,
        %get3A_247 = arith.index_cast %add3A_236 : i32 to index
        %get3A_248 = arith.constant 16 : index
        %get3A_249 = tpu.vector_load %arg11[%get3A_247, %get3A_248] {strides = array<i32>} : memref<128x128xf32, #tpu.memory_space<vmem>>, vector<16xf32>,
        %mul3A_250 = arith.mulf %get3A_246, %get3A_249 : vector<16xf32>
        %add3A_251 = arith.addf %mul3A_243, %mul3A_250 : vector<16xf32>
        %get3A_252 = arith.index_cast %add3A_236 : i32 to index
        %get3A_253 = arith.constant 32 : index
        %get3A_254 = tpu.vector_load %arg10[%get3A_252, %get3A_253] {strides = array<i32>} : memref<128x128xf32, #tpu.memory_space<vmem>>, vector<16xf32>,
        %get3A_255 = arith.index_cast %add3A_236 : i32 to index
        %get3A_256 = arith.constant 32 : index
        %get3A_257 = tpu.vector_load %arg11[%get3A_255, %get3A_256] {strides = array<i32>} : memref<128x128xf32, #tpu.memory_space<vmem>>, vector<16xf32>,
        %mul3A_258 = arith.mulf %get3A_254, %get3A_257 : vector<16xf32>
        %add3A_259 = arith.addf %add3A_251, %mul3A_258 : vector<16xf32>
        %get3A_260 = arith.index_cast %add3A_236 : i32 to index
        %get3A_261 = arith.constant 48 : index
        %get3A_262 = tpu.vector_load %arg10[%get3A_260, %get3A_261] {strides = array<i32>} : memref<128x128xf32, #tpu.memory_space<vmem>>, vector<16xf32>,
        %get3A_263 = arith.index_cast %add3A_236 : i32 to index
        %get3A_264 = arith.constant 48 : index
        %get3A_265 = tpu.vector_load %arg11[%get3A_263, %get3A_264] {strides = array<i32>} : memref<128x128xf32, #tpu.memory_space<vmem>>, vector<16xf32>,
        %mul3A_266 = arith.mulf %get3A_262, %get3A_265 : vector<16xf32>
        %add3A_267 = arith.addf %add3A_259, %mul3A_266 : vector<16xf32>
        %get3A_268 = arith.index_cast %add3A_236 : i32 to index
        %get3A_269 = arith.constant 64 : index
        %get3A_270 = tpu.vector_load %arg10[%get3A_268, %get3A_269] {strides = array<i32>} : memref<128x128xf32, #tpu.memory_space<vmem>>, vector<16xf32>,
        %get3A_271 = arith.index_cast %add3A_236 : i32 to index
        %get3A_272 = arith.constant 64 : index
        %get3A_273 = tpu.vector_load %arg11[%get3A_271, %get3A_272] {strides = array<i32>} : memref<128x128xf32, #tpu.memory_space<vmem>>, vector<16xf32>,
        %mul3A_274 = arith.mulf %get3A_270, %get3A_273 : vector<16xf32>
        %add3A_275 = arith.addf %add3A_267, %mul3A_274 : vector<16xf32>
        %get3A_276 = arith.index_cast %add3A_236 : i32 to index
        %get3A_277 = arith.constant 80 : index
        %get3A_278 = tpu.vector_load %arg10[%get3A_276, %get3A_277] {strides = array<i32>} : memref<128x128xf32, #tpu.memory_space<vmem>>, vector<16xf32>,
        %get3A_279 = arith.index_cast %add3A_236 : i32 to index
        %get3A_280 = arith.constant 80 : index
        %get3A_281 = tpu.vector_load %arg11[%get3A_279, %get3A_280] {strides = array<i32>} : memref<128x128xf32, #tpu.memory_space<vmem>>, vector<16xf32>,
        %mul3A_282 = arith.mulf %get3A_278, %get3A_281 : vector<16xf32>
        %add3A_283 = arith.addf %add3A_275, %mul3A_282 : vector<16xf32>
        %get3A_284 = arith.index_cast %add3A_236 : i32 to index
        %get3A_285 = arith.constant 96 : index
        %get3A_286 = tpu.vector_load %arg10[%get3A_284, %get3A_285] {strides = array<i32>} : memref<128x128xf32, #tpu.memory_space<vmem>>, vector<16xf32>,
        %get3A_287 = arith.index_cast %add3A_236 : i32 to index
        %get3A_288 = arith.constant 96 : index
        %get3A_289 = tpu.vector_load %arg11[%get3A_287, %get3A_288] {strides = array<i32>} : memref<128x128xf32, #tpu.memory_space<vmem>>, vector<16xf32>,
        %mul3A_290 = arith.mulf %get3A_286, %get3A_289 : vector<16xf32>
        %add3A_291 = arith.addf %add3A_283, %mul3A_290 : vector<16xf32>
        %get3A_292 = arith.index_cast %add3A_236 : i32 to index
        %get3A_293 = arith.constant 112 : index
        %get3A_294 = tpu.vector_load %arg10[%get3A_292, %get3A_293] {strides = array<i32>} : memref<128x128xf32, #tpu.memory_space<vmem>>, vector<16xf32>,
        %get3A_295 = arith.index_cast %add3A_236 : i32 to index
        %get3A_296 = arith.constant 112 : index
        %get3A_297 = tpu.vector_load %arg11[%get3A_295, %get3A_296] {strides = array<i32>} : memref<128x128xf32, #tpu.memory_space<vmem>>, vector<16xf32>,
        %mul3A_298 = arith.mulf %get3A_294, %get3A_297 : vector<16xf32>
        %add3A_299 = arith.addf %add3A_291, %mul3A_298 : vector<16xf32>
        %swap3A_300 = arith.constant 32 : index
        %swap3A_301 = tpu.vector_load %arg15[%swap3A_300] {strides = array<i32>} : memref<64xf32, #tpu.memory_space<vmem>>, vector<16xf32>,
        tpu.vector_store %arg15[%swap3A_300], %add3A_299 {strides = array<i32>} : memref<64xf32, #tpu.memory_space<vmem>>, vector<16xf32>,
        %mul3A_302 = arith.constant 4 : i32
        %mul3A_303 = arith.muli %scan3A_96, %mul3A_302 : i32
        %add3A_304 = arith.constant 3 : i32
        %add3A_305 = arith.addi %mul3A_303, %add3A_304 : i32
        %get3A_306 = arith.index_cast %add3A_305 : i32 to index
        %get3A_307 = arith.constant 0 : index
        %get3A_308 = tpu.vector_load %arg10[%get3A_306, %get3A_307] {strides = array<i32>} : memref<128x128xf32, #tpu.memory_space<vmem>>, vector<16xf32>,
        %get3A_309 = arith.index_cast %add3A_305 : i32 to index
        %get3A_310 = arith.constant 0 : index
        %get3A_311 = tpu.vector_load %arg11[%get3A_309, %get3A_310] {strides = array<i32>} : memref<128x128xf32, #tpu.memory_space<vmem>>, vector<16xf32>,
        %mul3A_312 = arith.mulf %get3A_308, %get3A_311 : vector<16xf32>
        %get3A_313 = arith.index_cast %add3A_305 : i32 to index
        %get3A_314 = arith.constant 16 : index
        %get3A_315 = tpu.vector_load %arg10[%get3A_313, %get3A_314] {strides = array<i32>} : memref<128x128xf32, #tpu.memory_space<vmem>>, vector<16xf32>,
        %get3A_316 = arith.index_cast %add3A_305 : i32 to index
        %get3A_317 = arith.constant 16 : index
        %get3A_318 = tpu.vector_load %arg11[%get3A_316, %get3A_317] {strides = array<i32>} : memref<128x128xf32, #tpu.memory_space<vmem>>, vector<16xf32>,
        %mul3A_319 = arith.mulf %get3A_315, %get3A_318 : vector<16xf32>
        %add3A_320 = arith.addf %mul3A_312, %mul3A_319 : vector<16xf32>
        %get3A_321 = arith.index_cast %add3A_305 : i32 to index
        %get3A_322 = arith.constant 32 : index
        %get3A_323 = tpu.vector_load %arg10[%get3A_321, %get3A_322] {strides = array<i32>} : memref<128x128xf32, #tpu.memory_space<vmem>>, vector<16xf32>,
        %get3A_324 = arith.index_cast %add3A_305 : i32 to index
        %get3A_325 = arith.constant 32 : index
        %get3A_326 = tpu.vector_load %arg11[%get3A_324, %get3A_325] {strides = array<i32>} : memref<128x128xf32, #tpu.memory_space<vmem>>, vector<16xf32>,
        %mul3A_327 = arith.mulf %get3A_323, %get3A_326 : vector<16xf32>
        %add3A_328 = arith.addf %add3A_320, %mul3A_327 : vector<16xf32>
        %get3A_329 = arith.index_cast %add3A_305 : i32 to index
        %get3A_330 = arith.constant 48 : index
        %get3A_331 = tpu.vector_load %arg10[%get3A_329, %get3A_330] {strides = array<i32>} : memref<128x128xf32, #tpu.memory_space<vmem>>, vector<16xf32>,
        %get3A_332 = arith.index_cast %add3A_305 : i32 to index
        %get3A_333 = arith.constant 48 : index
        %get3A_334 = tpu.vector_load %arg11[%get3A_332, %get3A_333] {strides = array<i32>} : memref<128x128xf32, #tpu.memory_space<vmem>>, vector<16xf32>,
        %mul3A_335 = arith.mulf %get3A_331, %get3A_334 : vector<16xf32>
        %add3A_336 = arith.addf %add3A_328, %mul3A_335 : vector<16xf32>
        %get3A_337 = arith.index_cast %add3A_305 : i32 to index
        %get3A_338 = arith.constant 64 : index
        %get3A_339 = tpu.vector_load %arg10[%get3A_337, %get3A_338] {strides = array<i32>} : memref<128x128xf32, #tpu.memory_space<vmem>>, vector<16xf32>,
        %get3A_340 = arith.index_cast %add3A_305 : i32 to index
        %get3A_341 = arith.constant 64 : index
        %get3A_342 = tpu.vector_load %arg11[%get3A_340, %get3A_341] {strides = array<i32>} : memref<128x128xf32, #tpu.memory_space<vmem>>, vector<16xf32>,
        %mul3A_343 = arith.mulf %get3A_339, %get3A_342 : vector<16xf32>
        %add3A_344 = arith.addf %add3A_336, %mul3A_343 : vector<16xf32>
        %get3A_345 = arith.index_cast %add3A_305 : i32 to index
        %get3A_346 = arith.constant 80 : index
        %get3A_347 = tpu.vector_load %arg10[%get3A_345, %get3A_346] {strides = array<i32>} : memref<128x128xf32, #tpu.memory_space<vmem>>, vector<16xf32>,
        %get3A_348 = arith.index_cast %add3A_305 : i32 to index
        %get3A_349 = arith.constant 80 : index
        %get3A_350 = tpu.vector_load %arg11[%get3A_348, %get3A_349] {strides = array<i32>} : memref<128x128xf32, #tpu.memory_space<vmem>>, vector<16xf32>,
        %mul3A_351 = arith.mulf %get3A_347, %get3A_350 : vector<16xf32>
        %add3A_352 = arith.addf %add3A_344, %mul3A_351 : vector<16xf32>
        %get3A_353 = arith.index_cast %add3A_305 : i32 to index
        %get3A_354 = arith.constant 96 : index
        %get3A_355 = tpu.vector_load %arg10[%get3A_353, %get3A_354] {strides = array<i32>} : memref<128x128xf32, #tpu.memory_space<vmem>>, vector<16xf32>,
        %get3A_356 = arith.index_cast %add3A_305 : i32 to index
        %get3A_357 = arith.constant 96 : index
        %get3A_358 = tpu.vector_load %arg11[%get3A_356, %get3A_357] {strides = array<i32>} : memref<128x128xf32, #tpu.memory_space<vmem>>, vector<16xf32>,
        %mul3A_359 = arith.mulf %get3A_355, %get3A_358 : vector<16xf32>
        %add3A_360 = arith.addf %add3A_352, %mul3A_359 : vector<16xf32>
        %get3A_361 = arith.index_cast %add3A_305 : i32 to index
        %get3A_362 = arith.constant 112 : index
        %get3A_363 = tpu.vector_load %arg10[%get3A_361, %get3A_362] {strides = array<i32>} : memref<128x128xf32, #tpu.memory_space<vmem>>, vector<16xf32>,
        %get3A_364 = arith.index_cast %add3A_305 : i32 to index
        %get3A_365 = arith.constant 112 : index
        %get3A_366 = tpu.vector_load %arg11[%get3A_364, %get3A_365] {strides = array<i32>} : memref<128x128xf32, #tpu.memory_space<vmem>>, vector<16xf32>,
        %mul3A_367 = arith.mulf %get3A_363, %get3A_366 : vector<16xf32>
        %add3A_368 = arith.addf %add3A_360, %mul3A_367 : vector<16xf32>
        %swap3A_369 = arith.constant 48 : index
        %swap3A_370 = tpu.vector_load %arg15[%swap3A_369] {strides = array<i32>} : memref<64xf32, #tpu.memory_space<vmem>>, vector<16xf32>,
        tpu.vector_store %arg15[%swap3A_369], %add3A_368 {strides = array<i32>} : memref<64xf32, #tpu.memory_space<vmem>>, vector<16xf32>,
        %mul3A_371 = arith.constant 4 : i32
        %mul3A_372 = arith.muli %scan3A_96, %mul3A_371 : i32
        %add3A_373 = arith.constant 0 : i32
        %add3A_374 = arith.addi %mul3A_372, %add3A_373 : i32
        %broadcast_in_dim3A = arith.constant 0 : i32
        %broadcast_in_dim3A_375 = vector.broadcast %broadcast_in_dim3A : i32 to vector<16xi32>
        %add3A_376 = arith.addi %broadcast_in_dim3A_375, %xor3A_24 : vector<16xi32>
        %gather3A = tpu.vector_load_idx %arg15[%add3A_376] : memref<64xf32, #tpu.memory_space<vmem>>[vector<16xi32>], vector<16xf32>,
        %add3A_377 = arith.addf %add3A_162, %gather3A : vector<16xf32>
        %mul3A_378 = arith.constant 8 : i32
        %mul3A_379 = arith.muli %add3A_374, %mul3A_378 : i32
        %broadcast_in_dim3A_380 = vector.broadcast %mul3A_379 : i32 to vector<16xi32>
        %add3A_381 = arith.addi %broadcast_in_dim3A_380, %and3A_27 : vector<16xi32>
        %gather3A_382 = tpu.vector_load_idx %arg12[%add3A_381] : memref<1024xf32, #tpu.memory_space<vmem>>[vector<16xi32>], vector<16xf32>,
        %gather3A_383 = tpu.vector_load_idx %arg13[%add3A_381] : memref<1024xf32, #tpu.memory_space<vmem>>[vector<16xi32>], vector<16xf32>,
        %add3A_384 = arith.addf %gather3A_382, %gather3A_383 : vector<16xf32>
        %add3A_385 = arith.addf %add3A_377, %add3A_384 : vector<16xf32>
        %exp3A = math.exp %add3A_385 : vector<16xf32>
        %mul3A_386 = arith.constant 16 : i32
        %mul3A_387 = arith.muli %add3A_374, %mul3A_386 : i32
        %swap3A_388 = arith.index_cast %mul3A_387 : i32 to index
        %swap3A_389 = tpu.vector_load %arg14[%swap3A_388] {strides = array<i32>} : memref<2048xf32, #tpu.memory_space<vmem>>, vector<16xf32>,
        tpu.vector_store %arg14[%swap3A_388], %exp3A {strides = array<i32>} : memref<2048xf32, #tpu.memory_space<vmem>>, vector<16xf32>,
        %mul3A_390 = arith.constant 4 : i32
        %mul3A_391 = arith.muli %scan3A_96, %mul3A_390 : i32
        %add3A_392 = arith.constant 1 : i32
        %add3A_393 = arith.addi %mul3A_391, %add3A_392 : i32
        %broadcast_in_dim3A_394 = arith.constant 16 : i32
        %broadcast_in_dim3A_395 = vector.broadcast %broadcast_in_dim3A_394 : i32 to vector<16xi32>
        %add3A_396 = arith.addi %broadcast_in_dim3A_395, %xor3A_24 : vector<16xi32>
        %gather3A_397 = tpu.vector_load_idx %arg15[%add3A_396] : memref<64xf32, #tpu.memory_space<vmem>>[vector<16xi32>], vector<16xf32>,
        %add3A_398 = arith.addf %add3A_230, %gather3A_397 : vector<16xf32>
        %mul3A_399 = arith.constant 8 : i32
        %mul3A_400 = arith.muli %add3A_393, %mul3A_399 : i32
        %broadcast_in_dim3A_401 = vector.broadcast %mul3A_400 : i32 to vector<16xi32>
        %add3A_402 = arith.addi %broadcast_in_dim3A_401, %and3A_27 : vector<16xi32>
        %gather3A_403 = tpu.vector_load_idx %arg12[%add3A_402] : memref<1024xf32, #tpu.memory_space<vmem>>[vector<16xi32>], vector<16xf32>,
        %gather3A_404 = tpu.vector_load_idx %arg13[%add3A_402] : memref<1024xf32, #tpu.memory_space<vmem>>[vector<16xi32>], vector<16xf32>,
        %add3A_405 = arith.addf %gather3A_403, %gather3A_404 : vector<16xf32>
        %add3A_406 = arith.addf %add3A_398, %add3A_405 : vector<16xf32>
        %exp3A_407 = math.exp %add3A_406 : vector<16xf32>
        %mul3A_408 = arith.constant 16 : i32
        %mul3A_409 = arith.muli %add3A_393, %mul3A_408 : i32
        %swap3A_410 = arith.index_cast %mul3A_409 : i32 to index
        %swap3A_411 = tpu.vector_load %arg14[%swap3A_410] {strides = array<i32>} : memref<2048xf32, #tpu.memory_space<vmem>>, vector<16xf32>,
        tpu.vector_store %arg14[%swap3A_410], %exp3A_407 {strides = array<i32>} : memref<2048xf32, #tpu.memory_space<vmem>>, vector<16xf32>,
        %mul3A_412 = arith.constant 4 : i32
        %mul3A_413 = arith.muli %scan3A_96, %mul3A_412 : i32
        %add3A_414 = arith.constant 2 : i32
        %add3A_415 = arith.addi %mul3A_413, %add3A_414 : i32
        %broadcast_in_dim3A_416 = arith.constant 32 : i32
        %broadcast_in_dim3A_417 = vector.broadcast %broadcast_in_dim3A_416 : i32 to vector<16xi32>
        %add3A_418 = arith.addi %broadcast_in_dim3A_417, %xor3A_24 : vector<16xi32>
        %gather3A_419 = tpu.vector_load_idx %arg15[%add3A_418] : memref<64xf32, #tpu.memory_space<vmem>>[vector<16xi32>], vector<16xf32>,
        %add3A_420 = arith.addf %add3A_299, %gather3A_419 : vector<16xf32>
        %mul3A_421 = arith.constant 8 : i32
        %mul3A_422 = arith.muli %add3A_415, %mul3A_421 : i32
        %broadcast_in_dim3A_423 = vector.broadcast %mul3A_422 : i32 to vector<16xi32>
        %add3A_424 = arith.addi %broadcast_in_dim3A_423, %and3A_27 : vector<16xi32>
        %gather3A_425 = tpu.vector_load_idx %arg12[%add3A_424] : memref<1024xf32, #tpu.memory_space<vmem>>[vector<16xi32>], vector<16xf32>,
        %gather3A_426 = tpu.vector_load_idx %arg13[%add3A_424] : memref<1024xf32, #tpu.memory_space<vmem>>[vector<16xi32>], vector<16xf32>,
        %add3A_427 = arith.addf %gather3A_425, %gather3A_426 : vector<16xf32>
        %add3A_428 = arith.addf %add3A_420, %add3A_427 : vector<16xf32>
        %exp3A_429 = math.exp %add3A_428 : vector<16xf32>
        %mul3A_430 = arith.constant 16 : i32
        %mul3A_431 = arith.muli %add3A_415, %mul3A_430 : i32
        %swap3A_432 = arith.index_cast %mul3A_431 : i32 to index
        %swap3A_433 = tpu.vector_load %arg14[%swap3A_432] {strides = array<i32>} : memref<2048xf32, #tpu.memory_space<vmem>>, vector<16xf32>,
        tpu.vector_store %arg14[%swap3A_432], %exp3A_429 {strides = array<i32>} : memref<2048xf32, #tpu.memory_space<vmem>>, vector<16xf32>,
        %mul3A_434 = arith.constant 4 : i32
        %mul3A_435 = arith.muli %scan3A_96, %mul3A_434 : i32
        %add3A_436 = arith.constant 3 : i32
        %add3A_437 = arith.addi %mul3A_435, %add3A_436 : i32
        %broadcast_in_dim3A_438 = arith.constant 48 : i32
        %broadcast_in_dim3A_439 = vector.broadcast %broadcast_in_dim3A_438 : i32 to vector<16xi32>
        %add3A_440 = arith.addi %broadcast_in_dim3A_439, %xor3A_24 : vector<16xi32>
        %gather3A_441 = tpu.vector_load_idx %arg15[%add3A_440] : memref<64xf32, #tpu.memory_space<vmem>>[vector<16xi32>], vector<16xf32>,
        %add3A_442 = arith.addf %add3A_368, %gather3A_441 : vector<16xf32>
        %mul3A_443 = arith.constant 8 : i32
        %mul3A_444 = arith.muli %add3A_437, %mul3A_443 : i32
        %broadcast_in_dim3A_445 = vector.broadcast %mul3A_444 : i32 to vector<16xi32>
        %add3A_446 = arith.addi %broadcast_in_dim3A_445, %and3A_27 : vector<16xi32>
        %gather3A_447 = tpu.vector_load_idx %arg12[%add3A_446] : memref<1024xf32, #tpu.memory_space<vmem>>[vector<16xi32>], vector<16xf32>,
        %gather3A_448 = tpu.vector_load_idx %arg13[%add3A_446] : memref<1024xf32, #tpu.memory_space<vmem>>[vector<16xi32>], vector<16xf32>,
        %add3A_449 = arith.addf %gather3A_447, %gather3A_448 : vector<16xf32>
        %add3A_450 = arith.addf %add3A_442, %add3A_449 : vector<16xf32>
        %exp3A_451 = math.exp %add3A_450 : vector<16xf32>
        %mul3A_452 = arith.constant 16 : i32
        %mul3A_453 = arith.muli %add3A_437, %mul3A_452 : i32
        %swap3A_454 = arith.index_cast %mul3A_453 : i32 to index
        %swap3A_455 = tpu.vector_load %arg14[%swap3A_454] {strides = array<i32>} : memref<2048xf32, #tpu.memory_space<vmem>>, vector<16xf32>,
        tpu.vector_store %arg14[%swap3A_454], %exp3A_451 {strides = array<i32>} : memref<2048xf32, #tpu.memory_space<vmem>>, vector<16xf32>,
      }
      %scan3A_93 = arith.constant 32 : i32
      %mul3A_94 = arith.constant 16 : i32
      %mul3A_95 = arith.muli %mul3A_42, %mul3A_94 : i32
      "tpu.region"() ({
        %run_scoped3A = tpu.sem_alloc : memref<!tpu.dma_semaphore, #tpu.memory_space<semaphore_mem>>
        %dma_start3A_96 = tpu.memref_slice %arg7[%mul3A_95] : memref<5120000xf32, #tpu.memory_space<hbm>> -> memref<2048xf32, #tpu.memory_space<hbm>>
        %dma_start3A_97 = tpu.memref_slice %arg7[%mul3A_95] : memref<5120000xf32, #tpu.memory_space<hbm>> -> memref<2048xf32, #tpu.memory_space<hbm>>
        tpu.enqueue_dma source(%arg14 : memref<2048xf32, #tpu.memory_space<vmem>>) target(%dma_start3A_97 : memref<2048xf32, #tpu.memory_space<hbm>>) target_semaphore(%run_scoped3A : memref<!tpu.dma_semaphore, #tpu.memory_space<semaphore_mem>>)
        %dma_wait3A_98 = tpu.memref_slice %arg7[%mul3A_95] : memref<5120000xf32, #tpu.memory_space<hbm>> -> memref<2048xf32, #tpu.memory_space<hbm>>
        %dma_wait3A_99 = tpu.memref_slice %arg7[%mul3A_95] : memref<5120000xf32, #tpu.memory_space<hbm>> -> memref<2048xf32, #tpu.memory_space<hbm>>
        tpu.wait_dma2 semaphore(%run_scoped3A : memref<!tpu.dma_semaphore, #tpu.memory_space<semaphore_mem>>) src(%arg14 : memref<2048xf32, #tpu.memory_space<vmem>>) dst(%dma_wait3A_99 : memref<2048xf32, #tpu.memory_space<hbm>>)
        tpu.yield
      }) : () -> ()
    }
    return
  }
}

#map = affine_map<(d0, d1) -> (0, 0, 0)>
#map1 = affine_map<(d0, d1) -> (0)>
#map2 = affine_map<(d0, d1) -> (0, 0)>
module attributes {stable_mosaic.version = 14 : i64} {
  func.func @_sc_den(%arg0: i32, %arg1: i32, %arg2: memref<2x1x320000xi32, #tpu.memory_space<hbm>>, %arg3: memref<5120000xf32, #tpu.memory_space<hbm>>, %arg4: memref<10000x128xf32, #tpu.memory_space<hbm>>, %arg5: memref<10000x128xf32, #tpu.memory_space<hbm>>, %arg6: memref<128xi32, #tpu.memory_space<vmem>>, %arg7: memref<128x128xf32, #tpu.memory_space<vmem>>, %arg8: memref<2048xf32, #tpu.memory_space<vmem>>, %arg9: memref<80x128xf32, #tpu.memory_space<vmem>>, %arg10: memref<80xi32, #tpu.memory_space<vmem>>, %arg11: memref<10000x128xf32, #tpu.memory_space<vmem_shared>>, %arg12: memref<!tpu.dma_semaphore, #tpu.memory_space<semaphore_mem>>) attributes {dimension_semantics = [#tpu.dimension_semantics<core_parallel>, #tpu.dimension_semantics<subcore_parallel>], iteration_bounds = array<i64: 2, 16>, scalar_prefetch = 0 : i64, scratch_operands = 7 : i64, tpu.core_type = #tpu.core_type<sc_vector_subcore>, window_params = [{transform_indices = #map}, {transform_indices = #map1}, {transform_indices = #map2}, {transform_indices = #map2}]} {
    %mul3A = arith.constant 2 : i32
    %mul3A_0 = arith.muli %arg1, %mul3A : i32
    %add3A = arith.addi %mul3A_0, %arg0 : i32
    %sub3A = arith.constant 2500 : i32
    %sub3A_1 = arith.subi %sub3A, %add3A : i32
    %add3A_2 = arith.constant 32 : i32
    %add3A_3 = arith.addi %sub3A_1, %add3A_2 : i32
    %sub3A_4 = arith.constant 1 : i32
    %sub3A_5 = arith.subi %add3A_3, %sub3A_4 : i32
    %jit3A = arith.constant 32 : i32
    %div3A = arith.divsi %sub3A_5, %jit3A : i32
    %sign3A = arith.constant 0 : i32
    %sign3A_6 = arith.cmpi sgt, %sub3A_5, %sign3A : i32
    %sign3A_7 = arith.extui %sign3A_6 : i1 to i32
    %sign3A_8 = arith.constant 0 : i32
    %sign3A_9 = arith.cmpi slt, %sub3A_5, %sign3A_8 : i32
    %sign3A_10 = arith.extui %sign3A_9 : i1 to i32
    %sign3A_11 = arith.subi %sign3A_7, %sign3A_10 : i32
    %sign3A_12 = arith.constant 0 : i32
    %sign3A_13 = arith.cmpi sgt, %jit3A, %sign3A_12 : i32
    %sign3A_14 = arith.extui %sign3A_13 : i1 to i32
    %sign3A_15 = arith.constant 0 : i32
    %sign3A_16 = arith.cmpi slt, %jit3A, %sign3A_15 : i32
    %sign3A_17 = arith.extui %sign3A_16 : i1 to i32
    %sign3A_18 = arith.subi %sign3A_14, %sign3A_17 : i32
    %ne3A = arith.cmpi ne, %sign3A_11, %sign3A_18 : i32
    %rem3A = arith.remsi %sub3A_5, %jit3A : i32
    %ne3A_19 = arith.constant 0 : i32
    %ne3A_20 = arith.cmpi ne, %rem3A, %ne3A_19 : i32
    %and3A = arith.andi %ne3A, %ne3A_20 : i1
    %sub3A_21 = arith.constant 1 : i32
    %sub3A_22 = arith.subi %div3A, %sub3A_21 : i32
    %select_n3A = arith.select %and3A, %sub3A_22, %div3A : i32
    %sub3A_23 = arith.constant 125 : i32
    %sub3A_24 = arith.subi %sub3A_23, %arg1 : i32
    %add3A_25 = arith.constant 16 : i32
    %add3A_26 = arith.addi %sub3A_24, %add3A_25 : i32
    %sub3A_27 = arith.constant 1 : i32
    %sub3A_28 = arith.subi %add3A_26, %sub3A_27 : i32
    %jit3A_29 = arith.constant 16 : i32
    %div3A_30 = arith.divsi %sub3A_28, %jit3A_29 : i32
    %sign3A_31 = arith.constant 0 : i32
    %sign3A_32 = arith.cmpi sgt, %sub3A_28, %sign3A_31 : i32
    %sign3A_33 = arith.extui %sign3A_32 : i1 to i32
    %sign3A_34 = arith.constant 0 : i32
    %sign3A_35 = arith.cmpi slt, %sub3A_28, %sign3A_34 : i32
    %sign3A_36 = arith.extui %sign3A_35 : i1 to i32
    %sign3A_37 = arith.subi %sign3A_33, %sign3A_36 : i32
    %sign3A_38 = arith.constant 0 : i32
    %sign3A_39 = arith.cmpi sgt, %jit3A_29, %sign3A_38 : i32
    %sign3A_40 = arith.extui %sign3A_39 : i1 to i32
    %sign3A_41 = arith.constant 0 : i32
    %sign3A_42 = arith.cmpi slt, %jit3A_29, %sign3A_41 : i32
    %sign3A_43 = arith.extui %sign3A_42 : i1 to i32
    %sign3A_44 = arith.subi %sign3A_40, %sign3A_43 : i32
    %ne3A_45 = arith.cmpi ne, %sign3A_37, %sign3A_44 : i32
    %rem3A_46 = arith.remsi %sub3A_28, %jit3A_29 : i32
    %ne3A_47 = arith.constant 0 : i32
    %ne3A_48 = arith.cmpi ne, %rem3A_46, %ne3A_47 : i32
    %and3A_49 = arith.andi %ne3A_45, %ne3A_48 : i1
    %sub3A_50 = arith.constant 1 : i32
    %sub3A_51 = arith.subi %div3A_30, %sub3A_50 : i32
    %select_n3A_52 = arith.select %and3A_49, %sub3A_51, %div3A_30 : i32
    %iota3A = tpu.iota {dimensions = array<i32: 0>} : vector<16xi32>
    %scan3A = arith.constant 0 : i32
    %scan3A_53 = arith.constant 0 : i32
    %scan3A_54 = arith.constant 80 : i32
    %scan3A_55 = arith.addi %scan3A_53, %scan3A_54 : i32
    %scan3A_56 = arith.constant 1 : i32
    scf.for %scan3A_85 = %scan3A_53 to %scan3A_55 step %scan3A_56  : i32 {
      %broadcast_in_dim3A = arith.constant 0.000000e+00 : f32
      %broadcast_in_dim3A_86 = vector.broadcast %broadcast_in_dim3A : f32 to vector<16xf32>
      %swap3A = arith.index_cast %scan3A_85 : i32 to index
      %swap3A_87 = arith.constant 0 : index
      %swap3A_88 = tpu.vector_load %arg9[%swap3A, %swap3A_87] {strides = array<i32>} : memref<80x128xf32, #tpu.memory_space<vmem>>, vector<16xf32>,
      tpu.vector_store %arg9[%swap3A, %swap3A_87], %broadcast_in_dim3A_86 {strides = array<i32>} : memref<80x128xf32, #tpu.memory_space<vmem>>, vector<16xf32>,
      %broadcast_in_dim3A_89 = arith.constant 0.000000e+00 : f32
      %broadcast_in_dim3A_90 = vector.broadcast %broadcast_in_dim3A_89 : f32 to vector<16xf32>
      %swap3A_91 = arith.index_cast %scan3A_85 : i32 to index
      %swap3A_92 = arith.constant 16 : index
      %swap3A_93 = tpu.vector_load %arg9[%swap3A_91, %swap3A_92] {strides = array<i32>} : memref<80x128xf32, #tpu.memory_space<vmem>>, vector<16xf32>,
      tpu.vector_store %arg9[%swap3A_91, %swap3A_92], %broadcast_in_dim3A_90 {strides = array<i32>} : memref<80x128xf32, #tpu.memory_space<vmem>>, vector<16xf32>,
      %broadcast_in_dim3A_94 = arith.constant 0.000000e+00 : f32
      %broadcast_in_dim3A_95 = vector.broadcast %broadcast_in_dim3A_94 : f32 to vector<16xf32>
      %swap3A_96 = arith.index_cast %scan3A_85 : i32 to index
      %swap3A_97 = arith.constant 32 : index
      %swap3A_98 = tpu.vector_load %arg9[%swap3A_96, %swap3A_97] {strides = array<i32>} : memref<80x128xf32, #tpu.memory_space<vmem>>, vector<16xf32>,
      tpu.vector_store %arg9[%swap3A_96, %swap3A_97], %broadcast_in_dim3A_95 {strides = array<i32>} : memref<80x128xf32, #tpu.memory_space<vmem>>, vector<16xf32>,
      %broadcast_in_dim3A_99 = arith.constant 0.000000e+00 : f32
      %broadcast_in_dim3A_100 = vector.broadcast %broadcast_in_dim3A_99 : f32 to vector<16xf32>
      %swap3A_101 = arith.index_cast %scan3A_85 : i32 to index
      %swap3A_102 = arith.constant 48 : index
      %swap3A_103 = tpu.vector_load %arg9[%swap3A_101, %swap3A_102] {strides = array<i32>} : memref<80x128xf32, #tpu.memory_space<vmem>>, vector<16xf32>,
      tpu.vector_store %arg9[%swap3A_101, %swap3A_102], %broadcast_in_dim3A_100 {strides = array<i32>} : memref<80x128xf32, #tpu.memory_space<vmem>>, vector<16xf32>,
      %broadcast_in_dim3A_104 = arith.constant 0.000000e+00 : f32
      %broadcast_in_dim3A_105 = vector.broadcast %broadcast_in_dim3A_104 : f32 to vector<16xf32>
      %swap3A_106 = arith.index_cast %scan3A_85 : i32 to index
      %swap3A_107 = arith.constant 64 : index
      %swap3A_108 = tpu.vector_load %arg9[%swap3A_106, %swap3A_107] {strides = array<i32>} : memref<80x128xf32, #tpu.memory_space<vmem>>, vector<16xf32>,
      tpu.vector_store %arg9[%swap3A_106, %swap3A_107], %broadcast_in_dim3A_105 {strides = array<i32>} : memref<80x128xf32, #tpu.memory_space<vmem>>, vector<16xf32>,
      %broadcast_in_dim3A_109 = arith.constant 0.000000e+00 : f32
      %broadcast_in_dim3A_110 = vector.broadcast %broadcast_in_dim3A_109 : f32 to vector<16xf32>
      %swap3A_111 = arith.index_cast %scan3A_85 : i32 to index
      %swap3A_112 = arith.constant 80 : index
      %swap3A_113 = tpu.vector_load %arg9[%swap3A_111, %swap3A_112] {strides = array<i32>} : memref<80x128xf32, #tpu.memory_space<vmem>>, vector<16xf32>,
      tpu.vector_store %arg9[%swap3A_111, %swap3A_112], %broadcast_in_dim3A_110 {strides = array<i32>} : memref<80x128xf32, #tpu.memory_space<vmem>>, vector<16xf32>,
      %broadcast_in_dim3A_114 = arith.constant 0.000000e+00 : f32
      %broadcast_in_dim3A_115 = vector.broadcast %broadcast_in_dim3A_114 : f32 to vector<16xf32>
      %swap3A_116 = arith.index_cast %scan3A_85 : i32 to index
      %swap3A_117 = arith.constant 96 : index
      %swap3A_118 = tpu.vector_load %arg9[%swap3A_116, %swap3A_117] {strides = array<i32>} : memref<80x128xf32, #tpu.memory_space<vmem>>, vector<16xf32>,
      tpu.vector_store %arg9[%swap3A_116, %swap3A_117], %broadcast_in_dim3A_115 {strides = array<i32>} : memref<80x128xf32, #tpu.memory_space<vmem>>, vector<16xf32>,
      %broadcast_in_dim3A_119 = arith.constant 0.000000e+00 : f32
      %broadcast_in_dim3A_120 = vector.broadcast %broadcast_in_dim3A_119 : f32 to vector<16xf32>
      %swap3A_121 = arith.index_cast %scan3A_85 : i32 to index
      %swap3A_122 = arith.constant 112 : index
      %swap3A_123 = tpu.vector_load %arg9[%swap3A_121, %swap3A_122] {strides = array<i32>} : memref<80x128xf32, #tpu.memory_space<vmem>>, vector<16xf32>,
      tpu.vector_store %arg9[%swap3A_121, %swap3A_122], %broadcast_in_dim3A_120 {strides = array<i32>} : memref<80x128xf32, #tpu.memory_space<vmem>>, vector<16xf32>,
    }
    %scan3A_57 = arith.constant 80 : i32
    %while3A = arith.constant 0 : i32
    %while3A_58 = arith.constant 0 : i32
    %while3A_59 = arith.subi %select_n3A_52, %while3A_58 : i32
    %while3A_60 = arith.addi %while3A_58, %while3A_59 : i32
    %while3A_61 = arith.constant 1 : i32
    %while3A_62 = arith.divsi %while3A_59, %while3A_61 : i32
    %while3A_63 = arith.muli %while3A_62, %while3A_61 : i32
    %while3A_64 = arith.addi %while3A_58, %while3A_63 : i32
    %while3A_65 = arith.constant 1 : i32
    scf.for %while3A_85 = %while3A_58 to %while3A_64 step %while3A_65  : i32 {
      %mul3A_86 = arith.constant 16 : i32
      %mul3A_87 = arith.muli %while3A_85, %mul3A_86 : i32
      %add3A_88 = arith.addi %arg1, %mul3A_87 : i32
      %mul3A_89 = arith.constant 80 : i32
      %mul3A_90 = arith.muli %add3A_88, %mul3A_89 : i32
      %add3A_91 = arith.constant 0 : i32
      %add3A_92 = arith.addi %mul3A_90, %add3A_91 : i32
      %broadcast_in_dim3A = vector.broadcast %add3A_92 : i32 to vector<16xi32>
      %add3A_93 = arith.addi %broadcast_in_dim3A, %iota3A : vector<16xi32>
      %swap3A = arith.constant 0 : index
      %swap3A_94 = tpu.vector_load %arg10[%swap3A] {strides = array<i32>} : memref<80xi32, #tpu.memory_space<vmem>>, vector<16xi32>,
      tpu.vector_store %arg10[%swap3A], %add3A_93 {strides = array<i32>} : memref<80xi32, #tpu.memory_space<vmem>>, vector<16xi32>,
      %add3A_95 = arith.constant 16 : i32
      %add3A_96 = arith.addi %mul3A_90, %add3A_95 : i32
      %broadcast_in_dim3A_97 = vector.broadcast %add3A_96 : i32 to vector<16xi32>
      %add3A_98 = arith.addi %broadcast_in_dim3A_97, %iota3A : vector<16xi32>
      %swap3A_99 = arith.constant 16 : index
      %swap3A_100 = tpu.vector_load %arg10[%swap3A_99] {strides = array<i32>} : memref<80xi32, #tpu.memory_space<vmem>>, vector<16xi32>,
      tpu.vector_store %arg10[%swap3A_99], %add3A_98 {strides = array<i32>} : memref<80xi32, #tpu.memory_space<vmem>>, vector<16xi32>,
      %add3A_101 = arith.constant 32 : i32
      %add3A_102 = arith.addi %mul3A_90, %add3A_101 : i32
      %broadcast_in_dim3A_103 = vector.broadcast %add3A_102 : i32 to vector<16xi32>
      %add3A_104 = arith.addi %broadcast_in_dim3A_103, %iota3A : vector<16xi32>
      %swap3A_105 = arith.constant 32 : index
      %swap3A_106 = tpu.vector_load %arg10[%swap3A_105] {strides = array<i32>} : memref<80xi32, #tpu.memory_space<vmem>>, vector<16xi32>,
      tpu.vector_store %arg10[%swap3A_105], %add3A_104 {strides = array<i32>} : memref<80xi32, #tpu.memory_space<vmem>>, vector<16xi32>,
      %add3A_107 = arith.constant 48 : i32
      %add3A_108 = arith.addi %mul3A_90, %add3A_107 : i32
      %broadcast_in_dim3A_109 = vector.broadcast %add3A_108 : i32 to vector<16xi32>
      %add3A_110 = arith.addi %broadcast_in_dim3A_109, %iota3A : vector<16xi32>
      %swap3A_111 = arith.constant 48 : index
      %swap3A_112 = tpu.vector_load %arg10[%swap3A_111] {strides = array<i32>} : memref<80xi32, #tpu.memory_space<vmem>>, vector<16xi32>,
      tpu.vector_store %arg10[%swap3A_111], %add3A_110 {strides = array<i32>} : memref<80xi32, #tpu.memory_space<vmem>>, vector<16xi32>,
      %add3A_113 = arith.constant 64 : i32
      %add3A_114 = arith.addi %mul3A_90, %add3A_113 : i32
      %broadcast_in_dim3A_115 = vector.broadcast %add3A_114 : i32 to vector<16xi32>
      %add3A_116 = arith.addi %broadcast_in_dim3A_115, %iota3A : vector<16xi32>
      %swap3A_117 = arith.constant 64 : index
      %swap3A_118 = tpu.vector_load %arg10[%swap3A_117] {strides = array<i32>} : memref<80xi32, #tpu.memory_space<vmem>>, vector<16xi32>,
      tpu.vector_store %arg10[%swap3A_117], %add3A_116 {strides = array<i32>} : memref<80xi32, #tpu.memory_space<vmem>>, vector<16xi32>,
      "tpu.region"() ({
        %run_scoped3A = tpu.sem_alloc : memref<!tpu.dma_semaphore, #tpu.memory_space<semaphore_mem>>
        %dma_start3A = arith.constant 0 : i32
        %dma_start3A_119 = arith.constant 0 : i32
        %dma_start3A_120 = tpu.memref_slice %arg11[%dma_start3A, %dma_start3A_119] : memref<10000x128xf32, #tpu.memory_space<vmem_shared>> -> memref<10000x128xf32, #tpu.memory_space<vmem_shared>>
        tpu.enqueue_indirect_dma source(%arg9 : memref<80x128xf32, #tpu.memory_space<vmem>>) target(%dma_start3A_120 : memref<10000x128xf32, #tpu.memory_space<vmem_shared>>) offsets(%arg10 : memref<80xi32, #tpu.memory_space<vmem>>) semaphore(%run_scoped3A : memref<!tpu.dma_semaphore, #tpu.memory_space<semaphore_mem>>)
        %dma_wait3A = arith.constant 0 : i32
        %dma_wait3A_121 = arith.constant 0 : i32
        %dma_wait3A_122 = tpu.memref_slice %arg11[%dma_wait3A, %dma_wait3A_121] : memref<10000x128xf32, #tpu.memory_space<vmem_shared>> -> memref<10000x128xf32, #tpu.memory_space<vmem_shared>>
        tpu.wait_indirect_dma semaphore(%run_scoped3A : memref<!tpu.dma_semaphore, #tpu.memory_space<semaphore_mem>>) src(%arg9 : memref<80x128xf32, #tpu.memory_space<vmem>>) dst(%dma_wait3A_122 : memref<10000x128xf32, #tpu.memory_space<vmem_shared>>)
        tpu.yield
      }) : () -> ()
    }
    %while3A_66 = arith.constant 1 : i32
    scf.for %while3A_85 = %while3A_64 to %while3A_60 step %while3A_66  : i32 {
      %mul3A_86 = arith.constant 16 : i32
      %mul3A_87 = arith.muli %while3A_85, %mul3A_86 : i32
      %add3A_88 = arith.addi %arg1, %mul3A_87 : i32
      %mul3A_89 = arith.constant 80 : i32
      %mul3A_90 = arith.muli %add3A_88, %mul3A_89 : i32
      %add3A_91 = arith.constant 0 : i32
      %add3A_92 = arith.addi %mul3A_90, %add3A_91 : i32
      %broadcast_in_dim3A = vector.broadcast %add3A_92 : i32 to vector<16xi32>
      %add3A_93 = arith.addi %broadcast_in_dim3A, %iota3A : vector<16xi32>
      %swap3A = arith.constant 0 : index
      %swap3A_94 = tpu.vector_load %arg10[%swap3A] {strides = array<i32>} : memref<80xi32, #tpu.memory_space<vmem>>, vector<16xi32>,
      tpu.vector_store %arg10[%swap3A], %add3A_93 {strides = array<i32>} : memref<80xi32, #tpu.memory_space<vmem>>, vector<16xi32>,
      %add3A_95 = arith.constant 16 : i32
      %add3A_96 = arith.addi %mul3A_90, %add3A_95 : i32
      %broadcast_in_dim3A_97 = vector.broadcast %add3A_96 : i32 to vector<16xi32>
      %add3A_98 = arith.addi %broadcast_in_dim3A_97, %iota3A : vector<16xi32>
      %swap3A_99 = arith.constant 16 : index
      %swap3A_100 = tpu.vector_load %arg10[%swap3A_99] {strides = array<i32>} : memref<80xi32, #tpu.memory_space<vmem>>, vector<16xi32>,
      tpu.vector_store %arg10[%swap3A_99], %add3A_98 {strides = array<i32>} : memref<80xi32, #tpu.memory_space<vmem>>, vector<16xi32>,
      %add3A_101 = arith.constant 32 : i32
      %add3A_102 = arith.addi %mul3A_90, %add3A_101 : i32
      %broadcast_in_dim3A_103 = vector.broadcast %add3A_102 : i32 to vector<16xi32>
      %add3A_104 = arith.addi %broadcast_in_dim3A_103, %iota3A : vector<16xi32>
      %swap3A_105 = arith.constant 32 : index
      %swap3A_106 = tpu.vector_load %arg10[%swap3A_105] {strides = array<i32>} : memref<80xi32, #tpu.memory_space<vmem>>, vector<16xi32>,
      tpu.vector_store %arg10[%swap3A_105], %add3A_104 {strides = array<i32>} : memref<80xi32, #tpu.memory_space<vmem>>, vector<16xi32>,
      %add3A_107 = arith.constant 48 : i32
      %add3A_108 = arith.addi %mul3A_90, %add3A_107 : i32
      %broadcast_in_dim3A_109 = vector.broadcast %add3A_108 : i32 to vector<16xi32>
      %add3A_110 = arith.addi %broadcast_in_dim3A_109, %iota3A : vector<16xi32>
      %swap3A_111 = arith.constant 48 : index
      %swap3A_112 = tpu.vector_load %arg10[%swap3A_111] {strides = array<i32>} : memref<80xi32, #tpu.memory_space<vmem>>, vector<16xi32>,
      tpu.vector_store %arg10[%swap3A_111], %add3A_110 {strides = array<i32>} : memref<80xi32, #tpu.memory_space<vmem>>, vector<16xi32>,
      %add3A_113 = arith.constant 64 : i32
      %add3A_114 = arith.addi %mul3A_90, %add3A_113 : i32
      %broadcast_in_dim3A_115 = vector.broadcast %add3A_114 : i32 to vector<16xi32>
      %add3A_116 = arith.addi %broadcast_in_dim3A_115, %iota3A : vector<16xi32>
      %swap3A_117 = arith.constant 64 : index
      %swap3A_118 = tpu.vector_load %arg10[%swap3A_117] {strides = array<i32>} : memref<80xi32, #tpu.memory_space<vmem>>, vector<16xi32>,
      tpu.vector_store %arg10[%swap3A_117], %add3A_116 {strides = array<i32>} : memref<80xi32, #tpu.memory_space<vmem>>, vector<16xi32>,
      "tpu.region"() ({
        %run_scoped3A = tpu.sem_alloc : memref<!tpu.dma_semaphore, #tpu.memory_space<semaphore_mem>>
        %dma_start3A = arith.constant 0 : i32
        %dma_start3A_119 = arith.constant 0 : i32
        %dma_start3A_120 = tpu.memref_slice %arg11[%dma_start3A, %dma_start3A_119] : memref<10000x128xf32, #tpu.memory_space<vmem_shared>> -> memref<10000x128xf32, #tpu.memory_space<vmem_shared>>
        tpu.enqueue_indirect_dma source(%arg9 : memref<80x128xf32, #tpu.memory_space<vmem>>) target(%dma_start3A_120 : memref<10000x128xf32, #tpu.memory_space<vmem_shared>>) offsets(%arg10 : memref<80xi32, #tpu.memory_space<vmem>>) semaphore(%run_scoped3A : memref<!tpu.dma_semaphore, #tpu.memory_space<semaphore_mem>>)
        %dma_wait3A = arith.constant 0 : i32
        %dma_wait3A_121 = arith.constant 0 : i32
        %dma_wait3A_122 = tpu.memref_slice %arg11[%dma_wait3A, %dma_wait3A_121] : memref<10000x128xf32, #tpu.memory_space<vmem_shared>> -> memref<10000x128xf32, #tpu.memory_space<vmem_shared>>
        tpu.wait_indirect_dma semaphore(%run_scoped3A : memref<!tpu.dma_semaphore, #tpu.memory_space<semaphore_mem>>) src(%arg9 : memref<80x128xf32, #tpu.memory_space<vmem>>) dst(%dma_wait3A_122 : memref<10000x128xf32, #tpu.memory_space<vmem_shared>>)
        tpu.yield
      }) : () -> ()
    }
    %barrier3A = arith.constant 0 : index
    tpu.barrier barrier_id(%barrier3A)
    %while3A_67 = arith.constant 0 : i32
    %while3A_68 = arith.constant 0 : i32
    %while3A_69 = arith.subi %select_n3A, %while3A_68 : i32
    %while3A_70 = arith.addi %while3A_68, %while3A_69 : i32
    %while3A_71 = arith.constant 1 : i32
    %while3A_72 = arith.divsi %while3A_69, %while3A_71 : i32
    %while3A_73 = arith.muli %while3A_72, %while3A_71 : i32
    %while3A_74 = arith.addi %while3A_68, %while3A_73 : i32
    %while3A_75 = arith.constant 1 : i32
    scf.for %while3A_85 = %while3A_68 to %while3A_74 step %while3A_75  : i32 {
      %mul3A_86 = arith.constant 32 : i32
      %mul3A_87 = arith.muli %while3A_85, %mul3A_86 : i32
      %add3A_88 = arith.addi %add3A, %mul3A_87 : i32
      %mul3A_89 = arith.constant 128 : i32
      %mul3A_90 = arith.muli %add3A_88, %mul3A_89 : i32
      %dma_start3A = arith.constant 1 : i32
      %dma_start3A_91 = arith.constant 0 : i32
      %dma_start3A_92 = tpu.memref_slice %arg2[%dma_start3A, %dma_start3A_91, %mul3A_90] : memref<2x1x320000xi32, #tpu.memory_space<hbm>> -> memref<1x1x128xi32, #tpu.memory_space<hbm>>
      %dma_start3A_93 = tpu.memref_squeeze %dma_start3A_92 : memref<1x1x128xi32, #tpu.memory_space<hbm>> -> memref<128xi32, #tpu.memory_space<hbm>>
      %dma_start3A_94 = tpu.memref_slice %arg2[%dma_start3A, %dma_start3A_91, %mul3A_90] : memref<2x1x320000xi32, #tpu.memory_space<hbm>> -> memref<1x1x128xi32, #tpu.memory_space<hbm>>
      %dma_start3A_95 = tpu.memref_squeeze %dma_start3A_94 : memref<1x1x128xi32, #tpu.memory_space<hbm>> -> memref<128xi32, #tpu.memory_space<hbm>>
      tpu.enqueue_dma source(%dma_start3A_95 : memref<128xi32, #tpu.memory_space<hbm>>) target(%arg6 : memref<128xi32, #tpu.memory_space<vmem>>) target_semaphore(%arg12 : memref<!tpu.dma_semaphore, #tpu.memory_space<semaphore_mem>>)
      %mul3A_96 = arith.constant 16 : i32
      %mul3A_97 = arith.muli %mul3A_90, %mul3A_96 : i32
      %dma_start3A_98 = tpu.memref_slice %arg3[%mul3A_97] : memref<5120000xf32, #tpu.memory_space<hbm>> -> memref<2048xf32, #tpu.memory_space<hbm>>
      %dma_start3A_99 = tpu.memref_slice %arg3[%mul3A_97] : memref<5120000xf32, #tpu.memory_space<hbm>> -> memref<2048xf32, #tpu.memory_space<hbm>>
      tpu.enqueue_dma source(%dma_start3A_99 : memref<2048xf32, #tpu.memory_space<hbm>>) target(%arg8 : memref<2048xf32, #tpu.memory_space<vmem>>) target_semaphore(%arg12 : memref<!tpu.dma_semaphore, #tpu.memory_space<semaphore_mem>>)
      %dma_wait3A = arith.constant 1 : i32
      %dma_wait3A_100 = arith.constant 0 : i32
      %dma_wait3A_101 = tpu.memref_slice %arg2[%dma_wait3A, %dma_wait3A_100, %mul3A_90] : memref<2x1x320000xi32, #tpu.memory_space<hbm>> -> memref<1x1x128xi32, #tpu.memory_space<hbm>>
      %dma_wait3A_102 = tpu.memref_squeeze %dma_wait3A_101 : memref<1x1x128xi32, #tpu.memory_space<hbm>> -> memref<128xi32, #tpu.memory_space<hbm>>
      %dma_wait3A_103 = tpu.memref_slice %arg2[%dma_wait3A, %dma_wait3A_100, %mul3A_90] : memref<2x1x320000xi32, #tpu.memory_space<hbm>> -> memref<1x1x128xi32, #tpu.memory_space<hbm>>
      %dma_wait3A_104 = tpu.memref_squeeze %dma_wait3A_103 : memref<1x1x128xi32, #tpu.memory_space<hbm>> -> memref<128xi32, #tpu.memory_space<hbm>>
      tpu.wait_dma2 semaphore(%arg12 : memref<!tpu.dma_semaphore, #tpu.memory_space<semaphore_mem>>) src(%dma_wait3A_104 : memref<128xi32, #tpu.memory_space<hbm>>) dst(%arg6 : memref<128xi32, #tpu.memory_space<vmem>>)
      %dma_wait3A_105 = tpu.memref_slice %arg3[%mul3A_97] : memref<5120000xf32, #tpu.memory_space<hbm>> -> memref<2048xf32, #tpu.memory_space<hbm>>
      %dma_wait3A_106 = tpu.memref_slice %arg3[%mul3A_97] : memref<5120000xf32, #tpu.memory_space<hbm>> -> memref<2048xf32, #tpu.memory_space<hbm>>
      tpu.wait_dma2 semaphore(%arg12 : memref<!tpu.dma_semaphore, #tpu.memory_space<semaphore_mem>>) src(%dma_wait3A_106 : memref<2048xf32, #tpu.memory_space<hbm>>) dst(%arg8 : memref<2048xf32, #tpu.memory_space<vmem>>)
      %scan3A_107 = arith.constant 0 : i32
      %scan3A_108 = arith.constant 0 : i32
      %scan3A_109 = arith.constant 32 : i32
      %scan3A_110 = arith.addi %scan3A_108, %scan3A_109 : i32
      %scan3A_111 = arith.constant 1 : i32
      scf.for %scan3A_113 = %scan3A_108 to %scan3A_110 step %scan3A_111  : i32 {
        %mul3A_114 = arith.constant 4 : i32
        %mul3A_115 = arith.muli %scan3A_113, %mul3A_114 : i32
        %add3A_116 = arith.constant 0 : i32
        %add3A_117 = arith.addi %mul3A_115, %add3A_116 : i32
        %mul3A_118 = arith.constant 16 : i32
        %mul3A_119 = arith.muli %add3A_117, %mul3A_118 : i32
        %add3A_120 = arith.constant 0 : i32
        %add3A_121 = arith.addi %mul3A_119, %add3A_120 : i32
        %broadcast_in_dim3A = vector.broadcast %add3A_121 : i32 to vector<16xi32>
        %gather3A = tpu.vector_load_idx %arg8[%broadcast_in_dim3A] : memref<2048xf32, #tpu.memory_space<vmem>>[vector<16xi32>], vector<16xf32>,
        %swap3A = arith.index_cast %add3A_117 : i32 to index
        %swap3A_122 = arith.constant 0 : index
        %swap3A_123 = tpu.vector_load %arg7[%swap3A, %swap3A_122] {strides = array<i32>} : memref<128x128xf32, #tpu.memory_space<vmem>>, vector<16xf32>,
        tpu.vector_store %arg7[%swap3A, %swap3A_122], %gather3A {strides = array<i32>} : memref<128x128xf32, #tpu.memory_space<vmem>>, vector<16xf32>,
        %mul3A_124 = arith.constant 16 : i32
        %mul3A_125 = arith.muli %add3A_117, %mul3A_124 : i32
        %add3A_126 = arith.constant 1 : i32
        %add3A_127 = arith.addi %mul3A_125, %add3A_126 : i32
        %broadcast_in_dim3A_128 = vector.broadcast %add3A_127 : i32 to vector<16xi32>
        %gather3A_129 = tpu.vector_load_idx %arg8[%broadcast_in_dim3A_128] : memref<2048xf32, #tpu.memory_space<vmem>>[vector<16xi32>], vector<16xf32>,
        %swap3A_130 = arith.index_cast %add3A_117 : i32 to index
        %swap3A_131 = arith.constant 16 : index
        %swap3A_132 = tpu.vector_load %arg7[%swap3A_130, %swap3A_131] {strides = array<i32>} : memref<128x128xf32, #tpu.memory_space<vmem>>, vector<16xf32>,
        tpu.vector_store %arg7[%swap3A_130, %swap3A_131], %gather3A_129 {strides = array<i32>} : memref<128x128xf32, #tpu.memory_space<vmem>>, vector<16xf32>,
        %mul3A_133 = arith.constant 16 : i32
        %mul3A_134 = arith.muli %add3A_117, %mul3A_133 : i32
        %add3A_135 = arith.constant 2 : i32
        %add3A_136 = arith.addi %mul3A_134, %add3A_135 : i32
        %broadcast_in_dim3A_137 = vector.broadcast %add3A_136 : i32 to vector<16xi32>
        %gather3A_138 = tpu.vector_load_idx %arg8[%broadcast_in_dim3A_137] : memref<2048xf32, #tpu.memory_space<vmem>>[vector<16xi32>], vector<16xf32>,
        %swap3A_139 = arith.index_cast %add3A_117 : i32 to index
        %swap3A_140 = arith.constant 32 : index
        %swap3A_141 = tpu.vector_load %arg7[%swap3A_139, %swap3A_140] {strides = array<i32>} : memref<128x128xf32, #tpu.memory_space<vmem>>, vector<16xf32>,
        tpu.vector_store %arg7[%swap3A_139, %swap3A_140], %gather3A_138 {strides = array<i32>} : memref<128x128xf32, #tpu.memory_space<vmem>>, vector<16xf32>,
        %mul3A_142 = arith.constant 16 : i32
        %mul3A_143 = arith.muli %add3A_117, %mul3A_142 : i32
        %add3A_144 = arith.constant 3 : i32
        %add3A_145 = arith.addi %mul3A_143, %add3A_144 : i32
        %broadcast_in_dim3A_146 = vector.broadcast %add3A_145 : i32 to vector<16xi32>
        %gather3A_147 = tpu.vector_load_idx %arg8[%broadcast_in_dim3A_146] : memref<2048xf32, #tpu.memory_space<vmem>>[vector<16xi32>], vector<16xf32>,
        %swap3A_148 = arith.index_cast %add3A_117 : i32 to index
        %swap3A_149 = arith.constant 48 : index
        %swap3A_150 = tpu.vector_load %arg7[%swap3A_148, %swap3A_149] {strides = array<i32>} : memref<128x128xf32, #tpu.memory_space<vmem>>, vector<16xf32>,
        tpu.vector_store %arg7[%swap3A_148, %swap3A_149], %gather3A_147 {strides = array<i32>} : memref<128x128xf32, #tpu.memory_space<vmem>>, vector<16xf32>,
        %mul3A_151 = arith.constant 16 : i32
        %mul3A_152 = arith.muli %add3A_117, %mul3A_151 : i32
        %add3A_153 = arith.constant 4 : i32
        %add3A_154 = arith.addi %mul3A_152, %add3A_153 : i32
        %broadcast_in_dim3A_155 = vector.broadcast %add3A_154 : i32 to vector<16xi32>
        %gather3A_156 = tpu.vector_load_idx %arg8[%broadcast_in_dim3A_155] : memref<2048xf32, #tpu.memory_space<vmem>>[vector<16xi32>], vector<16xf32>,
        %swap3A_157 = arith.index_cast %add3A_117 : i32 to index
        %swap3A_158 = arith.constant 64 : index
        %swap3A_159 = tpu.vector_load %arg7[%swap3A_157, %swap3A_158] {strides = array<i32>} : memref<128x128xf32, #tpu.memory_space<vmem>>, vector<16xf32>,
        tpu.vector_store %arg7[%swap3A_157, %swap3A_158], %gather3A_156 {strides = array<i32>} : memref<128x128xf32, #tpu.memory_space<vmem>>, vector<16xf32>,
        %mul3A_160 = arith.constant 16 : i32
        %mul3A_161 = arith.muli %add3A_117, %mul3A_160 : i32
        %add3A_162 = arith.constant 5 : i32
        %add3A_163 = arith.addi %mul3A_161, %add3A_162 : i32
        %broadcast_in_dim3A_164 = vector.broadcast %add3A_163 : i32 to vector<16xi32>
        %gather3A_165 = tpu.vector_load_idx %arg8[%broadcast_in_dim3A_164] : memref<2048xf32, #tpu.memory_space<vmem>>[vector<16xi32>], vector<16xf32>,
        %swap3A_166 = arith.index_cast %add3A_117 : i32 to index
        %swap3A_167 = arith.constant 80 : index
        %swap3A_168 = tpu.vector_load %arg7[%swap3A_166, %swap3A_167] {strides = array<i32>} : memref<128x128xf32, #tpu.memory_space<vmem>>, vector<16xf32>,
        tpu.vector_store %arg7[%swap3A_166, %swap3A_167], %gather3A_165 {strides = array<i32>} : memref<128x128xf32, #tpu.memory_space<vmem>>, vector<16xf32>,
        %mul3A_169 = arith.constant 16 : i32
        %mul3A_170 = arith.muli %add3A_117, %mul3A_169 : i32
        %add3A_171 = arith.constant 6 : i32
        %add3A_172 = arith.addi %mul3A_170, %add3A_171 : i32
        %broadcast_in_dim3A_173 = vector.broadcast %add3A_172 : i32 to vector<16xi32>
        %gather3A_174 = tpu.vector_load_idx %arg8[%broadcast_in_dim3A_173] : memref<2048xf32, #tpu.memory_space<vmem>>[vector<16xi32>], vector<16xf32>,
        %swap3A_175 = arith.index_cast %add3A_117 : i32 to index
        %swap3A_176 = arith.constant 96 : index
        %swap3A_177 = tpu.vector_load %arg7[%swap3A_175, %swap3A_176] {strides = array<i32>} : memref<128x128xf32, #tpu.memory_space<vmem>>, vector<16xf32>,
        tpu.vector_store %arg7[%swap3A_175, %swap3A_176], %gather3A_174 {strides = array<i32>} : memref<128x128xf32, #tpu.memory_space<vmem>>, vector<16xf32>,
        %mul3A_178 = arith.constant 16 : i32
        %mul3A_179 = arith.muli %add3A_117, %mul3A_178 : i32
        %add3A_180 = arith.constant 7 : i32
        %add3A_181 = arith.addi %mul3A_179, %add3A_180 : i32
        %broadcast_in_dim3A_182 = vector.broadcast %add3A_181 : i32 to vector<16xi32>
        %gather3A_183 = tpu.vector_load_idx %arg8[%broadcast_in_dim3A_182] : memref<2048xf32, #tpu.memory_space<vmem>>[vector<16xi32>], vector<16xf32>,
        %swap3A_184 = arith.index_cast %add3A_117 : i32 to index
        %swap3A_185 = arith.constant 112 : index
        %swap3A_186 = tpu.vector_load %arg7[%swap3A_184, %swap3A_185] {strides = array<i32>} : memref<128x128xf32, #tpu.memory_space<vmem>>, vector<16xf32>,
        tpu.vector_store %arg7[%swap3A_184, %swap3A_185], %gather3A_183 {strides = array<i32>} : memref<128x128xf32, #tpu.memory_space<vmem>>, vector<16xf32>,
        %mul3A_187 = arith.constant 4 : i32
        %mul3A_188 = arith.muli %scan3A_113, %mul3A_187 : i32
        %add3A_189 = arith.constant 1 : i32
        %add3A_190 = arith.addi %mul3A_188, %add3A_189 : i32
        %mul3A_191 = arith.constant 16 : i32
        %mul3A_192 = arith.muli %add3A_190, %mul3A_191 : i32
        %add3A_193 = arith.constant 0 : i32
        %add3A_194 = arith.addi %mul3A_192, %add3A_193 : i32
        %broadcast_in_dim3A_195 = vector.broadcast %add3A_194 : i32 to vector<16xi32>
        %gather3A_196 = tpu.vector_load_idx %arg8[%broadcast_in_dim3A_195] : memref<2048xf32, #tpu.memory_space<vmem>>[vector<16xi32>], vector<16xf32>,
        %swap3A_197 = arith.index_cast %add3A_190 : i32 to index
        %swap3A_198 = arith.constant 0 : index
        %swap3A_199 = tpu.vector_load %arg7[%swap3A_197, %swap3A_198] {strides = array<i32>} : memref<128x128xf32, #tpu.memory_space<vmem>>, vector<16xf32>,
        tpu.vector_store %arg7[%swap3A_197, %swap3A_198], %gather3A_196 {strides = array<i32>} : memref<128x128xf32, #tpu.memory_space<vmem>>, vector<16xf32>,
        %mul3A_200 = arith.constant 16 : i32
        %mul3A_201 = arith.muli %add3A_190, %mul3A_200 : i32
        %add3A_202 = arith.constant 1 : i32
        %add3A_203 = arith.addi %mul3A_201, %add3A_202 : i32
        %broadcast_in_dim3A_204 = vector.broadcast %add3A_203 : i32 to vector<16xi32>
        %gather3A_205 = tpu.vector_load_idx %arg8[%broadcast_in_dim3A_204] : memref<2048xf32, #tpu.memory_space<vmem>>[vector<16xi32>], vector<16xf32>,
        %swap3A_206 = arith.index_cast %add3A_190 : i32 to index
        %swap3A_207 = arith.constant 16 : index
        %swap3A_208 = tpu.vector_load %arg7[%swap3A_206, %swap3A_207] {strides = array<i32>} : memref<128x128xf32, #tpu.memory_space<vmem>>, vector<16xf32>,
        tpu.vector_store %arg7[%swap3A_206, %swap3A_207], %gather3A_205 {strides = array<i32>} : memref<128x128xf32, #tpu.memory_space<vmem>>, vector<16xf32>,
        %mul3A_209 = arith.constant 16 : i32
        %mul3A_210 = arith.muli %add3A_190, %mul3A_209 : i32
        %add3A_211 = arith.constant 2 : i32
        %add3A_212 = arith.addi %mul3A_210, %add3A_211 : i32
        %broadcast_in_dim3A_213 = vector.broadcast %add3A_212 : i32 to vector<16xi32>
        %gather3A_214 = tpu.vector_load_idx %arg8[%broadcast_in_dim3A_213] : memref<2048xf32, #tpu.memory_space<vmem>>[vector<16xi32>], vector<16xf32>,
        %swap3A_215 = arith.index_cast %add3A_190 : i32 to index
        %swap3A_216 = arith.constant 32 : index
        %swap3A_217 = tpu.vector_load %arg7[%swap3A_215, %swap3A_216] {strides = array<i32>} : memref<128x128xf32, #tpu.memory_space<vmem>>, vector<16xf32>,
        tpu.vector_store %arg7[%swap3A_215, %swap3A_216], %gather3A_214 {strides = array<i32>} : memref<128x128xf32, #tpu.memory_space<vmem>>, vector<16xf32>,
        %mul3A_218 = arith.constant 16 : i32
        %mul3A_219 = arith.muli %add3A_190, %mul3A_218 : i32
        %add3A_220 = arith.constant 3 : i32
        %add3A_221 = arith.addi %mul3A_219, %add3A_220 : i32
        %broadcast_in_dim3A_222 = vector.broadcast %add3A_221 : i32 to vector<16xi32>
        %gather3A_223 = tpu.vector_load_idx %arg8[%broadcast_in_dim3A_222] : memref<2048xf32, #tpu.memory_space<vmem>>[vector<16xi32>], vector<16xf32>,
        %swap3A_224 = arith.index_cast %add3A_190 : i32 to index
        %swap3A_225 = arith.constant 48 : index
        %swap3A_226 = tpu.vector_load %arg7[%swap3A_224, %swap3A_225] {strides = array<i32>} : memref<128x128xf32, #tpu.memory_space<vmem>>, vector<16xf32>,
        tpu.vector_store %arg7[%swap3A_224, %swap3A_225], %gather3A_223 {strides = array<i32>} : memref<128x128xf32, #tpu.memory_space<vmem>>, vector<16xf32>,
        %mul3A_227 = arith.constant 16 : i32
        %mul3A_228 = arith.muli %add3A_190, %mul3A_227 : i32
        %add3A_229 = arith.constant 4 : i32
        %add3A_230 = arith.addi %mul3A_228, %add3A_229 : i32
        %broadcast_in_dim3A_231 = vector.broadcast %add3A_230 : i32 to vector<16xi32>
        %gather3A_232 = tpu.vector_load_idx %arg8[%broadcast_in_dim3A_231] : memref<2048xf32, #tpu.memory_space<vmem>>[vector<16xi32>], vector<16xf32>,
        %swap3A_233 = arith.index_cast %add3A_190 : i32 to index
        %swap3A_234 = arith.constant 64 : index
        %swap3A_235 = tpu.vector_load %arg7[%swap3A_233, %swap3A_234] {strides = array<i32>} : memref<128x128xf32, #tpu.memory_space<vmem>>, vector<16xf32>,
        tpu.vector_store %arg7[%swap3A_233, %swap3A_234], %gather3A_232 {strides = array<i32>} : memref<128x128xf32, #tpu.memory_space<vmem>>, vector<16xf32>,
        %mul3A_236 = arith.constant 16 : i32
        %mul3A_237 = arith.muli %add3A_190, %mul3A_236 : i32
        %add3A_238 = arith.constant 5 : i32
        %add3A_239 = arith.addi %mul3A_237, %add3A_238 : i32
        %broadcast_in_dim3A_240 = vector.broadcast %add3A_239 : i32 to vector<16xi32>
        %gather3A_241 = tpu.vector_load_idx %arg8[%broadcast_in_dim3A_240] : memref<2048xf32, #tpu.memory_space<vmem>>[vector<16xi32>], vector<16xf32>,
        %swap3A_242 = arith.index_cast %add3A_190 : i32 to index
        %swap3A_243 = arith.constant 80 : index
        %swap3A_244 = tpu.vector_load %arg7[%swap3A_242, %swap3A_243] {strides = array<i32>} : memref<128x128xf32, #tpu.memory_space<vmem>>, vector<16xf32>,
        tpu.vector_store %arg7[%swap3A_242, %swap3A_243], %gather3A_241 {strides = array<i32>} : memref<128x128xf32, #tpu.memory_space<vmem>>, vector<16xf32>,
        %mul3A_245 = arith.constant 16 : i32
        %mul3A_246 = arith.muli %add3A_190, %mul3A_245 : i32
        %add3A_247 = arith.constant 6 : i32
        %add3A_248 = arith.addi %mul3A_246, %add3A_247 : i32
        %broadcast_in_dim3A_249 = vector.broadcast %add3A_248 : i32 to vector<16xi32>
        %gather3A_250 = tpu.vector_load_idx %arg8[%broadcast_in_dim3A_249] : memref<2048xf32, #tpu.memory_space<vmem>>[vector<16xi32>], vector<16xf32>,
        %swap3A_251 = arith.index_cast %add3A_190 : i32 to index
        %swap3A_252 = arith.constant 96 : index
        %swap3A_253 = tpu.vector_load %arg7[%swap3A_251, %swap3A_252] {strides = array<i32>} : memref<128x128xf32, #tpu.memory_space<vmem>>, vector<16xf32>,
        tpu.vector_store %arg7[%swap3A_251, %swap3A_252], %gather3A_250 {strides = array<i32>} : memref<128x128xf32, #tpu.memory_space<vmem>>, vector<16xf32>,
        %mul3A_254 = arith.constant 16 : i32
        %mul3A_255 = arith.muli %add3A_190, %mul3A_254 : i32
        %add3A_256 = arith.constant 7 : i32
        %add3A_257 = arith.addi %mul3A_255, %add3A_256 : i32
        %broadcast_in_dim3A_258 = vector.broadcast %add3A_257 : i32 to vector<16xi32>
        %gather3A_259 = tpu.vector_load_idx %arg8[%broadcast_in_dim3A_258] : memref<2048xf32, #tpu.memory_space<vmem>>[vector<16xi32>], vector<16xf32>,
        %swap3A_260 = arith.index_cast %add3A_190 : i32 to index
        %swap3A_261 = arith.constant 112 : index
        %swap3A_262 = tpu.vector_load %arg7[%swap3A_260, %swap3A_261] {strides = array<i32>} : memref<128x128xf32, #tpu.memory_space<vmem>>, vector<16xf32>,
        tpu.vector_store %arg7[%swap3A_260, %swap3A_261], %gather3A_259 {strides = array<i32>} : memref<128x128xf32, #tpu.memory_space<vmem>>, vector<16xf32>,
        %mul3A_263 = arith.constant 4 : i32
        %mul3A_264 = arith.muli %scan3A_113, %mul3A_263 : i32
        %add3A_265 = arith.constant 2 : i32
        %add3A_266 = arith.addi %mul3A_264, %add3A_265 : i32
        %mul3A_267 = arith.constant 16 : i32
        %mul3A_268 = arith.muli %add3A_266, %mul3A_267 : i32
        %add3A_269 = arith.constant 0 : i32
        %add3A_270 = arith.addi %mul3A_268, %add3A_269 : i32
        %broadcast_in_dim3A_271 = vector.broadcast %add3A_270 : i32 to vector<16xi32>
        %gather3A_272 = tpu.vector_load_idx %arg8[%broadcast_in_dim3A_271] : memref<2048xf32, #tpu.memory_space<vmem>>[vector<16xi32>], vector<16xf32>,
        %swap3A_273 = arith.index_cast %add3A_266 : i32 to index
        %swap3A_274 = arith.constant 0 : index
        %swap3A_275 = tpu.vector_load %arg7[%swap3A_273, %swap3A_274] {strides = array<i32>} : memref<128x128xf32, #tpu.memory_space<vmem>>, vector<16xf32>,
        tpu.vector_store %arg7[%swap3A_273, %swap3A_274], %gather3A_272 {strides = array<i32>} : memref<128x128xf32, #tpu.memory_space<vmem>>, vector<16xf32>,
        %mul3A_276 = arith.constant 16 : i32
        %mul3A_277 = arith.muli %add3A_266, %mul3A_276 : i32
        %add3A_278 = arith.constant 1 : i32
        %add3A_279 = arith.addi %mul3A_277, %add3A_278 : i32
        %broadcast_in_dim3A_280 = vector.broadcast %add3A_279 : i32 to vector<16xi32>
        %gather3A_281 = tpu.vector_load_idx %arg8[%broadcast_in_dim3A_280] : memref<2048xf32, #tpu.memory_space<vmem>>[vector<16xi32>], vector<16xf32>,
        %swap3A_282 = arith.index_cast %add3A_266 : i32 to index
        %swap3A_283 = arith.constant 16 : index
        %swap3A_284 = tpu.vector_load %arg7[%swap3A_282, %swap3A_283] {strides = array<i32>} : memref<128x128xf32, #tpu.memory_space<vmem>>, vector<16xf32>,
        tpu.vector_store %arg7[%swap3A_282, %swap3A_283], %gather3A_281 {strides = array<i32>} : memref<128x128xf32, #tpu.memory_space<vmem>>, vector<16xf32>,
        %mul3A_285 = arith.constant 16 : i32
        %mul3A_286 = arith.muli %add3A_266, %mul3A_285 : i32
        %add3A_287 = arith.constant 2 : i32
        %add3A_288 = arith.addi %mul3A_286, %add3A_287 : i32
        %broadcast_in_dim3A_289 = vector.broadcast %add3A_288 : i32 to vector<16xi32>
        %gather3A_290 = tpu.vector_load_idx %arg8[%broadcast_in_dim3A_289] : memref<2048xf32, #tpu.memory_space<vmem>>[vector<16xi32>], vector<16xf32>,
        %swap3A_291 = arith.index_cast %add3A_266 : i32 to index
        %swap3A_292 = arith.constant 32 : index
        %swap3A_293 = tpu.vector_load %arg7[%swap3A_291, %swap3A_292] {strides = array<i32>} : memref<128x128xf32, #tpu.memory_space<vmem>>, vector<16xf32>,
        tpu.vector_store %arg7[%swap3A_291, %swap3A_292], %gather3A_290 {strides = array<i32>} : memref<128x128xf32, #tpu.memory_space<vmem>>, vector<16xf32>,
        %mul3A_294 = arith.constant 16 : i32
        %mul3A_295 = arith.muli %add3A_266, %mul3A_294 : i32
        %add3A_296 = arith.constant 3 : i32
        %add3A_297 = arith.addi %mul3A_295, %add3A_296 : i32
        %broadcast_in_dim3A_298 = vector.broadcast %add3A_297 : i32 to vector<16xi32>
        %gather3A_299 = tpu.vector_load_idx %arg8[%broadcast_in_dim3A_298] : memref<2048xf32, #tpu.memory_space<vmem>>[vector<16xi32>], vector<16xf32>,
        %swap3A_300 = arith.index_cast %add3A_266 : i32 to index
        %swap3A_301 = arith.constant 48 : index
        %swap3A_302 = tpu.vector_load %arg7[%swap3A_300, %swap3A_301] {strides = array<i32>} : memref<128x128xf32, #tpu.memory_space<vmem>>, vector<16xf32>,
        tpu.vector_store %arg7[%swap3A_300, %swap3A_301], %gather3A_299 {strides = array<i32>} : memref<128x128xf32, #tpu.memory_space<vmem>>, vector<16xf32>,
        %mul3A_303 = arith.constant 16 : i32
        %mul3A_304 = arith.muli %add3A_266, %mul3A_303 : i32
        %add3A_305 = arith.constant 4 : i32
        %add3A_306 = arith.addi %mul3A_304, %add3A_305 : i32
        %broadcast_in_dim3A_307 = vector.broadcast %add3A_306 : i32 to vector<16xi32>
        %gather3A_308 = tpu.vector_load_idx %arg8[%broadcast_in_dim3A_307] : memref<2048xf32, #tpu.memory_space<vmem>>[vector<16xi32>], vector<16xf32>,
        %swap3A_309 = arith.index_cast %add3A_266 : i32 to index
        %swap3A_310 = arith.constant 64 : index
        %swap3A_311 = tpu.vector_load %arg7[%swap3A_309, %swap3A_310] {strides = array<i32>} : memref<128x128xf32, #tpu.memory_space<vmem>>, vector<16xf32>,
        tpu.vector_store %arg7[%swap3A_309, %swap3A_310], %gather3A_308 {strides = array<i32>} : memref<128x128xf32, #tpu.memory_space<vmem>>, vector<16xf32>,
        %mul3A_312 = arith.constant 16 : i32
        %mul3A_313 = arith.muli %add3A_266, %mul3A_312 : i32
        %add3A_314 = arith.constant 5 : i32
        %add3A_315 = arith.addi %mul3A_313, %add3A_314 : i32
        %broadcast_in_dim3A_316 = vector.broadcast %add3A_315 : i32 to vector<16xi32>
        %gather3A_317 = tpu.vector_load_idx %arg8[%broadcast_in_dim3A_316] : memref<2048xf32, #tpu.memory_space<vmem>>[vector<16xi32>], vector<16xf32>,
        %swap3A_318 = arith.index_cast %add3A_266 : i32 to index
        %swap3A_319 = arith.constant 80 : index
        %swap3A_320 = tpu.vector_load %arg7[%swap3A_318, %swap3A_319] {strides = array<i32>} : memref<128x128xf32, #tpu.memory_space<vmem>>, vector<16xf32>,
        tpu.vector_store %arg7[%swap3A_318, %swap3A_319], %gather3A_317 {strides = array<i32>} : memref<128x128xf32, #tpu.memory_space<vmem>>, vector<16xf32>,
        %mul3A_321 = arith.constant 16 : i32
        %mul3A_322 = arith.muli %add3A_266, %mul3A_321 : i32
        %add3A_323 = arith.constant 6 : i32
        %add3A_324 = arith.addi %mul3A_322, %add3A_323 : i32
        %broadcast_in_dim3A_325 = vector.broadcast %add3A_324 : i32 to vector<16xi32>
        %gather3A_326 = tpu.vector_load_idx %arg8[%broadcast_in_dim3A_325] : memref<2048xf32, #tpu.memory_space<vmem>>[vector<16xi32>], vector<16xf32>,
        %swap3A_327 = arith.index_cast %add3A_266 : i32 to index
        %swap3A_328 = arith.constant 96 : index
        %swap3A_329 = tpu.vector_load %arg7[%swap3A_327, %swap3A_328] {strides = array<i32>} : memref<128x128xf32, #tpu.memory_space<vmem>>, vector<16xf32>,
        tpu.vector_store %arg7[%swap3A_327, %swap3A_328], %gather3A_326 {strides = array<i32>} : memref<128x128xf32, #tpu.memory_space<vmem>>, vector<16xf32>,
        %mul3A_330 = arith.constant 16 : i32
        %mul3A_331 = arith.muli %add3A_266, %mul3A_330 : i32
        %add3A_332 = arith.constant 7 : i32
        %add3A_333 = arith.addi %mul3A_331, %add3A_332 : i32
        %broadcast_in_dim3A_334 = vector.broadcast %add3A_333 : i32 to vector<16xi32>
        %gather3A_335 = tpu.vector_load_idx %arg8[%broadcast_in_dim3A_334] : memref<2048xf32, #tpu.memory_space<vmem>>[vector<16xi32>], vector<16xf32>,
        %swap3A_336 = arith.index_cast %add3A_266 : i32 to index
        %swap3A_337 = arith.constant 112 : index
        %swap3A_338 = tpu.vector_load %arg7[%swap3A_336, %swap3A_337] {strides = array<i32>} : memref<128x128xf32, #tpu.memory_space<vmem>>, vector<16xf32>,
        tpu.vector_store %arg7[%swap3A_336, %swap3A_337], %gather3A_335 {strides = array<i32>} : memref<128x128xf32, #tpu.memory_space<vmem>>, vector<16xf32>,
        %mul3A_339 = arith.constant 4 : i32
        %mul3A_340 = arith.muli %scan3A_113, %mul3A_339 : i32
        %add3A_341 = arith.constant 3 : i32
        %add3A_342 = arith.addi %mul3A_340, %add3A_341 : i32
        %mul3A_343 = arith.constant 16 : i32
        %mul3A_344 = arith.muli %add3A_342, %mul3A_343 : i32
        %add3A_345 = arith.constant 0 : i32
        %add3A_346 = arith.addi %mul3A_344, %add3A_345 : i32
        %broadcast_in_dim3A_347 = vector.broadcast %add3A_346 : i32 to vector<16xi32>
        %gather3A_348 = tpu.vector_load_idx %arg8[%broadcast_in_dim3A_347] : memref<2048xf32, #tpu.memory_space<vmem>>[vector<16xi32>], vector<16xf32>,
        %swap3A_349 = arith.index_cast %add3A_342 : i32 to index
        %swap3A_350 = arith.constant 0 : index
        %swap3A_351 = tpu.vector_load %arg7[%swap3A_349, %swap3A_350] {strides = array<i32>} : memref<128x128xf32, #tpu.memory_space<vmem>>, vector<16xf32>,
        tpu.vector_store %arg7[%swap3A_349, %swap3A_350], %gather3A_348 {strides = array<i32>} : memref<128x128xf32, #tpu.memory_space<vmem>>, vector<16xf32>,
        %mul3A_352 = arith.constant 16 : i32
        %mul3A_353 = arith.muli %add3A_342, %mul3A_352 : i32
        %add3A_354 = arith.constant 1 : i32
        %add3A_355 = arith.addi %mul3A_353, %add3A_354 : i32
        %broadcast_in_dim3A_356 = vector.broadcast %add3A_355 : i32 to vector<16xi32>
        %gather3A_357 = tpu.vector_load_idx %arg8[%broadcast_in_dim3A_356] : memref<2048xf32, #tpu.memory_space<vmem>>[vector<16xi32>], vector<16xf32>,
        %swap3A_358 = arith.index_cast %add3A_342 : i32 to index
        %swap3A_359 = arith.constant 16 : index
        %swap3A_360 = tpu.vector_load %arg7[%swap3A_358, %swap3A_359] {strides = array<i32>} : memref<128x128xf32, #tpu.memory_space<vmem>>, vector<16xf32>,
        tpu.vector_store %arg7[%swap3A_358, %swap3A_359], %gather3A_357 {strides = array<i32>} : memref<128x128xf32, #tpu.memory_space<vmem>>, vector<16xf32>,
        %mul3A_361 = arith.constant 16 : i32
        %mul3A_362 = arith.muli %add3A_342, %mul3A_361 : i32
        %add3A_363 = arith.constant 2 : i32
        %add3A_364 = arith.addi %mul3A_362, %add3A_363 : i32
        %broadcast_in_dim3A_365 = vector.broadcast %add3A_364 : i32 to vector<16xi32>
        %gather3A_366 = tpu.vector_load_idx %arg8[%broadcast_in_dim3A_365] : memref<2048xf32, #tpu.memory_space<vmem>>[vector<16xi32>], vector<16xf32>,
        %swap3A_367 = arith.index_cast %add3A_342 : i32 to index
        %swap3A_368 = arith.constant 32 : index
        %swap3A_369 = tpu.vector_load %arg7[%swap3A_367, %swap3A_368] {strides = array<i32>} : memref<128x128xf32, #tpu.memory_space<vmem>>, vector<16xf32>,
        tpu.vector_store %arg7[%swap3A_367, %swap3A_368], %gather3A_366 {strides = array<i32>} : memref<128x128xf32, #tpu.memory_space<vmem>>, vector<16xf32>,
        %mul3A_370 = arith.constant 16 : i32
        %mul3A_371 = arith.muli %add3A_342, %mul3A_370 : i32
        %add3A_372 = arith.constant 3 : i32
        %add3A_373 = arith.addi %mul3A_371, %add3A_372 : i32
        %broadcast_in_dim3A_374 = vector.broadcast %add3A_373 : i32 to vector<16xi32>
        %gather3A_375 = tpu.vector_load_idx %arg8[%broadcast_in_dim3A_374] : memref<2048xf32, #tpu.memory_space<vmem>>[vector<16xi32>], vector<16xf32>,
        %swap3A_376 = arith.index_cast %add3A_342 : i32 to index
        %swap3A_377 = arith.constant 48 : index
        %swap3A_378 = tpu.vector_load %arg7[%swap3A_376, %swap3A_377] {strides = array<i32>} : memref<128x128xf32, #tpu.memory_space<vmem>>, vector<16xf32>,
        tpu.vector_store %arg7[%swap3A_376, %swap3A_377], %gather3A_375 {strides = array<i32>} : memref<128x128xf32, #tpu.memory_space<vmem>>, vector<16xf32>,
        %mul3A_379 = arith.constant 16 : i32
        %mul3A_380 = arith.muli %add3A_342, %mul3A_379 : i32
        %add3A_381 = arith.constant 4 : i32
        %add3A_382 = arith.addi %mul3A_380, %add3A_381 : i32
        %broadcast_in_dim3A_383 = vector.broadcast %add3A_382 : i32 to vector<16xi32>
        %gather3A_384 = tpu.vector_load_idx %arg8[%broadcast_in_dim3A_383] : memref<2048xf32, #tpu.memory_space<vmem>>[vector<16xi32>], vector<16xf32>,
        %swap3A_385 = arith.index_cast %add3A_342 : i32 to index
        %swap3A_386 = arith.constant 64 : index
        %swap3A_387 = tpu.vector_load %arg7[%swap3A_385, %swap3A_386] {strides = array<i32>} : memref<128x128xf32, #tpu.memory_space<vmem>>, vector<16xf32>,
        tpu.vector_store %arg7[%swap3A_385, %swap3A_386], %gather3A_384 {strides = array<i32>} : memref<128x128xf32, #tpu.memory_space<vmem>>, vector<16xf32>,
        %mul3A_388 = arith.constant 16 : i32
        %mul3A_389 = arith.muli %add3A_342, %mul3A_388 : i32
        %add3A_390 = arith.constant 5 : i32
        %add3A_391 = arith.addi %mul3A_389, %add3A_390 : i32
        %broadcast_in_dim3A_392 = vector.broadcast %add3A_391 : i32 to vector<16xi32>
        %gather3A_393 = tpu.vector_load_idx %arg8[%broadcast_in_dim3A_392] : memref<2048xf32, #tpu.memory_space<vmem>>[vector<16xi32>], vector<16xf32>,
        %swap3A_394 = arith.index_cast %add3A_342 : i32 to index
        %swap3A_395 = arith.constant 80 : index
        %swap3A_396 = tpu.vector_load %arg7[%swap3A_394, %swap3A_395] {strides = array<i32>} : memref<128x128xf32, #tpu.memory_space<vmem>>, vector<16xf32>,
        tpu.vector_store %arg7[%swap3A_394, %swap3A_395], %gather3A_393 {strides = array<i32>} : memref<128x128xf32, #tpu.memory_space<vmem>>, vector<16xf32>,
        %mul3A_397 = arith.constant 16 : i32
        %mul3A_398 = arith.muli %add3A_342, %mul3A_397 : i32
        %add3A_399 = arith.constant 6 : i32
        %add3A_400 = arith.addi %mul3A_398, %add3A_399 : i32
        %broadcast_in_dim3A_401 = vector.broadcast %add3A_400 : i32 to vector<16xi32>
        %gather3A_402 = tpu.vector_load_idx %arg8[%broadcast_in_dim3A_401] : memref<2048xf32, #tpu.memory_space<vmem>>[vector<16xi32>], vector<16xf32>,
        %swap3A_403 = arith.index_cast %add3A_342 : i32 to index
        %swap3A_404 = arith.constant 96 : index
        %swap3A_405 = tpu.vector_load %arg7[%swap3A_403, %swap3A_404] {strides = array<i32>} : memref<128x128xf32, #tpu.memory_space<vmem>>, vector<16xf32>,
        tpu.vector_store %arg7[%swap3A_403, %swap3A_404], %gather3A_402 {strides = array<i32>} : memref<128x128xf32, #tpu.memory_space<vmem>>, vector<16xf32>,
        %mul3A_406 = arith.constant 16 : i32
        %mul3A_407 = arith.muli %add3A_342, %mul3A_406 : i32
        %add3A_408 = arith.constant 7 : i32
        %add3A_409 = arith.addi %mul3A_407, %add3A_408 : i32
        %broadcast_in_dim3A_410 = vector.broadcast %add3A_409 : i32 to vector<16xi32>
        %gather3A_411 = tpu.vector_load_idx %arg8[%broadcast_in_dim3A_410] : memref<2048xf32, #tpu.memory_space<vmem>>[vector<16xi32>], vector<16xf32>,
        %swap3A_412 = arith.index_cast %add3A_342 : i32 to index
        %swap3A_413 = arith.constant 112 : index
        %swap3A_414 = tpu.vector_load %arg7[%swap3A_412, %swap3A_413] {strides = array<i32>} : memref<128x128xf32, #tpu.memory_space<vmem>>, vector<16xf32>,
        tpu.vector_store %arg7[%swap3A_412, %swap3A_413], %gather3A_411 {strides = array<i32>} : memref<128x128xf32, #tpu.memory_space<vmem>>, vector<16xf32>,
      }
      %scan3A_112 = arith.constant 32 : i32
      "tpu.region"() ({
        %run_scoped3A = tpu.sem_alloc : memref<!tpu.dma_semaphore, #tpu.memory_space<semaphore_mem>>
        %dma_start3A_113 = arith.constant 0 : i32
        %dma_start3A_114 = arith.constant 0 : i32
        %dma_start3A_115 = tpu.memref_slice %arg11[%dma_start3A_113, %dma_start3A_114] : memref<10000x128xf32, #tpu.memory_space<vmem_shared>> -> memref<10000x128xf32, #tpu.memory_space<vmem_shared>>
        tpu.enqueue_indirect_dma source(%arg7 : memref<128x128xf32, #tpu.memory_space<vmem>>) target(%dma_start3A_115 : memref<10000x128xf32, #tpu.memory_space<vmem_shared>>) offsets(%arg6 : memref<128xi32, #tpu.memory_space<vmem>>) semaphore(%run_scoped3A : memref<!tpu.dma_semaphore, #tpu.memory_space<semaphore_mem>>) {add = true}
        %dma_wait3A_116 = arith.constant 0 : i32
        %dma_wait3A_117 = arith.constant 0 : i32
        %dma_wait3A_118 = tpu.memref_slice %arg11[%dma_wait3A_116, %dma_wait3A_117] : memref<10000x128xf32, #tpu.memory_space<vmem_shared>> -> memref<10000x128xf32, #tpu.memory_space<vmem_shared>>
        tpu.wait_indirect_dma semaphore(%run_scoped3A : memref<!tpu.dma_semaphore, #tpu.memory_space<semaphore_mem>>) src(%arg7 : memref<128x128xf32, #tpu.memory_space<vmem>>) dst(%dma_wait3A_118 : memref<10000x128xf32, #tpu.memory_space<vmem_shared>>)
        tpu.yield
      }) : () -> ()
    }
    %while3A_76 = arith.constant 1 : i32
    scf.for %while3A_85 = %while3A_74 to %while3A_70 step %while3A_76  : i32 {
      %mul3A_86 = arith.constant 32 : i32
      %mul3A_87 = arith.muli %while3A_85, %mul3A_86 : i32
      %add3A_88 = arith.addi %add3A, %mul3A_87 : i32
      %mul3A_89 = arith.constant 128 : i32
      %mul3A_90 = arith.muli %add3A_88, %mul3A_89 : i32
      %dma_start3A = arith.constant 1 : i32
      %dma_start3A_91 = arith.constant 0 : i32
      %dma_start3A_92 = tpu.memref_slice %arg2[%dma_start3A, %dma_start3A_91, %mul3A_90] : memref<2x1x320000xi32, #tpu.memory_space<hbm>> -> memref<1x1x128xi32, #tpu.memory_space<hbm>>
      %dma_start3A_93 = tpu.memref_squeeze %dma_start3A_92 : memref<1x1x128xi32, #tpu.memory_space<hbm>> -> memref<128xi32, #tpu.memory_space<hbm>>
      %dma_start3A_94 = tpu.memref_slice %arg2[%dma_start3A, %dma_start3A_91, %mul3A_90] : memref<2x1x320000xi32, #tpu.memory_space<hbm>> -> memref<1x1x128xi32, #tpu.memory_space<hbm>>
      %dma_start3A_95 = tpu.memref_squeeze %dma_start3A_94 : memref<1x1x128xi32, #tpu.memory_space<hbm>> -> memref<128xi32, #tpu.memory_space<hbm>>
      tpu.enqueue_dma source(%dma_start3A_95 : memref<128xi32, #tpu.memory_space<hbm>>) target(%arg6 : memref<128xi32, #tpu.memory_space<vmem>>) target_semaphore(%arg12 : memref<!tpu.dma_semaphore, #tpu.memory_space<semaphore_mem>>)
      %mul3A_96 = arith.constant 16 : i32
      %mul3A_97 = arith.muli %mul3A_90, %mul3A_96 : i32
      %dma_start3A_98 = tpu.memref_slice %arg3[%mul3A_97] : memref<5120000xf32, #tpu.memory_space<hbm>> -> memref<2048xf32, #tpu.memory_space<hbm>>
      %dma_start3A_99 = tpu.memref_slice %arg3[%mul3A_97] : memref<5120000xf32, #tpu.memory_space<hbm>> -> memref<2048xf32, #tpu.memory_space<hbm>>
      tpu.enqueue_dma source(%dma_start3A_99 : memref<2048xf32, #tpu.memory_space<hbm>>) target(%arg8 : memref<2048xf32, #tpu.memory_space<vmem>>) target_semaphore(%arg12 : memref<!tpu.dma_semaphore, #tpu.memory_space<semaphore_mem>>)
      %dma_wait3A = arith.constant 1 : i32
      %dma_wait3A_100 = arith.constant 0 : i32
      %dma_wait3A_101 = tpu.memref_slice %arg2[%dma_wait3A, %dma_wait3A_100, %mul3A_90] : memref<2x1x320000xi32, #tpu.memory_space<hbm>> -> memref<1x1x128xi32, #tpu.memory_space<hbm>>
      %dma_wait3A_102 = tpu.memref_squeeze %dma_wait3A_101 : memref<1x1x128xi32, #tpu.memory_space<hbm>> -> memref<128xi32, #tpu.memory_space<hbm>>
      %dma_wait3A_103 = tpu.memref_slice %arg2[%dma_wait3A, %dma_wait3A_100, %mul3A_90] : memref<2x1x320000xi32, #tpu.memory_space<hbm>> -> memref<1x1x128xi32, #tpu.memory_space<hbm>>
      %dma_wait3A_104 = tpu.memref_squeeze %dma_wait3A_103 : memref<1x1x128xi32, #tpu.memory_space<hbm>> -> memref<128xi32, #tpu.memory_space<hbm>>
      tpu.wait_dma2 semaphore(%arg12 : memref<!tpu.dma_semaphore, #tpu.memory_space<semaphore_mem>>) src(%dma_wait3A_104 : memref<128xi32, #tpu.memory_space<hbm>>) dst(%arg6 : memref<128xi32, #tpu.memory_space<vmem>>)
      %dma_wait3A_105 = tpu.memref_slice %arg3[%mul3A_97] : memref<5120000xf32, #tpu.memory_space<hbm>> -> memref<2048xf32, #tpu.memory_space<hbm>>
      %dma_wait3A_106 = tpu.memref_slice %arg3[%mul3A_97] : memref<5120000xf32, #tpu.memory_space<hbm>> -> memref<2048xf32, #tpu.memory_space<hbm>>
      tpu.wait_dma2 semaphore(%arg12 : memref<!tpu.dma_semaphore, #tpu.memory_space<semaphore_mem>>) src(%dma_wait3A_106 : memref<2048xf32, #tpu.memory_space<hbm>>) dst(%arg8 : memref<2048xf32, #tpu.memory_space<vmem>>)
      %scan3A_107 = arith.constant 0 : i32
      %scan3A_108 = arith.constant 0 : i32
      %scan3A_109 = arith.constant 32 : i32
      %scan3A_110 = arith.addi %scan3A_108, %scan3A_109 : i32
      %scan3A_111 = arith.constant 1 : i32
      scf.for %scan3A_113 = %scan3A_108 to %scan3A_110 step %scan3A_111  : i32 {
        %mul3A_114 = arith.constant 4 : i32
        %mul3A_115 = arith.muli %scan3A_113, %mul3A_114 : i32
        %add3A_116 = arith.constant 0 : i32
        %add3A_117 = arith.addi %mul3A_115, %add3A_116 : i32
        %mul3A_118 = arith.constant 16 : i32
        %mul3A_119 = arith.muli %add3A_117, %mul3A_118 : i32
        %add3A_120 = arith.constant 0 : i32
        %add3A_121 = arith.addi %mul3A_119, %add3A_120 : i32
        %broadcast_in_dim3A = vector.broadcast %add3A_121 : i32 to vector<16xi32>
        %gather3A = tpu.vector_load_idx %arg8[%broadcast_in_dim3A] : memref<2048xf32, #tpu.memory_space<vmem>>[vector<16xi32>], vector<16xf32>,
        %swap3A = arith.index_cast %add3A_117 : i32 to index
        %swap3A_122 = arith.constant 0 : index
        %swap3A_123 = tpu.vector_load %arg7[%swap3A, %swap3A_122] {strides = array<i32>} : memref<128x128xf32, #tpu.memory_space<vmem>>, vector<16xf32>,
        tpu.vector_store %arg7[%swap3A, %swap3A_122], %gather3A {strides = array<i32>} : memref<128x128xf32, #tpu.memory_space<vmem>>, vector<16xf32>,
        %mul3A_124 = arith.constant 16 : i32
        %mul3A_125 = arith.muli %add3A_117, %mul3A_124 : i32
        %add3A_126 = arith.constant 1 : i32
        %add3A_127 = arith.addi %mul3A_125, %add3A_126 : i32
        %broadcast_in_dim3A_128 = vector.broadcast %add3A_127 : i32 to vector<16xi32>
        %gather3A_129 = tpu.vector_load_idx %arg8[%broadcast_in_dim3A_128] : memref<2048xf32, #tpu.memory_space<vmem>>[vector<16xi32>], vector<16xf32>,
        %swap3A_130 = arith.index_cast %add3A_117 : i32 to index
        %swap3A_131 = arith.constant 16 : index
        %swap3A_132 = tpu.vector_load %arg7[%swap3A_130, %swap3A_131] {strides = array<i32>} : memref<128x128xf32, #tpu.memory_space<vmem>>, vector<16xf32>,
        tpu.vector_store %arg7[%swap3A_130, %swap3A_131], %gather3A_129 {strides = array<i32>} : memref<128x128xf32, #tpu.memory_space<vmem>>, vector<16xf32>,
        %mul3A_133 = arith.constant 16 : i32
        %mul3A_134 = arith.muli %add3A_117, %mul3A_133 : i32
        %add3A_135 = arith.constant 2 : i32
        %add3A_136 = arith.addi %mul3A_134, %add3A_135 : i32
        %broadcast_in_dim3A_137 = vector.broadcast %add3A_136 : i32 to vector<16xi32>
        %gather3A_138 = tpu.vector_load_idx %arg8[%broadcast_in_dim3A_137] : memref<2048xf32, #tpu.memory_space<vmem>>[vector<16xi32>], vector<16xf32>,
        %swap3A_139 = arith.index_cast %add3A_117 : i32 to index
        %swap3A_140 = arith.constant 32 : index
        %swap3A_141 = tpu.vector_load %arg7[%swap3A_139, %swap3A_140] {strides = array<i32>} : memref<128x128xf32, #tpu.memory_space<vmem>>, vector<16xf32>,
        tpu.vector_store %arg7[%swap3A_139, %swap3A_140], %gather3A_138 {strides = array<i32>} : memref<128x128xf32, #tpu.memory_space<vmem>>, vector<16xf32>,
        %mul3A_142 = arith.constant 16 : i32
        %mul3A_143 = arith.muli %add3A_117, %mul3A_142 : i32
        %add3A_144 = arith.constant 3 : i32
        %add3A_145 = arith.addi %mul3A_143, %add3A_144 : i32
        %broadcast_in_dim3A_146 = vector.broadcast %add3A_145 : i32 to vector<16xi32>
        %gather3A_147 = tpu.vector_load_idx %arg8[%broadcast_in_dim3A_146] : memref<2048xf32, #tpu.memory_space<vmem>>[vector<16xi32>], vector<16xf32>,
        %swap3A_148 = arith.index_cast %add3A_117 : i32 to index
        %swap3A_149 = arith.constant 48 : index
        %swap3A_150 = tpu.vector_load %arg7[%swap3A_148, %swap3A_149] {strides = array<i32>} : memref<128x128xf32, #tpu.memory_space<vmem>>, vector<16xf32>,
        tpu.vector_store %arg7[%swap3A_148, %swap3A_149], %gather3A_147 {strides = array<i32>} : memref<128x128xf32, #tpu.memory_space<vmem>>, vector<16xf32>,
        %mul3A_151 = arith.constant 16 : i32
        %mul3A_152 = arith.muli %add3A_117, %mul3A_151 : i32
        %add3A_153 = arith.constant 4 : i32
        %add3A_154 = arith.addi %mul3A_152, %add3A_153 : i32
        %broadcast_in_dim3A_155 = vector.broadcast %add3A_154 : i32 to vector<16xi32>
        %gather3A_156 = tpu.vector_load_idx %arg8[%broadcast_in_dim3A_155] : memref<2048xf32, #tpu.memory_space<vmem>>[vector<16xi32>], vector<16xf32>,
        %swap3A_157 = arith.index_cast %add3A_117 : i32 to index
        %swap3A_158 = arith.constant 64 : index
        %swap3A_159 = tpu.vector_load %arg7[%swap3A_157, %swap3A_158] {strides = array<i32>} : memref<128x128xf32, #tpu.memory_space<vmem>>, vector<16xf32>,
        tpu.vector_store %arg7[%swap3A_157, %swap3A_158], %gather3A_156 {strides = array<i32>} : memref<128x128xf32, #tpu.memory_space<vmem>>, vector<16xf32>,
        %mul3A_160 = arith.constant 16 : i32
        %mul3A_161 = arith.muli %add3A_117, %mul3A_160 : i32
        %add3A_162 = arith.constant 5 : i32
        %add3A_163 = arith.addi %mul3A_161, %add3A_162 : i32
        %broadcast_in_dim3A_164 = vector.broadcast %add3A_163 : i32 to vector<16xi32>
        %gather3A_165 = tpu.vector_load_idx %arg8[%broadcast_in_dim3A_164] : memref<2048xf32, #tpu.memory_space<vmem>>[vector<16xi32>], vector<16xf32>,
        %swap3A_166 = arith.index_cast %add3A_117 : i32 to index
        %swap3A_167 = arith.constant 80 : index
        %swap3A_168 = tpu.vector_load %arg7[%swap3A_166, %swap3A_167] {strides = array<i32>} : memref<128x128xf32, #tpu.memory_space<vmem>>, vector<16xf32>,
        tpu.vector_store %arg7[%swap3A_166, %swap3A_167], %gather3A_165 {strides = array<i32>} : memref<128x128xf32, #tpu.memory_space<vmem>>, vector<16xf32>,
        %mul3A_169 = arith.constant 16 : i32
        %mul3A_170 = arith.muli %add3A_117, %mul3A_169 : i32
        %add3A_171 = arith.constant 6 : i32
        %add3A_172 = arith.addi %mul3A_170, %add3A_171 : i32
        %broadcast_in_dim3A_173 = vector.broadcast %add3A_172 : i32 to vector<16xi32>
        %gather3A_174 = tpu.vector_load_idx %arg8[%broadcast_in_dim3A_173] : memref<2048xf32, #tpu.memory_space<vmem>>[vector<16xi32>], vector<16xf32>,
        %swap3A_175 = arith.index_cast %add3A_117 : i32 to index
        %swap3A_176 = arith.constant 96 : index
        %swap3A_177 = tpu.vector_load %arg7[%swap3A_175, %swap3A_176] {strides = array<i32>} : memref<128x128xf32, #tpu.memory_space<vmem>>, vector<16xf32>,
        tpu.vector_store %arg7[%swap3A_175, %swap3A_176], %gather3A_174 {strides = array<i32>} : memref<128x128xf32, #tpu.memory_space<vmem>>, vector<16xf32>,
        %mul3A_178 = arith.constant 16 : i32
        %mul3A_179 = arith.muli %add3A_117, %mul3A_178 : i32
        %add3A_180 = arith.constant 7 : i32
        %add3A_181 = arith.addi %mul3A_179, %add3A_180 : i32
        %broadcast_in_dim3A_182 = vector.broadcast %add3A_181 : i32 to vector<16xi32>
        %gather3A_183 = tpu.vector_load_idx %arg8[%broadcast_in_dim3A_182] : memref<2048xf32, #tpu.memory_space<vmem>>[vector<16xi32>], vector<16xf32>,
        %swap3A_184 = arith.index_cast %add3A_117 : i32 to index
        %swap3A_185 = arith.constant 112 : index
        %swap3A_186 = tpu.vector_load %arg7[%swap3A_184, %swap3A_185] {strides = array<i32>} : memref<128x128xf32, #tpu.memory_space<vmem>>, vector<16xf32>,
        tpu.vector_store %arg7[%swap3A_184, %swap3A_185], %gather3A_183 {strides = array<i32>} : memref<128x128xf32, #tpu.memory_space<vmem>>, vector<16xf32>,
        %mul3A_187 = arith.constant 4 : i32
        %mul3A_188 = arith.muli %scan3A_113, %mul3A_187 : i32
        %add3A_189 = arith.constant 1 : i32
        %add3A_190 = arith.addi %mul3A_188, %add3A_189 : i32
        %mul3A_191 = arith.constant 16 : i32
        %mul3A_192 = arith.muli %add3A_190, %mul3A_191 : i32
        %add3A_193 = arith.constant 0 : i32
        %add3A_194 = arith.addi %mul3A_192, %add3A_193 : i32
        %broadcast_in_dim3A_195 = vector.broadcast %add3A_194 : i32 to vector<16xi32>
        %gather3A_196 = tpu.vector_load_idx %arg8[%broadcast_in_dim3A_195] : memref<2048xf32, #tpu.memory_space<vmem>>[vector<16xi32>], vector<16xf32>,
        %swap3A_197 = arith.index_cast %add3A_190 : i32 to index
        %swap3A_198 = arith.constant 0 : index
        %swap3A_199 = tpu.vector_load %arg7[%swap3A_197, %swap3A_198] {strides = array<i32>} : memref<128x128xf32, #tpu.memory_space<vmem>>, vector<16xf32>,
        tpu.vector_store %arg7[%swap3A_197, %swap3A_198], %gather3A_196 {strides = array<i32>} : memref<128x128xf32, #tpu.memory_space<vmem>>, vector<16xf32>,
        %mul3A_200 = arith.constant 16 : i32
        %mul3A_201 = arith.muli %add3A_190, %mul3A_200 : i32
        %add3A_202 = arith.constant 1 : i32
        %add3A_203 = arith.addi %mul3A_201, %add3A_202 : i32
        %broadcast_in_dim3A_204 = vector.broadcast %add3A_203 : i32 to vector<16xi32>
        %gather3A_205 = tpu.vector_load_idx %arg8[%broadcast_in_dim3A_204] : memref<2048xf32, #tpu.memory_space<vmem>>[vector<16xi32>], vector<16xf32>,
        %swap3A_206 = arith.index_cast %add3A_190 : i32 to index
        %swap3A_207 = arith.constant 16 : index
        %swap3A_208 = tpu.vector_load %arg7[%swap3A_206, %swap3A_207] {strides = array<i32>} : memref<128x128xf32, #tpu.memory_space<vmem>>, vector<16xf32>,
        tpu.vector_store %arg7[%swap3A_206, %swap3A_207], %gather3A_205 {strides = array<i32>} : memref<128x128xf32, #tpu.memory_space<vmem>>, vector<16xf32>,
        %mul3A_209 = arith.constant 16 : i32
        %mul3A_210 = arith.muli %add3A_190, %mul3A_209 : i32
        %add3A_211 = arith.constant 2 : i32
        %add3A_212 = arith.addi %mul3A_210, %add3A_211 : i32
        %broadcast_in_dim3A_213 = vector.broadcast %add3A_212 : i32 to vector<16xi32>
        %gather3A_214 = tpu.vector_load_idx %arg8[%broadcast_in_dim3A_213] : memref<2048xf32, #tpu.memory_space<vmem>>[vector<16xi32>], vector<16xf32>,
        %swap3A_215 = arith.index_cast %add3A_190 : i32 to index
        %swap3A_216 = arith.constant 32 : index
        %swap3A_217 = tpu.vector_load %arg7[%swap3A_215, %swap3A_216] {strides = array<i32>} : memref<128x128xf32, #tpu.memory_space<vmem>>, vector<16xf32>,
        tpu.vector_store %arg7[%swap3A_215, %swap3A_216], %gather3A_214 {strides = array<i32>} : memref<128x128xf32, #tpu.memory_space<vmem>>, vector<16xf32>,
        %mul3A_218 = arith.constant 16 : i32
        %mul3A_219 = arith.muli %add3A_190, %mul3A_218 : i32
        %add3A_220 = arith.constant 3 : i32
        %add3A_221 = arith.addi %mul3A_219, %add3A_220 : i32
        %broadcast_in_dim3A_222 = vector.broadcast %add3A_221 : i32 to vector<16xi32>
        %gather3A_223 = tpu.vector_load_idx %arg8[%broadcast_in_dim3A_222] : memref<2048xf32, #tpu.memory_space<vmem>>[vector<16xi32>], vector<16xf32>,
        %swap3A_224 = arith.index_cast %add3A_190 : i32 to index
        %swap3A_225 = arith.constant 48 : index
        %swap3A_226 = tpu.vector_load %arg7[%swap3A_224, %swap3A_225] {strides = array<i32>} : memref<128x128xf32, #tpu.memory_space<vmem>>, vector<16xf32>,
        tpu.vector_store %arg7[%swap3A_224, %swap3A_225], %gather3A_223 {strides = array<i32>} : memref<128x128xf32, #tpu.memory_space<vmem>>, vector<16xf32>,
        %mul3A_227 = arith.constant 16 : i32
        %mul3A_228 = arith.muli %add3A_190, %mul3A_227 : i32
        %add3A_229 = arith.constant 4 : i32
        %add3A_230 = arith.addi %mul3A_228, %add3A_229 : i32
        %broadcast_in_dim3A_231 = vector.broadcast %add3A_230 : i32 to vector<16xi32>
        %gather3A_232 = tpu.vector_load_idx %arg8[%broadcast_in_dim3A_231] : memref<2048xf32, #tpu.memory_space<vmem>>[vector<16xi32>], vector<16xf32>,
        %swap3A_233 = arith.index_cast %add3A_190 : i32 to index
        %swap3A_234 = arith.constant 64 : index
        %swap3A_235 = tpu.vector_load %arg7[%swap3A_233, %swap3A_234] {strides = array<i32>} : memref<128x128xf32, #tpu.memory_space<vmem>>, vector<16xf32>,
        tpu.vector_store %arg7[%swap3A_233, %swap3A_234], %gather3A_232 {strides = array<i32>} : memref<128x128xf32, #tpu.memory_space<vmem>>, vector<16xf32>,
        %mul3A_236 = arith.constant 16 : i32
        %mul3A_237 = arith.muli %add3A_190, %mul3A_236 : i32
        %add3A_238 = arith.constant 5 : i32
        %add3A_239 = arith.addi %mul3A_237, %add3A_238 : i32
        %broadcast_in_dim3A_240 = vector.broadcast %add3A_239 : i32 to vector<16xi32>
        %gather3A_241 = tpu.vector_load_idx %arg8[%broadcast_in_dim3A_240] : memref<2048xf32, #tpu.memory_space<vmem>>[vector<16xi32>], vector<16xf32>,
        %swap3A_242 = arith.index_cast %add3A_190 : i32 to index
        %swap3A_243 = arith.constant 80 : index
        %swap3A_244 = tpu.vector_load %arg7[%swap3A_242, %swap3A_243] {strides = array<i32>} : memref<128x128xf32, #tpu.memory_space<vmem>>, vector<16xf32>,
        tpu.vector_store %arg7[%swap3A_242, %swap3A_243], %gather3A_241 {strides = array<i32>} : memref<128x128xf32, #tpu.memory_space<vmem>>, vector<16xf32>,
        %mul3A_245 = arith.constant 16 : i32
        %mul3A_246 = arith.muli %add3A_190, %mul3A_245 : i32
        %add3A_247 = arith.constant 6 : i32
        %add3A_248 = arith.addi %mul3A_246, %add3A_247 : i32
        %broadcast_in_dim3A_249 = vector.broadcast %add3A_248 : i32 to vector<16xi32>
        %gather3A_250 = tpu.vector_load_idx %arg8[%broadcast_in_dim3A_249] : memref<2048xf32, #tpu.memory_space<vmem>>[vector<16xi32>], vector<16xf32>,
        %swap3A_251 = arith.index_cast %add3A_190 : i32 to index
        %swap3A_252 = arith.constant 96 : index
        %swap3A_253 = tpu.vector_load %arg7[%swap3A_251, %swap3A_252] {strides = array<i32>} : memref<128x128xf32, #tpu.memory_space<vmem>>, vector<16xf32>,
        tpu.vector_store %arg7[%swap3A_251, %swap3A_252], %gather3A_250 {strides = array<i32>} : memref<128x128xf32, #tpu.memory_space<vmem>>, vector<16xf32>,
        %mul3A_254 = arith.constant 16 : i32
        %mul3A_255 = arith.muli %add3A_190, %mul3A_254 : i32
        %add3A_256 = arith.constant 7 : i32
        %add3A_257 = arith.addi %mul3A_255, %add3A_256 : i32
        %broadcast_in_dim3A_258 = vector.broadcast %add3A_257 : i32 to vector<16xi32>
        %gather3A_259 = tpu.vector_load_idx %arg8[%broadcast_in_dim3A_258] : memref<2048xf32, #tpu.memory_space<vmem>>[vector<16xi32>], vector<16xf32>,
        %swap3A_260 = arith.index_cast %add3A_190 : i32 to index
        %swap3A_261 = arith.constant 112 : index
        %swap3A_262 = tpu.vector_load %arg7[%swap3A_260, %swap3A_261] {strides = array<i32>} : memref<128x128xf32, #tpu.memory_space<vmem>>, vector<16xf32>,
        tpu.vector_store %arg7[%swap3A_260, %swap3A_261], %gather3A_259 {strides = array<i32>} : memref<128x128xf32, #tpu.memory_space<vmem>>, vector<16xf32>,
        %mul3A_263 = arith.constant 4 : i32
        %mul3A_264 = arith.muli %scan3A_113, %mul3A_263 : i32
        %add3A_265 = arith.constant 2 : i32
        %add3A_266 = arith.addi %mul3A_264, %add3A_265 : i32
        %mul3A_267 = arith.constant 16 : i32
        %mul3A_268 = arith.muli %add3A_266, %mul3A_267 : i32
        %add3A_269 = arith.constant 0 : i32
        %add3A_270 = arith.addi %mul3A_268, %add3A_269 : i32
        %broadcast_in_dim3A_271 = vector.broadcast %add3A_270 : i32 to vector<16xi32>
        %gather3A_272 = tpu.vector_load_idx %arg8[%broadcast_in_dim3A_271] : memref<2048xf32, #tpu.memory_space<vmem>>[vector<16xi32>], vector<16xf32>,
        %swap3A_273 = arith.index_cast %add3A_266 : i32 to index
        %swap3A_274 = arith.constant 0 : index
        %swap3A_275 = tpu.vector_load %arg7[%swap3A_273, %swap3A_274] {strides = array<i32>} : memref<128x128xf32, #tpu.memory_space<vmem>>, vector<16xf32>,
        tpu.vector_store %arg7[%swap3A_273, %swap3A_274], %gather3A_272 {strides = array<i32>} : memref<128x128xf32, #tpu.memory_space<vmem>>, vector<16xf32>,
        %mul3A_276 = arith.constant 16 : i32
        %mul3A_277 = arith.muli %add3A_266, %mul3A_276 : i32
        %add3A_278 = arith.constant 1 : i32
        %add3A_279 = arith.addi %mul3A_277, %add3A_278 : i32
        %broadcast_in_dim3A_280 = vector.broadcast %add3A_279 : i32 to vector<16xi32>
        %gather3A_281 = tpu.vector_load_idx %arg8[%broadcast_in_dim3A_280] : memref<2048xf32, #tpu.memory_space<vmem>>[vector<16xi32>], vector<16xf32>,
        %swap3A_282 = arith.index_cast %add3A_266 : i32 to index
        %swap3A_283 = arith.constant 16 : index
        %swap3A_284 = tpu.vector_load %arg7[%swap3A_282, %swap3A_283] {strides = array<i32>} : memref<128x128xf32, #tpu.memory_space<vmem>>, vector<16xf32>,
        tpu.vector_store %arg7[%swap3A_282, %swap3A_283], %gather3A_281 {strides = array<i32>} : memref<128x128xf32, #tpu.memory_space<vmem>>, vector<16xf32>,
        %mul3A_285 = arith.constant 16 : i32
        %mul3A_286 = arith.muli %add3A_266, %mul3A_285 : i32
        %add3A_287 = arith.constant 2 : i32
        %add3A_288 = arith.addi %mul3A_286, %add3A_287 : i32
        %broadcast_in_dim3A_289 = vector.broadcast %add3A_288 : i32 to vector<16xi32>
        %gather3A_290 = tpu.vector_load_idx %arg8[%broadcast_in_dim3A_289] : memref<2048xf32, #tpu.memory_space<vmem>>[vector<16xi32>], vector<16xf32>,
        %swap3A_291 = arith.index_cast %add3A_266 : i32 to index
        %swap3A_292 = arith.constant 32 : index
        %swap3A_293 = tpu.vector_load %arg7[%swap3A_291, %swap3A_292] {strides = array<i32>} : memref<128x128xf32, #tpu.memory_space<vmem>>, vector<16xf32>,
        tpu.vector_store %arg7[%swap3A_291, %swap3A_292], %gather3A_290 {strides = array<i32>} : memref<128x128xf32, #tpu.memory_space<vmem>>, vector<16xf32>,
        %mul3A_294 = arith.constant 16 : i32
        %mul3A_295 = arith.muli %add3A_266, %mul3A_294 : i32
        %add3A_296 = arith.constant 3 : i32
        %add3A_297 = arith.addi %mul3A_295, %add3A_296 : i32
        %broadcast_in_dim3A_298 = vector.broadcast %add3A_297 : i32 to vector<16xi32>
        %gather3A_299 = tpu.vector_load_idx %arg8[%broadcast_in_dim3A_298] : memref<2048xf32, #tpu.memory_space<vmem>>[vector<16xi32>], vector<16xf32>,
        %swap3A_300 = arith.index_cast %add3A_266 : i32 to index
        %swap3A_301 = arith.constant 48 : index
        %swap3A_302 = tpu.vector_load %arg7[%swap3A_300, %swap3A_301] {strides = array<i32>} : memref<128x128xf32, #tpu.memory_space<vmem>>, vector<16xf32>,
        tpu.vector_store %arg7[%swap3A_300, %swap3A_301], %gather3A_299 {strides = array<i32>} : memref<128x128xf32, #tpu.memory_space<vmem>>, vector<16xf32>,
        %mul3A_303 = arith.constant 16 : i32
        %mul3A_304 = arith.muli %add3A_266, %mul3A_303 : i32
        %add3A_305 = arith.constant 4 : i32
        %add3A_306 = arith.addi %mul3A_304, %add3A_305 : i32
        %broadcast_in_dim3A_307 = vector.broadcast %add3A_306 : i32 to vector<16xi32>
        %gather3A_308 = tpu.vector_load_idx %arg8[%broadcast_in_dim3A_307] : memref<2048xf32, #tpu.memory_space<vmem>>[vector<16xi32>], vector<16xf32>,
        %swap3A_309 = arith.index_cast %add3A_266 : i32 to index
        %swap3A_310 = arith.constant 64 : index
        %swap3A_311 = tpu.vector_load %arg7[%swap3A_309, %swap3A_310] {strides = array<i32>} : memref<128x128xf32, #tpu.memory_space<vmem>>, vector<16xf32>,
        tpu.vector_store %arg7[%swap3A_309, %swap3A_310], %gather3A_308 {strides = array<i32>} : memref<128x128xf32, #tpu.memory_space<vmem>>, vector<16xf32>,
        %mul3A_312 = arith.constant 16 : i32
        %mul3A_313 = arith.muli %add3A_266, %mul3A_312 : i32
        %add3A_314 = arith.constant 5 : i32
        %add3A_315 = arith.addi %mul3A_313, %add3A_314 : i32
        %broadcast_in_dim3A_316 = vector.broadcast %add3A_315 : i32 to vector<16xi32>
        %gather3A_317 = tpu.vector_load_idx %arg8[%broadcast_in_dim3A_316] : memref<2048xf32, #tpu.memory_space<vmem>>[vector<16xi32>], vector<16xf32>,
        %swap3A_318 = arith.index_cast %add3A_266 : i32 to index
        %swap3A_319 = arith.constant 80 : index
        %swap3A_320 = tpu.vector_load %arg7[%swap3A_318, %swap3A_319] {strides = array<i32>} : memref<128x128xf32, #tpu.memory_space<vmem>>, vector<16xf32>,
        tpu.vector_store %arg7[%swap3A_318, %swap3A_319], %gather3A_317 {strides = array<i32>} : memref<128x128xf32, #tpu.memory_space<vmem>>, vector<16xf32>,
        %mul3A_321 = arith.constant 16 : i32
        %mul3A_322 = arith.muli %add3A_266, %mul3A_321 : i32
        %add3A_323 = arith.constant 6 : i32
        %add3A_324 = arith.addi %mul3A_322, %add3A_323 : i32
        %broadcast_in_dim3A_325 = vector.broadcast %add3A_324 : i32 to vector<16xi32>
        %gather3A_326 = tpu.vector_load_idx %arg8[%broadcast_in_dim3A_325] : memref<2048xf32, #tpu.memory_space<vmem>>[vector<16xi32>], vector<16xf32>,
        %swap3A_327 = arith.index_cast %add3A_266 : i32 to index
        %swap3A_328 = arith.constant 96 : index
        %swap3A_329 = tpu.vector_load %arg7[%swap3A_327, %swap3A_328] {strides = array<i32>} : memref<128x128xf32, #tpu.memory_space<vmem>>, vector<16xf32>,
        tpu.vector_store %arg7[%swap3A_327, %swap3A_328], %gather3A_326 {strides = array<i32>} : memref<128x128xf32, #tpu.memory_space<vmem>>, vector<16xf32>,
        %mul3A_330 = arith.constant 16 : i32
        %mul3A_331 = arith.muli %add3A_266, %mul3A_330 : i32
        %add3A_332 = arith.constant 7 : i32
        %add3A_333 = arith.addi %mul3A_331, %add3A_332 : i32
        %broadcast_in_dim3A_334 = vector.broadcast %add3A_333 : i32 to vector<16xi32>
        %gather3A_335 = tpu.vector_load_idx %arg8[%broadcast_in_dim3A_334] : memref<2048xf32, #tpu.memory_space<vmem>>[vector<16xi32>], vector<16xf32>,
        %swap3A_336 = arith.index_cast %add3A_266 : i32 to index
        %swap3A_337 = arith.constant 112 : index
        %swap3A_338 = tpu.vector_load %arg7[%swap3A_336, %swap3A_337] {strides = array<i32>} : memref<128x128xf32, #tpu.memory_space<vmem>>, vector<16xf32>,
        tpu.vector_store %arg7[%swap3A_336, %swap3A_337], %gather3A_335 {strides = array<i32>} : memref<128x128xf32, #tpu.memory_space<vmem>>, vector<16xf32>,
        %mul3A_339 = arith.constant 4 : i32
        %mul3A_340 = arith.muli %scan3A_113, %mul3A_339 : i32
        %add3A_341 = arith.constant 3 : i32
        %add3A_342 = arith.addi %mul3A_340, %add3A_341 : i32
        %mul3A_343 = arith.constant 16 : i32
        %mul3A_344 = arith.muli %add3A_342, %mul3A_343 : i32
        %add3A_345 = arith.constant 0 : i32
        %add3A_346 = arith.addi %mul3A_344, %add3A_345 : i32
        %broadcast_in_dim3A_347 = vector.broadcast %add3A_346 : i32 to vector<16xi32>
        %gather3A_348 = tpu.vector_load_idx %arg8[%broadcast_in_dim3A_347] : memref<2048xf32, #tpu.memory_space<vmem>>[vector<16xi32>], vector<16xf32>,
        %swap3A_349 = arith.index_cast %add3A_342 : i32 to index
        %swap3A_350 = arith.constant 0 : index
        %swap3A_351 = tpu.vector_load %arg7[%swap3A_349, %swap3A_350] {strides = array<i32>} : memref<128x128xf32, #tpu.memory_space<vmem>>, vector<16xf32>,
        tpu.vector_store %arg7[%swap3A_349, %swap3A_350], %gather3A_348 {strides = array<i32>} : memref<128x128xf32, #tpu.memory_space<vmem>>, vector<16xf32>,
        %mul3A_352 = arith.constant 16 : i32
        %mul3A_353 = arith.muli %add3A_342, %mul3A_352 : i32
        %add3A_354 = arith.constant 1 : i32
        %add3A_355 = arith.addi %mul3A_353, %add3A_354 : i32
        %broadcast_in_dim3A_356 = vector.broadcast %add3A_355 : i32 to vector<16xi32>
        %gather3A_357 = tpu.vector_load_idx %arg8[%broadcast_in_dim3A_356] : memref<2048xf32, #tpu.memory_space<vmem>>[vector<16xi32>], vector<16xf32>,
        %swap3A_358 = arith.index_cast %add3A_342 : i32 to index
        %swap3A_359 = arith.constant 16 : index
        %swap3A_360 = tpu.vector_load %arg7[%swap3A_358, %swap3A_359] {strides = array<i32>} : memref<128x128xf32, #tpu.memory_space<vmem>>, vector<16xf32>,
        tpu.vector_store %arg7[%swap3A_358, %swap3A_359], %gather3A_357 {strides = array<i32>} : memref<128x128xf32, #tpu.memory_space<vmem>>, vector<16xf32>,
        %mul3A_361 = arith.constant 16 : i32
        %mul3A_362 = arith.muli %add3A_342, %mul3A_361 : i32
        %add3A_363 = arith.constant 2 : i32
        %add3A_364 = arith.addi %mul3A_362, %add3A_363 : i32
        %broadcast_in_dim3A_365 = vector.broadcast %add3A_364 : i32 to vector<16xi32>
        %gather3A_366 = tpu.vector_load_idx %arg8[%broadcast_in_dim3A_365] : memref<2048xf32, #tpu.memory_space<vmem>>[vector<16xi32>], vector<16xf32>,
        %swap3A_367 = arith.index_cast %add3A_342 : i32 to index
        %swap3A_368 = arith.constant 32 : index
        %swap3A_369 = tpu.vector_load %arg7[%swap3A_367, %swap3A_368] {strides = array<i32>} : memref<128x128xf32, #tpu.memory_space<vmem>>, vector<16xf32>,
        tpu.vector_store %arg7[%swap3A_367, %swap3A_368], %gather3A_366 {strides = array<i32>} : memref<128x128xf32, #tpu.memory_space<vmem>>, vector<16xf32>,
        %mul3A_370 = arith.constant 16 : i32
        %mul3A_371 = arith.muli %add3A_342, %mul3A_370 : i32
        %add3A_372 = arith.constant 3 : i32
        %add3A_373 = arith.addi %mul3A_371, %add3A_372 : i32
        %broadcast_in_dim3A_374 = vector.broadcast %add3A_373 : i32 to vector<16xi32>
        %gather3A_375 = tpu.vector_load_idx %arg8[%broadcast_in_dim3A_374] : memref<2048xf32, #tpu.memory_space<vmem>>[vector<16xi32>], vector<16xf32>,
        %swap3A_376 = arith.index_cast %add3A_342 : i32 to index
        %swap3A_377 = arith.constant 48 : index
        %swap3A_378 = tpu.vector_load %arg7[%swap3A_376, %swap3A_377] {strides = array<i32>} : memref<128x128xf32, #tpu.memory_space<vmem>>, vector<16xf32>,
        tpu.vector_store %arg7[%swap3A_376, %swap3A_377], %gather3A_375 {strides = array<i32>} : memref<128x128xf32, #tpu.memory_space<vmem>>, vector<16xf32>,
        %mul3A_379 = arith.constant 16 : i32
        %mul3A_380 = arith.muli %add3A_342, %mul3A_379 : i32
        %add3A_381 = arith.constant 4 : i32
        %add3A_382 = arith.addi %mul3A_380, %add3A_381 : i32
        %broadcast_in_dim3A_383 = vector.broadcast %add3A_382 : i32 to vector<16xi32>
        %gather3A_384 = tpu.vector_load_idx %arg8[%broadcast_in_dim3A_383] : memref<2048xf32, #tpu.memory_space<vmem>>[vector<16xi32>], vector<16xf32>,
        %swap3A_385 = arith.index_cast %add3A_342 : i32 to index
        %swap3A_386 = arith.constant 64 : index
        %swap3A_387 = tpu.vector_load %arg7[%swap3A_385, %swap3A_386] {strides = array<i32>} : memref<128x128xf32, #tpu.memory_space<vmem>>, vector<16xf32>,
        tpu.vector_store %arg7[%swap3A_385, %swap3A_386], %gather3A_384 {strides = array<i32>} : memref<128x128xf32, #tpu.memory_space<vmem>>, vector<16xf32>,
        %mul3A_388 = arith.constant 16 : i32
        %mul3A_389 = arith.muli %add3A_342, %mul3A_388 : i32
        %add3A_390 = arith.constant 5 : i32
        %add3A_391 = arith.addi %mul3A_389, %add3A_390 : i32
        %broadcast_in_dim3A_392 = vector.broadcast %add3A_391 : i32 to vector<16xi32>
        %gather3A_393 = tpu.vector_load_idx %arg8[%broadcast_in_dim3A_392] : memref<2048xf32, #tpu.memory_space<vmem>>[vector<16xi32>], vector<16xf32>,
        %swap3A_394 = arith.index_cast %add3A_342 : i32 to index
        %swap3A_395 = arith.constant 80 : index
        %swap3A_396 = tpu.vector_load %arg7[%swap3A_394, %swap3A_395] {strides = array<i32>} : memref<128x128xf32, #tpu.memory_space<vmem>>, vector<16xf32>,
        tpu.vector_store %arg7[%swap3A_394, %swap3A_395], %gather3A_393 {strides = array<i32>} : memref<128x128xf32, #tpu.memory_space<vmem>>, vector<16xf32>,
        %mul3A_397 = arith.constant 16 : i32
        %mul3A_398 = arith.muli %add3A_342, %mul3A_397 : i32
        %add3A_399 = arith.constant 6 : i32
        %add3A_400 = arith.addi %mul3A_398, %add3A_399 : i32
        %broadcast_in_dim3A_401 = vector.broadcast %add3A_400 : i32 to vector<16xi32>
        %gather3A_402 = tpu.vector_load_idx %arg8[%broadcast_in_dim3A_401] : memref<2048xf32, #tpu.memory_space<vmem>>[vector<16xi32>], vector<16xf32>,
        %swap3A_403 = arith.index_cast %add3A_342 : i32 to index
        %swap3A_404 = arith.constant 96 : index
        %swap3A_405 = tpu.vector_load %arg7[%swap3A_403, %swap3A_404] {strides = array<i32>} : memref<128x128xf32, #tpu.memory_space<vmem>>, vector<16xf32>,
        tpu.vector_store %arg7[%swap3A_403, %swap3A_404], %gather3A_402 {strides = array<i32>} : memref<128x128xf32, #tpu.memory_space<vmem>>, vector<16xf32>,
        %mul3A_406 = arith.constant 16 : i32
        %mul3A_407 = arith.muli %add3A_342, %mul3A_406 : i32
        %add3A_408 = arith.constant 7 : i32
        %add3A_409 = arith.addi %mul3A_407, %add3A_408 : i32
        %broadcast_in_dim3A_410 = vector.broadcast %add3A_409 : i32 to vector<16xi32>
        %gather3A_411 = tpu.vector_load_idx %arg8[%broadcast_in_dim3A_410] : memref<2048xf32, #tpu.memory_space<vmem>>[vector<16xi32>], vector<16xf32>,
        %swap3A_412 = arith.index_cast %add3A_342 : i32 to index
        %swap3A_413 = arith.constant 112 : index
        %swap3A_414 = tpu.vector_load %arg7[%swap3A_412, %swap3A_413] {strides = array<i32>} : memref<128x128xf32, #tpu.memory_space<vmem>>, vector<16xf32>,
        tpu.vector_store %arg7[%swap3A_412, %swap3A_413], %gather3A_411 {strides = array<i32>} : memref<128x128xf32, #tpu.memory_space<vmem>>, vector<16xf32>,
      }
      %scan3A_112 = arith.constant 32 : i32
      "tpu.region"() ({
        %run_scoped3A = tpu.sem_alloc : memref<!tpu.dma_semaphore, #tpu.memory_space<semaphore_mem>>
        %dma_start3A_113 = arith.constant 0 : i32
        %dma_start3A_114 = arith.constant 0 : i32
        %dma_start3A_115 = tpu.memref_slice %arg11[%dma_start3A_113, %dma_start3A_114] : memref<10000x128xf32, #tpu.memory_space<vmem_shared>> -> memref<10000x128xf32, #tpu.memory_space<vmem_shared>>
        tpu.enqueue_indirect_dma source(%arg7 : memref<128x128xf32, #tpu.memory_space<vmem>>) target(%dma_start3A_115 : memref<10000x128xf32, #tpu.memory_space<vmem_shared>>) offsets(%arg6 : memref<128xi32, #tpu.memory_space<vmem>>) semaphore(%run_scoped3A : memref<!tpu.dma_semaphore, #tpu.memory_space<semaphore_mem>>) {add = true}
        %dma_wait3A_116 = arith.constant 0 : i32
        %dma_wait3A_117 = arith.constant 0 : i32
        %dma_wait3A_118 = tpu.memref_slice %arg11[%dma_wait3A_116, %dma_wait3A_117] : memref<10000x128xf32, #tpu.memory_space<vmem_shared>> -> memref<10000x128xf32, #tpu.memory_space<vmem_shared>>
        tpu.wait_indirect_dma semaphore(%run_scoped3A : memref<!tpu.dma_semaphore, #tpu.memory_space<semaphore_mem>>) src(%arg7 : memref<128x128xf32, #tpu.memory_space<vmem>>) dst(%dma_wait3A_118 : memref<10000x128xf32, #tpu.memory_space<vmem_shared>>)
        tpu.yield
      }) : () -> ()
    }
    %barrier3A_77 = arith.constant 0 : index
    tpu.barrier barrier_id(%barrier3A_77)
    %eq3A = arith.constant 0 : i32
    %eq3A_78 = arith.cmpi eq, %arg0, %eq3A : i32
    %convert_element_type3A = arith.extui %eq3A_78 : i1 to i32
    %cond3A = arith.constant 0 : i32
    %cond3A_79 = arith.cmpi ne, %convert_element_type3A, %cond3A : i32
    scf.if %cond3A_79 {
      %while3A_85 = arith.constant 0 : i32
      %while3A_86 = arith.constant 0 : i32
      %while3A_87 = arith.subi %select_n3A_52, %while3A_86 : i32
      %while3A_88 = arith.addi %while3A_86, %while3A_87 : i32
      %while3A_89 = arith.constant 1 : i32
      %while3A_90 = arith.divsi %while3A_87, %while3A_89 : i32
      %while3A_91 = arith.muli %while3A_90, %while3A_89 : i32
      %while3A_92 = arith.addi %while3A_86, %while3A_91 : i32
      %while3A_93 = arith.constant 1 : i32
      scf.for %while3A_95 = %while3A_86 to %while3A_92 step %while3A_93  : i32 {
        %mul3A_96 = arith.constant 16 : i32
        %mul3A_97 = arith.muli %while3A_95, %mul3A_96 : i32
        %add3A_98 = arith.addi %arg1, %mul3A_97 : i32
        %mul3A_99 = arith.constant 80 : i32
        %mul3A_100 = arith.muli %add3A_98, %mul3A_99 : i32
        %add3A_101 = arith.constant 0 : i32
        %add3A_102 = arith.addi %mul3A_100, %add3A_101 : i32
        %broadcast_in_dim3A = vector.broadcast %add3A_102 : i32 to vector<16xi32>
        %add3A_103 = arith.addi %broadcast_in_dim3A, %iota3A : vector<16xi32>
        %swap3A = arith.constant 0 : index
        %swap3A_104 = tpu.vector_load %arg10[%swap3A] {strides = array<i32>} : memref<80xi32, #tpu.memory_space<vmem>>, vector<16xi32>,
        tpu.vector_store %arg10[%swap3A], %add3A_103 {strides = array<i32>} : memref<80xi32, #tpu.memory_space<vmem>>, vector<16xi32>,
        %add3A_105 = arith.constant 16 : i32
        %add3A_106 = arith.addi %mul3A_100, %add3A_105 : i32
        %broadcast_in_dim3A_107 = vector.broadcast %add3A_106 : i32 to vector<16xi32>
        %add3A_108 = arith.addi %broadcast_in_dim3A_107, %iota3A : vector<16xi32>
        %swap3A_109 = arith.constant 16 : index
        %swap3A_110 = tpu.vector_load %arg10[%swap3A_109] {strides = array<i32>} : memref<80xi32, #tpu.memory_space<vmem>>, vector<16xi32>,
        tpu.vector_store %arg10[%swap3A_109], %add3A_108 {strides = array<i32>} : memref<80xi32, #tpu.memory_space<vmem>>, vector<16xi32>,
        %add3A_111 = arith.constant 32 : i32
        %add3A_112 = arith.addi %mul3A_100, %add3A_111 : i32
        %broadcast_in_dim3A_113 = vector.broadcast %add3A_112 : i32 to vector<16xi32>
        %add3A_114 = arith.addi %broadcast_in_dim3A_113, %iota3A : vector<16xi32>
        %swap3A_115 = arith.constant 32 : index
        %swap3A_116 = tpu.vector_load %arg10[%swap3A_115] {strides = array<i32>} : memref<80xi32, #tpu.memory_space<vmem>>, vector<16xi32>,
        tpu.vector_store %arg10[%swap3A_115], %add3A_114 {strides = array<i32>} : memref<80xi32, #tpu.memory_space<vmem>>, vector<16xi32>,
        %add3A_117 = arith.constant 48 : i32
        %add3A_118 = arith.addi %mul3A_100, %add3A_117 : i32
        %broadcast_in_dim3A_119 = vector.broadcast %add3A_118 : i32 to vector<16xi32>
        %add3A_120 = arith.addi %broadcast_in_dim3A_119, %iota3A : vector<16xi32>
        %swap3A_121 = arith.constant 48 : index
        %swap3A_122 = tpu.vector_load %arg10[%swap3A_121] {strides = array<i32>} : memref<80xi32, #tpu.memory_space<vmem>>, vector<16xi32>,
        tpu.vector_store %arg10[%swap3A_121], %add3A_120 {strides = array<i32>} : memref<80xi32, #tpu.memory_space<vmem>>, vector<16xi32>,
        %add3A_123 = arith.constant 64 : i32
        %add3A_124 = arith.addi %mul3A_100, %add3A_123 : i32
        %broadcast_in_dim3A_125 = vector.broadcast %add3A_124 : i32 to vector<16xi32>
        %add3A_126 = arith.addi %broadcast_in_dim3A_125, %iota3A : vector<16xi32>
        %swap3A_127 = arith.constant 64 : index
        %swap3A_128 = tpu.vector_load %arg10[%swap3A_127] {strides = array<i32>} : memref<80xi32, #tpu.memory_space<vmem>>, vector<16xi32>,
        tpu.vector_store %arg10[%swap3A_127], %add3A_126 {strides = array<i32>} : memref<80xi32, #tpu.memory_space<vmem>>, vector<16xi32>,
        "tpu.region"() ({
          %run_scoped3A = tpu.sem_alloc : memref<!tpu.dma_semaphore, #tpu.memory_space<semaphore_mem>>
          %dma_start3A = arith.constant 0 : i32
          %dma_start3A_129 = arith.constant 0 : i32
          %dma_start3A_130 = tpu.memref_slice %arg11[%dma_start3A, %dma_start3A_129] : memref<10000x128xf32, #tpu.memory_space<vmem_shared>> -> memref<10000x128xf32, #tpu.memory_space<vmem_shared>>
          tpu.enqueue_indirect_dma source(%dma_start3A_130 : memref<10000x128xf32, #tpu.memory_space<vmem_shared>>) target(%arg9 : memref<80x128xf32, #tpu.memory_space<vmem>>) offsets(%arg10 : memref<80xi32, #tpu.memory_space<vmem>>) semaphore(%run_scoped3A : memref<!tpu.dma_semaphore, #tpu.memory_space<semaphore_mem>>)
          %dma_wait3A = arith.constant 0 : i32
          %dma_wait3A_131 = arith.constant 0 : i32
          %dma_wait3A_132 = tpu.memref_slice %arg11[%dma_wait3A, %dma_wait3A_131] : memref<10000x128xf32, #tpu.memory_space<vmem_shared>> -> memref<10000x128xf32, #tpu.memory_space<vmem_shared>>
          tpu.wait_indirect_dma semaphore(%run_scoped3A : memref<!tpu.dma_semaphore, #tpu.memory_space<semaphore_mem>>) src(%dma_wait3A_132 : memref<10000x128xf32, #tpu.memory_space<vmem_shared>>) dst(%arg9 : memref<80x128xf32, #tpu.memory_space<vmem>>)
          tpu.yield
        }) : () -> ()
        "tpu.region"() ({
          %run_scoped3A = tpu.sem_alloc : memref<!tpu.dma_semaphore, #tpu.memory_space<semaphore_mem>>
          %dma_start3A = arith.constant 0 : i32
          %dma_start3A_129 = tpu.memref_slice %arg4[%mul3A_100, %dma_start3A] : memref<10000x128xf32, #tpu.memory_space<hbm>> -> memref<80x128xf32, #tpu.memory_space<hbm>>
          %dma_start3A_130 = arith.constant 0 : i32
          %dma_start3A_131 = tpu.memref_slice %arg4[%mul3A_100, %dma_start3A_130] : memref<10000x128xf32, #tpu.memory_space<hbm>> -> memref<80x128xf32, #tpu.memory_space<hbm>>
          tpu.enqueue_dma source(%arg9 : memref<80x128xf32, #tpu.memory_space<vmem>>) target(%dma_start3A_131 : memref<80x128xf32, #tpu.memory_space<hbm>>) target_semaphore(%run_scoped3A : memref<!tpu.dma_semaphore, #tpu.memory_space<semaphore_mem>>)
          %dma_wait3A = arith.constant 0 : i32
          %dma_wait3A_132 = tpu.memref_slice %arg4[%mul3A_100, %dma_wait3A] : memref<10000x128xf32, #tpu.memory_space<hbm>> -> memref<80x128xf32, #tpu.memory_space<hbm>>
          %dma_wait3A_133 = arith.constant 0 : i32
          %dma_wait3A_134 = tpu.memref_slice %arg4[%mul3A_100, %dma_wait3A_133] : memref<10000x128xf32, #tpu.memory_space<hbm>> -> memref<80x128xf32, #tpu.memory_space<hbm>>
          tpu.wait_dma2 semaphore(%run_scoped3A : memref<!tpu.dma_semaphore, #tpu.memory_space<semaphore_mem>>) src(%arg9 : memref<80x128xf32, #tpu.memory_space<vmem>>) dst(%dma_wait3A_134 : memref<80x128xf32, #tpu.memory_space<hbm>>)
          tpu.yield
        }) : () -> ()
      }
      %while3A_94 = arith.constant 1 : i32
      scf.for %while3A_95 = %while3A_92 to %while3A_88 step %while3A_94  : i32 {
        %mul3A_96 = arith.constant 16 : i32
        %mul3A_97 = arith.muli %while3A_95, %mul3A_96 : i32
        %add3A_98 = arith.addi %arg1, %mul3A_97 : i32
        %mul3A_99 = arith.constant 80 : i32
        %mul3A_100 = arith.muli %add3A_98, %mul3A_99 : i32
        %add3A_101 = arith.constant 0 : i32
        %add3A_102 = arith.addi %mul3A_100, %add3A_101 : i32
        %broadcast_in_dim3A = vector.broadcast %add3A_102 : i32 to vector<16xi32>
        %add3A_103 = arith.addi %broadcast_in_dim3A, %iota3A : vector<16xi32>
        %swap3A = arith.constant 0 : index
        %swap3A_104 = tpu.vector_load %arg10[%swap3A] {strides = array<i32>} : memref<80xi32, #tpu.memory_space<vmem>>, vector<16xi32>,
        tpu.vector_store %arg10[%swap3A], %add3A_103 {strides = array<i32>} : memref<80xi32, #tpu.memory_space<vmem>>, vector<16xi32>,
        %add3A_105 = arith.constant 16 : i32
        %add3A_106 = arith.addi %mul3A_100, %add3A_105 : i32
        %broadcast_in_dim3A_107 = vector.broadcast %add3A_106 : i32 to vector<16xi32>
        %add3A_108 = arith.addi %broadcast_in_dim3A_107, %iota3A : vector<16xi32>
        %swap3A_109 = arith.constant 16 : index
        %swap3A_110 = tpu.vector_load %arg10[%swap3A_109] {strides = array<i32>} : memref<80xi32, #tpu.memory_space<vmem>>, vector<16xi32>,
        tpu.vector_store %arg10[%swap3A_109], %add3A_108 {strides = array<i32>} : memref<80xi32, #tpu.memory_space<vmem>>, vector<16xi32>,
        %add3A_111 = arith.constant 32 : i32
        %add3A_112 = arith.addi %mul3A_100, %add3A_111 : i32
        %broadcast_in_dim3A_113 = vector.broadcast %add3A_112 : i32 to vector<16xi32>
        %add3A_114 = arith.addi %broadcast_in_dim3A_113, %iota3A : vector<16xi32>
        %swap3A_115 = arith.constant 32 : index
        %swap3A_116 = tpu.vector_load %arg10[%swap3A_115] {strides = array<i32>} : memref<80xi32, #tpu.memory_space<vmem>>, vector<16xi32>,
        tpu.vector_store %arg10[%swap3A_115], %add3A_114 {strides = array<i32>} : memref<80xi32, #tpu.memory_space<vmem>>, vector<16xi32>,
        %add3A_117 = arith.constant 48 : i32
        %add3A_118 = arith.addi %mul3A_100, %add3A_117 : i32
        %broadcast_in_dim3A_119 = vector.broadcast %add3A_118 : i32 to vector<16xi32>
        %add3A_120 = arith.addi %broadcast_in_dim3A_119, %iota3A : vector<16xi32>
        %swap3A_121 = arith.constant 48 : index
        %swap3A_122 = tpu.vector_load %arg10[%swap3A_121] {strides = array<i32>} : memref<80xi32, #tpu.memory_space<vmem>>, vector<16xi32>,
        tpu.vector_store %arg10[%swap3A_121], %add3A_120 {strides = array<i32>} : memref<80xi32, #tpu.memory_space<vmem>>, vector<16xi32>,
        %add3A_123 = arith.constant 64 : i32
        %add3A_124 = arith.addi %mul3A_100, %add3A_123 : i32
        %broadcast_in_dim3A_125 = vector.broadcast %add3A_124 : i32 to vector<16xi32>
        %add3A_126 = arith.addi %broadcast_in_dim3A_125, %iota3A : vector<16xi32>
        %swap3A_127 = arith.constant 64 : index
        %swap3A_128 = tpu.vector_load %arg10[%swap3A_127] {strides = array<i32>} : memref<80xi32, #tpu.memory_space<vmem>>, vector<16xi32>,
        tpu.vector_store %arg10[%swap3A_127], %add3A_126 {strides = array<i32>} : memref<80xi32, #tpu.memory_space<vmem>>, vector<16xi32>,
        "tpu.region"() ({
          %run_scoped3A = tpu.sem_alloc : memref<!tpu.dma_semaphore, #tpu.memory_space<semaphore_mem>>
          %dma_start3A = arith.constant 0 : i32
          %dma_start3A_129 = arith.constant 0 : i32
          %dma_start3A_130 = tpu.memref_slice %arg11[%dma_start3A, %dma_start3A_129] : memref<10000x128xf32, #tpu.memory_space<vmem_shared>> -> memref<10000x128xf32, #tpu.memory_space<vmem_shared>>
          tpu.enqueue_indirect_dma source(%dma_start3A_130 : memref<10000x128xf32, #tpu.memory_space<vmem_shared>>) target(%arg9 : memref<80x128xf32, #tpu.memory_space<vmem>>) offsets(%arg10 : memref<80xi32, #tpu.memory_space<vmem>>) semaphore(%run_scoped3A : memref<!tpu.dma_semaphore, #tpu.memory_space<semaphore_mem>>)
          %dma_wait3A = arith.constant 0 : i32
          %dma_wait3A_131 = arith.constant 0 : i32
          %dma_wait3A_132 = tpu.memref_slice %arg11[%dma_wait3A, %dma_wait3A_131] : memref<10000x128xf32, #tpu.memory_space<vmem_shared>> -> memref<10000x128xf32, #tpu.memory_space<vmem_shared>>
          tpu.wait_indirect_dma semaphore(%run_scoped3A : memref<!tpu.dma_semaphore, #tpu.memory_space<semaphore_mem>>) src(%dma_wait3A_132 : memref<10000x128xf32, #tpu.memory_space<vmem_shared>>) dst(%arg9 : memref<80x128xf32, #tpu.memory_space<vmem>>)
          tpu.yield
        }) : () -> ()
        "tpu.region"() ({
          %run_scoped3A = tpu.sem_alloc : memref<!tpu.dma_semaphore, #tpu.memory_space<semaphore_mem>>
          %dma_start3A = arith.constant 0 : i32
          %dma_start3A_129 = tpu.memref_slice %arg4[%mul3A_100, %dma_start3A] : memref<10000x128xf32, #tpu.memory_space<hbm>> -> memref<80x128xf32, #tpu.memory_space<hbm>>
          %dma_start3A_130 = arith.constant 0 : i32
          %dma_start3A_131 = tpu.memref_slice %arg4[%mul3A_100, %dma_start3A_130] : memref<10000x128xf32, #tpu.memory_space<hbm>> -> memref<80x128xf32, #tpu.memory_space<hbm>>
          tpu.enqueue_dma source(%arg9 : memref<80x128xf32, #tpu.memory_space<vmem>>) target(%dma_start3A_131 : memref<80x128xf32, #tpu.memory_space<hbm>>) target_semaphore(%run_scoped3A : memref<!tpu.dma_semaphore, #tpu.memory_space<semaphore_mem>>)
          %dma_wait3A = arith.constant 0 : i32
          %dma_wait3A_132 = tpu.memref_slice %arg4[%mul3A_100, %dma_wait3A] : memref<10000x128xf32, #tpu.memory_space<hbm>> -> memref<80x128xf32, #tpu.memory_space<hbm>>
          %dma_wait3A_133 = arith.constant 0 : i32
          %dma_wait3A_134 = tpu.memref_slice %arg4[%mul3A_100, %dma_wait3A_133] : memref<10000x128xf32, #tpu.memory_space<hbm>> -> memref<80x128xf32, #tpu.memory_space<hbm>>
          tpu.wait_dma2 semaphore(%run_scoped3A : memref<!tpu.dma_semaphore, #tpu.memory_space<semaphore_mem>>) src(%arg9 : memref<80x128xf32, #tpu.memory_space<vmem>>) dst(%dma_wait3A_134 : memref<80x128xf32, #tpu.memory_space<hbm>>)
          tpu.yield
        }) : () -> ()
      }
    } else {
    }
    %eq3A_80 = arith.constant 1 : i32
    %eq3A_81 = arith.cmpi eq, %arg0, %eq3A_80 : i32
    %convert_element_type3A_82 = arith.extui %eq3A_81 : i1 to i32
    %cond3A_83 = arith.constant 0 : i32
    %cond3A_84 = arith.cmpi ne, %convert_element_type3A_82, %cond3A_83 : i32
    scf.if %cond3A_84 {
      %while3A_85 = arith.constant 0 : i32
      %while3A_86 = arith.constant 0 : i32
      %while3A_87 = arith.subi %select_n3A_52, %while3A_86 : i32
      %while3A_88 = arith.addi %while3A_86, %while3A_87 : i32
      %while3A_89 = arith.constant 1 : i32
      %while3A_90 = arith.divsi %while3A_87, %while3A_89 : i32
      %while3A_91 = arith.muli %while3A_90, %while3A_89 : i32
      %while3A_92 = arith.addi %while3A_86, %while3A_91 : i32
      %while3A_93 = arith.constant 1 : i32
      scf.for %while3A_95 = %while3A_86 to %while3A_92 step %while3A_93  : i32 {
        %mul3A_96 = arith.constant 16 : i32
        %mul3A_97 = arith.muli %while3A_95, %mul3A_96 : i32
        %add3A_98 = arith.addi %arg1, %mul3A_97 : i32
        %mul3A_99 = arith.constant 80 : i32
        %mul3A_100 = arith.muli %add3A_98, %mul3A_99 : i32
        %add3A_101 = arith.constant 0 : i32
        %add3A_102 = arith.addi %mul3A_100, %add3A_101 : i32
        %broadcast_in_dim3A = vector.broadcast %add3A_102 : i32 to vector<16xi32>
        %add3A_103 = arith.addi %broadcast_in_dim3A, %iota3A : vector<16xi32>
        %swap3A = arith.constant 0 : index
        %swap3A_104 = tpu.vector_load %arg10[%swap3A] {strides = array<i32>} : memref<80xi32, #tpu.memory_space<vmem>>, vector<16xi32>,
        tpu.vector_store %arg10[%swap3A], %add3A_103 {strides = array<i32>} : memref<80xi32, #tpu.memory_space<vmem>>, vector<16xi32>,
        %add3A_105 = arith.constant 16 : i32
        %add3A_106 = arith.addi %mul3A_100, %add3A_105 : i32
        %broadcast_in_dim3A_107 = vector.broadcast %add3A_106 : i32 to vector<16xi32>
        %add3A_108 = arith.addi %broadcast_in_dim3A_107, %iota3A : vector<16xi32>
        %swap3A_109 = arith.constant 16 : index
        %swap3A_110 = tpu.vector_load %arg10[%swap3A_109] {strides = array<i32>} : memref<80xi32, #tpu.memory_space<vmem>>, vector<16xi32>,
        tpu.vector_store %arg10[%swap3A_109], %add3A_108 {strides = array<i32>} : memref<80xi32, #tpu.memory_space<vmem>>, vector<16xi32>,
        %add3A_111 = arith.constant 32 : i32
        %add3A_112 = arith.addi %mul3A_100, %add3A_111 : i32
        %broadcast_in_dim3A_113 = vector.broadcast %add3A_112 : i32 to vector<16xi32>
        %add3A_114 = arith.addi %broadcast_in_dim3A_113, %iota3A : vector<16xi32>
        %swap3A_115 = arith.constant 32 : index
        %swap3A_116 = tpu.vector_load %arg10[%swap3A_115] {strides = array<i32>} : memref<80xi32, #tpu.memory_space<vmem>>, vector<16xi32>,
        tpu.vector_store %arg10[%swap3A_115], %add3A_114 {strides = array<i32>} : memref<80xi32, #tpu.memory_space<vmem>>, vector<16xi32>,
        %add3A_117 = arith.constant 48 : i32
        %add3A_118 = arith.addi %mul3A_100, %add3A_117 : i32
        %broadcast_in_dim3A_119 = vector.broadcast %add3A_118 : i32 to vector<16xi32>
        %add3A_120 = arith.addi %broadcast_in_dim3A_119, %iota3A : vector<16xi32>
        %swap3A_121 = arith.constant 48 : index
        %swap3A_122 = tpu.vector_load %arg10[%swap3A_121] {strides = array<i32>} : memref<80xi32, #tpu.memory_space<vmem>>, vector<16xi32>,
        tpu.vector_store %arg10[%swap3A_121], %add3A_120 {strides = array<i32>} : memref<80xi32, #tpu.memory_space<vmem>>, vector<16xi32>,
        %add3A_123 = arith.constant 64 : i32
        %add3A_124 = arith.addi %mul3A_100, %add3A_123 : i32
        %broadcast_in_dim3A_125 = vector.broadcast %add3A_124 : i32 to vector<16xi32>
        %add3A_126 = arith.addi %broadcast_in_dim3A_125, %iota3A : vector<16xi32>
        %swap3A_127 = arith.constant 64 : index
        %swap3A_128 = tpu.vector_load %arg10[%swap3A_127] {strides = array<i32>} : memref<80xi32, #tpu.memory_space<vmem>>, vector<16xi32>,
        tpu.vector_store %arg10[%swap3A_127], %add3A_126 {strides = array<i32>} : memref<80xi32, #tpu.memory_space<vmem>>, vector<16xi32>,
        "tpu.region"() ({
          %run_scoped3A = tpu.sem_alloc : memref<!tpu.dma_semaphore, #tpu.memory_space<semaphore_mem>>
          %dma_start3A = arith.constant 0 : i32
          %dma_start3A_129 = arith.constant 0 : i32
          %dma_start3A_130 = tpu.memref_slice %arg11[%dma_start3A, %dma_start3A_129] : memref<10000x128xf32, #tpu.memory_space<vmem_shared>> -> memref<10000x128xf32, #tpu.memory_space<vmem_shared>>
          tpu.enqueue_indirect_dma source(%dma_start3A_130 : memref<10000x128xf32, #tpu.memory_space<vmem_shared>>) target(%arg9 : memref<80x128xf32, #tpu.memory_space<vmem>>) offsets(%arg10 : memref<80xi32, #tpu.memory_space<vmem>>) semaphore(%run_scoped3A : memref<!tpu.dma_semaphore, #tpu.memory_space<semaphore_mem>>)
          %dma_wait3A = arith.constant 0 : i32
          %dma_wait3A_131 = arith.constant 0 : i32
          %dma_wait3A_132 = tpu.memref_slice %arg11[%dma_wait3A, %dma_wait3A_131] : memref<10000x128xf32, #tpu.memory_space<vmem_shared>> -> memref<10000x128xf32, #tpu.memory_space<vmem_shared>>
          tpu.wait_indirect_dma semaphore(%run_scoped3A : memref<!tpu.dma_semaphore, #tpu.memory_space<semaphore_mem>>) src(%dma_wait3A_132 : memref<10000x128xf32, #tpu.memory_space<vmem_shared>>) dst(%arg9 : memref<80x128xf32, #tpu.memory_space<vmem>>)
          tpu.yield
        }) : () -> ()
        "tpu.region"() ({
          %run_scoped3A = tpu.sem_alloc : memref<!tpu.dma_semaphore, #tpu.memory_space<semaphore_mem>>
          %dma_start3A = arith.constant 0 : i32
          %dma_start3A_129 = tpu.memref_slice %arg5[%mul3A_100, %dma_start3A] : memref<10000x128xf32, #tpu.memory_space<hbm>> -> memref<80x128xf32, #tpu.memory_space<hbm>>
          %dma_start3A_130 = arith.constant 0 : i32
          %dma_start3A_131 = tpu.memref_slice %arg5[%mul3A_100, %dma_start3A_130] : memref<10000x128xf32, #tpu.memory_space<hbm>> -> memref<80x128xf32, #tpu.memory_space<hbm>>
          tpu.enqueue_dma source(%arg9 : memref<80x128xf32, #tpu.memory_space<vmem>>) target(%dma_start3A_131 : memref<80x128xf32, #tpu.memory_space<hbm>>) target_semaphore(%run_scoped3A : memref<!tpu.dma_semaphore, #tpu.memory_space<semaphore_mem>>)
          %dma_wait3A = arith.constant 0 : i32
          %dma_wait3A_132 = tpu.memref_slice %arg5[%mul3A_100, %dma_wait3A] : memref<10000x128xf32, #tpu.memory_space<hbm>> -> memref<80x128xf32, #tpu.memory_space<hbm>>
          %dma_wait3A_133 = arith.constant 0 : i32
          %dma_wait3A_134 = tpu.memref_slice %arg5[%mul3A_100, %dma_wait3A_133] : memref<10000x128xf32, #tpu.memory_space<hbm>> -> memref<80x128xf32, #tpu.memory_space<hbm>>
          tpu.wait_dma2 semaphore(%run_scoped3A : memref<!tpu.dma_semaphore, #tpu.memory_space<semaphore_mem>>) src(%arg9 : memref<80x128xf32, #tpu.memory_space<vmem>>) dst(%dma_wait3A_134 : memref<80x128xf32, #tpu.memory_space<hbm>>)
          tpu.yield
        }) : () -> ()
      }
      %while3A_94 = arith.constant 1 : i32
      scf.for %while3A_95 = %while3A_92 to %while3A_88 step %while3A_94  : i32 {
        %mul3A_96 = arith.constant 16 : i32
        %mul3A_97 = arith.muli %while3A_95, %mul3A_96 : i32
        %add3A_98 = arith.addi %arg1, %mul3A_97 : i32
        %mul3A_99 = arith.constant 80 : i32
        %mul3A_100 = arith.muli %add3A_98, %mul3A_99 : i32
        %add3A_101 = arith.constant 0 : i32
        %add3A_102 = arith.addi %mul3A_100, %add3A_101 : i32
        %broadcast_in_dim3A = vector.broadcast %add3A_102 : i32 to vector<16xi32>
        %add3A_103 = arith.addi %broadcast_in_dim3A, %iota3A : vector<16xi32>
        %swap3A = arith.constant 0 : index
        %swap3A_104 = tpu.vector_load %arg10[%swap3A] {strides = array<i32>} : memref<80xi32, #tpu.memory_space<vmem>>, vector<16xi32>,
        tpu.vector_store %arg10[%swap3A], %add3A_103 {strides = array<i32>} : memref<80xi32, #tpu.memory_space<vmem>>, vector<16xi32>,
        %add3A_105 = arith.constant 16 : i32
        %add3A_106 = arith.addi %mul3A_100, %add3A_105 : i32
        %broadcast_in_dim3A_107 = vector.broadcast %add3A_106 : i32 to vector<16xi32>
        %add3A_108 = arith.addi %broadcast_in_dim3A_107, %iota3A : vector<16xi32>
        %swap3A_109 = arith.constant 16 : index
        %swap3A_110 = tpu.vector_load %arg10[%swap3A_109] {strides = array<i32>} : memref<80xi32, #tpu.memory_space<vmem>>, vector<16xi32>,
        tpu.vector_store %arg10[%swap3A_109], %add3A_108 {strides = array<i32>} : memref<80xi32, #tpu.memory_space<vmem>>, vector<16xi32>,
        %add3A_111 = arith.constant 32 : i32
        %add3A_112 = arith.addi %mul3A_100, %add3A_111 : i32
        %broadcast_in_dim3A_113 = vector.broadcast %add3A_112 : i32 to vector<16xi32>
        %add3A_114 = arith.addi %broadcast_in_dim3A_113, %iota3A : vector<16xi32>
        %swap3A_115 = arith.constant 32 : index
        %swap3A_116 = tpu.vector_load %arg10[%swap3A_115] {strides = array<i32>} : memref<80xi32, #tpu.memory_space<vmem>>, vector<16xi32>,
        tpu.vector_store %arg10[%swap3A_115], %add3A_114 {strides = array<i32>} : memref<80xi32, #tpu.memory_space<vmem>>, vector<16xi32>,
        %add3A_117 = arith.constant 48 : i32
        %add3A_118 = arith.addi %mul3A_100, %add3A_117 : i32
        %broadcast_in_dim3A_119 = vector.broadcast %add3A_118 : i32 to vector<16xi32>
        %add3A_120 = arith.addi %broadcast_in_dim3A_119, %iota3A : vector<16xi32>
        %swap3A_121 = arith.constant 48 : index
        %swap3A_122 = tpu.vector_load %arg10[%swap3A_121] {strides = array<i32>} : memref<80xi32, #tpu.memory_space<vmem>>, vector<16xi32>,
        tpu.vector_store %arg10[%swap3A_121], %add3A_120 {strides = array<i32>} : memref<80xi32, #tpu.memory_space<vmem>>, vector<16xi32>,
        %add3A_123 = arith.constant 64 : i32
        %add3A_124 = arith.addi %mul3A_100, %add3A_123 : i32
        %broadcast_in_dim3A_125 = vector.broadcast %add3A_124 : i32 to vector<16xi32>
        %add3A_126 = arith.addi %broadcast_in_dim3A_125, %iota3A : vector<16xi32>
        %swap3A_127 = arith.constant 64 : index
        %swap3A_128 = tpu.vector_load %arg10[%swap3A_127] {strides = array<i32>} : memref<80xi32, #tpu.memory_space<vmem>>, vector<16xi32>,
        tpu.vector_store %arg10[%swap3A_127], %add3A_126 {strides = array<i32>} : memref<80xi32, #tpu.memory_space<vmem>>, vector<16xi32>,
        "tpu.region"() ({
          %run_scoped3A = tpu.sem_alloc : memref<!tpu.dma_semaphore, #tpu.memory_space<semaphore_mem>>
          %dma_start3A = arith.constant 0 : i32
          %dma_start3A_129 = arith.constant 0 : i32
          %dma_start3A_130 = tpu.memref_slice %arg11[%dma_start3A, %dma_start3A_129] : memref<10000x128xf32, #tpu.memory_space<vmem_shared>> -> memref<10000x128xf32, #tpu.memory_space<vmem_shared>>
          tpu.enqueue_indirect_dma source(%dma_start3A_130 : memref<10000x128xf32, #tpu.memory_space<vmem_shared>>) target(%arg9 : memref<80x128xf32, #tpu.memory_space<vmem>>) offsets(%arg10 : memref<80xi32, #tpu.memory_space<vmem>>) semaphore(%run_scoped3A : memref<!tpu.dma_semaphore, #tpu.memory_space<semaphore_mem>>)
          %dma_wait3A = arith.constant 0 : i32
          %dma_wait3A_131 = arith.constant 0 : i32
          %dma_wait3A_132 = tpu.memref_slice %arg11[%dma_wait3A, %dma_wait3A_131] : memref<10000x128xf32, #tpu.memory_space<vmem_shared>> -> memref<10000x128xf32, #tpu.memory_space<vmem_shared>>
          tpu.wait_indirect_dma semaphore(%run_scoped3A : memref<!tpu.dma_semaphore, #tpu.memory_space<semaphore_mem>>) src(%dma_wait3A_132 : memref<10000x128xf32, #tpu.memory_space<vmem_shared>>) dst(%arg9 : memref<80x128xf32, #tpu.memory_space<vmem>>)
          tpu.yield
        }) : () -> ()
        "tpu.region"() ({
          %run_scoped3A = tpu.sem_alloc : memref<!tpu.dma_semaphore, #tpu.memory_space<semaphore_mem>>
          %dma_start3A = arith.constant 0 : i32
          %dma_start3A_129 = tpu.memref_slice %arg5[%mul3A_100, %dma_start3A] : memref<10000x128xf32, #tpu.memory_space<hbm>> -> memref<80x128xf32, #tpu.memory_space<hbm>>
          %dma_start3A_130 = arith.constant 0 : i32
          %dma_start3A_131 = tpu.memref_slice %arg5[%mul3A_100, %dma_start3A_130] : memref<10000x128xf32, #tpu.memory_space<hbm>> -> memref<80x128xf32, #tpu.memory_space<hbm>>
          tpu.enqueue_dma source(%arg9 : memref<80x128xf32, #tpu.memory_space<vmem>>) target(%dma_start3A_131 : memref<80x128xf32, #tpu.memory_space<hbm>>) target_semaphore(%run_scoped3A : memref<!tpu.dma_semaphore, #tpu.memory_space<semaphore_mem>>)
          %dma_wait3A = arith.constant 0 : i32
          %dma_wait3A_132 = tpu.memref_slice %arg5[%mul3A_100, %dma_wait3A] : memref<10000x128xf32, #tpu.memory_space<hbm>> -> memref<80x128xf32, #tpu.memory_space<hbm>>
          %dma_wait3A_133 = arith.constant 0 : i32
          %dma_wait3A_134 = tpu.memref_slice %arg5[%mul3A_100, %dma_wait3A_133] : memref<10000x128xf32, #tpu.memory_space<hbm>> -> memref<80x128xf32, #tpu.memory_space<hbm>>
          tpu.wait_dma2 semaphore(%run_scoped3A : memref<!tpu.dma_semaphore, #tpu.memory_space<semaphore_mem>>) src(%arg9 : memref<80x128xf32, #tpu.memory_space<vmem>>) dst(%dma_wait3A_134 : memref<80x128xf32, #tpu.memory_space<hbm>>)
          tpu.yield
        }) : () -> ()
      }
    } else {
    }
    return
  }
}

#map = affine_map<(d0, d1) -> (0, 0)>
#map1 = affine_map<(d0, d1) -> (0, 0, 0)>
#map2 = affine_map<(d0, d1) -> (0)>
module attributes {stable_mosaic.version = 14 : i64} {
  func.func @_sc_agg(%arg0: i32, %arg1: i32, %arg2: memref<10000x128xf32, #tpu.memory_space<hbm>>, %arg3: memref<2x1x320000xi32, #tpu.memory_space<hbm>>, %arg4: memref<5120000xf32, #tpu.memory_space<hbm>>, %arg5: memref<10000x128xf32, #tpu.memory_space<hbm>>, %arg6: memref<10000x128xf32, #tpu.memory_space<hbm>>, %arg7: memref<128xi32, #tpu.memory_space<vmem>>, %arg8: memref<128xi32, #tpu.memory_space<vmem>>, %arg9: memref<128x128xf32, #tpu.memory_space<vmem>>, %arg10: memref<128x128xf32, #tpu.memory_space<vmem>>, %arg11: memref<2048xf32, #tpu.memory_space<vmem>>, %arg12: memref<80x128xf32, #tpu.memory_space<vmem>>, %arg13: memref<80xi32, #tpu.memory_space<vmem>>, %arg14: memref<10000x128xf32, #tpu.memory_space<vmem_shared>>, %arg15: memref<!tpu.dma_semaphore, #tpu.memory_space<semaphore_mem>>) attributes {dimension_semantics = [#tpu.dimension_semantics<core_parallel>, #tpu.dimension_semantics<subcore_parallel>], iteration_bounds = array<i64: 2, 16>, scalar_prefetch = 0 : i64, scratch_operands = 9 : i64, tpu.core_type = #tpu.core_type<sc_vector_subcore>, window_params = [{transform_indices = #map}, {transform_indices = #map1}, {transform_indices = #map2}, {transform_indices = #map}, {transform_indices = #map}]} {
    %mul3A = arith.constant 2 : i32
    %mul3A_0 = arith.muli %arg1, %mul3A : i32
    %add3A = arith.addi %mul3A_0, %arg0 : i32
    %sub3A = arith.constant 2500 : i32
    %sub3A_1 = arith.subi %sub3A, %add3A : i32
    %add3A_2 = arith.constant 32 : i32
    %add3A_3 = arith.addi %sub3A_1, %add3A_2 : i32
    %sub3A_4 = arith.constant 1 : i32
    %sub3A_5 = arith.subi %add3A_3, %sub3A_4 : i32
    %jit3A = arith.constant 32 : i32
    %div3A = arith.divsi %sub3A_5, %jit3A : i32
    %sign3A = arith.constant 0 : i32
    %sign3A_6 = arith.cmpi sgt, %sub3A_5, %sign3A : i32
    %sign3A_7 = arith.extui %sign3A_6 : i1 to i32
    %sign3A_8 = arith.constant 0 : i32
    %sign3A_9 = arith.cmpi slt, %sub3A_5, %sign3A_8 : i32
    %sign3A_10 = arith.extui %sign3A_9 : i1 to i32
    %sign3A_11 = arith.subi %sign3A_7, %sign3A_10 : i32
    %sign3A_12 = arith.constant 0 : i32
    %sign3A_13 = arith.cmpi sgt, %jit3A, %sign3A_12 : i32
    %sign3A_14 = arith.extui %sign3A_13 : i1 to i32
    %sign3A_15 = arith.constant 0 : i32
    %sign3A_16 = arith.cmpi slt, %jit3A, %sign3A_15 : i32
    %sign3A_17 = arith.extui %sign3A_16 : i1 to i32
    %sign3A_18 = arith.subi %sign3A_14, %sign3A_17 : i32
    %ne3A = arith.cmpi ne, %sign3A_11, %sign3A_18 : i32
    %rem3A = arith.remsi %sub3A_5, %jit3A : i32
    %ne3A_19 = arith.constant 0 : i32
    %ne3A_20 = arith.cmpi ne, %rem3A, %ne3A_19 : i32
    %and3A = arith.andi %ne3A, %ne3A_20 : i1
    %sub3A_21 = arith.constant 1 : i32
    %sub3A_22 = arith.subi %div3A, %sub3A_21 : i32
    %select_n3A = arith.select %and3A, %sub3A_22, %div3A : i32
    %sub3A_23 = arith.constant 125 : i32
    %sub3A_24 = arith.subi %sub3A_23, %arg1 : i32
    %add3A_25 = arith.constant 16 : i32
    %add3A_26 = arith.addi %sub3A_24, %add3A_25 : i32
    %sub3A_27 = arith.constant 1 : i32
    %sub3A_28 = arith.subi %add3A_26, %sub3A_27 : i32
    %jit3A_29 = arith.constant 16 : i32
    %div3A_30 = arith.divsi %sub3A_28, %jit3A_29 : i32
    %sign3A_31 = arith.constant 0 : i32
    %sign3A_32 = arith.cmpi sgt, %sub3A_28, %sign3A_31 : i32
    %sign3A_33 = arith.extui %sign3A_32 : i1 to i32
    %sign3A_34 = arith.constant 0 : i32
    %sign3A_35 = arith.cmpi slt, %sub3A_28, %sign3A_34 : i32
    %sign3A_36 = arith.extui %sign3A_35 : i1 to i32
    %sign3A_37 = arith.subi %sign3A_33, %sign3A_36 : i32
    %sign3A_38 = arith.constant 0 : i32
    %sign3A_39 = arith.cmpi sgt, %jit3A_29, %sign3A_38 : i32
    %sign3A_40 = arith.extui %sign3A_39 : i1 to i32
    %sign3A_41 = arith.constant 0 : i32
    %sign3A_42 = arith.cmpi slt, %jit3A_29, %sign3A_41 : i32
    %sign3A_43 = arith.extui %sign3A_42 : i1 to i32
    %sign3A_44 = arith.subi %sign3A_40, %sign3A_43 : i32
    %ne3A_45 = arith.cmpi ne, %sign3A_37, %sign3A_44 : i32
    %rem3A_46 = arith.remsi %sub3A_28, %jit3A_29 : i32
    %ne3A_47 = arith.constant 0 : i32
    %ne3A_48 = arith.cmpi ne, %rem3A_46, %ne3A_47 : i32
    %and3A_49 = arith.andi %ne3A_45, %ne3A_48 : i1
    %sub3A_50 = arith.constant 1 : i32
    %sub3A_51 = arith.subi %div3A_30, %sub3A_50 : i32
    %select_n3A_52 = arith.select %and3A_49, %sub3A_51, %div3A_30 : i32
    %iota3A = tpu.iota {dimensions = array<i32: 0>} : vector<16xi32>
    %scan3A = arith.constant 0 : i32
    %scan3A_53 = arith.constant 0 : i32
    %scan3A_54 = arith.constant 80 : i32
    %scan3A_55 = arith.addi %scan3A_53, %scan3A_54 : i32
    %scan3A_56 = arith.constant 1 : i32
    scf.for %scan3A_85 = %scan3A_53 to %scan3A_55 step %scan3A_56  : i32 {
      %broadcast_in_dim3A = arith.constant 0.000000e+00 : f32
      %broadcast_in_dim3A_86 = vector.broadcast %broadcast_in_dim3A : f32 to vector<16xf32>
      %swap3A = arith.index_cast %scan3A_85 : i32 to index
      %swap3A_87 = arith.constant 0 : index
      %swap3A_88 = tpu.vector_load %arg12[%swap3A, %swap3A_87] {strides = array<i32>} : memref<80x128xf32, #tpu.memory_space<vmem>>, vector<16xf32>,
      tpu.vector_store %arg12[%swap3A, %swap3A_87], %broadcast_in_dim3A_86 {strides = array<i32>} : memref<80x128xf32, #tpu.memory_space<vmem>>, vector<16xf32>,
      %broadcast_in_dim3A_89 = arith.constant 0.000000e+00 : f32
      %broadcast_in_dim3A_90 = vector.broadcast %broadcast_in_dim3A_89 : f32 to vector<16xf32>
      %swap3A_91 = arith.index_cast %scan3A_85 : i32 to index
      %swap3A_92 = arith.constant 16 : index
      %swap3A_93 = tpu.vector_load %arg12[%swap3A_91, %swap3A_92] {strides = array<i32>} : memref<80x128xf32, #tpu.memory_space<vmem>>, vector<16xf32>,
      tpu.vector_store %arg12[%swap3A_91, %swap3A_92], %broadcast_in_dim3A_90 {strides = array<i32>} : memref<80x128xf32, #tpu.memory_space<vmem>>, vector<16xf32>,
      %broadcast_in_dim3A_94 = arith.constant 0.000000e+00 : f32
      %broadcast_in_dim3A_95 = vector.broadcast %broadcast_in_dim3A_94 : f32 to vector<16xf32>
      %swap3A_96 = arith.index_cast %scan3A_85 : i32 to index
      %swap3A_97 = arith.constant 32 : index
      %swap3A_98 = tpu.vector_load %arg12[%swap3A_96, %swap3A_97] {strides = array<i32>} : memref<80x128xf32, #tpu.memory_space<vmem>>, vector<16xf32>,
      tpu.vector_store %arg12[%swap3A_96, %swap3A_97], %broadcast_in_dim3A_95 {strides = array<i32>} : memref<80x128xf32, #tpu.memory_space<vmem>>, vector<16xf32>,
      %broadcast_in_dim3A_99 = arith.constant 0.000000e+00 : f32
      %broadcast_in_dim3A_100 = vector.broadcast %broadcast_in_dim3A_99 : f32 to vector<16xf32>
      %swap3A_101 = arith.index_cast %scan3A_85 : i32 to index
      %swap3A_102 = arith.constant 48 : index
      %swap3A_103 = tpu.vector_load %arg12[%swap3A_101, %swap3A_102] {strides = array<i32>} : memref<80x128xf32, #tpu.memory_space<vmem>>, vector<16xf32>,
      tpu.vector_store %arg12[%swap3A_101, %swap3A_102], %broadcast_in_dim3A_100 {strides = array<i32>} : memref<80x128xf32, #tpu.memory_space<vmem>>, vector<16xf32>,
      %broadcast_in_dim3A_104 = arith.constant 0.000000e+00 : f32
      %broadcast_in_dim3A_105 = vector.broadcast %broadcast_in_dim3A_104 : f32 to vector<16xf32>
      %swap3A_106 = arith.index_cast %scan3A_85 : i32 to index
      %swap3A_107 = arith.constant 64 : index
      %swap3A_108 = tpu.vector_load %arg12[%swap3A_106, %swap3A_107] {strides = array<i32>} : memref<80x128xf32, #tpu.memory_space<vmem>>, vector<16xf32>,
      tpu.vector_store %arg12[%swap3A_106, %swap3A_107], %broadcast_in_dim3A_105 {strides = array<i32>} : memref<80x128xf32, #tpu.memory_space<vmem>>, vector<16xf32>,
      %broadcast_in_dim3A_109 = arith.constant 0.000000e+00 : f32
      %broadcast_in_dim3A_110 = vector.broadcast %broadcast_in_dim3A_109 : f32 to vector<16xf32>
      %swap3A_111 = arith.index_cast %scan3A_85 : i32 to index
      %swap3A_112 = arith.constant 80 : index
      %swap3A_113 = tpu.vector_load %arg12[%swap3A_111, %swap3A_112] {strides = array<i32>} : memref<80x128xf32, #tpu.memory_space<vmem>>, vector<16xf32>,
      tpu.vector_store %arg12[%swap3A_111, %swap3A_112], %broadcast_in_dim3A_110 {strides = array<i32>} : memref<80x128xf32, #tpu.memory_space<vmem>>, vector<16xf32>,
      %broadcast_in_dim3A_114 = arith.constant 0.000000e+00 : f32
      %broadcast_in_dim3A_115 = vector.broadcast %broadcast_in_dim3A_114 : f32 to vector<16xf32>
      %swap3A_116 = arith.index_cast %scan3A_85 : i32 to index
      %swap3A_117 = arith.constant 96 : index
      %swap3A_118 = tpu.vector_load %arg12[%swap3A_116, %swap3A_117] {strides = array<i32>} : memref<80x128xf32, #tpu.memory_space<vmem>>, vector<16xf32>,
      tpu.vector_store %arg12[%swap3A_116, %swap3A_117], %broadcast_in_dim3A_115 {strides = array<i32>} : memref<80x128xf32, #tpu.memory_space<vmem>>, vector<16xf32>,
      %broadcast_in_dim3A_119 = arith.constant 0.000000e+00 : f32
      %broadcast_in_dim3A_120 = vector.broadcast %broadcast_in_dim3A_119 : f32 to vector<16xf32>
      %swap3A_121 = arith.index_cast %scan3A_85 : i32 to index
      %swap3A_122 = arith.constant 112 : index
      %swap3A_123 = tpu.vector_load %arg12[%swap3A_121, %swap3A_122] {strides = array<i32>} : memref<80x128xf32, #tpu.memory_space<vmem>>, vector<16xf32>,
      tpu.vector_store %arg12[%swap3A_121, %swap3A_122], %broadcast_in_dim3A_120 {strides = array<i32>} : memref<80x128xf32, #tpu.memory_space<vmem>>, vector<16xf32>,
    }
    %scan3A_57 = arith.constant 80 : i32
    %while3A = arith.constant 0 : i32
    %while3A_58 = arith.constant 0 : i32
    %while3A_59 = arith.subi %select_n3A_52, %while3A_58 : i32
    %while3A_60 = arith.addi %while3A_58, %while3A_59 : i32
    %while3A_61 = arith.constant 1 : i32
    %while3A_62 = arith.divsi %while3A_59, %while3A_61 : i32
    %while3A_63 = arith.muli %while3A_62, %while3A_61 : i32
    %while3A_64 = arith.addi %while3A_58, %while3A_63 : i32
    %while3A_65 = arith.constant 1 : i32
    scf.for %while3A_85 = %while3A_58 to %while3A_64 step %while3A_65  : i32 {
      %mul3A_86 = arith.constant 16 : i32
      %mul3A_87 = arith.muli %while3A_85, %mul3A_86 : i32
      %add3A_88 = arith.addi %arg1, %mul3A_87 : i32
      %mul3A_89 = arith.constant 80 : i32
      %mul3A_90 = arith.muli %add3A_88, %mul3A_89 : i32
      %add3A_91 = arith.constant 0 : i32
      %add3A_92 = arith.addi %mul3A_90, %add3A_91 : i32
      %broadcast_in_dim3A = vector.broadcast %add3A_92 : i32 to vector<16xi32>
      %add3A_93 = arith.addi %broadcast_in_dim3A, %iota3A : vector<16xi32>
      %swap3A = arith.constant 0 : index
      %swap3A_94 = tpu.vector_load %arg13[%swap3A] {strides = array<i32>} : memref<80xi32, #tpu.memory_space<vmem>>, vector<16xi32>,
      tpu.vector_store %arg13[%swap3A], %add3A_93 {strides = array<i32>} : memref<80xi32, #tpu.memory_space<vmem>>, vector<16xi32>,
      %add3A_95 = arith.constant 16 : i32
      %add3A_96 = arith.addi %mul3A_90, %add3A_95 : i32
      %broadcast_in_dim3A_97 = vector.broadcast %add3A_96 : i32 to vector<16xi32>
      %add3A_98 = arith.addi %broadcast_in_dim3A_97, %iota3A : vector<16xi32>
      %swap3A_99 = arith.constant 16 : index
      %swap3A_100 = tpu.vector_load %arg13[%swap3A_99] {strides = array<i32>} : memref<80xi32, #tpu.memory_space<vmem>>, vector<16xi32>,
      tpu.vector_store %arg13[%swap3A_99], %add3A_98 {strides = array<i32>} : memref<80xi32, #tpu.memory_space<vmem>>, vector<16xi32>,
      %add3A_101 = arith.constant 32 : i32
      %add3A_102 = arith.addi %mul3A_90, %add3A_101 : i32
      %broadcast_in_dim3A_103 = vector.broadcast %add3A_102 : i32 to vector<16xi32>
      %add3A_104 = arith.addi %broadcast_in_dim3A_103, %iota3A : vector<16xi32>
      %swap3A_105 = arith.constant 32 : index
      %swap3A_106 = tpu.vector_load %arg13[%swap3A_105] {strides = array<i32>} : memref<80xi32, #tpu.memory_space<vmem>>, vector<16xi32>,
      tpu.vector_store %arg13[%swap3A_105], %add3A_104 {strides = array<i32>} : memref<80xi32, #tpu.memory_space<vmem>>, vector<16xi32>,
      %add3A_107 = arith.constant 48 : i32
      %add3A_108 = arith.addi %mul3A_90, %add3A_107 : i32
      %broadcast_in_dim3A_109 = vector.broadcast %add3A_108 : i32 to vector<16xi32>
      %add3A_110 = arith.addi %broadcast_in_dim3A_109, %iota3A : vector<16xi32>
      %swap3A_111 = arith.constant 48 : index
      %swap3A_112 = tpu.vector_load %arg13[%swap3A_111] {strides = array<i32>} : memref<80xi32, #tpu.memory_space<vmem>>, vector<16xi32>,
      tpu.vector_store %arg13[%swap3A_111], %add3A_110 {strides = array<i32>} : memref<80xi32, #tpu.memory_space<vmem>>, vector<16xi32>,
      %add3A_113 = arith.constant 64 : i32
      %add3A_114 = arith.addi %mul3A_90, %add3A_113 : i32
      %broadcast_in_dim3A_115 = vector.broadcast %add3A_114 : i32 to vector<16xi32>
      %add3A_116 = arith.addi %broadcast_in_dim3A_115, %iota3A : vector<16xi32>
      %swap3A_117 = arith.constant 64 : index
      %swap3A_118 = tpu.vector_load %arg13[%swap3A_117] {strides = array<i32>} : memref<80xi32, #tpu.memory_space<vmem>>, vector<16xi32>,
      tpu.vector_store %arg13[%swap3A_117], %add3A_116 {strides = array<i32>} : memref<80xi32, #tpu.memory_space<vmem>>, vector<16xi32>,
      "tpu.region"() ({
        %run_scoped3A = tpu.sem_alloc : memref<!tpu.dma_semaphore, #tpu.memory_space<semaphore_mem>>
        %dma_start3A = arith.constant 0 : i32
        %dma_start3A_119 = arith.constant 0 : i32
        %dma_start3A_120 = tpu.memref_slice %arg14[%dma_start3A, %dma_start3A_119] : memref<10000x128xf32, #tpu.memory_space<vmem_shared>> -> memref<10000x128xf32, #tpu.memory_space<vmem_shared>>
        tpu.enqueue_indirect_dma source(%arg12 : memref<80x128xf32, #tpu.memory_space<vmem>>) target(%dma_start3A_120 : memref<10000x128xf32, #tpu.memory_space<vmem_shared>>) offsets(%arg13 : memref<80xi32, #tpu.memory_space<vmem>>) semaphore(%run_scoped3A : memref<!tpu.dma_semaphore, #tpu.memory_space<semaphore_mem>>)
        %dma_wait3A = arith.constant 0 : i32
        %dma_wait3A_121 = arith.constant 0 : i32
        %dma_wait3A_122 = tpu.memref_slice %arg14[%dma_wait3A, %dma_wait3A_121] : memref<10000x128xf32, #tpu.memory_space<vmem_shared>> -> memref<10000x128xf32, #tpu.memory_space<vmem_shared>>
        tpu.wait_indirect_dma semaphore(%run_scoped3A : memref<!tpu.dma_semaphore, #tpu.memory_space<semaphore_mem>>) src(%arg12 : memref<80x128xf32, #tpu.memory_space<vmem>>) dst(%dma_wait3A_122 : memref<10000x128xf32, #tpu.memory_space<vmem_shared>>)
        tpu.yield
      }) : () -> ()
    }
    %while3A_66 = arith.constant 1 : i32
    scf.for %while3A_85 = %while3A_64 to %while3A_60 step %while3A_66  : i32 {
      %mul3A_86 = arith.constant 16 : i32
      %mul3A_87 = arith.muli %while3A_85, %mul3A_86 : i32
      %add3A_88 = arith.addi %arg1, %mul3A_87 : i32
      %mul3A_89 = arith.constant 80 : i32
      %mul3A_90 = arith.muli %add3A_88, %mul3A_89 : i32
      %add3A_91 = arith.constant 0 : i32
      %add3A_92 = arith.addi %mul3A_90, %add3A_91 : i32
      %broadcast_in_dim3A = vector.broadcast %add3A_92 : i32 to vector<16xi32>
      %add3A_93 = arith.addi %broadcast_in_dim3A, %iota3A : vector<16xi32>
      %swap3A = arith.constant 0 : index
      %swap3A_94 = tpu.vector_load %arg13[%swap3A] {strides = array<i32>} : memref<80xi32, #tpu.memory_space<vmem>>, vector<16xi32>,
      tpu.vector_store %arg13[%swap3A], %add3A_93 {strides = array<i32>} : memref<80xi32, #tpu.memory_space<vmem>>, vector<16xi32>,
      %add3A_95 = arith.constant 16 : i32
      %add3A_96 = arith.addi %mul3A_90, %add3A_95 : i32
      %broadcast_in_dim3A_97 = vector.broadcast %add3A_96 : i32 to vector<16xi32>
      %add3A_98 = arith.addi %broadcast_in_dim3A_97, %iota3A : vector<16xi32>
      %swap3A_99 = arith.constant 16 : index
      %swap3A_100 = tpu.vector_load %arg13[%swap3A_99] {strides = array<i32>} : memref<80xi32, #tpu.memory_space<vmem>>, vector<16xi32>,
      tpu.vector_store %arg13[%swap3A_99], %add3A_98 {strides = array<i32>} : memref<80xi32, #tpu.memory_space<vmem>>, vector<16xi32>,
      %add3A_101 = arith.constant 32 : i32
      %add3A_102 = arith.addi %mul3A_90, %add3A_101 : i32
      %broadcast_in_dim3A_103 = vector.broadcast %add3A_102 : i32 to vector<16xi32>
      %add3A_104 = arith.addi %broadcast_in_dim3A_103, %iota3A : vector<16xi32>
      %swap3A_105 = arith.constant 32 : index
      %swap3A_106 = tpu.vector_load %arg13[%swap3A_105] {strides = array<i32>} : memref<80xi32, #tpu.memory_space<vmem>>, vector<16xi32>,
      tpu.vector_store %arg13[%swap3A_105], %add3A_104 {strides = array<i32>} : memref<80xi32, #tpu.memory_space<vmem>>, vector<16xi32>,
      %add3A_107 = arith.constant 48 : i32
      %add3A_108 = arith.addi %mul3A_90, %add3A_107 : i32
      %broadcast_in_dim3A_109 = vector.broadcast %add3A_108 : i32 to vector<16xi32>
      %add3A_110 = arith.addi %broadcast_in_dim3A_109, %iota3A : vector<16xi32>
      %swap3A_111 = arith.constant 48 : index
      %swap3A_112 = tpu.vector_load %arg13[%swap3A_111] {strides = array<i32>} : memref<80xi32, #tpu.memory_space<vmem>>, vector<16xi32>,
      tpu.vector_store %arg13[%swap3A_111], %add3A_110 {strides = array<i32>} : memref<80xi32, #tpu.memory_space<vmem>>, vector<16xi32>,
      %add3A_113 = arith.constant 64 : i32
      %add3A_114 = arith.addi %mul3A_90, %add3A_113 : i32
      %broadcast_in_dim3A_115 = vector.broadcast %add3A_114 : i32 to vector<16xi32>
      %add3A_116 = arith.addi %broadcast_in_dim3A_115, %iota3A : vector<16xi32>
      %swap3A_117 = arith.constant 64 : index
      %swap3A_118 = tpu.vector_load %arg13[%swap3A_117] {strides = array<i32>} : memref<80xi32, #tpu.memory_space<vmem>>, vector<16xi32>,
      tpu.vector_store %arg13[%swap3A_117], %add3A_116 {strides = array<i32>} : memref<80xi32, #tpu.memory_space<vmem>>, vector<16xi32>,
      "tpu.region"() ({
        %run_scoped3A = tpu.sem_alloc : memref<!tpu.dma_semaphore, #tpu.memory_space<semaphore_mem>>
        %dma_start3A = arith.constant 0 : i32
        %dma_start3A_119 = arith.constant 0 : i32
        %dma_start3A_120 = tpu.memref_slice %arg14[%dma_start3A, %dma_start3A_119] : memref<10000x128xf32, #tpu.memory_space<vmem_shared>> -> memref<10000x128xf32, #tpu.memory_space<vmem_shared>>
        tpu.enqueue_indirect_dma source(%arg12 : memref<80x128xf32, #tpu.memory_space<vmem>>) target(%dma_start3A_120 : memref<10000x128xf32, #tpu.memory_space<vmem_shared>>) offsets(%arg13 : memref<80xi32, #tpu.memory_space<vmem>>) semaphore(%run_scoped3A : memref<!tpu.dma_semaphore, #tpu.memory_space<semaphore_mem>>)
        %dma_wait3A = arith.constant 0 : i32
        %dma_wait3A_121 = arith.constant 0 : i32
        %dma_wait3A_122 = tpu.memref_slice %arg14[%dma_wait3A, %dma_wait3A_121] : memref<10000x128xf32, #tpu.memory_space<vmem_shared>> -> memref<10000x128xf32, #tpu.memory_space<vmem_shared>>
        tpu.wait_indirect_dma semaphore(%run_scoped3A : memref<!tpu.dma_semaphore, #tpu.memory_space<semaphore_mem>>) src(%arg12 : memref<80x128xf32, #tpu.memory_space<vmem>>) dst(%dma_wait3A_122 : memref<10000x128xf32, #tpu.memory_space<vmem_shared>>)
        tpu.yield
      }) : () -> ()
    }
    %barrier3A = arith.constant 0 : index
    tpu.barrier barrier_id(%barrier3A)
    %while3A_67 = arith.constant 0 : i32
    %while3A_68 = arith.constant 0 : i32
    %while3A_69 = arith.subi %select_n3A, %while3A_68 : i32
    %while3A_70 = arith.addi %while3A_68, %while3A_69 : i32
    %while3A_71 = arith.constant 1 : i32
    %while3A_72 = arith.divsi %while3A_69, %while3A_71 : i32
    %while3A_73 = arith.muli %while3A_72, %while3A_71 : i32
    %while3A_74 = arith.addi %while3A_68, %while3A_73 : i32
    %while3A_75 = arith.constant 1 : i32
    scf.for %while3A_85 = %while3A_68 to %while3A_74 step %while3A_75  : i32 {
      %mul3A_86 = arith.constant 32 : i32
      %mul3A_87 = arith.muli %while3A_85, %mul3A_86 : i32
      %add3A_88 = arith.addi %add3A, %mul3A_87 : i32
      %mul3A_89 = arith.constant 128 : i32
      %mul3A_90 = arith.muli %add3A_88, %mul3A_89 : i32
      %dma_start3A = arith.constant 0 : i32
      %dma_start3A_91 = arith.constant 0 : i32
      %dma_start3A_92 = tpu.memref_slice %arg3[%dma_start3A, %dma_start3A_91, %mul3A_90] : memref<2x1x320000xi32, #tpu.memory_space<hbm>> -> memref<1x1x128xi32, #tpu.memory_space<hbm>>
      %dma_start3A_93 = tpu.memref_squeeze %dma_start3A_92 : memref<1x1x128xi32, #tpu.memory_space<hbm>> -> memref<128xi32, #tpu.memory_space<hbm>>
      %dma_start3A_94 = tpu.memref_slice %arg3[%dma_start3A, %dma_start3A_91, %mul3A_90] : memref<2x1x320000xi32, #tpu.memory_space<hbm>> -> memref<1x1x128xi32, #tpu.memory_space<hbm>>
      %dma_start3A_95 = tpu.memref_squeeze %dma_start3A_94 : memref<1x1x128xi32, #tpu.memory_space<hbm>> -> memref<128xi32, #tpu.memory_space<hbm>>
      tpu.enqueue_dma source(%dma_start3A_95 : memref<128xi32, #tpu.memory_space<hbm>>) target(%arg7 : memref<128xi32, #tpu.memory_space<vmem>>) target_semaphore(%arg15 : memref<!tpu.dma_semaphore, #tpu.memory_space<semaphore_mem>>)
      %dma_start3A_96 = arith.constant 1 : i32
      %dma_start3A_97 = arith.constant 0 : i32
      %dma_start3A_98 = tpu.memref_slice %arg3[%dma_start3A_96, %dma_start3A_97, %mul3A_90] : memref<2x1x320000xi32, #tpu.memory_space<hbm>> -> memref<1x1x128xi32, #tpu.memory_space<hbm>>
      %dma_start3A_99 = tpu.memref_squeeze %dma_start3A_98 : memref<1x1x128xi32, #tpu.memory_space<hbm>> -> memref<128xi32, #tpu.memory_space<hbm>>
      %dma_start3A_100 = tpu.memref_slice %arg3[%dma_start3A_96, %dma_start3A_97, %mul3A_90] : memref<2x1x320000xi32, #tpu.memory_space<hbm>> -> memref<1x1x128xi32, #tpu.memory_space<hbm>>
      %dma_start3A_101 = tpu.memref_squeeze %dma_start3A_100 : memref<1x1x128xi32, #tpu.memory_space<hbm>> -> memref<128xi32, #tpu.memory_space<hbm>>
      tpu.enqueue_dma source(%dma_start3A_101 : memref<128xi32, #tpu.memory_space<hbm>>) target(%arg8 : memref<128xi32, #tpu.memory_space<vmem>>) target_semaphore(%arg15 : memref<!tpu.dma_semaphore, #tpu.memory_space<semaphore_mem>>)
      %mul3A_102 = arith.constant 16 : i32
      %mul3A_103 = arith.muli %mul3A_90, %mul3A_102 : i32
      %dma_start3A_104 = tpu.memref_slice %arg4[%mul3A_103] : memref<5120000xf32, #tpu.memory_space<hbm>> -> memref<2048xf32, #tpu.memory_space<hbm>>
      %dma_start3A_105 = tpu.memref_slice %arg4[%mul3A_103] : memref<5120000xf32, #tpu.memory_space<hbm>> -> memref<2048xf32, #tpu.memory_space<hbm>>
      tpu.enqueue_dma source(%dma_start3A_105 : memref<2048xf32, #tpu.memory_space<hbm>>) target(%arg11 : memref<2048xf32, #tpu.memory_space<vmem>>) target_semaphore(%arg15 : memref<!tpu.dma_semaphore, #tpu.memory_space<semaphore_mem>>)
      %dma_wait3A = arith.constant 0 : i32
      %dma_wait3A_106 = arith.constant 0 : i32
      %dma_wait3A_107 = tpu.memref_slice %arg3[%dma_wait3A, %dma_wait3A_106, %mul3A_90] : memref<2x1x320000xi32, #tpu.memory_space<hbm>> -> memref<1x1x128xi32, #tpu.memory_space<hbm>>
      %dma_wait3A_108 = tpu.memref_squeeze %dma_wait3A_107 : memref<1x1x128xi32, #tpu.memory_space<hbm>> -> memref<128xi32, #tpu.memory_space<hbm>>
      %dma_wait3A_109 = tpu.memref_slice %arg3[%dma_wait3A, %dma_wait3A_106, %mul3A_90] : memref<2x1x320000xi32, #tpu.memory_space<hbm>> -> memref<1x1x128xi32, #tpu.memory_space<hbm>>
      %dma_wait3A_110 = tpu.memref_squeeze %dma_wait3A_109 : memref<1x1x128xi32, #tpu.memory_space<hbm>> -> memref<128xi32, #tpu.memory_space<hbm>>
      tpu.wait_dma2 semaphore(%arg15 : memref<!tpu.dma_semaphore, #tpu.memory_space<semaphore_mem>>) src(%dma_wait3A_110 : memref<128xi32, #tpu.memory_space<hbm>>) dst(%arg7 : memref<128xi32, #tpu.memory_space<vmem>>)
      %dma_wait3A_111 = arith.constant 1 : i32
      %dma_wait3A_112 = arith.constant 0 : i32
      %dma_wait3A_113 = tpu.memref_slice %arg3[%dma_wait3A_111, %dma_wait3A_112, %mul3A_90] : memref<2x1x320000xi32, #tpu.memory_space<hbm>> -> memref<1x1x128xi32, #tpu.memory_space<hbm>>
      %dma_wait3A_114 = tpu.memref_squeeze %dma_wait3A_113 : memref<1x1x128xi32, #tpu.memory_space<hbm>> -> memref<128xi32, #tpu.memory_space<hbm>>
      %dma_wait3A_115 = tpu.memref_slice %arg3[%dma_wait3A_111, %dma_wait3A_112, %mul3A_90] : memref<2x1x320000xi32, #tpu.memory_space<hbm>> -> memref<1x1x128xi32, #tpu.memory_space<hbm>>
      %dma_wait3A_116 = tpu.memref_squeeze %dma_wait3A_115 : memref<1x1x128xi32, #tpu.memory_space<hbm>> -> memref<128xi32, #tpu.memory_space<hbm>>
      tpu.wait_dma2 semaphore(%arg15 : memref<!tpu.dma_semaphore, #tpu.memory_space<semaphore_mem>>) src(%dma_wait3A_116 : memref<128xi32, #tpu.memory_space<hbm>>) dst(%arg8 : memref<128xi32, #tpu.memory_space<vmem>>)
      %dma_start3A_117 = arith.constant 0 : i32
      %dma_start3A_118 = arith.constant 0 : i32
      %dma_start3A_119 = tpu.memref_slice %arg2[%dma_start3A_117, %dma_start3A_118] : memref<10000x128xf32, #tpu.memory_space<hbm>> -> memref<10000x128xf32, #tpu.memory_space<hbm>>
      tpu.enqueue_indirect_dma source(%dma_start3A_119 : memref<10000x128xf32, #tpu.memory_space<hbm>>) target(%arg9 : memref<128x128xf32, #tpu.memory_space<vmem>>) offsets(%arg7 : memref<128xi32, #tpu.memory_space<vmem>>) semaphore(%arg15 : memref<!tpu.dma_semaphore, #tpu.memory_space<semaphore_mem>>)
      %dma_wait3A_120 = tpu.memref_slice %arg4[%mul3A_103] : memref<5120000xf32, #tpu.memory_space<hbm>> -> memref<2048xf32, #tpu.memory_space<hbm>>
      %dma_wait3A_121 = tpu.memref_slice %arg4[%mul3A_103] : memref<5120000xf32, #tpu.memory_space<hbm>> -> memref<2048xf32, #tpu.memory_space<hbm>>
      tpu.wait_dma2 semaphore(%arg15 : memref<!tpu.dma_semaphore, #tpu.memory_space<semaphore_mem>>) src(%dma_wait3A_121 : memref<2048xf32, #tpu.memory_space<hbm>>) dst(%arg11 : memref<2048xf32, #tpu.memory_space<vmem>>)
      %dma_wait3A_122 = arith.constant 0 : i32
      %dma_wait3A_123 = arith.constant 0 : i32
      %dma_wait3A_124 = tpu.memref_slice %arg2[%dma_wait3A_122, %dma_wait3A_123] : memref<10000x128xf32, #tpu.memory_space<hbm>> -> memref<10000x128xf32, #tpu.memory_space<hbm>>
      tpu.wait_indirect_dma semaphore(%arg15 : memref<!tpu.dma_semaphore, #tpu.memory_space<semaphore_mem>>) src(%dma_wait3A_124 : memref<10000x128xf32, #tpu.memory_space<hbm>>) dst(%arg9 : memref<128x128xf32, #tpu.memory_space<vmem>>)
      %scan3A_125 = arith.constant 0 : i32
      %scan3A_126 = arith.constant 0 : i32
      %scan3A_127 = arith.constant 32 : i32
      %scan3A_128 = arith.addi %scan3A_126, %scan3A_127 : i32
      %scan3A_129 = arith.constant 1 : i32
      scf.for %scan3A_131 = %scan3A_126 to %scan3A_128 step %scan3A_129  : i32 {
        %mul3A_132 = arith.constant 4 : i32
        %mul3A_133 = arith.muli %scan3A_131, %mul3A_132 : i32
        %add3A_134 = arith.constant 0 : i32
        %add3A_135 = arith.addi %mul3A_133, %add3A_134 : i32
        %mul3A_136 = arith.constant 16 : i32
        %mul3A_137 = arith.muli %add3A_135, %mul3A_136 : i32
        %add3A_138 = arith.constant 0 : i32
        %add3A_139 = arith.addi %mul3A_137, %add3A_138 : i32
        %broadcast_in_dim3A = vector.broadcast %add3A_139 : i32 to vector<16xi32>
        %gather3A = tpu.vector_load_idx %arg11[%broadcast_in_dim3A] : memref<2048xf32, #tpu.memory_space<vmem>>[vector<16xi32>], vector<16xf32>,
        %get3A = arith.index_cast %add3A_135 : i32 to index
        %get3A_140 = arith.constant 0 : index
        %get3A_141 = tpu.vector_load %arg9[%get3A, %get3A_140] {strides = array<i32>} : memref<128x128xf32, #tpu.memory_space<vmem>>, vector<16xf32>,
        %mul3A_142 = arith.mulf %get3A_141, %gather3A : vector<16xf32>
        %swap3A = arith.index_cast %add3A_135 : i32 to index
        %swap3A_143 = arith.constant 0 : index
        %swap3A_144 = tpu.vector_load %arg10[%swap3A, %swap3A_143] {strides = array<i32>} : memref<128x128xf32, #tpu.memory_space<vmem>>, vector<16xf32>,
        tpu.vector_store %arg10[%swap3A, %swap3A_143], %mul3A_142 {strides = array<i32>} : memref<128x128xf32, #tpu.memory_space<vmem>>, vector<16xf32>,
        %mul3A_145 = arith.constant 16 : i32
        %mul3A_146 = arith.muli %add3A_135, %mul3A_145 : i32
        %add3A_147 = arith.constant 1 : i32
        %add3A_148 = arith.addi %mul3A_146, %add3A_147 : i32
        %broadcast_in_dim3A_149 = vector.broadcast %add3A_148 : i32 to vector<16xi32>
        %gather3A_150 = tpu.vector_load_idx %arg11[%broadcast_in_dim3A_149] : memref<2048xf32, #tpu.memory_space<vmem>>[vector<16xi32>], vector<16xf32>,
        %get3A_151 = arith.index_cast %add3A_135 : i32 to index
        %get3A_152 = arith.constant 16 : index
        %get3A_153 = tpu.vector_load %arg9[%get3A_151, %get3A_152] {strides = array<i32>} : memref<128x128xf32, #tpu.memory_space<vmem>>, vector<16xf32>,
        %mul3A_154 = arith.mulf %get3A_153, %gather3A_150 : vector<16xf32>
        %swap3A_155 = arith.index_cast %add3A_135 : i32 to index
        %swap3A_156 = arith.constant 16 : index
        %swap3A_157 = tpu.vector_load %arg10[%swap3A_155, %swap3A_156] {strides = array<i32>} : memref<128x128xf32, #tpu.memory_space<vmem>>, vector<16xf32>,
        tpu.vector_store %arg10[%swap3A_155, %swap3A_156], %mul3A_154 {strides = array<i32>} : memref<128x128xf32, #tpu.memory_space<vmem>>, vector<16xf32>,
        %mul3A_158 = arith.constant 16 : i32
        %mul3A_159 = arith.muli %add3A_135, %mul3A_158 : i32
        %add3A_160 = arith.constant 2 : i32
        %add3A_161 = arith.addi %mul3A_159, %add3A_160 : i32
        %broadcast_in_dim3A_162 = vector.broadcast %add3A_161 : i32 to vector<16xi32>
        %gather3A_163 = tpu.vector_load_idx %arg11[%broadcast_in_dim3A_162] : memref<2048xf32, #tpu.memory_space<vmem>>[vector<16xi32>], vector<16xf32>,
        %get3A_164 = arith.index_cast %add3A_135 : i32 to index
        %get3A_165 = arith.constant 32 : index
        %get3A_166 = tpu.vector_load %arg9[%get3A_164, %get3A_165] {strides = array<i32>} : memref<128x128xf32, #tpu.memory_space<vmem>>, vector<16xf32>,
        %mul3A_167 = arith.mulf %get3A_166, %gather3A_163 : vector<16xf32>
        %swap3A_168 = arith.index_cast %add3A_135 : i32 to index
        %swap3A_169 = arith.constant 32 : index
        %swap3A_170 = tpu.vector_load %arg10[%swap3A_168, %swap3A_169] {strides = array<i32>} : memref<128x128xf32, #tpu.memory_space<vmem>>, vector<16xf32>,
        tpu.vector_store %arg10[%swap3A_168, %swap3A_169], %mul3A_167 {strides = array<i32>} : memref<128x128xf32, #tpu.memory_space<vmem>>, vector<16xf32>,
        %mul3A_171 = arith.constant 16 : i32
        %mul3A_172 = arith.muli %add3A_135, %mul3A_171 : i32
        %add3A_173 = arith.constant 3 : i32
        %add3A_174 = arith.addi %mul3A_172, %add3A_173 : i32
        %broadcast_in_dim3A_175 = vector.broadcast %add3A_174 : i32 to vector<16xi32>
        %gather3A_176 = tpu.vector_load_idx %arg11[%broadcast_in_dim3A_175] : memref<2048xf32, #tpu.memory_space<vmem>>[vector<16xi32>], vector<16xf32>,
        %get3A_177 = arith.index_cast %add3A_135 : i32 to index
        %get3A_178 = arith.constant 48 : index
        %get3A_179 = tpu.vector_load %arg9[%get3A_177, %get3A_178] {strides = array<i32>} : memref<128x128xf32, #tpu.memory_space<vmem>>, vector<16xf32>,
        %mul3A_180 = arith.mulf %get3A_179, %gather3A_176 : vector<16xf32>
        %swap3A_181 = arith.index_cast %add3A_135 : i32 to index
        %swap3A_182 = arith.constant 48 : index
        %swap3A_183 = tpu.vector_load %arg10[%swap3A_181, %swap3A_182] {strides = array<i32>} : memref<128x128xf32, #tpu.memory_space<vmem>>, vector<16xf32>,
        tpu.vector_store %arg10[%swap3A_181, %swap3A_182], %mul3A_180 {strides = array<i32>} : memref<128x128xf32, #tpu.memory_space<vmem>>, vector<16xf32>,
        %mul3A_184 = arith.constant 16 : i32
        %mul3A_185 = arith.muli %add3A_135, %mul3A_184 : i32
        %add3A_186 = arith.constant 4 : i32
        %add3A_187 = arith.addi %mul3A_185, %add3A_186 : i32
        %broadcast_in_dim3A_188 = vector.broadcast %add3A_187 : i32 to vector<16xi32>
        %gather3A_189 = tpu.vector_load_idx %arg11[%broadcast_in_dim3A_188] : memref<2048xf32, #tpu.memory_space<vmem>>[vector<16xi32>], vector<16xf32>,
        %get3A_190 = arith.index_cast %add3A_135 : i32 to index
        %get3A_191 = arith.constant 64 : index
        %get3A_192 = tpu.vector_load %arg9[%get3A_190, %get3A_191] {strides = array<i32>} : memref<128x128xf32, #tpu.memory_space<vmem>>, vector<16xf32>,
        %mul3A_193 = arith.mulf %get3A_192, %gather3A_189 : vector<16xf32>
        %swap3A_194 = arith.index_cast %add3A_135 : i32 to index
        %swap3A_195 = arith.constant 64 : index
        %swap3A_196 = tpu.vector_load %arg10[%swap3A_194, %swap3A_195] {strides = array<i32>} : memref<128x128xf32, #tpu.memory_space<vmem>>, vector<16xf32>,
        tpu.vector_store %arg10[%swap3A_194, %swap3A_195], %mul3A_193 {strides = array<i32>} : memref<128x128xf32, #tpu.memory_space<vmem>>, vector<16xf32>,
        %mul3A_197 = arith.constant 16 : i32
        %mul3A_198 = arith.muli %add3A_135, %mul3A_197 : i32
        %add3A_199 = arith.constant 5 : i32
        %add3A_200 = arith.addi %mul3A_198, %add3A_199 : i32
        %broadcast_in_dim3A_201 = vector.broadcast %add3A_200 : i32 to vector<16xi32>
        %gather3A_202 = tpu.vector_load_idx %arg11[%broadcast_in_dim3A_201] : memref<2048xf32, #tpu.memory_space<vmem>>[vector<16xi32>], vector<16xf32>,
        %get3A_203 = arith.index_cast %add3A_135 : i32 to index
        %get3A_204 = arith.constant 80 : index
        %get3A_205 = tpu.vector_load %arg9[%get3A_203, %get3A_204] {strides = array<i32>} : memref<128x128xf32, #tpu.memory_space<vmem>>, vector<16xf32>,
        %mul3A_206 = arith.mulf %get3A_205, %gather3A_202 : vector<16xf32>
        %swap3A_207 = arith.index_cast %add3A_135 : i32 to index
        %swap3A_208 = arith.constant 80 : index
        %swap3A_209 = tpu.vector_load %arg10[%swap3A_207, %swap3A_208] {strides = array<i32>} : memref<128x128xf32, #tpu.memory_space<vmem>>, vector<16xf32>,
        tpu.vector_store %arg10[%swap3A_207, %swap3A_208], %mul3A_206 {strides = array<i32>} : memref<128x128xf32, #tpu.memory_space<vmem>>, vector<16xf32>,
        %mul3A_210 = arith.constant 16 : i32
        %mul3A_211 = arith.muli %add3A_135, %mul3A_210 : i32
        %add3A_212 = arith.constant 6 : i32
        %add3A_213 = arith.addi %mul3A_211, %add3A_212 : i32
        %broadcast_in_dim3A_214 = vector.broadcast %add3A_213 : i32 to vector<16xi32>
        %gather3A_215 = tpu.vector_load_idx %arg11[%broadcast_in_dim3A_214] : memref<2048xf32, #tpu.memory_space<vmem>>[vector<16xi32>], vector<16xf32>,
        %get3A_216 = arith.index_cast %add3A_135 : i32 to index
        %get3A_217 = arith.constant 96 : index
        %get3A_218 = tpu.vector_load %arg9[%get3A_216, %get3A_217] {strides = array<i32>} : memref<128x128xf32, #tpu.memory_space<vmem>>, vector<16xf32>,
        %mul3A_219 = arith.mulf %get3A_218, %gather3A_215 : vector<16xf32>
        %swap3A_220 = arith.index_cast %add3A_135 : i32 to index
        %swap3A_221 = arith.constant 96 : index
        %swap3A_222 = tpu.vector_load %arg10[%swap3A_220, %swap3A_221] {strides = array<i32>} : memref<128x128xf32, #tpu.memory_space<vmem>>, vector<16xf32>,
        tpu.vector_store %arg10[%swap3A_220, %swap3A_221], %mul3A_219 {strides = array<i32>} : memref<128x128xf32, #tpu.memory_space<vmem>>, vector<16xf32>,
        %mul3A_223 = arith.constant 16 : i32
        %mul3A_224 = arith.muli %add3A_135, %mul3A_223 : i32
        %add3A_225 = arith.constant 7 : i32
        %add3A_226 = arith.addi %mul3A_224, %add3A_225 : i32
        %broadcast_in_dim3A_227 = vector.broadcast %add3A_226 : i32 to vector<16xi32>
        %gather3A_228 = tpu.vector_load_idx %arg11[%broadcast_in_dim3A_227] : memref<2048xf32, #tpu.memory_space<vmem>>[vector<16xi32>], vector<16xf32>,
        %get3A_229 = arith.index_cast %add3A_135 : i32 to index
        %get3A_230 = arith.constant 112 : index
        %get3A_231 = tpu.vector_load %arg9[%get3A_229, %get3A_230] {strides = array<i32>} : memref<128x128xf32, #tpu.memory_space<vmem>>, vector<16xf32>,
        %mul3A_232 = arith.mulf %get3A_231, %gather3A_228 : vector<16xf32>
        %swap3A_233 = arith.index_cast %add3A_135 : i32 to index
        %swap3A_234 = arith.constant 112 : index
        %swap3A_235 = tpu.vector_load %arg10[%swap3A_233, %swap3A_234] {strides = array<i32>} : memref<128x128xf32, #tpu.memory_space<vmem>>, vector<16xf32>,
        tpu.vector_store %arg10[%swap3A_233, %swap3A_234], %mul3A_232 {strides = array<i32>} : memref<128x128xf32, #tpu.memory_space<vmem>>, vector<16xf32>,
        %mul3A_236 = arith.constant 4 : i32
        %mul3A_237 = arith.muli %scan3A_131, %mul3A_236 : i32
        %add3A_238 = arith.constant 1 : i32
        %add3A_239 = arith.addi %mul3A_237, %add3A_238 : i32
        %mul3A_240 = arith.constant 16 : i32
        %mul3A_241 = arith.muli %add3A_239, %mul3A_240 : i32
        %add3A_242 = arith.constant 0 : i32
        %add3A_243 = arith.addi %mul3A_241, %add3A_242 : i32
        %broadcast_in_dim3A_244 = vector.broadcast %add3A_243 : i32 to vector<16xi32>
        %gather3A_245 = tpu.vector_load_idx %arg11[%broadcast_in_dim3A_244] : memref<2048xf32, #tpu.memory_space<vmem>>[vector<16xi32>], vector<16xf32>,
        %get3A_246 = arith.index_cast %add3A_239 : i32 to index
        %get3A_247 = arith.constant 0 : index
        %get3A_248 = tpu.vector_load %arg9[%get3A_246, %get3A_247] {strides = array<i32>} : memref<128x128xf32, #tpu.memory_space<vmem>>, vector<16xf32>,
        %mul3A_249 = arith.mulf %get3A_248, %gather3A_245 : vector<16xf32>
        %swap3A_250 = arith.index_cast %add3A_239 : i32 to index
        %swap3A_251 = arith.constant 0 : index
        %swap3A_252 = tpu.vector_load %arg10[%swap3A_250, %swap3A_251] {strides = array<i32>} : memref<128x128xf32, #tpu.memory_space<vmem>>, vector<16xf32>,
        tpu.vector_store %arg10[%swap3A_250, %swap3A_251], %mul3A_249 {strides = array<i32>} : memref<128x128xf32, #tpu.memory_space<vmem>>, vector<16xf32>,
        %mul3A_253 = arith.constant 16 : i32
        %mul3A_254 = arith.muli %add3A_239, %mul3A_253 : i32
        %add3A_255 = arith.constant 1 : i32
        %add3A_256 = arith.addi %mul3A_254, %add3A_255 : i32
        %broadcast_in_dim3A_257 = vector.broadcast %add3A_256 : i32 to vector<16xi32>
        %gather3A_258 = tpu.vector_load_idx %arg11[%broadcast_in_dim3A_257] : memref<2048xf32, #tpu.memory_space<vmem>>[vector<16xi32>], vector<16xf32>,
        %get3A_259 = arith.index_cast %add3A_239 : i32 to index
        %get3A_260 = arith.constant 16 : index
        %get3A_261 = tpu.vector_load %arg9[%get3A_259, %get3A_260] {strides = array<i32>} : memref<128x128xf32, #tpu.memory_space<vmem>>, vector<16xf32>,
        %mul3A_262 = arith.mulf %get3A_261, %gather3A_258 : vector<16xf32>
        %swap3A_263 = arith.index_cast %add3A_239 : i32 to index
        %swap3A_264 = arith.constant 16 : index
        %swap3A_265 = tpu.vector_load %arg10[%swap3A_263, %swap3A_264] {strides = array<i32>} : memref<128x128xf32, #tpu.memory_space<vmem>>, vector<16xf32>,
        tpu.vector_store %arg10[%swap3A_263, %swap3A_264], %mul3A_262 {strides = array<i32>} : memref<128x128xf32, #tpu.memory_space<vmem>>, vector<16xf32>,
        %mul3A_266 = arith.constant 16 : i32
        %mul3A_267 = arith.muli %add3A_239, %mul3A_266 : i32
        %add3A_268 = arith.constant 2 : i32
        %add3A_269 = arith.addi %mul3A_267, %add3A_268 : i32
        %broadcast_in_dim3A_270 = vector.broadcast %add3A_269 : i32 to vector<16xi32>
        %gather3A_271 = tpu.vector_load_idx %arg11[%broadcast_in_dim3A_270] : memref<2048xf32, #tpu.memory_space<vmem>>[vector<16xi32>], vector<16xf32>,
        %get3A_272 = arith.index_cast %add3A_239 : i32 to index
        %get3A_273 = arith.constant 32 : index
        %get3A_274 = tpu.vector_load %arg9[%get3A_272, %get3A_273] {strides = array<i32>} : memref<128x128xf32, #tpu.memory_space<vmem>>, vector<16xf32>,
        %mul3A_275 = arith.mulf %get3A_274, %gather3A_271 : vector<16xf32>
        %swap3A_276 = arith.index_cast %add3A_239 : i32 to index
        %swap3A_277 = arith.constant 32 : index
        %swap3A_278 = tpu.vector_load %arg10[%swap3A_276, %swap3A_277] {strides = array<i32>} : memref<128x128xf32, #tpu.memory_space<vmem>>, vector<16xf32>,
        tpu.vector_store %arg10[%swap3A_276, %swap3A_277], %mul3A_275 {strides = array<i32>} : memref<128x128xf32, #tpu.memory_space<vmem>>, vector<16xf32>,
        %mul3A_279 = arith.constant 16 : i32
        %mul3A_280 = arith.muli %add3A_239, %mul3A_279 : i32
        %add3A_281 = arith.constant 3 : i32
        %add3A_282 = arith.addi %mul3A_280, %add3A_281 : i32
        %broadcast_in_dim3A_283 = vector.broadcast %add3A_282 : i32 to vector<16xi32>
        %gather3A_284 = tpu.vector_load_idx %arg11[%broadcast_in_dim3A_283] : memref<2048xf32, #tpu.memory_space<vmem>>[vector<16xi32>], vector<16xf32>,
        %get3A_285 = arith.index_cast %add3A_239 : i32 to index
        %get3A_286 = arith.constant 48 : index
        %get3A_287 = tpu.vector_load %arg9[%get3A_285, %get3A_286] {strides = array<i32>} : memref<128x128xf32, #tpu.memory_space<vmem>>, vector<16xf32>,
        %mul3A_288 = arith.mulf %get3A_287, %gather3A_284 : vector<16xf32>
        %swap3A_289 = arith.index_cast %add3A_239 : i32 to index
        %swap3A_290 = arith.constant 48 : index
        %swap3A_291 = tpu.vector_load %arg10[%swap3A_289, %swap3A_290] {strides = array<i32>} : memref<128x128xf32, #tpu.memory_space<vmem>>, vector<16xf32>,
        tpu.vector_store %arg10[%swap3A_289, %swap3A_290], %mul3A_288 {strides = array<i32>} : memref<128x128xf32, #tpu.memory_space<vmem>>, vector<16xf32>,
        %mul3A_292 = arith.constant 16 : i32
        %mul3A_293 = arith.muli %add3A_239, %mul3A_292 : i32
        %add3A_294 = arith.constant 4 : i32
        %add3A_295 = arith.addi %mul3A_293, %add3A_294 : i32
        %broadcast_in_dim3A_296 = vector.broadcast %add3A_295 : i32 to vector<16xi32>
        %gather3A_297 = tpu.vector_load_idx %arg11[%broadcast_in_dim3A_296] : memref<2048xf32, #tpu.memory_space<vmem>>[vector<16xi32>], vector<16xf32>,
        %get3A_298 = arith.index_cast %add3A_239 : i32 to index
        %get3A_299 = arith.constant 64 : index
        %get3A_300 = tpu.vector_load %arg9[%get3A_298, %get3A_299] {strides = array<i32>} : memref<128x128xf32, #tpu.memory_space<vmem>>, vector<16xf32>,
        %mul3A_301 = arith.mulf %get3A_300, %gather3A_297 : vector<16xf32>
        %swap3A_302 = arith.index_cast %add3A_239 : i32 to index
        %swap3A_303 = arith.constant 64 : index
        %swap3A_304 = tpu.vector_load %arg10[%swap3A_302, %swap3A_303] {strides = array<i32>} : memref<128x128xf32, #tpu.memory_space<vmem>>, vector<16xf32>,
        tpu.vector_store %arg10[%swap3A_302, %swap3A_303], %mul3A_301 {strides = array<i32>} : memref<128x128xf32, #tpu.memory_space<vmem>>, vector<16xf32>,
        %mul3A_305 = arith.constant 16 : i32
        %mul3A_306 = arith.muli %add3A_239, %mul3A_305 : i32
        %add3A_307 = arith.constant 5 : i32
        %add3A_308 = arith.addi %mul3A_306, %add3A_307 : i32
        %broadcast_in_dim3A_309 = vector.broadcast %add3A_308 : i32 to vector<16xi32>
        %gather3A_310 = tpu.vector_load_idx %arg11[%broadcast_in_dim3A_309] : memref<2048xf32, #tpu.memory_space<vmem>>[vector<16xi32>], vector<16xf32>,
        %get3A_311 = arith.index_cast %add3A_239 : i32 to index
        %get3A_312 = arith.constant 80 : index
        %get3A_313 = tpu.vector_load %arg9[%get3A_311, %get3A_312] {strides = array<i32>} : memref<128x128xf32, #tpu.memory_space<vmem>>, vector<16xf32>,
        %mul3A_314 = arith.mulf %get3A_313, %gather3A_310 : vector<16xf32>
        %swap3A_315 = arith.index_cast %add3A_239 : i32 to index
        %swap3A_316 = arith.constant 80 : index
        %swap3A_317 = tpu.vector_load %arg10[%swap3A_315, %swap3A_316] {strides = array<i32>} : memref<128x128xf32, #tpu.memory_space<vmem>>, vector<16xf32>,
        tpu.vector_store %arg10[%swap3A_315, %swap3A_316], %mul3A_314 {strides = array<i32>} : memref<128x128xf32, #tpu.memory_space<vmem>>, vector<16xf32>,
        %mul3A_318 = arith.constant 16 : i32
        %mul3A_319 = arith.muli %add3A_239, %mul3A_318 : i32
        %add3A_320 = arith.constant 6 : i32
        %add3A_321 = arith.addi %mul3A_319, %add3A_320 : i32
        %broadcast_in_dim3A_322 = vector.broadcast %add3A_321 : i32 to vector<16xi32>
        %gather3A_323 = tpu.vector_load_idx %arg11[%broadcast_in_dim3A_322] : memref<2048xf32, #tpu.memory_space<vmem>>[vector<16xi32>], vector<16xf32>,
        %get3A_324 = arith.index_cast %add3A_239 : i32 to index
        %get3A_325 = arith.constant 96 : index
        %get3A_326 = tpu.vector_load %arg9[%get3A_324, %get3A_325] {strides = array<i32>} : memref<128x128xf32, #tpu.memory_space<vmem>>, vector<16xf32>,
        %mul3A_327 = arith.mulf %get3A_326, %gather3A_323 : vector<16xf32>
        %swap3A_328 = arith.index_cast %add3A_239 : i32 to index
        %swap3A_329 = arith.constant 96 : index
        %swap3A_330 = tpu.vector_load %arg10[%swap3A_328, %swap3A_329] {strides = array<i32>} : memref<128x128xf32, #tpu.memory_space<vmem>>, vector<16xf32>,
        tpu.vector_store %arg10[%swap3A_328, %swap3A_329], %mul3A_327 {strides = array<i32>} : memref<128x128xf32, #tpu.memory_space<vmem>>, vector<16xf32>,
        %mul3A_331 = arith.constant 16 : i32
        %mul3A_332 = arith.muli %add3A_239, %mul3A_331 : i32
        %add3A_333 = arith.constant 7 : i32
        %add3A_334 = arith.addi %mul3A_332, %add3A_333 : i32
        %broadcast_in_dim3A_335 = vector.broadcast %add3A_334 : i32 to vector<16xi32>
        %gather3A_336 = tpu.vector_load_idx %arg11[%broadcast_in_dim3A_335] : memref<2048xf32, #tpu.memory_space<vmem>>[vector<16xi32>], vector<16xf32>,
        %get3A_337 = arith.index_cast %add3A_239 : i32 to index
        %get3A_338 = arith.constant 112 : index
        %get3A_339 = tpu.vector_load %arg9[%get3A_337, %get3A_338] {strides = array<i32>} : memref<128x128xf32, #tpu.memory_space<vmem>>, vector<16xf32>,
        %mul3A_340 = arith.mulf %get3A_339, %gather3A_336 : vector<16xf32>
        %swap3A_341 = arith.index_cast %add3A_239 : i32 to index
        %swap3A_342 = arith.constant 112 : index
        %swap3A_343 = tpu.vector_load %arg10[%swap3A_341, %swap3A_342] {strides = array<i32>} : memref<128x128xf32, #tpu.memory_space<vmem>>, vector<16xf32>,
        tpu.vector_store %arg10[%swap3A_341, %swap3A_342], %mul3A_340 {strides = array<i32>} : memref<128x128xf32, #tpu.memory_space<vmem>>, vector<16xf32>,
        %mul3A_344 = arith.constant 4 : i32
        %mul3A_345 = arith.muli %scan3A_131, %mul3A_344 : i32
        %add3A_346 = arith.constant 2 : i32
        %add3A_347 = arith.addi %mul3A_345, %add3A_346 : i32
        %mul3A_348 = arith.constant 16 : i32
        %mul3A_349 = arith.muli %add3A_347, %mul3A_348 : i32
        %add3A_350 = arith.constant 0 : i32
        %add3A_351 = arith.addi %mul3A_349, %add3A_350 : i32
        %broadcast_in_dim3A_352 = vector.broadcast %add3A_351 : i32 to vector<16xi32>
        %gather3A_353 = tpu.vector_load_idx %arg11[%broadcast_in_dim3A_352] : memref<2048xf32, #tpu.memory_space<vmem>>[vector<16xi32>], vector<16xf32>,
        %get3A_354 = arith.index_cast %add3A_347 : i32 to index
        %get3A_355 = arith.constant 0 : index
        %get3A_356 = tpu.vector_load %arg9[%get3A_354, %get3A_355] {strides = array<i32>} : memref<128x128xf32, #tpu.memory_space<vmem>>, vector<16xf32>,
        %mul3A_357 = arith.mulf %get3A_356, %gather3A_353 : vector<16xf32>
        %swap3A_358 = arith.index_cast %add3A_347 : i32 to index
        %swap3A_359 = arith.constant 0 : index
        %swap3A_360 = tpu.vector_load %arg10[%swap3A_358, %swap3A_359] {strides = array<i32>} : memref<128x128xf32, #tpu.memory_space<vmem>>, vector<16xf32>,
        tpu.vector_store %arg10[%swap3A_358, %swap3A_359], %mul3A_357 {strides = array<i32>} : memref<128x128xf32, #tpu.memory_space<vmem>>, vector<16xf32>,
        %mul3A_361 = arith.constant 16 : i32
        %mul3A_362 = arith.muli %add3A_347, %mul3A_361 : i32
        %add3A_363 = arith.constant 1 : i32
        %add3A_364 = arith.addi %mul3A_362, %add3A_363 : i32
        %broadcast_in_dim3A_365 = vector.broadcast %add3A_364 : i32 to vector<16xi32>
        %gather3A_366 = tpu.vector_load_idx %arg11[%broadcast_in_dim3A_365] : memref<2048xf32, #tpu.memory_space<vmem>>[vector<16xi32>], vector<16xf32>,
        %get3A_367 = arith.index_cast %add3A_347 : i32 to index
        %get3A_368 = arith.constant 16 : index
        %get3A_369 = tpu.vector_load %arg9[%get3A_367, %get3A_368] {strides = array<i32>} : memref<128x128xf32, #tpu.memory_space<vmem>>, vector<16xf32>,
        %mul3A_370 = arith.mulf %get3A_369, %gather3A_366 : vector<16xf32>
        %swap3A_371 = arith.index_cast %add3A_347 : i32 to index
        %swap3A_372 = arith.constant 16 : index
        %swap3A_373 = tpu.vector_load %arg10[%swap3A_371, %swap3A_372] {strides = array<i32>} : memref<128x128xf32, #tpu.memory_space<vmem>>, vector<16xf32>,
        tpu.vector_store %arg10[%swap3A_371, %swap3A_372], %mul3A_370 {strides = array<i32>} : memref<128x128xf32, #tpu.memory_space<vmem>>, vector<16xf32>,
        %mul3A_374 = arith.constant 16 : i32
        %mul3A_375 = arith.muli %add3A_347, %mul3A_374 : i32
        %add3A_376 = arith.constant 2 : i32
        %add3A_377 = arith.addi %mul3A_375, %add3A_376 : i32
        %broadcast_in_dim3A_378 = vector.broadcast %add3A_377 : i32 to vector<16xi32>
        %gather3A_379 = tpu.vector_load_idx %arg11[%broadcast_in_dim3A_378] : memref<2048xf32, #tpu.memory_space<vmem>>[vector<16xi32>], vector<16xf32>,
        %get3A_380 = arith.index_cast %add3A_347 : i32 to index
        %get3A_381 = arith.constant 32 : index
        %get3A_382 = tpu.vector_load %arg9[%get3A_380, %get3A_381] {strides = array<i32>} : memref<128x128xf32, #tpu.memory_space<vmem>>, vector<16xf32>,
        %mul3A_383 = arith.mulf %get3A_382, %gather3A_379 : vector<16xf32>
        %swap3A_384 = arith.index_cast %add3A_347 : i32 to index
        %swap3A_385 = arith.constant 32 : index
        %swap3A_386 = tpu.vector_load %arg10[%swap3A_384, %swap3A_385] {strides = array<i32>} : memref<128x128xf32, #tpu.memory_space<vmem>>, vector<16xf32>,
        tpu.vector_store %arg10[%swap3A_384, %swap3A_385], %mul3A_383 {strides = array<i32>} : memref<128x128xf32, #tpu.memory_space<vmem>>, vector<16xf32>,
        %mul3A_387 = arith.constant 16 : i32
        %mul3A_388 = arith.muli %add3A_347, %mul3A_387 : i32
        %add3A_389 = arith.constant 3 : i32
        %add3A_390 = arith.addi %mul3A_388, %add3A_389 : i32
        %broadcast_in_dim3A_391 = vector.broadcast %add3A_390 : i32 to vector<16xi32>
        %gather3A_392 = tpu.vector_load_idx %arg11[%broadcast_in_dim3A_391] : memref<2048xf32, #tpu.memory_space<vmem>>[vector<16xi32>], vector<16xf32>,
        %get3A_393 = arith.index_cast %add3A_347 : i32 to index
        %get3A_394 = arith.constant 48 : index
        %get3A_395 = tpu.vector_load %arg9[%get3A_393, %get3A_394] {strides = array<i32>} : memref<128x128xf32, #tpu.memory_space<vmem>>, vector<16xf32>,
        %mul3A_396 = arith.mulf %get3A_395, %gather3A_392 : vector<16xf32>
        %swap3A_397 = arith.index_cast %add3A_347 : i32 to index
        %swap3A_398 = arith.constant 48 : index
        %swap3A_399 = tpu.vector_load %arg10[%swap3A_397, %swap3A_398] {strides = array<i32>} : memref<128x128xf32, #tpu.memory_space<vmem>>, vector<16xf32>,
        tpu.vector_store %arg10[%swap3A_397, %swap3A_398], %mul3A_396 {strides = array<i32>} : memref<128x128xf32, #tpu.memory_space<vmem>>, vector<16xf32>,
        %mul3A_400 = arith.constant 16 : i32
        %mul3A_401 = arith.muli %add3A_347, %mul3A_400 : i32
        %add3A_402 = arith.constant 4 : i32
        %add3A_403 = arith.addi %mul3A_401, %add3A_402 : i32
        %broadcast_in_dim3A_404 = vector.broadcast %add3A_403 : i32 to vector<16xi32>
        %gather3A_405 = tpu.vector_load_idx %arg11[%broadcast_in_dim3A_404] : memref<2048xf32, #tpu.memory_space<vmem>>[vector<16xi32>], vector<16xf32>,
        %get3A_406 = arith.index_cast %add3A_347 : i32 to index
        %get3A_407 = arith.constant 64 : index
        %get3A_408 = tpu.vector_load %arg9[%get3A_406, %get3A_407] {strides = array<i32>} : memref<128x128xf32, #tpu.memory_space<vmem>>, vector<16xf32>,
        %mul3A_409 = arith.mulf %get3A_408, %gather3A_405 : vector<16xf32>
        %swap3A_410 = arith.index_cast %add3A_347 : i32 to index
        %swap3A_411 = arith.constant 64 : index
        %swap3A_412 = tpu.vector_load %arg10[%swap3A_410, %swap3A_411] {strides = array<i32>} : memref<128x128xf32, #tpu.memory_space<vmem>>, vector<16xf32>,
        tpu.vector_store %arg10[%swap3A_410, %swap3A_411], %mul3A_409 {strides = array<i32>} : memref<128x128xf32, #tpu.memory_space<vmem>>, vector<16xf32>,
        %mul3A_413 = arith.constant 16 : i32
        %mul3A_414 = arith.muli %add3A_347, %mul3A_413 : i32
        %add3A_415 = arith.constant 5 : i32
        %add3A_416 = arith.addi %mul3A_414, %add3A_415 : i32
        %broadcast_in_dim3A_417 = vector.broadcast %add3A_416 : i32 to vector<16xi32>
        %gather3A_418 = tpu.vector_load_idx %arg11[%broadcast_in_dim3A_417] : memref<2048xf32, #tpu.memory_space<vmem>>[vector<16xi32>], vector<16xf32>,
        %get3A_419 = arith.index_cast %add3A_347 : i32 to index
        %get3A_420 = arith.constant 80 : index
        %get3A_421 = tpu.vector_load %arg9[%get3A_419, %get3A_420] {strides = array<i32>} : memref<128x128xf32, #tpu.memory_space<vmem>>, vector<16xf32>,
        %mul3A_422 = arith.mulf %get3A_421, %gather3A_418 : vector<16xf32>
        %swap3A_423 = arith.index_cast %add3A_347 : i32 to index
        %swap3A_424 = arith.constant 80 : index
        %swap3A_425 = tpu.vector_load %arg10[%swap3A_423, %swap3A_424] {strides = array<i32>} : memref<128x128xf32, #tpu.memory_space<vmem>>, vector<16xf32>,
        tpu.vector_store %arg10[%swap3A_423, %swap3A_424], %mul3A_422 {strides = array<i32>} : memref<128x128xf32, #tpu.memory_space<vmem>>, vector<16xf32>,
        %mul3A_426 = arith.constant 16 : i32
        %mul3A_427 = arith.muli %add3A_347, %mul3A_426 : i32
        %add3A_428 = arith.constant 6 : i32
        %add3A_429 = arith.addi %mul3A_427, %add3A_428 : i32
        %broadcast_in_dim3A_430 = vector.broadcast %add3A_429 : i32 to vector<16xi32>
        %gather3A_431 = tpu.vector_load_idx %arg11[%broadcast_in_dim3A_430] : memref<2048xf32, #tpu.memory_space<vmem>>[vector<16xi32>], vector<16xf32>,
        %get3A_432 = arith.index_cast %add3A_347 : i32 to index
        %get3A_433 = arith.constant 96 : index
        %get3A_434 = tpu.vector_load %arg9[%get3A_432, %get3A_433] {strides = array<i32>} : memref<128x128xf32, #tpu.memory_space<vmem>>, vector<16xf32>,
        %mul3A_435 = arith.mulf %get3A_434, %gather3A_431 : vector<16xf32>
        %swap3A_436 = arith.index_cast %add3A_347 : i32 to index
        %swap3A_437 = arith.constant 96 : index
        %swap3A_438 = tpu.vector_load %arg10[%swap3A_436, %swap3A_437] {strides = array<i32>} : memref<128x128xf32, #tpu.memory_space<vmem>>, vector<16xf32>,
        tpu.vector_store %arg10[%swap3A_436, %swap3A_437], %mul3A_435 {strides = array<i32>} : memref<128x128xf32, #tpu.memory_space<vmem>>, vector<16xf32>,
        %mul3A_439 = arith.constant 16 : i32
        %mul3A_440 = arith.muli %add3A_347, %mul3A_439 : i32
        %add3A_441 = arith.constant 7 : i32
        %add3A_442 = arith.addi %mul3A_440, %add3A_441 : i32
        %broadcast_in_dim3A_443 = vector.broadcast %add3A_442 : i32 to vector<16xi32>
        %gather3A_444 = tpu.vector_load_idx %arg11[%broadcast_in_dim3A_443] : memref<2048xf32, #tpu.memory_space<vmem>>[vector<16xi32>], vector<16xf32>,
        %get3A_445 = arith.index_cast %add3A_347 : i32 to index
        %get3A_446 = arith.constant 112 : index
        %get3A_447 = tpu.vector_load %arg9[%get3A_445, %get3A_446] {strides = array<i32>} : memref<128x128xf32, #tpu.memory_space<vmem>>, vector<16xf32>,
        %mul3A_448 = arith.mulf %get3A_447, %gather3A_444 : vector<16xf32>
        %swap3A_449 = arith.index_cast %add3A_347 : i32 to index
        %swap3A_450 = arith.constant 112 : index
        %swap3A_451 = tpu.vector_load %arg10[%swap3A_449, %swap3A_450] {strides = array<i32>} : memref<128x128xf32, #tpu.memory_space<vmem>>, vector<16xf32>,
        tpu.vector_store %arg10[%swap3A_449, %swap3A_450], %mul3A_448 {strides = array<i32>} : memref<128x128xf32, #tpu.memory_space<vmem>>, vector<16xf32>,
        %mul3A_452 = arith.constant 4 : i32
        %mul3A_453 = arith.muli %scan3A_131, %mul3A_452 : i32
        %add3A_454 = arith.constant 3 : i32
        %add3A_455 = arith.addi %mul3A_453, %add3A_454 : i32
        %mul3A_456 = arith.constant 16 : i32
        %mul3A_457 = arith.muli %add3A_455, %mul3A_456 : i32
        %add3A_458 = arith.constant 0 : i32
        %add3A_459 = arith.addi %mul3A_457, %add3A_458 : i32
        %broadcast_in_dim3A_460 = vector.broadcast %add3A_459 : i32 to vector<16xi32>
        %gather3A_461 = tpu.vector_load_idx %arg11[%broadcast_in_dim3A_460] : memref<2048xf32, #tpu.memory_space<vmem>>[vector<16xi32>], vector<16xf32>,
        %get3A_462 = arith.index_cast %add3A_455 : i32 to index
        %get3A_463 = arith.constant 0 : index
        %get3A_464 = tpu.vector_load %arg9[%get3A_462, %get3A_463] {strides = array<i32>} : memref<128x128xf32, #tpu.memory_space<vmem>>, vector<16xf32>,
        %mul3A_465 = arith.mulf %get3A_464, %gather3A_461 : vector<16xf32>
        %swap3A_466 = arith.index_cast %add3A_455 : i32 to index
        %swap3A_467 = arith.constant 0 : index
        %swap3A_468 = tpu.vector_load %arg10[%swap3A_466, %swap3A_467] {strides = array<i32>} : memref<128x128xf32, #tpu.memory_space<vmem>>, vector<16xf32>,
        tpu.vector_store %arg10[%swap3A_466, %swap3A_467], %mul3A_465 {strides = array<i32>} : memref<128x128xf32, #tpu.memory_space<vmem>>, vector<16xf32>,
        %mul3A_469 = arith.constant 16 : i32
        %mul3A_470 = arith.muli %add3A_455, %mul3A_469 : i32
        %add3A_471 = arith.constant 1 : i32
        %add3A_472 = arith.addi %mul3A_470, %add3A_471 : i32
        %broadcast_in_dim3A_473 = vector.broadcast %add3A_472 : i32 to vector<16xi32>
        %gather3A_474 = tpu.vector_load_idx %arg11[%broadcast_in_dim3A_473] : memref<2048xf32, #tpu.memory_space<vmem>>[vector<16xi32>], vector<16xf32>,
        %get3A_475 = arith.index_cast %add3A_455 : i32 to index
        %get3A_476 = arith.constant 16 : index
        %get3A_477 = tpu.vector_load %arg9[%get3A_475, %get3A_476] {strides = array<i32>} : memref<128x128xf32, #tpu.memory_space<vmem>>, vector<16xf32>,
        %mul3A_478 = arith.mulf %get3A_477, %gather3A_474 : vector<16xf32>
        %swap3A_479 = arith.index_cast %add3A_455 : i32 to index
        %swap3A_480 = arith.constant 16 : index
        %swap3A_481 = tpu.vector_load %arg10[%swap3A_479, %swap3A_480] {strides = array<i32>} : memref<128x128xf32, #tpu.memory_space<vmem>>, vector<16xf32>,
        tpu.vector_store %arg10[%swap3A_479, %swap3A_480], %mul3A_478 {strides = array<i32>} : memref<128x128xf32, #tpu.memory_space<vmem>>, vector<16xf32>,
        %mul3A_482 = arith.constant 16 : i32
        %mul3A_483 = arith.muli %add3A_455, %mul3A_482 : i32
        %add3A_484 = arith.constant 2 : i32
        %add3A_485 = arith.addi %mul3A_483, %add3A_484 : i32
        %broadcast_in_dim3A_486 = vector.broadcast %add3A_485 : i32 to vector<16xi32>
        %gather3A_487 = tpu.vector_load_idx %arg11[%broadcast_in_dim3A_486] : memref<2048xf32, #tpu.memory_space<vmem>>[vector<16xi32>], vector<16xf32>,
        %get3A_488 = arith.index_cast %add3A_455 : i32 to index
        %get3A_489 = arith.constant 32 : index
        %get3A_490 = tpu.vector_load %arg9[%get3A_488, %get3A_489] {strides = array<i32>} : memref<128x128xf32, #tpu.memory_space<vmem>>, vector<16xf32>,
        %mul3A_491 = arith.mulf %get3A_490, %gather3A_487 : vector<16xf32>
        %swap3A_492 = arith.index_cast %add3A_455 : i32 to index
        %swap3A_493 = arith.constant 32 : index
        %swap3A_494 = tpu.vector_load %arg10[%swap3A_492, %swap3A_493] {strides = array<i32>} : memref<128x128xf32, #tpu.memory_space<vmem>>, vector<16xf32>,
        tpu.vector_store %arg10[%swap3A_492, %swap3A_493], %mul3A_491 {strides = array<i32>} : memref<128x128xf32, #tpu.memory_space<vmem>>, vector<16xf32>,
        %mul3A_495 = arith.constant 16 : i32
        %mul3A_496 = arith.muli %add3A_455, %mul3A_495 : i32
        %add3A_497 = arith.constant 3 : i32
        %add3A_498 = arith.addi %mul3A_496, %add3A_497 : i32
        %broadcast_in_dim3A_499 = vector.broadcast %add3A_498 : i32 to vector<16xi32>
        %gather3A_500 = tpu.vector_load_idx %arg11[%broadcast_in_dim3A_499] : memref<2048xf32, #tpu.memory_space<vmem>>[vector<16xi32>], vector<16xf32>,
        %get3A_501 = arith.index_cast %add3A_455 : i32 to index
        %get3A_502 = arith.constant 48 : index
        %get3A_503 = tpu.vector_load %arg9[%get3A_501, %get3A_502] {strides = array<i32>} : memref<128x128xf32, #tpu.memory_space<vmem>>, vector<16xf32>,
        %mul3A_504 = arith.mulf %get3A_503, %gather3A_500 : vector<16xf32>
        %swap3A_505 = arith.index_cast %add3A_455 : i32 to index
        %swap3A_506 = arith.constant 48 : index
        %swap3A_507 = tpu.vector_load %arg10[%swap3A_505, %swap3A_506] {strides = array<i32>} : memref<128x128xf32, #tpu.memory_space<vmem>>, vector<16xf32>,
        tpu.vector_store %arg10[%swap3A_505, %swap3A_506], %mul3A_504 {strides = array<i32>} : memref<128x128xf32, #tpu.memory_space<vmem>>, vector<16xf32>,
        %mul3A_508 = arith.constant 16 : i32
        %mul3A_509 = arith.muli %add3A_455, %mul3A_508 : i32
        %add3A_510 = arith.constant 4 : i32
        %add3A_511 = arith.addi %mul3A_509, %add3A_510 : i32
        %broadcast_in_dim3A_512 = vector.broadcast %add3A_511 : i32 to vector<16xi32>
        %gather3A_513 = tpu.vector_load_idx %arg11[%broadcast_in_dim3A_512] : memref<2048xf32, #tpu.memory_space<vmem>>[vector<16xi32>], vector<16xf32>,
        %get3A_514 = arith.index_cast %add3A_455 : i32 to index
        %get3A_515 = arith.constant 64 : index
        %get3A_516 = tpu.vector_load %arg9[%get3A_514, %get3A_515] {strides = array<i32>} : memref<128x128xf32, #tpu.memory_space<vmem>>, vector<16xf32>,
        %mul3A_517 = arith.mulf %get3A_516, %gather3A_513 : vector<16xf32>
        %swap3A_518 = arith.index_cast %add3A_455 : i32 to index
        %swap3A_519 = arith.constant 64 : index
        %swap3A_520 = tpu.vector_load %arg10[%swap3A_518, %swap3A_519] {strides = array<i32>} : memref<128x128xf32, #tpu.memory_space<vmem>>, vector<16xf32>,
        tpu.vector_store %arg10[%swap3A_518, %swap3A_519], %mul3A_517 {strides = array<i32>} : memref<128x128xf32, #tpu.memory_space<vmem>>, vector<16xf32>,
        %mul3A_521 = arith.constant 16 : i32
        %mul3A_522 = arith.muli %add3A_455, %mul3A_521 : i32
        %add3A_523 = arith.constant 5 : i32
        %add3A_524 = arith.addi %mul3A_522, %add3A_523 : i32
        %broadcast_in_dim3A_525 = vector.broadcast %add3A_524 : i32 to vector<16xi32>
        %gather3A_526 = tpu.vector_load_idx %arg11[%broadcast_in_dim3A_525] : memref<2048xf32, #tpu.memory_space<vmem>>[vector<16xi32>], vector<16xf32>,
        %get3A_527 = arith.index_cast %add3A_455 : i32 to index
        %get3A_528 = arith.constant 80 : index
        %get3A_529 = tpu.vector_load %arg9[%get3A_527, %get3A_528] {strides = array<i32>} : memref<128x128xf32, #tpu.memory_space<vmem>>, vector<16xf32>,
        %mul3A_530 = arith.mulf %get3A_529, %gather3A_526 : vector<16xf32>
        %swap3A_531 = arith.index_cast %add3A_455 : i32 to index
        %swap3A_532 = arith.constant 80 : index
        %swap3A_533 = tpu.vector_load %arg10[%swap3A_531, %swap3A_532] {strides = array<i32>} : memref<128x128xf32, #tpu.memory_space<vmem>>, vector<16xf32>,
        tpu.vector_store %arg10[%swap3A_531, %swap3A_532], %mul3A_530 {strides = array<i32>} : memref<128x128xf32, #tpu.memory_space<vmem>>, vector<16xf32>,
        %mul3A_534 = arith.constant 16 : i32
        %mul3A_535 = arith.muli %add3A_455, %mul3A_534 : i32
        %add3A_536 = arith.constant 6 : i32
        %add3A_537 = arith.addi %mul3A_535, %add3A_536 : i32
        %broadcast_in_dim3A_538 = vector.broadcast %add3A_537 : i32 to vector<16xi32>
        %gather3A_539 = tpu.vector_load_idx %arg11[%broadcast_in_dim3A_538] : memref<2048xf32, #tpu.memory_space<vmem>>[vector<16xi32>], vector<16xf32>,
        %get3A_540 = arith.index_cast %add3A_455 : i32 to index
        %get3A_541 = arith.constant 96 : index
        %get3A_542 = tpu.vector_load %arg9[%get3A_540, %get3A_541] {strides = array<i32>} : memref<128x128xf32, #tpu.memory_space<vmem>>, vector<16xf32>,
        %mul3A_543 = arith.mulf %get3A_542, %gather3A_539 : vector<16xf32>
        %swap3A_544 = arith.index_cast %add3A_455 : i32 to index
        %swap3A_545 = arith.constant 96 : index
        %swap3A_546 = tpu.vector_load %arg10[%swap3A_544, %swap3A_545] {strides = array<i32>} : memref<128x128xf32, #tpu.memory_space<vmem>>, vector<16xf32>,
        tpu.vector_store %arg10[%swap3A_544, %swap3A_545], %mul3A_543 {strides = array<i32>} : memref<128x128xf32, #tpu.memory_space<vmem>>, vector<16xf32>,
        %mul3A_547 = arith.constant 16 : i32
        %mul3A_548 = arith.muli %add3A_455, %mul3A_547 : i32
        %add3A_549 = arith.constant 7 : i32
        %add3A_550 = arith.addi %mul3A_548, %add3A_549 : i32
        %broadcast_in_dim3A_551 = vector.broadcast %add3A_550 : i32 to vector<16xi32>
        %gather3A_552 = tpu.vector_load_idx %arg11[%broadcast_in_dim3A_551] : memref<2048xf32, #tpu.memory_space<vmem>>[vector<16xi32>], vector<16xf32>,
        %get3A_553 = arith.index_cast %add3A_455 : i32 to index
        %get3A_554 = arith.constant 112 : index
        %get3A_555 = tpu.vector_load %arg9[%get3A_553, %get3A_554] {strides = array<i32>} : memref<128x128xf32, #tpu.memory_space<vmem>>, vector<16xf32>,
        %mul3A_556 = arith.mulf %get3A_555, %gather3A_552 : vector<16xf32>
        %swap3A_557 = arith.index_cast %add3A_455 : i32 to index
        %swap3A_558 = arith.constant 112 : index
        %swap3A_559 = tpu.vector_load %arg10[%swap3A_557, %swap3A_558] {strides = array<i32>} : memref<128x128xf32, #tpu.memory_space<vmem>>, vector<16xf32>,
        tpu.vector_store %arg10[%swap3A_557, %swap3A_558], %mul3A_556 {strides = array<i32>} : memref<128x128xf32, #tpu.memory_space<vmem>>, vector<16xf32>,
      }
      %scan3A_130 = arith.constant 32 : i32
      "tpu.region"() ({
        %run_scoped3A = tpu.sem_alloc : memref<!tpu.dma_semaphore, #tpu.memory_space<semaphore_mem>>
        %dma_start3A_131 = arith.constant 0 : i32
        %dma_start3A_132 = arith.constant 0 : i32
        %dma_start3A_133 = tpu.memref_slice %arg14[%dma_start3A_131, %dma_start3A_132] : memref<10000x128xf32, #tpu.memory_space<vmem_shared>> -> memref<10000x128xf32, #tpu.memory_space<vmem_shared>>
        tpu.enqueue_indirect_dma source(%arg10 : memref<128x128xf32, #tpu.memory_space<vmem>>) target(%dma_start3A_133 : memref<10000x128xf32, #tpu.memory_space<vmem_shared>>) offsets(%arg8 : memref<128xi32, #tpu.memory_space<vmem>>) semaphore(%run_scoped3A : memref<!tpu.dma_semaphore, #tpu.memory_space<semaphore_mem>>) {add = true}
        %dma_wait3A_134 = arith.constant 0 : i32
        %dma_wait3A_135 = arith.constant 0 : i32
        %dma_wait3A_136 = tpu.memref_slice %arg14[%dma_wait3A_134, %dma_wait3A_135] : memref<10000x128xf32, #tpu.memory_space<vmem_shared>> -> memref<10000x128xf32, #tpu.memory_space<vmem_shared>>
        tpu.wait_indirect_dma semaphore(%run_scoped3A : memref<!tpu.dma_semaphore, #tpu.memory_space<semaphore_mem>>) src(%arg10 : memref<128x128xf32, #tpu.memory_space<vmem>>) dst(%dma_wait3A_136 : memref<10000x128xf32, #tpu.memory_space<vmem_shared>>)
        tpu.yield
      }) : () -> ()
    }
    %while3A_76 = arith.constant 1 : i32
    scf.for %while3A_85 = %while3A_74 to %while3A_70 step %while3A_76  : i32 {
      %mul3A_86 = arith.constant 32 : i32
      %mul3A_87 = arith.muli %while3A_85, %mul3A_86 : i32
      %add3A_88 = arith.addi %add3A, %mul3A_87 : i32
      %mul3A_89 = arith.constant 128 : i32
      %mul3A_90 = arith.muli %add3A_88, %mul3A_89 : i32
      %dma_start3A = arith.constant 0 : i32
      %dma_start3A_91 = arith.constant 0 : i32
      %dma_start3A_92 = tpu.memref_slice %arg3[%dma_start3A, %dma_start3A_91, %mul3A_90] : memref<2x1x320000xi32, #tpu.memory_space<hbm>> -> memref<1x1x128xi32, #tpu.memory_space<hbm>>
      %dma_start3A_93 = tpu.memref_squeeze %dma_start3A_92 : memref<1x1x128xi32, #tpu.memory_space<hbm>> -> memref<128xi32, #tpu.memory_space<hbm>>
      %dma_start3A_94 = tpu.memref_slice %arg3[%dma_start3A, %dma_start3A_91, %mul3A_90] : memref<2x1x320000xi32, #tpu.memory_space<hbm>> -> memref<1x1x128xi32, #tpu.memory_space<hbm>>
      %dma_start3A_95 = tpu.memref_squeeze %dma_start3A_94 : memref<1x1x128xi32, #tpu.memory_space<hbm>> -> memref<128xi32, #tpu.memory_space<hbm>>
      tpu.enqueue_dma source(%dma_start3A_95 : memref<128xi32, #tpu.memory_space<hbm>>) target(%arg7 : memref<128xi32, #tpu.memory_space<vmem>>) target_semaphore(%arg15 : memref<!tpu.dma_semaphore, #tpu.memory_space<semaphore_mem>>)
      %dma_start3A_96 = arith.constant 1 : i32
      %dma_start3A_97 = arith.constant 0 : i32
      %dma_start3A_98 = tpu.memref_slice %arg3[%dma_start3A_96, %dma_start3A_97, %mul3A_90] : memref<2x1x320000xi32, #tpu.memory_space<hbm>> -> memref<1x1x128xi32, #tpu.memory_space<hbm>>
      %dma_start3A_99 = tpu.memref_squeeze %dma_start3A_98 : memref<1x1x128xi32, #tpu.memory_space<hbm>> -> memref<128xi32, #tpu.memory_space<hbm>>
      %dma_start3A_100 = tpu.memref_slice %arg3[%dma_start3A_96, %dma_start3A_97, %mul3A_90] : memref<2x1x320000xi32, #tpu.memory_space<hbm>> -> memref<1x1x128xi32, #tpu.memory_space<hbm>>
      %dma_start3A_101 = tpu.memref_squeeze %dma_start3A_100 : memref<1x1x128xi32, #tpu.memory_space<hbm>> -> memref<128xi32, #tpu.memory_space<hbm>>
      tpu.enqueue_dma source(%dma_start3A_101 : memref<128xi32, #tpu.memory_space<hbm>>) target(%arg8 : memref<128xi32, #tpu.memory_space<vmem>>) target_semaphore(%arg15 : memref<!tpu.dma_semaphore, #tpu.memory_space<semaphore_mem>>)
      %mul3A_102 = arith.constant 16 : i32
      %mul3A_103 = arith.muli %mul3A_90, %mul3A_102 : i32
      %dma_start3A_104 = tpu.memref_slice %arg4[%mul3A_103] : memref<5120000xf32, #tpu.memory_space<hbm>> -> memref<2048xf32, #tpu.memory_space<hbm>>
      %dma_start3A_105 = tpu.memref_slice %arg4[%mul3A_103] : memref<5120000xf32, #tpu.memory_space<hbm>> -> memref<2048xf32, #tpu.memory_space<hbm>>
      tpu.enqueue_dma source(%dma_start3A_105 : memref<2048xf32, #tpu.memory_space<hbm>>) target(%arg11 : memref<2048xf32, #tpu.memory_space<vmem>>) target_semaphore(%arg15 : memref<!tpu.dma_semaphore, #tpu.memory_space<semaphore_mem>>)
      %dma_wait3A = arith.constant 0 : i32
      %dma_wait3A_106 = arith.constant 0 : i32
      %dma_wait3A_107 = tpu.memref_slice %arg3[%dma_wait3A, %dma_wait3A_106, %mul3A_90] : memref<2x1x320000xi32, #tpu.memory_space<hbm>> -> memref<1x1x128xi32, #tpu.memory_space<hbm>>
      %dma_wait3A_108 = tpu.memref_squeeze %dma_wait3A_107 : memref<1x1x128xi32, #tpu.memory_space<hbm>> -> memref<128xi32, #tpu.memory_space<hbm>>
      %dma_wait3A_109 = tpu.memref_slice %arg3[%dma_wait3A, %dma_wait3A_106, %mul3A_90] : memref<2x1x320000xi32, #tpu.memory_space<hbm>> -> memref<1x1x128xi32, #tpu.memory_space<hbm>>
      %dma_wait3A_110 = tpu.memref_squeeze %dma_wait3A_109 : memref<1x1x128xi32, #tpu.memory_space<hbm>> -> memref<128xi32, #tpu.memory_space<hbm>>
      tpu.wait_dma2 semaphore(%arg15 : memref<!tpu.dma_semaphore, #tpu.memory_space<semaphore_mem>>) src(%dma_wait3A_110 : memref<128xi32, #tpu.memory_space<hbm>>) dst(%arg7 : memref<128xi32, #tpu.memory_space<vmem>>)
      %dma_wait3A_111 = arith.constant 1 : i32
      %dma_wait3A_112 = arith.constant 0 : i32
      %dma_wait3A_113 = tpu.memref_slice %arg3[%dma_wait3A_111, %dma_wait3A_112, %mul3A_90] : memref<2x1x320000xi32, #tpu.memory_space<hbm>> -> memref<1x1x128xi32, #tpu.memory_space<hbm>>
      %dma_wait3A_114 = tpu.memref_squeeze %dma_wait3A_113 : memref<1x1x128xi32, #tpu.memory_space<hbm>> -> memref<128xi32, #tpu.memory_space<hbm>>
      %dma_wait3A_115 = tpu.memref_slice %arg3[%dma_wait3A_111, %dma_wait3A_112, %mul3A_90] : memref<2x1x320000xi32, #tpu.memory_space<hbm>> -> memref<1x1x128xi32, #tpu.memory_space<hbm>>
      %dma_wait3A_116 = tpu.memref_squeeze %dma_wait3A_115 : memref<1x1x128xi32, #tpu.memory_space<hbm>> -> memref<128xi32, #tpu.memory_space<hbm>>
      tpu.wait_dma2 semaphore(%arg15 : memref<!tpu.dma_semaphore, #tpu.memory_space<semaphore_mem>>) src(%dma_wait3A_116 : memref<128xi32, #tpu.memory_space<hbm>>) dst(%arg8 : memref<128xi32, #tpu.memory_space<vmem>>)
      %dma_start3A_117 = arith.constant 0 : i32
      %dma_start3A_118 = arith.constant 0 : i32
      %dma_start3A_119 = tpu.memref_slice %arg2[%dma_start3A_117, %dma_start3A_118] : memref<10000x128xf32, #tpu.memory_space<hbm>> -> memref<10000x128xf32, #tpu.memory_space<hbm>>
      tpu.enqueue_indirect_dma source(%dma_start3A_119 : memref<10000x128xf32, #tpu.memory_space<hbm>>) target(%arg9 : memref<128x128xf32, #tpu.memory_space<vmem>>) offsets(%arg7 : memref<128xi32, #tpu.memory_space<vmem>>) semaphore(%arg15 : memref<!tpu.dma_semaphore, #tpu.memory_space<semaphore_mem>>)
      %dma_wait3A_120 = tpu.memref_slice %arg4[%mul3A_103] : memref<5120000xf32, #tpu.memory_space<hbm>> -> memref<2048xf32, #tpu.memory_space<hbm>>
      %dma_wait3A_121 = tpu.memref_slice %arg4[%mul3A_103] : memref<5120000xf32, #tpu.memory_space<hbm>> -> memref<2048xf32, #tpu.memory_space<hbm>>
      tpu.wait_dma2 semaphore(%arg15 : memref<!tpu.dma_semaphore, #tpu.memory_space<semaphore_mem>>) src(%dma_wait3A_121 : memref<2048xf32, #tpu.memory_space<hbm>>) dst(%arg11 : memref<2048xf32, #tpu.memory_space<vmem>>)
      %dma_wait3A_122 = arith.constant 0 : i32
      %dma_wait3A_123 = arith.constant 0 : i32
      %dma_wait3A_124 = tpu.memref_slice %arg2[%dma_wait3A_122, %dma_wait3A_123] : memref<10000x128xf32, #tpu.memory_space<hbm>> -> memref<10000x128xf32, #tpu.memory_space<hbm>>
      tpu.wait_indirect_dma semaphore(%arg15 : memref<!tpu.dma_semaphore, #tpu.memory_space<semaphore_mem>>) src(%dma_wait3A_124 : memref<10000x128xf32, #tpu.memory_space<hbm>>) dst(%arg9 : memref<128x128xf32, #tpu.memory_space<vmem>>)
      %scan3A_125 = arith.constant 0 : i32
      %scan3A_126 = arith.constant 0 : i32
      %scan3A_127 = arith.constant 32 : i32
      %scan3A_128 = arith.addi %scan3A_126, %scan3A_127 : i32
      %scan3A_129 = arith.constant 1 : i32
      scf.for %scan3A_131 = %scan3A_126 to %scan3A_128 step %scan3A_129  : i32 {
        %mul3A_132 = arith.constant 4 : i32
        %mul3A_133 = arith.muli %scan3A_131, %mul3A_132 : i32
        %add3A_134 = arith.constant 0 : i32
        %add3A_135 = arith.addi %mul3A_133, %add3A_134 : i32
        %mul3A_136 = arith.constant 16 : i32
        %mul3A_137 = arith.muli %add3A_135, %mul3A_136 : i32
        %add3A_138 = arith.constant 0 : i32
        %add3A_139 = arith.addi %mul3A_137, %add3A_138 : i32
        %broadcast_in_dim3A = vector.broadcast %add3A_139 : i32 to vector<16xi32>
        %gather3A = tpu.vector_load_idx %arg11[%broadcast_in_dim3A] : memref<2048xf32, #tpu.memory_space<vmem>>[vector<16xi32>], vector<16xf32>,
        %get3A = arith.index_cast %add3A_135 : i32 to index
        %get3A_140 = arith.constant 0 : index
        %get3A_141 = tpu.vector_load %arg9[%get3A, %get3A_140] {strides = array<i32>} : memref<128x128xf32, #tpu.memory_space<vmem>>, vector<16xf32>,
        %mul3A_142 = arith.mulf %get3A_141, %gather3A : vector<16xf32>
        %swap3A = arith.index_cast %add3A_135 : i32 to index
        %swap3A_143 = arith.constant 0 : index
        %swap3A_144 = tpu.vector_load %arg10[%swap3A, %swap3A_143] {strides = array<i32>} : memref<128x128xf32, #tpu.memory_space<vmem>>, vector<16xf32>,
        tpu.vector_store %arg10[%swap3A, %swap3A_143], %mul3A_142 {strides = array<i32>} : memref<128x128xf32, #tpu.memory_space<vmem>>, vector<16xf32>,
        %mul3A_145 = arith.constant 16 : i32
        %mul3A_146 = arith.muli %add3A_135, %mul3A_145 : i32
        %add3A_147 = arith.constant 1 : i32
        %add3A_148 = arith.addi %mul3A_146, %add3A_147 : i32
        %broadcast_in_dim3A_149 = vector.broadcast %add3A_148 : i32 to vector<16xi32>
        %gather3A_150 = tpu.vector_load_idx %arg11[%broadcast_in_dim3A_149] : memref<2048xf32, #tpu.memory_space<vmem>>[vector<16xi32>], vector<16xf32>,
        %get3A_151 = arith.index_cast %add3A_135 : i32 to index
        %get3A_152 = arith.constant 16 : index
        %get3A_153 = tpu.vector_load %arg9[%get3A_151, %get3A_152] {strides = array<i32>} : memref<128x128xf32, #tpu.memory_space<vmem>>, vector<16xf32>,
        %mul3A_154 = arith.mulf %get3A_153, %gather3A_150 : vector<16xf32>
        %swap3A_155 = arith.index_cast %add3A_135 : i32 to index
        %swap3A_156 = arith.constant 16 : index
        %swap3A_157 = tpu.vector_load %arg10[%swap3A_155, %swap3A_156] {strides = array<i32>} : memref<128x128xf32, #tpu.memory_space<vmem>>, vector<16xf32>,
        tpu.vector_store %arg10[%swap3A_155, %swap3A_156], %mul3A_154 {strides = array<i32>} : memref<128x128xf32, #tpu.memory_space<vmem>>, vector<16xf32>,
        %mul3A_158 = arith.constant 16 : i32
        %mul3A_159 = arith.muli %add3A_135, %mul3A_158 : i32
        %add3A_160 = arith.constant 2 : i32
        %add3A_161 = arith.addi %mul3A_159, %add3A_160 : i32
        %broadcast_in_dim3A_162 = vector.broadcast %add3A_161 : i32 to vector<16xi32>
        %gather3A_163 = tpu.vector_load_idx %arg11[%broadcast_in_dim3A_162] : memref<2048xf32, #tpu.memory_space<vmem>>[vector<16xi32>], vector<16xf32>,
        %get3A_164 = arith.index_cast %add3A_135 : i32 to index
        %get3A_165 = arith.constant 32 : index
        %get3A_166 = tpu.vector_load %arg9[%get3A_164, %get3A_165] {strides = array<i32>} : memref<128x128xf32, #tpu.memory_space<vmem>>, vector<16xf32>,
        %mul3A_167 = arith.mulf %get3A_166, %gather3A_163 : vector<16xf32>
        %swap3A_168 = arith.index_cast %add3A_135 : i32 to index
        %swap3A_169 = arith.constant 32 : index
        %swap3A_170 = tpu.vector_load %arg10[%swap3A_168, %swap3A_169] {strides = array<i32>} : memref<128x128xf32, #tpu.memory_space<vmem>>, vector<16xf32>,
        tpu.vector_store %arg10[%swap3A_168, %swap3A_169], %mul3A_167 {strides = array<i32>} : memref<128x128xf32, #tpu.memory_space<vmem>>, vector<16xf32>,
        %mul3A_171 = arith.constant 16 : i32
        %mul3A_172 = arith.muli %add3A_135, %mul3A_171 : i32
        %add3A_173 = arith.constant 3 : i32
        %add3A_174 = arith.addi %mul3A_172, %add3A_173 : i32
        %broadcast_in_dim3A_175 = vector.broadcast %add3A_174 : i32 to vector<16xi32>
        %gather3A_176 = tpu.vector_load_idx %arg11[%broadcast_in_dim3A_175] : memref<2048xf32, #tpu.memory_space<vmem>>[vector<16xi32>], vector<16xf32>,
        %get3A_177 = arith.index_cast %add3A_135 : i32 to index
        %get3A_178 = arith.constant 48 : index
        %get3A_179 = tpu.vector_load %arg9[%get3A_177, %get3A_178] {strides = array<i32>} : memref<128x128xf32, #tpu.memory_space<vmem>>, vector<16xf32>,
        %mul3A_180 = arith.mulf %get3A_179, %gather3A_176 : vector<16xf32>
        %swap3A_181 = arith.index_cast %add3A_135 : i32 to index
        %swap3A_182 = arith.constant 48 : index
        %swap3A_183 = tpu.vector_load %arg10[%swap3A_181, %swap3A_182] {strides = array<i32>} : memref<128x128xf32, #tpu.memory_space<vmem>>, vector<16xf32>,
        tpu.vector_store %arg10[%swap3A_181, %swap3A_182], %mul3A_180 {strides = array<i32>} : memref<128x128xf32, #tpu.memory_space<vmem>>, vector<16xf32>,
        %mul3A_184 = arith.constant 16 : i32
        %mul3A_185 = arith.muli %add3A_135, %mul3A_184 : i32
        %add3A_186 = arith.constant 4 : i32
        %add3A_187 = arith.addi %mul3A_185, %add3A_186 : i32
        %broadcast_in_dim3A_188 = vector.broadcast %add3A_187 : i32 to vector<16xi32>
        %gather3A_189 = tpu.vector_load_idx %arg11[%broadcast_in_dim3A_188] : memref<2048xf32, #tpu.memory_space<vmem>>[vector<16xi32>], vector<16xf32>,
        %get3A_190 = arith.index_cast %add3A_135 : i32 to index
        %get3A_191 = arith.constant 64 : index
        %get3A_192 = tpu.vector_load %arg9[%get3A_190, %get3A_191] {strides = array<i32>} : memref<128x128xf32, #tpu.memory_space<vmem>>, vector<16xf32>,
        %mul3A_193 = arith.mulf %get3A_192, %gather3A_189 : vector<16xf32>
        %swap3A_194 = arith.index_cast %add3A_135 : i32 to index
        %swap3A_195 = arith.constant 64 : index
        %swap3A_196 = tpu.vector_load %arg10[%swap3A_194, %swap3A_195] {strides = array<i32>} : memref<128x128xf32, #tpu.memory_space<vmem>>, vector<16xf32>,
        tpu.vector_store %arg10[%swap3A_194, %swap3A_195], %mul3A_193 {strides = array<i32>} : memref<128x128xf32, #tpu.memory_space<vmem>>, vector<16xf32>,
        %mul3A_197 = arith.constant 16 : i32
        %mul3A_198 = arith.muli %add3A_135, %mul3A_197 : i32
        %add3A_199 = arith.constant 5 : i32
        %add3A_200 = arith.addi %mul3A_198, %add3A_199 : i32
        %broadcast_in_dim3A_201 = vector.broadcast %add3A_200 : i32 to vector<16xi32>
        %gather3A_202 = tpu.vector_load_idx %arg11[%broadcast_in_dim3A_201] : memref<2048xf32, #tpu.memory_space<vmem>>[vector<16xi32>], vector<16xf32>,
        %get3A_203 = arith.index_cast %add3A_135 : i32 to index
        %get3A_204 = arith.constant 80 : index
        %get3A_205 = tpu.vector_load %arg9[%get3A_203, %get3A_204] {strides = array<i32>} : memref<128x128xf32, #tpu.memory_space<vmem>>, vector<16xf32>,
        %mul3A_206 = arith.mulf %get3A_205, %gather3A_202 : vector<16xf32>
        %swap3A_207 = arith.index_cast %add3A_135 : i32 to index
        %swap3A_208 = arith.constant 80 : index
        %swap3A_209 = tpu.vector_load %arg10[%swap3A_207, %swap3A_208] {strides = array<i32>} : memref<128x128xf32, #tpu.memory_space<vmem>>, vector<16xf32>,
        tpu.vector_store %arg10[%swap3A_207, %swap3A_208], %mul3A_206 {strides = array<i32>} : memref<128x128xf32, #tpu.memory_space<vmem>>, vector<16xf32>,
        %mul3A_210 = arith.constant 16 : i32
        %mul3A_211 = arith.muli %add3A_135, %mul3A_210 : i32
        %add3A_212 = arith.constant 6 : i32
        %add3A_213 = arith.addi %mul3A_211, %add3A_212 : i32
        %broadcast_in_dim3A_214 = vector.broadcast %add3A_213 : i32 to vector<16xi32>
        %gather3A_215 = tpu.vector_load_idx %arg11[%broadcast_in_dim3A_214] : memref<2048xf32, #tpu.memory_space<vmem>>[vector<16xi32>], vector<16xf32>,
        %get3A_216 = arith.index_cast %add3A_135 : i32 to index
        %get3A_217 = arith.constant 96 : index
        %get3A_218 = tpu.vector_load %arg9[%get3A_216, %get3A_217] {strides = array<i32>} : memref<128x128xf32, #tpu.memory_space<vmem>>, vector<16xf32>,
        %mul3A_219 = arith.mulf %get3A_218, %gather3A_215 : vector<16xf32>
        %swap3A_220 = arith.index_cast %add3A_135 : i32 to index
        %swap3A_221 = arith.constant 96 : index
        %swap3A_222 = tpu.vector_load %arg10[%swap3A_220, %swap3A_221] {strides = array<i32>} : memref<128x128xf32, #tpu.memory_space<vmem>>, vector<16xf32>,
        tpu.vector_store %arg10[%swap3A_220, %swap3A_221], %mul3A_219 {strides = array<i32>} : memref<128x128xf32, #tpu.memory_space<vmem>>, vector<16xf32>,
        %mul3A_223 = arith.constant 16 : i32
        %mul3A_224 = arith.muli %add3A_135, %mul3A_223 : i32
        %add3A_225 = arith.constant 7 : i32
        %add3A_226 = arith.addi %mul3A_224, %add3A_225 : i32
        %broadcast_in_dim3A_227 = vector.broadcast %add3A_226 : i32 to vector<16xi32>
        %gather3A_228 = tpu.vector_load_idx %arg11[%broadcast_in_dim3A_227] : memref<2048xf32, #tpu.memory_space<vmem>>[vector<16xi32>], vector<16xf32>,
        %get3A_229 = arith.index_cast %add3A_135 : i32 to index
        %get3A_230 = arith.constant 112 : index
        %get3A_231 = tpu.vector_load %arg9[%get3A_229, %get3A_230] {strides = array<i32>} : memref<128x128xf32, #tpu.memory_space<vmem>>, vector<16xf32>,
        %mul3A_232 = arith.mulf %get3A_231, %gather3A_228 : vector<16xf32>
        %swap3A_233 = arith.index_cast %add3A_135 : i32 to index
        %swap3A_234 = arith.constant 112 : index
        %swap3A_235 = tpu.vector_load %arg10[%swap3A_233, %swap3A_234] {strides = array<i32>} : memref<128x128xf32, #tpu.memory_space<vmem>>, vector<16xf32>,
        tpu.vector_store %arg10[%swap3A_233, %swap3A_234], %mul3A_232 {strides = array<i32>} : memref<128x128xf32, #tpu.memory_space<vmem>>, vector<16xf32>,
        %mul3A_236 = arith.constant 4 : i32
        %mul3A_237 = arith.muli %scan3A_131, %mul3A_236 : i32
        %add3A_238 = arith.constant 1 : i32
        %add3A_239 = arith.addi %mul3A_237, %add3A_238 : i32
        %mul3A_240 = arith.constant 16 : i32
        %mul3A_241 = arith.muli %add3A_239, %mul3A_240 : i32
        %add3A_242 = arith.constant 0 : i32
        %add3A_243 = arith.addi %mul3A_241, %add3A_242 : i32
        %broadcast_in_dim3A_244 = vector.broadcast %add3A_243 : i32 to vector<16xi32>
        %gather3A_245 = tpu.vector_load_idx %arg11[%broadcast_in_dim3A_244] : memref<2048xf32, #tpu.memory_space<vmem>>[vector<16xi32>], vector<16xf32>,
        %get3A_246 = arith.index_cast %add3A_239 : i32 to index
        %get3A_247 = arith.constant 0 : index
        %get3A_248 = tpu.vector_load %arg9[%get3A_246, %get3A_247] {strides = array<i32>} : memref<128x128xf32, #tpu.memory_space<vmem>>, vector<16xf32>,
        %mul3A_249 = arith.mulf %get3A_248, %gather3A_245 : vector<16xf32>
        %swap3A_250 = arith.index_cast %add3A_239 : i32 to index
        %swap3A_251 = arith.constant 0 : index
        %swap3A_252 = tpu.vector_load %arg10[%swap3A_250, %swap3A_251] {strides = array<i32>} : memref<128x128xf32, #tpu.memory_space<vmem>>, vector<16xf32>,
        tpu.vector_store %arg10[%swap3A_250, %swap3A_251], %mul3A_249 {strides = array<i32>} : memref<128x128xf32, #tpu.memory_space<vmem>>, vector<16xf32>,
        %mul3A_253 = arith.constant 16 : i32
        %mul3A_254 = arith.muli %add3A_239, %mul3A_253 : i32
        %add3A_255 = arith.constant 1 : i32
        %add3A_256 = arith.addi %mul3A_254, %add3A_255 : i32
        %broadcast_in_dim3A_257 = vector.broadcast %add3A_256 : i32 to vector<16xi32>
        %gather3A_258 = tpu.vector_load_idx %arg11[%broadcast_in_dim3A_257] : memref<2048xf32, #tpu.memory_space<vmem>>[vector<16xi32>], vector<16xf32>,
        %get3A_259 = arith.index_cast %add3A_239 : i32 to index
        %get3A_260 = arith.constant 16 : index
        %get3A_261 = tpu.vector_load %arg9[%get3A_259, %get3A_260] {strides = array<i32>} : memref<128x128xf32, #tpu.memory_space<vmem>>, vector<16xf32>,
        %mul3A_262 = arith.mulf %get3A_261, %gather3A_258 : vector<16xf32>
        %swap3A_263 = arith.index_cast %add3A_239 : i32 to index
        %swap3A_264 = arith.constant 16 : index
        %swap3A_265 = tpu.vector_load %arg10[%swap3A_263, %swap3A_264] {strides = array<i32>} : memref<128x128xf32, #tpu.memory_space<vmem>>, vector<16xf32>,
        tpu.vector_store %arg10[%swap3A_263, %swap3A_264], %mul3A_262 {strides = array<i32>} : memref<128x128xf32, #tpu.memory_space<vmem>>, vector<16xf32>,
        %mul3A_266 = arith.constant 16 : i32
        %mul3A_267 = arith.muli %add3A_239, %mul3A_266 : i32
        %add3A_268 = arith.constant 2 : i32
        %add3A_269 = arith.addi %mul3A_267, %add3A_268 : i32
        %broadcast_in_dim3A_270 = vector.broadcast %add3A_269 : i32 to vector<16xi32>
        %gather3A_271 = tpu.vector_load_idx %arg11[%broadcast_in_dim3A_270] : memref<2048xf32, #tpu.memory_space<vmem>>[vector<16xi32>], vector<16xf32>,
        %get3A_272 = arith.index_cast %add3A_239 : i32 to index
        %get3A_273 = arith.constant 32 : index
        %get3A_274 = tpu.vector_load %arg9[%get3A_272, %get3A_273] {strides = array<i32>} : memref<128x128xf32, #tpu.memory_space<vmem>>, vector<16xf32>,
        %mul3A_275 = arith.mulf %get3A_274, %gather3A_271 : vector<16xf32>
        %swap3A_276 = arith.index_cast %add3A_239 : i32 to index
        %swap3A_277 = arith.constant 32 : index
        %swap3A_278 = tpu.vector_load %arg10[%swap3A_276, %swap3A_277] {strides = array<i32>} : memref<128x128xf32, #tpu.memory_space<vmem>>, vector<16xf32>,
        tpu.vector_store %arg10[%swap3A_276, %swap3A_277], %mul3A_275 {strides = array<i32>} : memref<128x128xf32, #tpu.memory_space<vmem>>, vector<16xf32>,
        %mul3A_279 = arith.constant 16 : i32
        %mul3A_280 = arith.muli %add3A_239, %mul3A_279 : i32
        %add3A_281 = arith.constant 3 : i32
        %add3A_282 = arith.addi %mul3A_280, %add3A_281 : i32
        %broadcast_in_dim3A_283 = vector.broadcast %add3A_282 : i32 to vector<16xi32>
        %gather3A_284 = tpu.vector_load_idx %arg11[%broadcast_in_dim3A_283] : memref<2048xf32, #tpu.memory_space<vmem>>[vector<16xi32>], vector<16xf32>,
        %get3A_285 = arith.index_cast %add3A_239 : i32 to index
        %get3A_286 = arith.constant 48 : index
        %get3A_287 = tpu.vector_load %arg9[%get3A_285, %get3A_286] {strides = array<i32>} : memref<128x128xf32, #tpu.memory_space<vmem>>, vector<16xf32>,
        %mul3A_288 = arith.mulf %get3A_287, %gather3A_284 : vector<16xf32>
        %swap3A_289 = arith.index_cast %add3A_239 : i32 to index
        %swap3A_290 = arith.constant 48 : index
        %swap3A_291 = tpu.vector_load %arg10[%swap3A_289, %swap3A_290] {strides = array<i32>} : memref<128x128xf32, #tpu.memory_space<vmem>>, vector<16xf32>,
        tpu.vector_store %arg10[%swap3A_289, %swap3A_290], %mul3A_288 {strides = array<i32>} : memref<128x128xf32, #tpu.memory_space<vmem>>, vector<16xf32>,
        %mul3A_292 = arith.constant 16 : i32
        %mul3A_293 = arith.muli %add3A_239, %mul3A_292 : i32
        %add3A_294 = arith.constant 4 : i32
        %add3A_295 = arith.addi %mul3A_293, %add3A_294 : i32
        %broadcast_in_dim3A_296 = vector.broadcast %add3A_295 : i32 to vector<16xi32>
        %gather3A_297 = tpu.vector_load_idx %arg11[%broadcast_in_dim3A_296] : memref<2048xf32, #tpu.memory_space<vmem>>[vector<16xi32>], vector<16xf32>,
        %get3A_298 = arith.index_cast %add3A_239 : i32 to index
        %get3A_299 = arith.constant 64 : index
        %get3A_300 = tpu.vector_load %arg9[%get3A_298, %get3A_299] {strides = array<i32>} : memref<128x128xf32, #tpu.memory_space<vmem>>, vector<16xf32>,
        %mul3A_301 = arith.mulf %get3A_300, %gather3A_297 : vector<16xf32>
        %swap3A_302 = arith.index_cast %add3A_239 : i32 to index
        %swap3A_303 = arith.constant 64 : index
        %swap3A_304 = tpu.vector_load %arg10[%swap3A_302, %swap3A_303] {strides = array<i32>} : memref<128x128xf32, #tpu.memory_space<vmem>>, vector<16xf32>,
        tpu.vector_store %arg10[%swap3A_302, %swap3A_303], %mul3A_301 {strides = array<i32>} : memref<128x128xf32, #tpu.memory_space<vmem>>, vector<16xf32>,
        %mul3A_305 = arith.constant 16 : i32
        %mul3A_306 = arith.muli %add3A_239, %mul3A_305 : i32
        %add3A_307 = arith.constant 5 : i32
        %add3A_308 = arith.addi %mul3A_306, %add3A_307 : i32
        %broadcast_in_dim3A_309 = vector.broadcast %add3A_308 : i32 to vector<16xi32>
        %gather3A_310 = tpu.vector_load_idx %arg11[%broadcast_in_dim3A_309] : memref<2048xf32, #tpu.memory_space<vmem>>[vector<16xi32>], vector<16xf32>,
        %get3A_311 = arith.index_cast %add3A_239 : i32 to index
        %get3A_312 = arith.constant 80 : index
        %get3A_313 = tpu.vector_load %arg9[%get3A_311, %get3A_312] {strides = array<i32>} : memref<128x128xf32, #tpu.memory_space<vmem>>, vector<16xf32>,
        %mul3A_314 = arith.mulf %get3A_313, %gather3A_310 : vector<16xf32>
        %swap3A_315 = arith.index_cast %add3A_239 : i32 to index
        %swap3A_316 = arith.constant 80 : index
        %swap3A_317 = tpu.vector_load %arg10[%swap3A_315, %swap3A_316] {strides = array<i32>} : memref<128x128xf32, #tpu.memory_space<vmem>>, vector<16xf32>,
        tpu.vector_store %arg10[%swap3A_315, %swap3A_316], %mul3A_314 {strides = array<i32>} : memref<128x128xf32, #tpu.memory_space<vmem>>, vector<16xf32>,
        %mul3A_318 = arith.constant 16 : i32
        %mul3A_319 = arith.muli %add3A_239, %mul3A_318 : i32
        %add3A_320 = arith.constant 6 : i32
        %add3A_321 = arith.addi %mul3A_319, %add3A_320 : i32
        %broadcast_in_dim3A_322 = vector.broadcast %add3A_321 : i32 to vector<16xi32>
        %gather3A_323 = tpu.vector_load_idx %arg11[%broadcast_in_dim3A_322] : memref<2048xf32, #tpu.memory_space<vmem>>[vector<16xi32>], vector<16xf32>,
        %get3A_324 = arith.index_cast %add3A_239 : i32 to index
        %get3A_325 = arith.constant 96 : index
        %get3A_326 = tpu.vector_load %arg9[%get3A_324, %get3A_325] {strides = array<i32>} : memref<128x128xf32, #tpu.memory_space<vmem>>, vector<16xf32>,
        %mul3A_327 = arith.mulf %get3A_326, %gather3A_323 : vector<16xf32>
        %swap3A_328 = arith.index_cast %add3A_239 : i32 to index
        %swap3A_329 = arith.constant 96 : index
        %swap3A_330 = tpu.vector_load %arg10[%swap3A_328, %swap3A_329] {strides = array<i32>} : memref<128x128xf32, #tpu.memory_space<vmem>>, vector<16xf32>,
        tpu.vector_store %arg10[%swap3A_328, %swap3A_329], %mul3A_327 {strides = array<i32>} : memref<128x128xf32, #tpu.memory_space<vmem>>, vector<16xf32>,
        %mul3A_331 = arith.constant 16 : i32
        %mul3A_332 = arith.muli %add3A_239, %mul3A_331 : i32
        %add3A_333 = arith.constant 7 : i32
        %add3A_334 = arith.addi %mul3A_332, %add3A_333 : i32
        %broadcast_in_dim3A_335 = vector.broadcast %add3A_334 : i32 to vector<16xi32>
        %gather3A_336 = tpu.vector_load_idx %arg11[%broadcast_in_dim3A_335] : memref<2048xf32, #tpu.memory_space<vmem>>[vector<16xi32>], vector<16xf32>,
        %get3A_337 = arith.index_cast %add3A_239 : i32 to index
        %get3A_338 = arith.constant 112 : index
        %get3A_339 = tpu.vector_load %arg9[%get3A_337, %get3A_338] {strides = array<i32>} : memref<128x128xf32, #tpu.memory_space<vmem>>, vector<16xf32>,
        %mul3A_340 = arith.mulf %get3A_339, %gather3A_336 : vector<16xf32>
        %swap3A_341 = arith.index_cast %add3A_239 : i32 to index
        %swap3A_342 = arith.constant 112 : index
        %swap3A_343 = tpu.vector_load %arg10[%swap3A_341, %swap3A_342] {strides = array<i32>} : memref<128x128xf32, #tpu.memory_space<vmem>>, vector<16xf32>,
        tpu.vector_store %arg10[%swap3A_341, %swap3A_342], %mul3A_340 {strides = array<i32>} : memref<128x128xf32, #tpu.memory_space<vmem>>, vector<16xf32>,
        %mul3A_344 = arith.constant 4 : i32
        %mul3A_345 = arith.muli %scan3A_131, %mul3A_344 : i32
        %add3A_346 = arith.constant 2 : i32
        %add3A_347 = arith.addi %mul3A_345, %add3A_346 : i32
        %mul3A_348 = arith.constant 16 : i32
        %mul3A_349 = arith.muli %add3A_347, %mul3A_348 : i32
        %add3A_350 = arith.constant 0 : i32
        %add3A_351 = arith.addi %mul3A_349, %add3A_350 : i32
        %broadcast_in_dim3A_352 = vector.broadcast %add3A_351 : i32 to vector<16xi32>
        %gather3A_353 = tpu.vector_load_idx %arg11[%broadcast_in_dim3A_352] : memref<2048xf32, #tpu.memory_space<vmem>>[vector<16xi32>], vector<16xf32>,
        %get3A_354 = arith.index_cast %add3A_347 : i32 to index
        %get3A_355 = arith.constant 0 : index
        %get3A_356 = tpu.vector_load %arg9[%get3A_354, %get3A_355] {strides = array<i32>} : memref<128x128xf32, #tpu.memory_space<vmem>>, vector<16xf32>,
        %mul3A_357 = arith.mulf %get3A_356, %gather3A_353 : vector<16xf32>
        %swap3A_358 = arith.index_cast %add3A_347 : i32 to index
        %swap3A_359 = arith.constant 0 : index
        %swap3A_360 = tpu.vector_load %arg10[%swap3A_358, %swap3A_359] {strides = array<i32>} : memref<128x128xf32, #tpu.memory_space<vmem>>, vector<16xf32>,
        tpu.vector_store %arg10[%swap3A_358, %swap3A_359], %mul3A_357 {strides = array<i32>} : memref<128x128xf32, #tpu.memory_space<vmem>>, vector<16xf32>,
        %mul3A_361 = arith.constant 16 : i32
        %mul3A_362 = arith.muli %add3A_347, %mul3A_361 : i32
        %add3A_363 = arith.constant 1 : i32
        %add3A_364 = arith.addi %mul3A_362, %add3A_363 : i32
        %broadcast_in_dim3A_365 = vector.broadcast %add3A_364 : i32 to vector<16xi32>
        %gather3A_366 = tpu.vector_load_idx %arg11[%broadcast_in_dim3A_365] : memref<2048xf32, #tpu.memory_space<vmem>>[vector<16xi32>], vector<16xf32>,
        %get3A_367 = arith.index_cast %add3A_347 : i32 to index
        %get3A_368 = arith.constant 16 : index
        %get3A_369 = tpu.vector_load %arg9[%get3A_367, %get3A_368] {strides = array<i32>} : memref<128x128xf32, #tpu.memory_space<vmem>>, vector<16xf32>,
        %mul3A_370 = arith.mulf %get3A_369, %gather3A_366 : vector<16xf32>
        %swap3A_371 = arith.index_cast %add3A_347 : i32 to index
        %swap3A_372 = arith.constant 16 : index
        %swap3A_373 = tpu.vector_load %arg10[%swap3A_371, %swap3A_372] {strides = array<i32>} : memref<128x128xf32, #tpu.memory_space<vmem>>, vector<16xf32>,
        tpu.vector_store %arg10[%swap3A_371, %swap3A_372], %mul3A_370 {strides = array<i32>} : memref<128x128xf32, #tpu.memory_space<vmem>>, vector<16xf32>,
        %mul3A_374 = arith.constant 16 : i32
        %mul3A_375 = arith.muli %add3A_347, %mul3A_374 : i32
        %add3A_376 = arith.constant 2 : i32
        %add3A_377 = arith.addi %mul3A_375, %add3A_376 : i32
        %broadcast_in_dim3A_378 = vector.broadcast %add3A_377 : i32 to vector<16xi32>
        %gather3A_379 = tpu.vector_load_idx %arg11[%broadcast_in_dim3A_378] : memref<2048xf32, #tpu.memory_space<vmem>>[vector<16xi32>], vector<16xf32>,
        %get3A_380 = arith.index_cast %add3A_347 : i32 to index
        %get3A_381 = arith.constant 32 : index
        %get3A_382 = tpu.vector_load %arg9[%get3A_380, %get3A_381] {strides = array<i32>} : memref<128x128xf32, #tpu.memory_space<vmem>>, vector<16xf32>,
        %mul3A_383 = arith.mulf %get3A_382, %gather3A_379 : vector<16xf32>
        %swap3A_384 = arith.index_cast %add3A_347 : i32 to index
        %swap3A_385 = arith.constant 32 : index
        %swap3A_386 = tpu.vector_load %arg10[%swap3A_384, %swap3A_385] {strides = array<i32>} : memref<128x128xf32, #tpu.memory_space<vmem>>, vector<16xf32>,
        tpu.vector_store %arg10[%swap3A_384, %swap3A_385], %mul3A_383 {strides = array<i32>} : memref<128x128xf32, #tpu.memory_space<vmem>>, vector<16xf32>,
        %mul3A_387 = arith.constant 16 : i32
        %mul3A_388 = arith.muli %add3A_347, %mul3A_387 : i32
        %add3A_389 = arith.constant 3 : i32
        %add3A_390 = arith.addi %mul3A_388, %add3A_389 : i32
        %broadcast_in_dim3A_391 = vector.broadcast %add3A_390 : i32 to vector<16xi32>
        %gather3A_392 = tpu.vector_load_idx %arg11[%broadcast_in_dim3A_391] : memref<2048xf32, #tpu.memory_space<vmem>>[vector<16xi32>], vector<16xf32>,
        %get3A_393 = arith.index_cast %add3A_347 : i32 to index
        %get3A_394 = arith.constant 48 : index
        %get3A_395 = tpu.vector_load %arg9[%get3A_393, %get3A_394] {strides = array<i32>} : memref<128x128xf32, #tpu.memory_space<vmem>>, vector<16xf32>,
        %mul3A_396 = arith.mulf %get3A_395, %gather3A_392 : vector<16xf32>
        %swap3A_397 = arith.index_cast %add3A_347 : i32 to index
        %swap3A_398 = arith.constant 48 : index
        %swap3A_399 = tpu.vector_load %arg10[%swap3A_397, %swap3A_398] {strides = array<i32>} : memref<128x128xf32, #tpu.memory_space<vmem>>, vector<16xf32>,
        tpu.vector_store %arg10[%swap3A_397, %swap3A_398], %mul3A_396 {strides = array<i32>} : memref<128x128xf32, #tpu.memory_space<vmem>>, vector<16xf32>,
        %mul3A_400 = arith.constant 16 : i32
        %mul3A_401 = arith.muli %add3A_347, %mul3A_400 : i32
        %add3A_402 = arith.constant 4 : i32
        %add3A_403 = arith.addi %mul3A_401, %add3A_402 : i32
        %broadcast_in_dim3A_404 = vector.broadcast %add3A_403 : i32 to vector<16xi32>
        %gather3A_405 = tpu.vector_load_idx %arg11[%broadcast_in_dim3A_404] : memref<2048xf32, #tpu.memory_space<vmem>>[vector<16xi32>], vector<16xf32>,
        %get3A_406 = arith.index_cast %add3A_347 : i32 to index
        %get3A_407 = arith.constant 64 : index
        %get3A_408 = tpu.vector_load %arg9[%get3A_406, %get3A_407] {strides = array<i32>} : memref<128x128xf32, #tpu.memory_space<vmem>>, vector<16xf32>,
        %mul3A_409 = arith.mulf %get3A_408, %gather3A_405 : vector<16xf32>
        %swap3A_410 = arith.index_cast %add3A_347 : i32 to index
        %swap3A_411 = arith.constant 64 : index
        %swap3A_412 = tpu.vector_load %arg10[%swap3A_410, %swap3A_411] {strides = array<i32>} : memref<128x128xf32, #tpu.memory_space<vmem>>, vector<16xf32>,
        tpu.vector_store %arg10[%swap3A_410, %swap3A_411], %mul3A_409 {strides = array<i32>} : memref<128x128xf32, #tpu.memory_space<vmem>>, vector<16xf32>,
        %mul3A_413 = arith.constant 16 : i32
        %mul3A_414 = arith.muli %add3A_347, %mul3A_413 : i32
        %add3A_415 = arith.constant 5 : i32
        %add3A_416 = arith.addi %mul3A_414, %add3A_415 : i32
        %broadcast_in_dim3A_417 = vector.broadcast %add3A_416 : i32 to vector<16xi32>
        %gather3A_418 = tpu.vector_load_idx %arg11[%broadcast_in_dim3A_417] : memref<2048xf32, #tpu.memory_space<vmem>>[vector<16xi32>], vector<16xf32>,
        %get3A_419 = arith.index_cast %add3A_347 : i32 to index
        %get3A_420 = arith.constant 80 : index
        %get3A_421 = tpu.vector_load %arg9[%get3A_419, %get3A_420] {strides = array<i32>} : memref<128x128xf32, #tpu.memory_space<vmem>>, vector<16xf32>,
        %mul3A_422 = arith.mulf %get3A_421, %gather3A_418 : vector<16xf32>
        %swap3A_423 = arith.index_cast %add3A_347 : i32 to index
        %swap3A_424 = arith.constant 80 : index
        %swap3A_425 = tpu.vector_load %arg10[%swap3A_423, %swap3A_424] {strides = array<i32>} : memref<128x128xf32, #tpu.memory_space<vmem>>, vector<16xf32>,
        tpu.vector_store %arg10[%swap3A_423, %swap3A_424], %mul3A_422 {strides = array<i32>} : memref<128x128xf32, #tpu.memory_space<vmem>>, vector<16xf32>,
        %mul3A_426 = arith.constant 16 : i32
        %mul3A_427 = arith.muli %add3A_347, %mul3A_426 : i32
        %add3A_428 = arith.constant 6 : i32
        %add3A_429 = arith.addi %mul3A_427, %add3A_428 : i32
        %broadcast_in_dim3A_430 = vector.broadcast %add3A_429 : i32 to vector<16xi32>
        %gather3A_431 = tpu.vector_load_idx %arg11[%broadcast_in_dim3A_430] : memref<2048xf32, #tpu.memory_space<vmem>>[vector<16xi32>], vector<16xf32>,
        %get3A_432 = arith.index_cast %add3A_347 : i32 to index
        %get3A_433 = arith.constant 96 : index
        %get3A_434 = tpu.vector_load %arg9[%get3A_432, %get3A_433] {strides = array<i32>} : memref<128x128xf32, #tpu.memory_space<vmem>>, vector<16xf32>,
        %mul3A_435 = arith.mulf %get3A_434, %gather3A_431 : vector<16xf32>
        %swap3A_436 = arith.index_cast %add3A_347 : i32 to index
        %swap3A_437 = arith.constant 96 : index
        %swap3A_438 = tpu.vector_load %arg10[%swap3A_436, %swap3A_437] {strides = array<i32>} : memref<128x128xf32, #tpu.memory_space<vmem>>, vector<16xf32>,
        tpu.vector_store %arg10[%swap3A_436, %swap3A_437], %mul3A_435 {strides = array<i32>} : memref<128x128xf32, #tpu.memory_space<vmem>>, vector<16xf32>,
        %mul3A_439 = arith.constant 16 : i32
        %mul3A_440 = arith.muli %add3A_347, %mul3A_439 : i32
        %add3A_441 = arith.constant 7 : i32
        %add3A_442 = arith.addi %mul3A_440, %add3A_441 : i32
        %broadcast_in_dim3A_443 = vector.broadcast %add3A_442 : i32 to vector<16xi32>
        %gather3A_444 = tpu.vector_load_idx %arg11[%broadcast_in_dim3A_443] : memref<2048xf32, #tpu.memory_space<vmem>>[vector<16xi32>], vector<16xf32>,
        %get3A_445 = arith.index_cast %add3A_347 : i32 to index
        %get3A_446 = arith.constant 112 : index
        %get3A_447 = tpu.vector_load %arg9[%get3A_445, %get3A_446] {strides = array<i32>} : memref<128x128xf32, #tpu.memory_space<vmem>>, vector<16xf32>,
        %mul3A_448 = arith.mulf %get3A_447, %gather3A_444 : vector<16xf32>
        %swap3A_449 = arith.index_cast %add3A_347 : i32 to index
        %swap3A_450 = arith.constant 112 : index
        %swap3A_451 = tpu.vector_load %arg10[%swap3A_449, %swap3A_450] {strides = array<i32>} : memref<128x128xf32, #tpu.memory_space<vmem>>, vector<16xf32>,
        tpu.vector_store %arg10[%swap3A_449, %swap3A_450], %mul3A_448 {strides = array<i32>} : memref<128x128xf32, #tpu.memory_space<vmem>>, vector<16xf32>,
        %mul3A_452 = arith.constant 4 : i32
        %mul3A_453 = arith.muli %scan3A_131, %mul3A_452 : i32
        %add3A_454 = arith.constant 3 : i32
        %add3A_455 = arith.addi %mul3A_453, %add3A_454 : i32
        %mul3A_456 = arith.constant 16 : i32
        %mul3A_457 = arith.muli %add3A_455, %mul3A_456 : i32
        %add3A_458 = arith.constant 0 : i32
        %add3A_459 = arith.addi %mul3A_457, %add3A_458 : i32
        %broadcast_in_dim3A_460 = vector.broadcast %add3A_459 : i32 to vector<16xi32>
        %gather3A_461 = tpu.vector_load_idx %arg11[%broadcast_in_dim3A_460] : memref<2048xf32, #tpu.memory_space<vmem>>[vector<16xi32>], vector<16xf32>,
        %get3A_462 = arith.index_cast %add3A_455 : i32 to index
        %get3A_463 = arith.constant 0 : index
        %get3A_464 = tpu.vector_load %arg9[%get3A_462, %get3A_463] {strides = array<i32>} : memref<128x128xf32, #tpu.memory_space<vmem>>, vector<16xf32>,
        %mul3A_465 = arith.mulf %get3A_464, %gather3A_461 : vector<16xf32>
        %swap3A_466 = arith.index_cast %add3A_455 : i32 to index
        %swap3A_467 = arith.constant 0 : index
        %swap3A_468 = tpu.vector_load %arg10[%swap3A_466, %swap3A_467] {strides = array<i32>} : memref<128x128xf32, #tpu.memory_space<vmem>>, vector<16xf32>,
        tpu.vector_store %arg10[%swap3A_466, %swap3A_467], %mul3A_465 {strides = array<i32>} : memref<128x128xf32, #tpu.memory_space<vmem>>, vector<16xf32>,
        %mul3A_469 = arith.constant 16 : i32
        %mul3A_470 = arith.muli %add3A_455, %mul3A_469 : i32
        %add3A_471 = arith.constant 1 : i32
        %add3A_472 = arith.addi %mul3A_470, %add3A_471 : i32
        %broadcast_in_dim3A_473 = vector.broadcast %add3A_472 : i32 to vector<16xi32>
        %gather3A_474 = tpu.vector_load_idx %arg11[%broadcast_in_dim3A_473] : memref<2048xf32, #tpu.memory_space<vmem>>[vector<16xi32>], vector<16xf32>,
        %get3A_475 = arith.index_cast %add3A_455 : i32 to index
        %get3A_476 = arith.constant 16 : index
        %get3A_477 = tpu.vector_load %arg9[%get3A_475, %get3A_476] {strides = array<i32>} : memref<128x128xf32, #tpu.memory_space<vmem>>, vector<16xf32>,
        %mul3A_478 = arith.mulf %get3A_477, %gather3A_474 : vector<16xf32>
        %swap3A_479 = arith.index_cast %add3A_455 : i32 to index
        %swap3A_480 = arith.constant 16 : index
        %swap3A_481 = tpu.vector_load %arg10[%swap3A_479, %swap3A_480] {strides = array<i32>} : memref<128x128xf32, #tpu.memory_space<vmem>>, vector<16xf32>,
        tpu.vector_store %arg10[%swap3A_479, %swap3A_480], %mul3A_478 {strides = array<i32>} : memref<128x128xf32, #tpu.memory_space<vmem>>, vector<16xf32>,
        %mul3A_482 = arith.constant 16 : i32
        %mul3A_483 = arith.muli %add3A_455, %mul3A_482 : i32
        %add3A_484 = arith.constant 2 : i32
        %add3A_485 = arith.addi %mul3A_483, %add3A_484 : i32
        %broadcast_in_dim3A_486 = vector.broadcast %add3A_485 : i32 to vector<16xi32>
        %gather3A_487 = tpu.vector_load_idx %arg11[%broadcast_in_dim3A_486] : memref<2048xf32, #tpu.memory_space<vmem>>[vector<16xi32>], vector<16xf32>,
        %get3A_488 = arith.index_cast %add3A_455 : i32 to index
        %get3A_489 = arith.constant 32 : index
        %get3A_490 = tpu.vector_load %arg9[%get3A_488, %get3A_489] {strides = array<i32>} : memref<128x128xf32, #tpu.memory_space<vmem>>, vector<16xf32>,
        %mul3A_491 = arith.mulf %get3A_490, %gather3A_487 : vector<16xf32>
        %swap3A_492 = arith.index_cast %add3A_455 : i32 to index
        %swap3A_493 = arith.constant 32 : index
        %swap3A_494 = tpu.vector_load %arg10[%swap3A_492, %swap3A_493] {strides = array<i32>} : memref<128x128xf32, #tpu.memory_space<vmem>>, vector<16xf32>,
        tpu.vector_store %arg10[%swap3A_492, %swap3A_493], %mul3A_491 {strides = array<i32>} : memref<128x128xf32, #tpu.memory_space<vmem>>, vector<16xf32>,
        %mul3A_495 = arith.constant 16 : i32
        %mul3A_496 = arith.muli %add3A_455, %mul3A_495 : i32
        %add3A_497 = arith.constant 3 : i32
        %add3A_498 = arith.addi %mul3A_496, %add3A_497 : i32
        %broadcast_in_dim3A_499 = vector.broadcast %add3A_498 : i32 to vector<16xi32>
        %gather3A_500 = tpu.vector_load_idx %arg11[%broadcast_in_dim3A_499] : memref<2048xf32, #tpu.memory_space<vmem>>[vector<16xi32>], vector<16xf32>,
        %get3A_501 = arith.index_cast %add3A_455 : i32 to index
        %get3A_502 = arith.constant 48 : index
        %get3A_503 = tpu.vector_load %arg9[%get3A_501, %get3A_502] {strides = array<i32>} : memref<128x128xf32, #tpu.memory_space<vmem>>, vector<16xf32>,
        %mul3A_504 = arith.mulf %get3A_503, %gather3A_500 : vector<16xf32>
        %swap3A_505 = arith.index_cast %add3A_455 : i32 to index
        %swap3A_506 = arith.constant 48 : index
        %swap3A_507 = tpu.vector_load %arg10[%swap3A_505, %swap3A_506] {strides = array<i32>} : memref<128x128xf32, #tpu.memory_space<vmem>>, vector<16xf32>,
        tpu.vector_store %arg10[%swap3A_505, %swap3A_506], %mul3A_504 {strides = array<i32>} : memref<128x128xf32, #tpu.memory_space<vmem>>, vector<16xf32>,
        %mul3A_508 = arith.constant 16 : i32
        %mul3A_509 = arith.muli %add3A_455, %mul3A_508 : i32
        %add3A_510 = arith.constant 4 : i32
        %add3A_511 = arith.addi %mul3A_509, %add3A_510 : i32
        %broadcast_in_dim3A_512 = vector.broadcast %add3A_511 : i32 to vector<16xi32>
        %gather3A_513 = tpu.vector_load_idx %arg11[%broadcast_in_dim3A_512] : memref<2048xf32, #tpu.memory_space<vmem>>[vector<16xi32>], vector<16xf32>,
        %get3A_514 = arith.index_cast %add3A_455 : i32 to index
        %get3A_515 = arith.constant 64 : index
        %get3A_516 = tpu.vector_load %arg9[%get3A_514, %get3A_515] {strides = array<i32>} : memref<128x128xf32, #tpu.memory_space<vmem>>, vector<16xf32>,
        %mul3A_517 = arith.mulf %get3A_516, %gather3A_513 : vector<16xf32>
        %swap3A_518 = arith.index_cast %add3A_455 : i32 to index
        %swap3A_519 = arith.constant 64 : index
        %swap3A_520 = tpu.vector_load %arg10[%swap3A_518, %swap3A_519] {strides = array<i32>} : memref<128x128xf32, #tpu.memory_space<vmem>>, vector<16xf32>,
        tpu.vector_store %arg10[%swap3A_518, %swap3A_519], %mul3A_517 {strides = array<i32>} : memref<128x128xf32, #tpu.memory_space<vmem>>, vector<16xf32>,
        %mul3A_521 = arith.constant 16 : i32
        %mul3A_522 = arith.muli %add3A_455, %mul3A_521 : i32
        %add3A_523 = arith.constant 5 : i32
        %add3A_524 = arith.addi %mul3A_522, %add3A_523 : i32
        %broadcast_in_dim3A_525 = vector.broadcast %add3A_524 : i32 to vector<16xi32>
        %gather3A_526 = tpu.vector_load_idx %arg11[%broadcast_in_dim3A_525] : memref<2048xf32, #tpu.memory_space<vmem>>[vector<16xi32>], vector<16xf32>,
        %get3A_527 = arith.index_cast %add3A_455 : i32 to index
        %get3A_528 = arith.constant 80 : index
        %get3A_529 = tpu.vector_load %arg9[%get3A_527, %get3A_528] {strides = array<i32>} : memref<128x128xf32, #tpu.memory_space<vmem>>, vector<16xf32>,
        %mul3A_530 = arith.mulf %get3A_529, %gather3A_526 : vector<16xf32>
        %swap3A_531 = arith.index_cast %add3A_455 : i32 to index
        %swap3A_532 = arith.constant 80 : index
        %swap3A_533 = tpu.vector_load %arg10[%swap3A_531, %swap3A_532] {strides = array<i32>} : memref<128x128xf32, #tpu.memory_space<vmem>>, vector<16xf32>,
        tpu.vector_store %arg10[%swap3A_531, %swap3A_532], %mul3A_530 {strides = array<i32>} : memref<128x128xf32, #tpu.memory_space<vmem>>, vector<16xf32>,
        %mul3A_534 = arith.constant 16 : i32
        %mul3A_535 = arith.muli %add3A_455, %mul3A_534 : i32
        %add3A_536 = arith.constant 6 : i32
        %add3A_537 = arith.addi %mul3A_535, %add3A_536 : i32
        %broadcast_in_dim3A_538 = vector.broadcast %add3A_537 : i32 to vector<16xi32>
        %gather3A_539 = tpu.vector_load_idx %arg11[%broadcast_in_dim3A_538] : memref<2048xf32, #tpu.memory_space<vmem>>[vector<16xi32>], vector<16xf32>,
        %get3A_540 = arith.index_cast %add3A_455 : i32 to index
        %get3A_541 = arith.constant 96 : index
        %get3A_542 = tpu.vector_load %arg9[%get3A_540, %get3A_541] {strides = array<i32>} : memref<128x128xf32, #tpu.memory_space<vmem>>, vector<16xf32>,
        %mul3A_543 = arith.mulf %get3A_542, %gather3A_539 : vector<16xf32>
        %swap3A_544 = arith.index_cast %add3A_455 : i32 to index
        %swap3A_545 = arith.constant 96 : index
        %swap3A_546 = tpu.vector_load %arg10[%swap3A_544, %swap3A_545] {strides = array<i32>} : memref<128x128xf32, #tpu.memory_space<vmem>>, vector<16xf32>,
        tpu.vector_store %arg10[%swap3A_544, %swap3A_545], %mul3A_543 {strides = array<i32>} : memref<128x128xf32, #tpu.memory_space<vmem>>, vector<16xf32>,
        %mul3A_547 = arith.constant 16 : i32
        %mul3A_548 = arith.muli %add3A_455, %mul3A_547 : i32
        %add3A_549 = arith.constant 7 : i32
        %add3A_550 = arith.addi %mul3A_548, %add3A_549 : i32
        %broadcast_in_dim3A_551 = vector.broadcast %add3A_550 : i32 to vector<16xi32>
        %gather3A_552 = tpu.vector_load_idx %arg11[%broadcast_in_dim3A_551] : memref<2048xf32, #tpu.memory_space<vmem>>[vector<16xi32>], vector<16xf32>,
        %get3A_553 = arith.index_cast %add3A_455 : i32 to index
        %get3A_554 = arith.constant 112 : index
        %get3A_555 = tpu.vector_load %arg9[%get3A_553, %get3A_554] {strides = array<i32>} : memref<128x128xf32, #tpu.memory_space<vmem>>, vector<16xf32>,
        %mul3A_556 = arith.mulf %get3A_555, %gather3A_552 : vector<16xf32>
        %swap3A_557 = arith.index_cast %add3A_455 : i32 to index
        %swap3A_558 = arith.constant 112 : index
        %swap3A_559 = tpu.vector_load %arg10[%swap3A_557, %swap3A_558] {strides = array<i32>} : memref<128x128xf32, #tpu.memory_space<vmem>>, vector<16xf32>,
        tpu.vector_store %arg10[%swap3A_557, %swap3A_558], %mul3A_556 {strides = array<i32>} : memref<128x128xf32, #tpu.memory_space<vmem>>, vector<16xf32>,
      }
      %scan3A_130 = arith.constant 32 : i32
      "tpu.region"() ({
        %run_scoped3A = tpu.sem_alloc : memref<!tpu.dma_semaphore, #tpu.memory_space<semaphore_mem>>
        %dma_start3A_131 = arith.constant 0 : i32
        %dma_start3A_132 = arith.constant 0 : i32
        %dma_start3A_133 = tpu.memref_slice %arg14[%dma_start3A_131, %dma_start3A_132] : memref<10000x128xf32, #tpu.memory_space<vmem_shared>> -> memref<10000x128xf32, #tpu.memory_space<vmem_shared>>
        tpu.enqueue_indirect_dma source(%arg10 : memref<128x128xf32, #tpu.memory_space<vmem>>) target(%dma_start3A_133 : memref<10000x128xf32, #tpu.memory_space<vmem_shared>>) offsets(%arg8 : memref<128xi32, #tpu.memory_space<vmem>>) semaphore(%run_scoped3A : memref<!tpu.dma_semaphore, #tpu.memory_space<semaphore_mem>>) {add = true}
        %dma_wait3A_134 = arith.constant 0 : i32
        %dma_wait3A_135 = arith.constant 0 : i32
        %dma_wait3A_136 = tpu.memref_slice %arg14[%dma_wait3A_134, %dma_wait3A_135] : memref<10000x128xf32, #tpu.memory_space<vmem_shared>> -> memref<10000x128xf32, #tpu.memory_space<vmem_shared>>
        tpu.wait_indirect_dma semaphore(%run_scoped3A : memref<!tpu.dma_semaphore, #tpu.memory_space<semaphore_mem>>) src(%arg10 : memref<128x128xf32, #tpu.memory_space<vmem>>) dst(%dma_wait3A_136 : memref<10000x128xf32, #tpu.memory_space<vmem_shared>>)
        tpu.yield
      }) : () -> ()
    }
    %barrier3A_77 = arith.constant 0 : index
    tpu.barrier barrier_id(%barrier3A_77)
    %eq3A = arith.constant 0 : i32
    %eq3A_78 = arith.cmpi eq, %arg0, %eq3A : i32
    %convert_element_type3A = arith.extui %eq3A_78 : i1 to i32
    %cond3A = arith.constant 0 : i32
    %cond3A_79 = arith.cmpi ne, %convert_element_type3A, %cond3A : i32
    scf.if %cond3A_79 {
      %while3A_85 = arith.constant 0 : i32
      %while3A_86 = arith.constant 0 : i32
      %while3A_87 = arith.subi %select_n3A_52, %while3A_86 : i32
      %while3A_88 = arith.addi %while3A_86, %while3A_87 : i32
      %while3A_89 = arith.constant 1 : i32
      %while3A_90 = arith.divsi %while3A_87, %while3A_89 : i32
      %while3A_91 = arith.muli %while3A_90, %while3A_89 : i32
      %while3A_92 = arith.addi %while3A_86, %while3A_91 : i32
      %while3A_93 = arith.constant 1 : i32
      scf.for %while3A_95 = %while3A_86 to %while3A_92 step %while3A_93  : i32 {
        %mul3A_96 = arith.constant 16 : i32
        %mul3A_97 = arith.muli %while3A_95, %mul3A_96 : i32
        %add3A_98 = arith.addi %arg1, %mul3A_97 : i32
        %mul3A_99 = arith.constant 80 : i32
        %mul3A_100 = arith.muli %add3A_98, %mul3A_99 : i32
        %add3A_101 = arith.constant 0 : i32
        %add3A_102 = arith.addi %mul3A_100, %add3A_101 : i32
        %broadcast_in_dim3A = vector.broadcast %add3A_102 : i32 to vector<16xi32>
        %add3A_103 = arith.addi %broadcast_in_dim3A, %iota3A : vector<16xi32>
        %swap3A = arith.constant 0 : index
        %swap3A_104 = tpu.vector_load %arg13[%swap3A] {strides = array<i32>} : memref<80xi32, #tpu.memory_space<vmem>>, vector<16xi32>,
        tpu.vector_store %arg13[%swap3A], %add3A_103 {strides = array<i32>} : memref<80xi32, #tpu.memory_space<vmem>>, vector<16xi32>,
        %add3A_105 = arith.constant 16 : i32
        %add3A_106 = arith.addi %mul3A_100, %add3A_105 : i32
        %broadcast_in_dim3A_107 = vector.broadcast %add3A_106 : i32 to vector<16xi32>
        %add3A_108 = arith.addi %broadcast_in_dim3A_107, %iota3A : vector<16xi32>
        %swap3A_109 = arith.constant 16 : index
        %swap3A_110 = tpu.vector_load %arg13[%swap3A_109] {strides = array<i32>} : memref<80xi32, #tpu.memory_space<vmem>>, vector<16xi32>,
        tpu.vector_store %arg13[%swap3A_109], %add3A_108 {strides = array<i32>} : memref<80xi32, #tpu.memory_space<vmem>>, vector<16xi32>,
        %add3A_111 = arith.constant 32 : i32
        %add3A_112 = arith.addi %mul3A_100, %add3A_111 : i32
        %broadcast_in_dim3A_113 = vector.broadcast %add3A_112 : i32 to vector<16xi32>
        %add3A_114 = arith.addi %broadcast_in_dim3A_113, %iota3A : vector<16xi32>
        %swap3A_115 = arith.constant 32 : index
        %swap3A_116 = tpu.vector_load %arg13[%swap3A_115] {strides = array<i32>} : memref<80xi32, #tpu.memory_space<vmem>>, vector<16xi32>,
        tpu.vector_store %arg13[%swap3A_115], %add3A_114 {strides = array<i32>} : memref<80xi32, #tpu.memory_space<vmem>>, vector<16xi32>,
        %add3A_117 = arith.constant 48 : i32
        %add3A_118 = arith.addi %mul3A_100, %add3A_117 : i32
        %broadcast_in_dim3A_119 = vector.broadcast %add3A_118 : i32 to vector<16xi32>
        %add3A_120 = arith.addi %broadcast_in_dim3A_119, %iota3A : vector<16xi32>
        %swap3A_121 = arith.constant 48 : index
        %swap3A_122 = tpu.vector_load %arg13[%swap3A_121] {strides = array<i32>} : memref<80xi32, #tpu.memory_space<vmem>>, vector<16xi32>,
        tpu.vector_store %arg13[%swap3A_121], %add3A_120 {strides = array<i32>} : memref<80xi32, #tpu.memory_space<vmem>>, vector<16xi32>,
        %add3A_123 = arith.constant 64 : i32
        %add3A_124 = arith.addi %mul3A_100, %add3A_123 : i32
        %broadcast_in_dim3A_125 = vector.broadcast %add3A_124 : i32 to vector<16xi32>
        %add3A_126 = arith.addi %broadcast_in_dim3A_125, %iota3A : vector<16xi32>
        %swap3A_127 = arith.constant 64 : index
        %swap3A_128 = tpu.vector_load %arg13[%swap3A_127] {strides = array<i32>} : memref<80xi32, #tpu.memory_space<vmem>>, vector<16xi32>,
        tpu.vector_store %arg13[%swap3A_127], %add3A_126 {strides = array<i32>} : memref<80xi32, #tpu.memory_space<vmem>>, vector<16xi32>,
        "tpu.region"() ({
          %run_scoped3A = tpu.sem_alloc : memref<!tpu.dma_semaphore, #tpu.memory_space<semaphore_mem>>
          %dma_start3A = arith.constant 0 : i32
          %dma_start3A_129 = arith.constant 0 : i32
          %dma_start3A_130 = tpu.memref_slice %arg14[%dma_start3A, %dma_start3A_129] : memref<10000x128xf32, #tpu.memory_space<vmem_shared>> -> memref<10000x128xf32, #tpu.memory_space<vmem_shared>>
          tpu.enqueue_indirect_dma source(%dma_start3A_130 : memref<10000x128xf32, #tpu.memory_space<vmem_shared>>) target(%arg12 : memref<80x128xf32, #tpu.memory_space<vmem>>) offsets(%arg13 : memref<80xi32, #tpu.memory_space<vmem>>) semaphore(%run_scoped3A : memref<!tpu.dma_semaphore, #tpu.memory_space<semaphore_mem>>)
          %dma_wait3A = arith.constant 0 : i32
          %dma_wait3A_131 = arith.constant 0 : i32
          %dma_wait3A_132 = tpu.memref_slice %arg14[%dma_wait3A, %dma_wait3A_131] : memref<10000x128xf32, #tpu.memory_space<vmem_shared>> -> memref<10000x128xf32, #tpu.memory_space<vmem_shared>>
          tpu.wait_indirect_dma semaphore(%run_scoped3A : memref<!tpu.dma_semaphore, #tpu.memory_space<semaphore_mem>>) src(%dma_wait3A_132 : memref<10000x128xf32, #tpu.memory_space<vmem_shared>>) dst(%arg12 : memref<80x128xf32, #tpu.memory_space<vmem>>)
          tpu.yield
        }) : () -> ()
        "tpu.region"() ({
          %run_scoped3A = tpu.sem_alloc : memref<!tpu.dma_semaphore, #tpu.memory_space<semaphore_mem>>
          %dma_start3A = arith.constant 0 : i32
          %dma_start3A_129 = tpu.memref_slice %arg5[%mul3A_100, %dma_start3A] : memref<10000x128xf32, #tpu.memory_space<hbm>> -> memref<80x128xf32, #tpu.memory_space<hbm>>
          %dma_start3A_130 = arith.constant 0 : i32
          %dma_start3A_131 = tpu.memref_slice %arg5[%mul3A_100, %dma_start3A_130] : memref<10000x128xf32, #tpu.memory_space<hbm>> -> memref<80x128xf32, #tpu.memory_space<hbm>>
          tpu.enqueue_dma source(%arg12 : memref<80x128xf32, #tpu.memory_space<vmem>>) target(%dma_start3A_131 : memref<80x128xf32, #tpu.memory_space<hbm>>) target_semaphore(%run_scoped3A : memref<!tpu.dma_semaphore, #tpu.memory_space<semaphore_mem>>)
          %dma_wait3A = arith.constant 0 : i32
          %dma_wait3A_132 = tpu.memref_slice %arg5[%mul3A_100, %dma_wait3A] : memref<10000x128xf32, #tpu.memory_space<hbm>> -> memref<80x128xf32, #tpu.memory_space<hbm>>
          %dma_wait3A_133 = arith.constant 0 : i32
          %dma_wait3A_134 = tpu.memref_slice %arg5[%mul3A_100, %dma_wait3A_133] : memref<10000x128xf32, #tpu.memory_space<hbm>> -> memref<80x128xf32, #tpu.memory_space<hbm>>
          tpu.wait_dma2 semaphore(%run_scoped3A : memref<!tpu.dma_semaphore, #tpu.memory_space<semaphore_mem>>) src(%arg12 : memref<80x128xf32, #tpu.memory_space<vmem>>) dst(%dma_wait3A_134 : memref<80x128xf32, #tpu.memory_space<hbm>>)
          tpu.yield
        }) : () -> ()
      }
      %while3A_94 = arith.constant 1 : i32
      scf.for %while3A_95 = %while3A_92 to %while3A_88 step %while3A_94  : i32 {
        %mul3A_96 = arith.constant 16 : i32
        %mul3A_97 = arith.muli %while3A_95, %mul3A_96 : i32
        %add3A_98 = arith.addi %arg1, %mul3A_97 : i32
        %mul3A_99 = arith.constant 80 : i32
        %mul3A_100 = arith.muli %add3A_98, %mul3A_99 : i32
        %add3A_101 = arith.constant 0 : i32
        %add3A_102 = arith.addi %mul3A_100, %add3A_101 : i32
        %broadcast_in_dim3A = vector.broadcast %add3A_102 : i32 to vector<16xi32>
        %add3A_103 = arith.addi %broadcast_in_dim3A, %iota3A : vector<16xi32>
        %swap3A = arith.constant 0 : index
        %swap3A_104 = tpu.vector_load %arg13[%swap3A] {strides = array<i32>} : memref<80xi32, #tpu.memory_space<vmem>>, vector<16xi32>,
        tpu.vector_store %arg13[%swap3A], %add3A_103 {strides = array<i32>} : memref<80xi32, #tpu.memory_space<vmem>>, vector<16xi32>,
        %add3A_105 = arith.constant 16 : i32
        %add3A_106 = arith.addi %mul3A_100, %add3A_105 : i32
        %broadcast_in_dim3A_107 = vector.broadcast %add3A_106 : i32 to vector<16xi32>
        %add3A_108 = arith.addi %broadcast_in_dim3A_107, %iota3A : vector<16xi32>
        %swap3A_109 = arith.constant 16 : index
        %swap3A_110 = tpu.vector_load %arg13[%swap3A_109] {strides = array<i32>} : memref<80xi32, #tpu.memory_space<vmem>>, vector<16xi32>,
        tpu.vector_store %arg13[%swap3A_109], %add3A_108 {strides = array<i32>} : memref<80xi32, #tpu.memory_space<vmem>>, vector<16xi32>,
        %add3A_111 = arith.constant 32 : i32
        %add3A_112 = arith.addi %mul3A_100, %add3A_111 : i32
        %broadcast_in_dim3A_113 = vector.broadcast %add3A_112 : i32 to vector<16xi32>
        %add3A_114 = arith.addi %broadcast_in_dim3A_113, %iota3A : vector<16xi32>
        %swap3A_115 = arith.constant 32 : index
        %swap3A_116 = tpu.vector_load %arg13[%swap3A_115] {strides = array<i32>} : memref<80xi32, #tpu.memory_space<vmem>>, vector<16xi32>,
        tpu.vector_store %arg13[%swap3A_115], %add3A_114 {strides = array<i32>} : memref<80xi32, #tpu.memory_space<vmem>>, vector<16xi32>,
        %add3A_117 = arith.constant 48 : i32
        %add3A_118 = arith.addi %mul3A_100, %add3A_117 : i32
        %broadcast_in_dim3A_119 = vector.broadcast %add3A_118 : i32 to vector<16xi32>
        %add3A_120 = arith.addi %broadcast_in_dim3A_119, %iota3A : vector<16xi32>
        %swap3A_121 = arith.constant 48 : index
        %swap3A_122 = tpu.vector_load %arg13[%swap3A_121] {strides = array<i32>} : memref<80xi32, #tpu.memory_space<vmem>>, vector<16xi32>,
        tpu.vector_store %arg13[%swap3A_121], %add3A_120 {strides = array<i32>} : memref<80xi32, #tpu.memory_space<vmem>>, vector<16xi32>,
        %add3A_123 = arith.constant 64 : i32
        %add3A_124 = arith.addi %mul3A_100, %add3A_123 : i32
        %broadcast_in_dim3A_125 = vector.broadcast %add3A_124 : i32 to vector<16xi32>
        %add3A_126 = arith.addi %broadcast_in_dim3A_125, %iota3A : vector<16xi32>
        %swap3A_127 = arith.constant 64 : index
        %swap3A_128 = tpu.vector_load %arg13[%swap3A_127] {strides = array<i32>} : memref<80xi32, #tpu.memory_space<vmem>>, vector<16xi32>,
        tpu.vector_store %arg13[%swap3A_127], %add3A_126 {strides = array<i32>} : memref<80xi32, #tpu.memory_space<vmem>>, vector<16xi32>,
        "tpu.region"() ({
          %run_scoped3A = tpu.sem_alloc : memref<!tpu.dma_semaphore, #tpu.memory_space<semaphore_mem>>
          %dma_start3A = arith.constant 0 : i32
          %dma_start3A_129 = arith.constant 0 : i32
          %dma_start3A_130 = tpu.memref_slice %arg14[%dma_start3A, %dma_start3A_129] : memref<10000x128xf32, #tpu.memory_space<vmem_shared>> -> memref<10000x128xf32, #tpu.memory_space<vmem_shared>>
          tpu.enqueue_indirect_dma source(%dma_start3A_130 : memref<10000x128xf32, #tpu.memory_space<vmem_shared>>) target(%arg12 : memref<80x128xf32, #tpu.memory_space<vmem>>) offsets(%arg13 : memref<80xi32, #tpu.memory_space<vmem>>) semaphore(%run_scoped3A : memref<!tpu.dma_semaphore, #tpu.memory_space<semaphore_mem>>)
          %dma_wait3A = arith.constant 0 : i32
          %dma_wait3A_131 = arith.constant 0 : i32
          %dma_wait3A_132 = tpu.memref_slice %arg14[%dma_wait3A, %dma_wait3A_131] : memref<10000x128xf32, #tpu.memory_space<vmem_shared>> -> memref<10000x128xf32, #tpu.memory_space<vmem_shared>>
          tpu.wait_indirect_dma semaphore(%run_scoped3A : memref<!tpu.dma_semaphore, #tpu.memory_space<semaphore_mem>>) src(%dma_wait3A_132 : memref<10000x128xf32, #tpu.memory_space<vmem_shared>>) dst(%arg12 : memref<80x128xf32, #tpu.memory_space<vmem>>)
          tpu.yield
        }) : () -> ()
        "tpu.region"() ({
          %run_scoped3A = tpu.sem_alloc : memref<!tpu.dma_semaphore, #tpu.memory_space<semaphore_mem>>
          %dma_start3A = arith.constant 0 : i32
          %dma_start3A_129 = tpu.memref_slice %arg5[%mul3A_100, %dma_start3A] : memref<10000x128xf32, #tpu.memory_space<hbm>> -> memref<80x128xf32, #tpu.memory_space<hbm>>
          %dma_start3A_130 = arith.constant 0 : i32
          %dma_start3A_131 = tpu.memref_slice %arg5[%mul3A_100, %dma_start3A_130] : memref<10000x128xf32, #tpu.memory_space<hbm>> -> memref<80x128xf32, #tpu.memory_space<hbm>>
          tpu.enqueue_dma source(%arg12 : memref<80x128xf32, #tpu.memory_space<vmem>>) target(%dma_start3A_131 : memref<80x128xf32, #tpu.memory_space<hbm>>) target_semaphore(%run_scoped3A : memref<!tpu.dma_semaphore, #tpu.memory_space<semaphore_mem>>)
          %dma_wait3A = arith.constant 0 : i32
          %dma_wait3A_132 = tpu.memref_slice %arg5[%mul3A_100, %dma_wait3A] : memref<10000x128xf32, #tpu.memory_space<hbm>> -> memref<80x128xf32, #tpu.memory_space<hbm>>
          %dma_wait3A_133 = arith.constant 0 : i32
          %dma_wait3A_134 = tpu.memref_slice %arg5[%mul3A_100, %dma_wait3A_133] : memref<10000x128xf32, #tpu.memory_space<hbm>> -> memref<80x128xf32, #tpu.memory_space<hbm>>
          tpu.wait_dma2 semaphore(%run_scoped3A : memref<!tpu.dma_semaphore, #tpu.memory_space<semaphore_mem>>) src(%arg12 : memref<80x128xf32, #tpu.memory_space<vmem>>) dst(%dma_wait3A_134 : memref<80x128xf32, #tpu.memory_space<hbm>>)
          tpu.yield
        }) : () -> ()
      }
    } else {
    }
    %eq3A_80 = arith.constant 1 : i32
    %eq3A_81 = arith.cmpi eq, %arg0, %eq3A_80 : i32
    %convert_element_type3A_82 = arith.extui %eq3A_81 : i1 to i32
    %cond3A_83 = arith.constant 0 : i32
    %cond3A_84 = arith.cmpi ne, %convert_element_type3A_82, %cond3A_83 : i32
    scf.if %cond3A_84 {
      %while3A_85 = arith.constant 0 : i32
      %while3A_86 = arith.constant 0 : i32
      %while3A_87 = arith.subi %select_n3A_52, %while3A_86 : i32
      %while3A_88 = arith.addi %while3A_86, %while3A_87 : i32
      %while3A_89 = arith.constant 1 : i32
      %while3A_90 = arith.divsi %while3A_87, %while3A_89 : i32
      %while3A_91 = arith.muli %while3A_90, %while3A_89 : i32
      %while3A_92 = arith.addi %while3A_86, %while3A_91 : i32
      %while3A_93 = arith.constant 1 : i32
      scf.for %while3A_95 = %while3A_86 to %while3A_92 step %while3A_93  : i32 {
        %mul3A_96 = arith.constant 16 : i32
        %mul3A_97 = arith.muli %while3A_95, %mul3A_96 : i32
        %add3A_98 = arith.addi %arg1, %mul3A_97 : i32
        %mul3A_99 = arith.constant 80 : i32
        %mul3A_100 = arith.muli %add3A_98, %mul3A_99 : i32
        %add3A_101 = arith.constant 0 : i32
        %add3A_102 = arith.addi %mul3A_100, %add3A_101 : i32
        %broadcast_in_dim3A = vector.broadcast %add3A_102 : i32 to vector<16xi32>
        %add3A_103 = arith.addi %broadcast_in_dim3A, %iota3A : vector<16xi32>
        %swap3A = arith.constant 0 : index
        %swap3A_104 = tpu.vector_load %arg13[%swap3A] {strides = array<i32>} : memref<80xi32, #tpu.memory_space<vmem>>, vector<16xi32>,
        tpu.vector_store %arg13[%swap3A], %add3A_103 {strides = array<i32>} : memref<80xi32, #tpu.memory_space<vmem>>, vector<16xi32>,
        %add3A_105 = arith.constant 16 : i32
        %add3A_106 = arith.addi %mul3A_100, %add3A_105 : i32
        %broadcast_in_dim3A_107 = vector.broadcast %add3A_106 : i32 to vector<16xi32>
        %add3A_108 = arith.addi %broadcast_in_dim3A_107, %iota3A : vector<16xi32>
        %swap3A_109 = arith.constant 16 : index
        %swap3A_110 = tpu.vector_load %arg13[%swap3A_109] {strides = array<i32>} : memref<80xi32, #tpu.memory_space<vmem>>, vector<16xi32>,
        tpu.vector_store %arg13[%swap3A_109], %add3A_108 {strides = array<i32>} : memref<80xi32, #tpu.memory_space<vmem>>, vector<16xi32>,
        %add3A_111 = arith.constant 32 : i32
        %add3A_112 = arith.addi %mul3A_100, %add3A_111 : i32
        %broadcast_in_dim3A_113 = vector.broadcast %add3A_112 : i32 to vector<16xi32>
        %add3A_114 = arith.addi %broadcast_in_dim3A_113, %iota3A : vector<16xi32>
        %swap3A_115 = arith.constant 32 : index
        %swap3A_116 = tpu.vector_load %arg13[%swap3A_115] {strides = array<i32>} : memref<80xi32, #tpu.memory_space<vmem>>, vector<16xi32>,
        tpu.vector_store %arg13[%swap3A_115], %add3A_114 {strides = array<i32>} : memref<80xi32, #tpu.memory_space<vmem>>, vector<16xi32>,
        %add3A_117 = arith.constant 48 : i32
        %add3A_118 = arith.addi %mul3A_100, %add3A_117 : i32
        %broadcast_in_dim3A_119 = vector.broadcast %add3A_118 : i32 to vector<16xi32>
        %add3A_120 = arith.addi %broadcast_in_dim3A_119, %iota3A : vector<16xi32>
        %swap3A_121 = arith.constant 48 : index
        %swap3A_122 = tpu.vector_load %arg13[%swap3A_121] {strides = array<i32>} : memref<80xi32, #tpu.memory_space<vmem>>, vector<16xi32>,
        tpu.vector_store %arg13[%swap3A_121], %add3A_120 {strides = array<i32>} : memref<80xi32, #tpu.memory_space<vmem>>, vector<16xi32>,
        %add3A_123 = arith.constant 64 : i32
        %add3A_124 = arith.addi %mul3A_100, %add3A_123 : i32
        %broadcast_in_dim3A_125 = vector.broadcast %add3A_124 : i32 to vector<16xi32>
        %add3A_126 = arith.addi %broadcast_in_dim3A_125, %iota3A : vector<16xi32>
        %swap3A_127 = arith.constant 64 : index
        %swap3A_128 = tpu.vector_load %arg13[%swap3A_127] {strides = array<i32>} : memref<80xi32, #tpu.memory_space<vmem>>, vector<16xi32>,
        tpu.vector_store %arg13[%swap3A_127], %add3A_126 {strides = array<i32>} : memref<80xi32, #tpu.memory_space<vmem>>, vector<16xi32>,
        "tpu.region"() ({
          %run_scoped3A = tpu.sem_alloc : memref<!tpu.dma_semaphore, #tpu.memory_space<semaphore_mem>>
          %dma_start3A = arith.constant 0 : i32
          %dma_start3A_129 = arith.constant 0 : i32
          %dma_start3A_130 = tpu.memref_slice %arg14[%dma_start3A, %dma_start3A_129] : memref<10000x128xf32, #tpu.memory_space<vmem_shared>> -> memref<10000x128xf32, #tpu.memory_space<vmem_shared>>
          tpu.enqueue_indirect_dma source(%dma_start3A_130 : memref<10000x128xf32, #tpu.memory_space<vmem_shared>>) target(%arg12 : memref<80x128xf32, #tpu.memory_space<vmem>>) offsets(%arg13 : memref<80xi32, #tpu.memory_space<vmem>>) semaphore(%run_scoped3A : memref<!tpu.dma_semaphore, #tpu.memory_space<semaphore_mem>>)
          %dma_wait3A = arith.constant 0 : i32
          %dma_wait3A_131 = arith.constant 0 : i32
          %dma_wait3A_132 = tpu.memref_slice %arg14[%dma_wait3A, %dma_wait3A_131] : memref<10000x128xf32, #tpu.memory_space<vmem_shared>> -> memref<10000x128xf32, #tpu.memory_space<vmem_shared>>
          tpu.wait_indirect_dma semaphore(%run_scoped3A : memref<!tpu.dma_semaphore, #tpu.memory_space<semaphore_mem>>) src(%dma_wait3A_132 : memref<10000x128xf32, #tpu.memory_space<vmem_shared>>) dst(%arg12 : memref<80x128xf32, #tpu.memory_space<vmem>>)
          tpu.yield
        }) : () -> ()
        "tpu.region"() ({
          %run_scoped3A = tpu.sem_alloc : memref<!tpu.dma_semaphore, #tpu.memory_space<semaphore_mem>>
          %dma_start3A = arith.constant 0 : i32
          %dma_start3A_129 = tpu.memref_slice %arg6[%mul3A_100, %dma_start3A] : memref<10000x128xf32, #tpu.memory_space<hbm>> -> memref<80x128xf32, #tpu.memory_space<hbm>>
          %dma_start3A_130 = arith.constant 0 : i32
          %dma_start3A_131 = tpu.memref_slice %arg6[%mul3A_100, %dma_start3A_130] : memref<10000x128xf32, #tpu.memory_space<hbm>> -> memref<80x128xf32, #tpu.memory_space<hbm>>
          tpu.enqueue_dma source(%arg12 : memref<80x128xf32, #tpu.memory_space<vmem>>) target(%dma_start3A_131 : memref<80x128xf32, #tpu.memory_space<hbm>>) target_semaphore(%run_scoped3A : memref<!tpu.dma_semaphore, #tpu.memory_space<semaphore_mem>>)
          %dma_wait3A = arith.constant 0 : i32
          %dma_wait3A_132 = tpu.memref_slice %arg6[%mul3A_100, %dma_wait3A] : memref<10000x128xf32, #tpu.memory_space<hbm>> -> memref<80x128xf32, #tpu.memory_space<hbm>>
          %dma_wait3A_133 = arith.constant 0 : i32
          %dma_wait3A_134 = tpu.memref_slice %arg6[%mul3A_100, %dma_wait3A_133] : memref<10000x128xf32, #tpu.memory_space<hbm>> -> memref<80x128xf32, #tpu.memory_space<hbm>>
          tpu.wait_dma2 semaphore(%run_scoped3A : memref<!tpu.dma_semaphore, #tpu.memory_space<semaphore_mem>>) src(%arg12 : memref<80x128xf32, #tpu.memory_space<vmem>>) dst(%dma_wait3A_134 : memref<80x128xf32, #tpu.memory_space<hbm>>)
          tpu.yield
        }) : () -> ()
      }
      %while3A_94 = arith.constant 1 : i32
      scf.for %while3A_95 = %while3A_92 to %while3A_88 step %while3A_94  : i32 {
        %mul3A_96 = arith.constant 16 : i32
        %mul3A_97 = arith.muli %while3A_95, %mul3A_96 : i32
        %add3A_98 = arith.addi %arg1, %mul3A_97 : i32
        %mul3A_99 = arith.constant 80 : i32
        %mul3A_100 = arith.muli %add3A_98, %mul3A_99 : i32
        %add3A_101 = arith.constant 0 : i32
        %add3A_102 = arith.addi %mul3A_100, %add3A_101 : i32
        %broadcast_in_dim3A = vector.broadcast %add3A_102 : i32 to vector<16xi32>
        %add3A_103 = arith.addi %broadcast_in_dim3A, %iota3A : vector<16xi32>
        %swap3A = arith.constant 0 : index
        %swap3A_104 = tpu.vector_load %arg13[%swap3A] {strides = array<i32>} : memref<80xi32, #tpu.memory_space<vmem>>, vector<16xi32>,
        tpu.vector_store %arg13[%swap3A], %add3A_103 {strides = array<i32>} : memref<80xi32, #tpu.memory_space<vmem>>, vector<16xi32>,
        %add3A_105 = arith.constant 16 : i32
        %add3A_106 = arith.addi %mul3A_100, %add3A_105 : i32
        %broadcast_in_dim3A_107 = vector.broadcast %add3A_106 : i32 to vector<16xi32>
        %add3A_108 = arith.addi %broadcast_in_dim3A_107, %iota3A : vector<16xi32>
        %swap3A_109 = arith.constant 16 : index
        %swap3A_110 = tpu.vector_load %arg13[%swap3A_109] {strides = array<i32>} : memref<80xi32, #tpu.memory_space<vmem>>, vector<16xi32>,
        tpu.vector_store %arg13[%swap3A_109], %add3A_108 {strides = array<i32>} : memref<80xi32, #tpu.memory_space<vmem>>, vector<16xi32>,
        %add3A_111 = arith.constant 32 : i32
        %add3A_112 = arith.addi %mul3A_100, %add3A_111 : i32
        %broadcast_in_dim3A_113 = vector.broadcast %add3A_112 : i32 to vector<16xi32>
        %add3A_114 = arith.addi %broadcast_in_dim3A_113, %iota3A : vector<16xi32>
        %swap3A_115 = arith.constant 32 : index
        %swap3A_116 = tpu.vector_load %arg13[%swap3A_115] {strides = array<i32>} : memref<80xi32, #tpu.memory_space<vmem>>, vector<16xi32>,
        tpu.vector_store %arg13[%swap3A_115], %add3A_114 {strides = array<i32>} : memref<80xi32, #tpu.memory_space<vmem>>, vector<16xi32>,
        %add3A_117 = arith.constant 48 : i32
        %add3A_118 = arith.addi %mul3A_100, %add3A_117 : i32
        %broadcast_in_dim3A_119 = vector.broadcast %add3A_118 : i32 to vector<16xi32>
        %add3A_120 = arith.addi %broadcast_in_dim3A_119, %iota3A : vector<16xi32>
        %swap3A_121 = arith.constant 48 : index
        %swap3A_122 = tpu.vector_load %arg13[%swap3A_121] {strides = array<i32>} : memref<80xi32, #tpu.memory_space<vmem>>, vector<16xi32>,
        tpu.vector_store %arg13[%swap3A_121], %add3A_120 {strides = array<i32>} : memref<80xi32, #tpu.memory_space<vmem>>, vector<16xi32>,
        %add3A_123 = arith.constant 64 : i32
        %add3A_124 = arith.addi %mul3A_100, %add3A_123 : i32
        %broadcast_in_dim3A_125 = vector.broadcast %add3A_124 : i32 to vector<16xi32>
        %add3A_126 = arith.addi %broadcast_in_dim3A_125, %iota3A : vector<16xi32>
        %swap3A_127 = arith.constant 64 : index
        %swap3A_128 = tpu.vector_load %arg13[%swap3A_127] {strides = array<i32>} : memref<80xi32, #tpu.memory_space<vmem>>, vector<16xi32>,
        tpu.vector_store %arg13[%swap3A_127], %add3A_126 {strides = array<i32>} : memref<80xi32, #tpu.memory_space<vmem>>, vector<16xi32>,
        "tpu.region"() ({
          %run_scoped3A = tpu.sem_alloc : memref<!tpu.dma_semaphore, #tpu.memory_space<semaphore_mem>>
          %dma_start3A = arith.constant 0 : i32
          %dma_start3A_129 = arith.constant 0 : i32
          %dma_start3A_130 = tpu.memref_slice %arg14[%dma_start3A, %dma_start3A_129] : memref<10000x128xf32, #tpu.memory_space<vmem_shared>> -> memref<10000x128xf32, #tpu.memory_space<vmem_shared>>
          tpu.enqueue_indirect_dma source(%dma_start3A_130 : memref<10000x128xf32, #tpu.memory_space<vmem_shared>>) target(%arg12 : memref<80x128xf32, #tpu.memory_space<vmem>>) offsets(%arg13 : memref<80xi32, #tpu.memory_space<vmem>>) semaphore(%run_scoped3A : memref<!tpu.dma_semaphore, #tpu.memory_space<semaphore_mem>>)
          %dma_wait3A = arith.constant 0 : i32
          %dma_wait3A_131 = arith.constant 0 : i32
          %dma_wait3A_132 = tpu.memref_slice %arg14[%dma_wait3A, %dma_wait3A_131] : memref<10000x128xf32, #tpu.memory_space<vmem_shared>> -> memref<10000x128xf32, #tpu.memory_space<vmem_shared>>
          tpu.wait_indirect_dma semaphore(%run_scoped3A : memref<!tpu.dma_semaphore, #tpu.memory_space<semaphore_mem>>) src(%dma_wait3A_132 : memref<10000x128xf32, #tpu.memory_space<vmem_shared>>) dst(%arg12 : memref<80x128xf32, #tpu.memory_space<vmem>>)
          tpu.yield
        }) : () -> ()
        "tpu.region"() ({
          %run_scoped3A = tpu.sem_alloc : memref<!tpu.dma_semaphore, #tpu.memory_space<semaphore_mem>>
          %dma_start3A = arith.constant 0 : i32
          %dma_start3A_129 = tpu.memref_slice %arg6[%mul3A_100, %dma_start3A] : memref<10000x128xf32, #tpu.memory_space<hbm>> -> memref<80x128xf32, #tpu.memory_space<hbm>>
          %dma_start3A_130 = arith.constant 0 : i32
          %dma_start3A_131 = tpu.memref_slice %arg6[%mul3A_100, %dma_start3A_130] : memref<10000x128xf32, #tpu.memory_space<hbm>> -> memref<80x128xf32, #tpu.memory_space<hbm>>
          tpu.enqueue_dma source(%arg12 : memref<80x128xf32, #tpu.memory_space<vmem>>) target(%dma_start3A_131 : memref<80x128xf32, #tpu.memory_space<hbm>>) target_semaphore(%run_scoped3A : memref<!tpu.dma_semaphore, #tpu.memory_space<semaphore_mem>>)
          %dma_wait3A = arith.constant 0 : i32
          %dma_wait3A_132 = tpu.memref_slice %arg6[%mul3A_100, %dma_wait3A] : memref<10000x128xf32, #tpu.memory_space<hbm>> -> memref<80x128xf32, #tpu.memory_space<hbm>>
          %dma_wait3A_133 = arith.constant 0 : i32
          %dma_wait3A_134 = tpu.memref_slice %arg6[%mul3A_100, %dma_wait3A_133] : memref<10000x128xf32, #tpu.memory_space<hbm>> -> memref<80x128xf32, #tpu.memory_space<hbm>>
          tpu.wait_dma2 semaphore(%run_scoped3A : memref<!tpu.dma_semaphore, #tpu.memory_space<semaphore_mem>>) src(%arg12 : memref<80x128xf32, #tpu.memory_space<vmem>>) dst(%dma_wait3A_134 : memref<80x128xf32, #tpu.memory_space<hbm>>)
          tpu.yield
        }) : () -> ()
      }
    } else {
    }
    return
  }
}

module attributes {stable_mosaic.version = 14 : i64} {
  func.func @_tc0_body(%arg0: i32, %arg1: memref<1000x128xf32, #tpu.memory_space<vmem>>, %arg2: memref<128x128xf32, #tpu.memory_space<vmem>>, %arg3: memref<1x128xf32, #tpu.memory_space<vmem>>, %arg4: memref<128x128xf32, #tpu.memory_space<vmem>>, %arg5: memref<1x128xf32, #tpu.memory_space<vmem>>, %arg6: memref<128x128xf32, #tpu.memory_space<vmem>>, %arg7: memref<1x128xf32, #tpu.memory_space<vmem>>, %arg8: memref<1x128xf32, #tpu.memory_space<vmem>>, %arg9: memref<1x128xf32, #tpu.memory_space<vmem>>, %arg10: memref<1000x128xf32, #tpu.memory_space<vmem>>, %arg11: memref<1000x128xf32, #tpu.memory_space<vmem>>, %arg12: memref<1000x128xf32, #tpu.memory_space<vmem>>) attributes {dimension_semantics = [#tpu.dimension_semantics<arbitrary>], iteration_bounds = array<i64: 10>, scalar_prefetch = 0 : i64, scratch_operands = 0 : i64, tpu.core_type = #tpu.core_type<tc>, window_params = [{transform_indices = @transform_0, window_bounds = array<i64: 1000, 128>}, {pipeline_mode = #tpu.pipeline_mode<synchronous>, transform_indices = @transform_1, window_bounds = array<i64: 128, 128>}, {pipeline_mode = #tpu.pipeline_mode<synchronous>, transform_indices = @transform_2, window_bounds = array<i64: 1, 128>}, {pipeline_mode = #tpu.pipeline_mode<synchronous>, transform_indices = @transform_3, window_bounds = array<i64: 128, 128>}, {pipeline_mode = #tpu.pipeline_mode<synchronous>, transform_indices = @transform_4, window_bounds = array<i64: 1, 128>}, {pipeline_mode = #tpu.pipeline_mode<synchronous>, transform_indices = @transform_5, window_bounds = array<i64: 128, 128>}, {pipeline_mode = #tpu.pipeline_mode<synchronous>, transform_indices = @transform_6, window_bounds = array<i64: 1, 128>}, {pipeline_mode = #tpu.pipeline_mode<synchronous>, transform_indices = @transform_7, window_bounds = array<i64: 1, 128>}, {pipeline_mode = #tpu.pipeline_mode<synchronous>, transform_indices = @transform_8, window_bounds = array<i64: 1, 128>}, {transform_indices = @transform_9, window_bounds = array<i64: 1000, 128>}, {transform_indices = @transform_10, window_bounds = array<i64: 1000, 128>}, {transform_indices = @transform_11, window_bounds = array<i64: 1000, 128>}]} {
    %get3A = arith.constant 0 : index
    %get3A_0 = arith.constant 0 : index
    %get3A_1 = vector.load %arg1[%get3A, %get3A_0] : memref<1000x128xf32, #tpu.memory_space<vmem>>, vector<1000x128xf32>
    %reduce_sum3A = arith.constant dense<0.000000e+00> : vector<1000xf32>
    %reduce_sum3A_2 = vector.multi_reduction <add>, %get3A_1, %reduce_sum3A [1] : vector<1000x128xf32> to vector<1000xf32>
    %broadcast_in_dim3A = vector.shape_cast %reduce_sum3A_2 : vector<1000xf32> to vector<1000x1xf32>
    %div3A = arith.constant 1.280000e+02 : f32
    %div3A_3 = vector.broadcast %div3A : f32 to vector<1000x1xf32>
    %div3A_4 = arith.divf %broadcast_in_dim3A, %div3A_3 : vector<1000x1xf32>
    %sub3A = vector.broadcast %div3A_4 : vector<1000x1xf32> to vector<1000x128xf32>
    %sub3A_5 = arith.subf %get3A_1, %sub3A : vector<1000x128xf32>
    %integer_pow3A = arith.mulf %sub3A_5, %sub3A_5 : vector<1000x128xf32>
    %reduce_sum3A_6 = arith.constant dense<0.000000e+00> : vector<1000xf32>
    %reduce_sum3A_7 = vector.multi_reduction <add>, %integer_pow3A, %reduce_sum3A_6 [1] : vector<1000x128xf32> to vector<1000xf32>
    %broadcast_in_dim3A_8 = vector.shape_cast %reduce_sum3A_7 : vector<1000xf32> to vector<1000x1xf32>
    %div3A_9 = arith.constant 1.280000e+02 : f32
    %div3A_10 = vector.broadcast %div3A_9 : f32 to vector<1000x1xf32>
    %div3A_11 = arith.divf %broadcast_in_dim3A_8, %div3A_10 : vector<1000x1xf32>
    %sub3A_12 = vector.broadcast %div3A_4 : vector<1000x1xf32> to vector<1000x128xf32>
    %sub3A_13 = arith.subf %get3A_1, %sub3A_12 : vector<1000x128xf32>
    %add3A = arith.constant 9.99999974E-6 : f32
    %add3A_14 = vector.broadcast %add3A : f32 to vector<1000x1xf32>
    %add3A_15 = arith.addf %div3A_11, %add3A_14 : vector<1000x1xf32>
    %rsqrt3A = math.rsqrt %add3A_15 : vector<1000x1xf32>
    %mul3A = vector.broadcast %rsqrt3A : vector<1000x1xf32> to vector<1000x128xf32>
    %mul3A_16 = arith.mulf %sub3A_13, %mul3A : vector<1000x128xf32>
    %get3A_17 = arith.constant 0 : index
    %get3A_18 = arith.constant 0 : index
    %get3A_19 = vector.load %arg8[%get3A_17, %get3A_18] : memref<1x128xf32, #tpu.memory_space<vmem>>, vector<1x128xf32>
    %mul3A_20 = vector.broadcast %get3A_19 : vector<1x128xf32> to vector<1000x128xf32>
    %mul3A_21 = arith.mulf %mul3A_16, %mul3A_20 : vector<1000x128xf32>
    %get3A_22 = arith.constant 0 : index
    %get3A_23 = arith.constant 0 : index
    %get3A_24 = vector.load %arg9[%get3A_22, %get3A_23] : memref<1x128xf32, #tpu.memory_space<vmem>>, vector<1x128xf32>
    %add3A_25 = vector.broadcast %get3A_24 : vector<1x128xf32> to vector<1000x128xf32>
    %add3A_26 = arith.addf %mul3A_21, %add3A_25 : vector<1000x128xf32>
    %get3A_27 = arith.constant 0 : index
    %get3A_28 = arith.constant 0 : index
    %get3A_29 = vector.load %arg2[%get3A_27, %get3A_28] : memref<128x128xf32, #tpu.memory_space<vmem>>, vector<128x128xf32>
    %dot_general3A = arith.constant dense<0.000000e+00> : vector<1000x128xf32>
    %dot_general3A_30 = tpu.matmul %add3A_26, %get3A_29, %dot_general3A {dimension_numbers = #tpu.dot_dimension_numbers<[1], [0], [0], [1], [0, 0, 1, 1], [], []>, transpose_lhs_hint = false} : vector<1000x128xf32>, vector<128x128xf32>, vector<1000x128xf32> -> vector<1000x128xf32>
    %get3A_31 = arith.constant 0 : index
    %get3A_32 = arith.constant 0 : index
    %get3A_33 = vector.load %arg3[%get3A_31, %get3A_32] : memref<1x128xf32, #tpu.memory_space<vmem>>, vector<1x128xf32>
    %add3A_34 = vector.broadcast %get3A_33 : vector<1x128xf32> to vector<1000x128xf32>
    %add3A_35 = arith.addf %dot_general3A_30, %add3A_34 : vector<1000x128xf32>
    %mul3A_36 = arith.constant 0.0883883461 : f32
    %mul3A_37 = vector.broadcast %mul3A_36 : f32 to vector<1000x128xf32>
    %mul3A_38 = arith.mulf %add3A_35, %mul3A_37 : vector<1000x128xf32>
    %swap3A = arith.constant 0 : index
    %swap3A_39 = arith.constant 0 : index
    %swap3A_40 = vector.load %arg10[%swap3A, %swap3A_39] : memref<1000x128xf32, #tpu.memory_space<vmem>>, vector<1000x128xf32>
    tpu.vector_store %arg10[%swap3A, %swap3A_39], %mul3A_38 {strides = array<i32>} : memref<1000x128xf32, #tpu.memory_space<vmem>>, vector<1000x128xf32>,
    %get3A_41 = arith.constant 0 : index
    %get3A_42 = arith.constant 0 : index
    %get3A_43 = vector.load %arg4[%get3A_41, %get3A_42] : memref<128x128xf32, #tpu.memory_space<vmem>>, vector<128x128xf32>
    %dot_general3A_44 = arith.constant dense<0.000000e+00> : vector<1000x128xf32>
    %dot_general3A_45 = tpu.matmul %add3A_26, %get3A_43, %dot_general3A_44 {dimension_numbers = #tpu.dot_dimension_numbers<[1], [0], [0], [1], [0, 0, 1, 1], [], []>, transpose_lhs_hint = false} : vector<1000x128xf32>, vector<128x128xf32>, vector<1000x128xf32> -> vector<1000x128xf32>
    %get3A_46 = arith.constant 0 : index
    %get3A_47 = arith.constant 0 : index
    %get3A_48 = vector.load %arg5[%get3A_46, %get3A_47] : memref<1x128xf32, #tpu.memory_space<vmem>>, vector<1x128xf32>
    %add3A_49 = vector.broadcast %get3A_48 : vector<1x128xf32> to vector<1000x128xf32>
    %add3A_50 = arith.addf %dot_general3A_45, %add3A_49 : vector<1000x128xf32>
    %swap3A_51 = arith.constant 0 : index
    %swap3A_52 = arith.constant 0 : index
    %swap3A_53 = vector.load %arg11[%swap3A_51, %swap3A_52] : memref<1000x128xf32, #tpu.memory_space<vmem>>, vector<1000x128xf32>
    tpu.vector_store %arg11[%swap3A_51, %swap3A_52], %add3A_50 {strides = array<i32>} : memref<1000x128xf32, #tpu.memory_space<vmem>>, vector<1000x128xf32>,
    %get3A_54 = arith.constant 0 : index
    %get3A_55 = arith.constant 0 : index
    %get3A_56 = vector.load %arg6[%get3A_54, %get3A_55] : memref<128x128xf32, #tpu.memory_space<vmem>>, vector<128x128xf32>
    %dot_general3A_57 = arith.constant dense<0.000000e+00> : vector<1000x128xf32>
    %dot_general3A_58 = tpu.matmul %add3A_26, %get3A_56, %dot_general3A_57 {dimension_numbers = #tpu.dot_dimension_numbers<[1], [0], [0], [1], [0, 0, 1, 1], [], []>, transpose_lhs_hint = false} : vector<1000x128xf32>, vector<128x128xf32>, vector<1000x128xf32> -> vector<1000x128xf32>
    %get3A_59 = arith.constant 0 : index
    %get3A_60 = arith.constant 0 : index
    %get3A_61 = vector.load %arg7[%get3A_59, %get3A_60] : memref<1x128xf32, #tpu.memory_space<vmem>>, vector<1x128xf32>
    %add3A_62 = vector.broadcast %get3A_61 : vector<1x128xf32> to vector<1000x128xf32>
    %add3A_63 = arith.addf %dot_general3A_58, %add3A_62 : vector<1000x128xf32>
    %swap3A_64 = arith.constant 0 : index
    %swap3A_65 = arith.constant 0 : index
    %swap3A_66 = vector.load %arg12[%swap3A_64, %swap3A_65] : memref<1000x128xf32, #tpu.memory_space<vmem>>, vector<1000x128xf32>
    tpu.vector_store %arg12[%swap3A_64, %swap3A_65], %add3A_63 {strides = array<i32>} : memref<1000x128xf32, #tpu.memory_space<vmem>>, vector<1000x128xf32>,
    return
  }
  func.func @transform_0(%arg0: i32) -> (i32, i32) {
    %c0_i32 = arith.constant 0 : i32
    %c0_i32_0 = arith.constant 0 : i32
    return %arg0, %c0_i32 : i32, i32
  }
  func.func @transform_1(%arg0: i32) -> (i32, i32) {
    %c0_i32 = arith.constant 0 : i32
    %c0_i32_0 = arith.constant 0 : i32
    %c0_i32_1 = arith.constant 0 : i32
    return %c0_i32, %c0_i32_0 : i32, i32
  }
  func.func @transform_2(%arg0: i32) -> (i32, i32) {
    %c0_i32 = arith.constant 0 : i32
    %c0_i32_0 = arith.constant 0 : i32
    %c0_i32_1 = arith.constant 0 : i32
    return %c0_i32, %c0_i32_0 : i32, i32
  }
  func.func @transform_3(%arg0: i32) -> (i32, i32) {
    %c0_i32 = arith.constant 0 : i32
    %c0_i32_0 = arith.constant 0 : i32
    %c0_i32_1 = arith.constant 0 : i32
    return %c0_i32, %c0_i32_0 : i32, i32
  }
  func.func @transform_4(%arg0: i32) -> (i32, i32) {
    %c0_i32 = arith.constant 0 : i32
    %c0_i32_0 = arith.constant 0 : i32
    %c0_i32_1 = arith.constant 0 : i32
    return %c0_i32, %c0_i32_0 : i32, i32
  }
  func.func @transform_5(%arg0: i32) -> (i32, i32) {
    %c0_i32 = arith.constant 0 : i32
    %c0_i32_0 = arith.constant 0 : i32
    %c0_i32_1 = arith.constant 0 : i32
    return %c0_i32, %c0_i32_0 : i32, i32
  }
  func.func @transform_6(%arg0: i32) -> (i32, i32) {
    %c0_i32 = arith.constant 0 : i32
    %c0_i32_0 = arith.constant 0 : i32
    %c0_i32_1 = arith.constant 0 : i32
    return %c0_i32, %c0_i32_0 : i32, i32
  }
  func.func @transform_7(%arg0: i32) -> (i32, i32) {
    %c0_i32 = arith.constant 0 : i32
    %c0_i32_0 = arith.constant 0 : i32
    %c0_i32_1 = arith.constant 0 : i32
    return %c0_i32, %c0_i32_0 : i32, i32
  }
  func.func @transform_8(%arg0: i32) -> (i32, i32) {
    %c0_i32 = arith.constant 0 : i32
    %c0_i32_0 = arith.constant 0 : i32
    %c0_i32_1 = arith.constant 0 : i32
    return %c0_i32, %c0_i32_0 : i32, i32
  }
  func.func @transform_9(%arg0: i32) -> (i32, i32) {
    %c0_i32 = arith.constant 0 : i32
    %c0_i32_0 = arith.constant 0 : i32
    return %arg0, %c0_i32 : i32, i32
  }
  func.func @transform_10(%arg0: i32) -> (i32, i32) {
    %c0_i32 = arith.constant 0 : i32
    %c0_i32_0 = arith.constant 0 : i32
    return %arg0, %c0_i32 : i32, i32
  }
  func.func @transform_11(%arg0: i32) -> (i32, i32) {
    %c0_i32 = arith.constant 0 : i32
    %c0_i32_0 = arith.constant 0 : i32
    return %arg0, %c0_i32 : i32, i32
  }
}

module attributes {stable_mosaic.version = 14 : i64} {
  func.func @_tcc_body(%arg0: i32, %arg1: memref<1000x128xf32, #tpu.memory_space<vmem>>, %arg2: memref<1000x128xf32, #tpu.memory_space<vmem>>, %arg3: memref<1000x128xf32, #tpu.memory_space<vmem>>, %arg4: memref<1000x128xf32, #tpu.memory_space<vmem>>, %arg5: memref<1000x128xf32, #tpu.memory_space<vmem>>, %arg6: memref<128x128xf32, #tpu.memory_space<vmem>>, %arg7: memref<1x128xf32, #tpu.memory_space<vmem>>, %arg8: memref<1x128xf32, #tpu.memory_space<vmem>>, %arg9: memref<1x128xf32, #tpu.memory_space<vmem>>, %arg10: memref<128x512xf32, #tpu.memory_space<vmem>>, %arg11: memref<1x512xf32, #tpu.memory_space<vmem>>, %arg12: memref<512x128xf32, #tpu.memory_space<vmem>>, %arg13: memref<1x128xf32, #tpu.memory_space<vmem>>, %arg14: memref<1000x128xf32, #tpu.memory_space<vmem>>) attributes {dimension_semantics = [#tpu.dimension_semantics<arbitrary>], iteration_bounds = array<i64: 10>, scalar_prefetch = 0 : i64, scratch_operands = 0 : i64, tpu.core_type = #tpu.core_type<tc>, window_params = [{transform_indices = @transform_0, window_bounds = array<i64: 1000, 128>}, {transform_indices = @transform_1, window_bounds = array<i64: 1000, 128>}, {transform_indices = @transform_2, window_bounds = array<i64: 1000, 128>}, {transform_indices = @transform_3, window_bounds = array<i64: 1000, 128>}, {transform_indices = @transform_4, window_bounds = array<i64: 1000, 128>}, {pipeline_mode = #tpu.pipeline_mode<synchronous>, transform_indices = @transform_5, window_bounds = array<i64: 128, 128>}, {pipeline_mode = #tpu.pipeline_mode<synchronous>, transform_indices = @transform_6, window_bounds = array<i64: 1, 128>}, {pipeline_mode = #tpu.pipeline_mode<synchronous>, transform_indices = @transform_7, window_bounds = array<i64: 1, 128>}, {pipeline_mode = #tpu.pipeline_mode<synchronous>, transform_indices = @transform_8, window_bounds = array<i64: 1, 128>}, {pipeline_mode = #tpu.pipeline_mode<synchronous>, transform_indices = @transform_9, window_bounds = array<i64: 128, 512>}, {pipeline_mode = #tpu.pipeline_mode<synchronous>, transform_indices = @transform_10, window_bounds = array<i64: 1, 512>}, {pipeline_mode = #tpu.pipeline_mode<synchronous>, transform_indices = @transform_11, window_bounds = array<i64: 512, 128>}, {pipeline_mode = #tpu.pipeline_mode<synchronous>, transform_indices = @transform_12, window_bounds = array<i64: 1, 128>}, {transform_indices = @transform_13, window_bounds = array<i64: 1000, 128>}]} {
    %get3A = arith.constant 0 : index
    %get3A_0 = arith.constant 0 : index
    %get3A_1 = vector.load %arg3[%get3A, %get3A_0] : memref<1000x128xf32, #tpu.memory_space<vmem>>, vector<1000x128xf32>
    %get3A_2 = arith.constant 0 : index
    %get3A_3 = arith.constant 0 : index
    %get3A_4 = vector.load %arg4[%get3A_2, %get3A_3] : memref<1000x128xf32, #tpu.memory_space<vmem>>, vector<1000x128xf32>
    %add3A = arith.addf %get3A_1, %get3A_4 : vector<1000x128xf32>
    %max3A = arith.constant 1.000000e-30 : f32
    %max3A_5 = vector.broadcast %max3A : f32 to vector<1000x128xf32>
    %max3A_6 = arith.maximumf %add3A, %max3A_5 : vector<1000x128xf32>
    %get3A_7 = arith.constant 0 : index
    %get3A_8 = arith.constant 0 : index
    %get3A_9 = vector.load %arg1[%get3A_7, %get3A_8] : memref<1000x128xf32, #tpu.memory_space<vmem>>, vector<1000x128xf32>
    %get3A_10 = arith.constant 0 : index
    %get3A_11 = arith.constant 0 : index
    %get3A_12 = vector.load %arg2[%get3A_10, %get3A_11] : memref<1000x128xf32, #tpu.memory_space<vmem>>, vector<1000x128xf32>
    %add3A_13 = arith.addf %get3A_9, %get3A_12 : vector<1000x128xf32>
    %div3A = arith.divf %add3A_13, %max3A_6 : vector<1000x128xf32>
    %get3A_14 = arith.constant 0 : index
    %get3A_15 = arith.constant 0 : index
    %get3A_16 = vector.load %arg6[%get3A_14, %get3A_15] : memref<128x128xf32, #tpu.memory_space<vmem>>, vector<128x128xf32>
    %dot_general3A = arith.constant dense<0.000000e+00> : vector<1000x128xf32>
    %dot_general3A_17 = tpu.matmul %div3A, %get3A_16, %dot_general3A {dimension_numbers = #tpu.dot_dimension_numbers<[1], [0], [0], [1], [0, 0, 1, 1], [], []>, transpose_lhs_hint = false} : vector<1000x128xf32>, vector<128x128xf32>, vector<1000x128xf32> -> vector<1000x128xf32>
    %get3A_18 = arith.constant 0 : index
    %get3A_19 = arith.constant 0 : index
    %get3A_20 = vector.load %arg7[%get3A_18, %get3A_19] : memref<1x128xf32, #tpu.memory_space<vmem>>, vector<1x128xf32>
    %add3A_21 = vector.broadcast %get3A_20 : vector<1x128xf32> to vector<1000x128xf32>
    %add3A_22 = arith.addf %dot_general3A_17, %add3A_21 : vector<1000x128xf32>
    %get3A_23 = arith.constant 0 : index
    %get3A_24 = arith.constant 0 : index
    %get3A_25 = vector.load %arg5[%get3A_23, %get3A_24] : memref<1000x128xf32, #tpu.memory_space<vmem>>, vector<1000x128xf32>
    %add3A_26 = arith.addf %get3A_25, %add3A_22 : vector<1000x128xf32>
    %reduce_sum3A = arith.constant dense<0.000000e+00> : vector<1000xf32>
    %reduce_sum3A_27 = vector.multi_reduction <add>, %add3A_26, %reduce_sum3A [1] : vector<1000x128xf32> to vector<1000xf32>
    %broadcast_in_dim3A = vector.shape_cast %reduce_sum3A_27 : vector<1000xf32> to vector<1000x1xf32>
    %div3A_28 = arith.constant 1.280000e+02 : f32
    %div3A_29 = vector.broadcast %div3A_28 : f32 to vector<1000x1xf32>
    %div3A_30 = arith.divf %broadcast_in_dim3A, %div3A_29 : vector<1000x1xf32>
    %sub3A = vector.broadcast %div3A_30 : vector<1000x1xf32> to vector<1000x128xf32>
    %sub3A_31 = arith.subf %add3A_26, %sub3A : vector<1000x128xf32>
    %integer_pow3A = arith.mulf %sub3A_31, %sub3A_31 : vector<1000x128xf32>
    %reduce_sum3A_32 = arith.constant dense<0.000000e+00> : vector<1000xf32>
    %reduce_sum3A_33 = vector.multi_reduction <add>, %integer_pow3A, %reduce_sum3A_32 [1] : vector<1000x128xf32> to vector<1000xf32>
    %broadcast_in_dim3A_34 = vector.shape_cast %reduce_sum3A_33 : vector<1000xf32> to vector<1000x1xf32>
    %div3A_35 = arith.constant 1.280000e+02 : f32
    %div3A_36 = vector.broadcast %div3A_35 : f32 to vector<1000x1xf32>
    %div3A_37 = arith.divf %broadcast_in_dim3A_34, %div3A_36 : vector<1000x1xf32>
    %sub3A_38 = vector.broadcast %div3A_30 : vector<1000x1xf32> to vector<1000x128xf32>
    %sub3A_39 = arith.subf %add3A_26, %sub3A_38 : vector<1000x128xf32>
    %add3A_40 = arith.constant 9.99999974E-6 : f32
    %add3A_41 = vector.broadcast %add3A_40 : f32 to vector<1000x1xf32>
    %add3A_42 = arith.addf %div3A_37, %add3A_41 : vector<1000x1xf32>
    %rsqrt3A = math.rsqrt %add3A_42 : vector<1000x1xf32>
    %mul3A = vector.broadcast %rsqrt3A : vector<1000x1xf32> to vector<1000x128xf32>
    %mul3A_43 = arith.mulf %sub3A_39, %mul3A : vector<1000x128xf32>
    %get3A_44 = arith.constant 0 : index
    %get3A_45 = arith.constant 0 : index
    %get3A_46 = vector.load %arg8[%get3A_44, %get3A_45] : memref<1x128xf32, #tpu.memory_space<vmem>>, vector<1x128xf32>
    %mul3A_47 = vector.broadcast %get3A_46 : vector<1x128xf32> to vector<1000x128xf32>
    %mul3A_48 = arith.mulf %mul3A_43, %mul3A_47 : vector<1000x128xf32>
    %get3A_49 = arith.constant 0 : index
    %get3A_50 = arith.constant 0 : index
    %get3A_51 = vector.load %arg9[%get3A_49, %get3A_50] : memref<1x128xf32, #tpu.memory_space<vmem>>, vector<1x128xf32>
    %add3A_52 = vector.broadcast %get3A_51 : vector<1x128xf32> to vector<1000x128xf32>
    %add3A_53 = arith.addf %mul3A_48, %add3A_52 : vector<1000x128xf32>
    %get3A_54 = arith.constant 0 : index
    %get3A_55 = arith.constant 0 : index
    %get3A_56 = vector.load %arg10[%get3A_54, %get3A_55] : memref<128x512xf32, #tpu.memory_space<vmem>>, vector<128x512xf32>
    %dot_general3A_57 = arith.constant dense<0.000000e+00> : vector<1000x512xf32>
    %dot_general3A_58 = tpu.matmul %add3A_53, %get3A_56, %dot_general3A_57 {dimension_numbers = #tpu.dot_dimension_numbers<[1], [0], [0], [1], [0, 0, 1, 1], [], []>, transpose_lhs_hint = false} : vector<1000x128xf32>, vector<128x512xf32>, vector<1000x512xf32> -> vector<1000x512xf32>
    %get3A_59 = arith.constant 0 : index
    %get3A_60 = arith.constant 0 : index
    %get3A_61 = vector.load %arg11[%get3A_59, %get3A_60] : memref<1x512xf32, #tpu.memory_space<vmem>>, vector<1x512xf32>
    %add3A_62 = vector.broadcast %get3A_61 : vector<1x512xf32> to vector<1000x512xf32>
    %add3A_63 = arith.addf %dot_general3A_58, %add3A_62 : vector<1000x512xf32>
    %integer_pow3A_64 = arith.mulf %add3A_63, %add3A_63 : vector<1000x512xf32>
    %integer_pow3A_65 = arith.mulf %add3A_63, %integer_pow3A_64 : vector<1000x512xf32>
    %mul3A_66 = arith.constant 4.471500e-02 : f32
    %mul3A_67 = vector.broadcast %mul3A_66 : f32 to vector<1000x512xf32>
    %mul3A_68 = arith.mulf %mul3A_67, %integer_pow3A_65 : vector<1000x512xf32>
    %add3A_69 = arith.addf %add3A_63, %mul3A_68 : vector<1000x512xf32>
    %mul3A_70 = arith.constant 0.797884583 : f32
    %mul3A_71 = vector.broadcast %mul3A_70 : f32 to vector<1000x512xf32>
    %mul3A_72 = arith.mulf %mul3A_71, %add3A_69 : vector<1000x512xf32>
    %tanh3A = math.tanh %mul3A_72 : vector<1000x512xf32>
    %add3A_73 = arith.constant 1.000000e+00 : f32
    %add3A_74 = vector.broadcast %add3A_73 : f32 to vector<1000x512xf32>
    %add3A_75 = arith.addf %add3A_74, %tanh3A : vector<1000x512xf32>
    %mul3A_76 = arith.constant 5.000000e-01 : f32
    %mul3A_77 = vector.broadcast %mul3A_76 : f32 to vector<1000x512xf32>
    %mul3A_78 = arith.mulf %mul3A_77, %add3A_75 : vector<1000x512xf32>
    %mul3A_79 = arith.mulf %add3A_63, %mul3A_78 : vector<1000x512xf32>
    %get3A_80 = arith.constant 0 : index
    %get3A_81 = arith.constant 0 : index
    %get3A_82 = vector.load %arg12[%get3A_80, %get3A_81] : memref<512x128xf32, #tpu.memory_space<vmem>>, vector<512x128xf32>
    %dot_general3A_83 = arith.constant dense<0.000000e+00> : vector<1000x128xf32>
    %dot_general3A_84 = tpu.matmul %mul3A_79, %get3A_82, %dot_general3A_83 {dimension_numbers = #tpu.dot_dimension_numbers<[1], [0], [0], [1], [0, 0, 1, 1], [], []>, transpose_lhs_hint = false} : vector<1000x512xf32>, vector<512x128xf32>, vector<1000x128xf32> -> vector<1000x128xf32>
    %get3A_85 = arith.constant 0 : index
    %get3A_86 = arith.constant 0 : index
    %get3A_87 = vector.load %arg13[%get3A_85, %get3A_86] : memref<1x128xf32, #tpu.memory_space<vmem>>, vector<1x128xf32>
    %add3A_88 = vector.broadcast %get3A_87 : vector<1x128xf32> to vector<1000x128xf32>
    %add3A_89 = arith.addf %dot_general3A_84, %add3A_88 : vector<1000x128xf32>
    %add3A_90 = arith.addf %add3A_26, %add3A_89 : vector<1000x128xf32>
    %swap3A = arith.constant 0 : index
    %swap3A_91 = arith.constant 0 : index
    %swap3A_92 = vector.load %arg14[%swap3A, %swap3A_91] : memref<1000x128xf32, #tpu.memory_space<vmem>>, vector<1000x128xf32>
    tpu.vector_store %arg14[%swap3A, %swap3A_91], %add3A_90 {strides = array<i32>} : memref<1000x128xf32, #tpu.memory_space<vmem>>, vector<1000x128xf32>,
    return
  }
  func.func @transform_0(%arg0: i32) -> (i32, i32) {
    %c0_i32 = arith.constant 0 : i32
    %c0_i32_0 = arith.constant 0 : i32
    return %arg0, %c0_i32 : i32, i32
  }
  func.func @transform_1(%arg0: i32) -> (i32, i32) {
    %c0_i32 = arith.constant 0 : i32
    %c0_i32_0 = arith.constant 0 : i32
    return %arg0, %c0_i32 : i32, i32
  }
  func.func @transform_2(%arg0: i32) -> (i32, i32) {
    %c0_i32 = arith.constant 0 : i32
    %c0_i32_0 = arith.constant 0 : i32
    return %arg0, %c0_i32 : i32, i32
  }
  func.func @transform_3(%arg0: i32) -> (i32, i32) {
    %c0_i32 = arith.constant 0 : i32
    %c0_i32_0 = arith.constant 0 : i32
    return %arg0, %c0_i32 : i32, i32
  }
  func.func @transform_4(%arg0: i32) -> (i32, i32) {
    %c0_i32 = arith.constant 0 : i32
    %c0_i32_0 = arith.constant 0 : i32
    return %arg0, %c0_i32 : i32, i32
  }
  func.func @transform_5(%arg0: i32) -> (i32, i32) {
    %c0_i32 = arith.constant 0 : i32
    %c0_i32_0 = arith.constant 0 : i32
    %c0_i32_1 = arith.constant 0 : i32
    return %c0_i32, %c0_i32_0 : i32, i32
  }
  func.func @transform_6(%arg0: i32) -> (i32, i32) {
    %c0_i32 = arith.constant 0 : i32
    %c0_i32_0 = arith.constant 0 : i32
    %c0_i32_1 = arith.constant 0 : i32
    return %c0_i32, %c0_i32_0 : i32, i32
  }
  func.func @transform_7(%arg0: i32) -> (i32, i32) {
    %c0_i32 = arith.constant 0 : i32
    %c0_i32_0 = arith.constant 0 : i32
    %c0_i32_1 = arith.constant 0 : i32
    return %c0_i32, %c0_i32_0 : i32, i32
  }
  func.func @transform_8(%arg0: i32) -> (i32, i32) {
    %c0_i32 = arith.constant 0 : i32
    %c0_i32_0 = arith.constant 0 : i32
    %c0_i32_1 = arith.constant 0 : i32
    return %c0_i32, %c0_i32_0 : i32, i32
  }
  func.func @transform_9(%arg0: i32) -> (i32, i32) {
    %c0_i32 = arith.constant 0 : i32
    %c0_i32_0 = arith.constant 0 : i32
    %c0_i32_1 = arith.constant 0 : i32
    return %c0_i32, %c0_i32_0 : i32, i32
  }
  func.func @transform_10(%arg0: i32) -> (i32, i32) {
    %c0_i32 = arith.constant 0 : i32
    %c0_i32_0 = arith.constant 0 : i32
    %c0_i32_1 = arith.constant 0 : i32
    return %c0_i32, %c0_i32_0 : i32, i32
  }
  func.func @transform_11(%arg0: i32) -> (i32, i32) {
    %c0_i32 = arith.constant 0 : i32
    %c0_i32_0 = arith.constant 0 : i32
    %c0_i32_1 = arith.constant 0 : i32
    return %c0_i32, %c0_i32_0 : i32, i32
  }
  func.func @transform_12(%arg0: i32) -> (i32, i32) {
    %c0_i32 = arith.constant 0 : i32
    %c0_i32_0 = arith.constant 0 : i32
    %c0_i32_1 = arith.constant 0 : i32
    return %c0_i32, %c0_i32_0 : i32, i32
  }
  func.func @transform_13(%arg0: i32) -> (i32, i32) {
    %c0_i32 = arith.constant 0 : i32
    %c0_i32_0 = arith.constant 0 : i32
    return %arg0, %c0_i32 : i32, i32
  }
}

</mosaic_0001>

<sc_bundles>
// kernel: kernel.10.cloned.1.call-start
scs
__scs_entry_jumppad:
0x0: {  	(pc) =	sbr.rel $0x88, $3  }
0x1: {  	(tag) =	ssettag $0x0;
	lr =	simm.s32 $0x1  }
0x2: {  	[smem:$0x3F91] =	sst lr;
	_ =	strace $0xD0000000  }
0x3: {  	_ = 	snop  }
0x4: {  	_ = 	snop  }
0x5: {  	_ = 	snop  }
0x6: {  	_ = 	snop  }
0x7: {  	_ = 	snop  }
__scs_overlays_trampoline_lowered:
0x8: {  	[smem:$0x3FA0] =	sst s0  }
0x9: {  	[smem:$0x3FA1] =	sst s1  }
0xa: {  	[smem:$0x3FA2] =	sst s2  }
0xb: {  	[smem:$0x3FA3] =	sst s3  }
0xc: {  	[smem:$0x3FA4] =	sst s4  }
0xd: {  	[smem:$0x3FA5] =	sst s5  }
0xe: {  	[smem:$0x3FA6] =	sst s6  }
0xf: {  	[smem:$0x3FA7] =	sst s7  }
0x10: {  	[smem:$0x3FA8] =	sst s8  }
0x11: {  	[smem:$0x3FA9] =	sst s9;
	s0 =	simm.s32 @!p0 $0x0  }
0x12: {  	s1 =	sld [smem:$0x3F8F];
	s0 =	simm.s32 @p0 $0x1  }
0x13: {  	[smem:$0x3FAA] =	sst s0;
	s0 =	simm.s32 @!p1 $0x0  }
0x14: {  	s2 =	sld [smem:$0x3F8E];
	s0 =	simm.s32 @p1 $0x1  }
0x15: {  	[smem:$0x3FAB] =	sst s0;
	s0 =	simm.s32 @!p2 $0x0  }
0x16: {  	s3 =	sld [smem:$0x3FDB];
	s0 =	simm.s32 @p2 $0x1  }
0x17: {  	s4 =	simm.s32 $0x1BF5;
	[smem:$0x3FAD] =	sst s0  }
0x18: {  	s0 =	sld [smem:$0x3F90];
	_ =	swait.ge [sflag:s4], $0x0  }
0x19: {  	s7 =	sld [smem:$0x3F91]  }
0x1a: {  	s8 =	sadd.s32 $0xFFFFE003, lr  }
0x1b: {  	s9 =	sadd.s32 $0xFFFFFEF7, lr;
	s5 =	simm.s32 $0xFFFFFFFF;
	p2 =	slt.u32 s8, $0xFFFFF086  }
0x1c: {  	p1 =	slt.u32 s9, $0xF7A;
	s5 =	simm.s32 @!p2 $0x0  }
0x1d: {  	s5 =	simm.s32 @p1 $0x1;
	p0 =	seq.s32 s7, s2  }
0x1e: {  	s7 =	smul.u32 @!p0 $0xF7A, s2;
	p2 =	seq.s32 @!p0 s5, $0x0  }
0x1f: {  	s9 =	smul.u32 $0xF7A, s1;
	s8 =	simm.s32 @!p0 $0x1BF5;
	p2 =	por !p2, p0  }
0x20: {  	[sflag:s8] =	ssyncset.s32 @!p0 $0xFFFFF086;
	s6 =	sadd.s32 @!p0 s3, s7;
	s7 =	simm.s32 @!p0 $0x108  }
0x21: {  	s3 =	sadd.s32 s3, s9;
	s6 =	sadd.s32 @!p0 $0x88, s6;
	s7 =	simm.s32 @p2 $0x1082  }
0x22: {  	[simem:s7], [sflag:s8] =	dma.local @!p0 [hbm:s6], $0xF7A  }
0x23: {  	s9 =	sor.u32 $0xD0000000, s2;
	s6 =	simm.s32 $0x108;
	_ =	swait.ge @!p0 [sflag:s8], $0x0  }
0x24: {  	s3 =	sadd.s32 $0x88, s3;
	s6 =	simm.s32 @!p1 $0x1082;
	[sflag:s4] =	ssyncset.s32 $0xFFFFF086  }
0x25: {  	[simem:s6], [sflag:s4] =	dma.local [hbm:s3], $0xF7A  }
0x26: {  	[smem:$0x3F91] =	sst s1;
	(tag) =	ssettag s2;
	_ =	strace s9  }
0x27: {  	s1 =	sld [smem:$0x3FA1]  }
0x28: {  	s2 =	sld [smem:$0x3FA2]  }
0x29: {  	s4 =	sld [smem:$0x3FA4]  }
0x2a: {  	p0 =	seq.s32 s5, $0x0;
	s5 =	sld [smem:$0x3FA5]  }
0x2b: {  	s6 =	sld [smem:$0x3FA6]  }
0x2c: {  	s7 =	sld [smem:$0x3FA7]  }
0x2d: {  	s3 =	simm.s32 $0x108;
	s8 =	sld [smem:$0x3FA8]  }
0x2e: {  	s3 =	simm.s32 @!p0 $0x1082;
	s9 =	sld [smem:$0x3FA9]  }
0x2f: {  	lr =	sadd.s32 s0, s3;
	s0 =	sld [smem:$0x3FA0]  }
0x30: {  	s3 =	sld [smem:$0x3FA3]  }
0x31: {  	[smem:$0x3FAC] =	sst s10  }
0x32: {  	s10 =	sld [smem:$0x3FAA];
	_ =	sdelay $0x3  }
0x33: {  	p0 =	seq.s32 s10, $0x1;
	s10 =	sld [smem:$0x3FAC];
	_ =	sdelay $0x3  }
0x34: {  	[smem:$0x3FAC] =	sst s10  }
0x35: {  	s10 =	sld [smem:$0x3FAB];
	_ =	sdelay $0x3  }
0x36: {  	p1 =	seq.s32 s10, $0x1;
	s10 =	sld [smem:$0x3FAC];
	_ =	sdelay $0x3  }
0x37: {  	[smem:$0x3FAC] =	sst s10  }
0x38: {  	s10 =	sld [smem:$0x3FAD]  }
0x39: {  	_ = 	snop;
	(pc) =	sbr.ind lr, $3  }
0x3a: {  	_ = 	snop  }
0x3b: {  	_ = 	snop  }
0x3c: {  	p2 =	seq.s32 s10, $0x1;
	s10 =	sld [smem:$0x3FAC]  }
0x3d: {  	_ =	shalt  }
0x3e: {  	_ =	shalt  }
0x3f: {  	_ =	shalt  }
0x40: {  	_ =	shalt  }
0x41: {  	_ =	shalt  }
0x42: {  	_ =	shalt  }
0x43: {  	_ =	shalt  }
0x44: {  	_ =	shalt  }
0x45: {  	_ =	shalt  }
0x46: {  	_ =	shalt  }
0x47: {  	_ =	shalt  }
0x48: {  	_ =	shalt  }
0x49: {  	_ =	shalt  }
0x4a: {  	_ =	shalt  }
0x4b: {  	_ =	shalt  }
0x4c: {  	_ =	shalt  }
0x4d: {  	_ =	shalt  }
0x4e: {  	_ =	shalt  }
0x4f: {  	_ =	shalt  }
0x50: {  	_ =	shalt  }
0x51: {  	_ =	shalt  }
0x52: {  	_ =	shalt  }
0x53: {  	_ =	shalt  }
0x54: {  	_ =	shalt  }
0x55: {  	_ =	shalt  }
0x56: {  	_ =	shalt  }
0x57: {  	_ =	shalt  }
0x58: {  	_ =	shalt  }
0x59: {  	_ =	shalt  }
0x5a: {  	_ =	shalt  }
0x5b: {  	_ =	shalt  }
0x5c: {  	_ =	shalt  }
0x5d: {  	_ =	shalt  }
0x5e: {  	_ =	shalt  }
0x5f: {  	_ =	shalt  }
0x60: {  	_ =	shalt  }
0x61: {  	_ =	shalt  }
0x62: {  	_ =	shalt  }
0x63: {  	_ =	shalt  }
0x64: {  	_ =	shalt  }
0x65: {  	_ =	shalt  }
0x66: {  	_ =	shalt  }
0x67: {  	_ =	shalt  }
0x68: {  	_ =	shalt  }
0x69: {  	_ =	shalt  }
0x6a: {  	_ =	shalt  }
0x6b: {  	_ =	shalt  }
0x6c: {  	_ =	shalt  }
0x6d: {  	_ =	shalt  }
0x6e: {  	_ =	shalt  }
0x6f: {  	_ =	shalt  }
0x70: {  	_ =	shalt  }
0x71: {  	_ =	shalt  }
0x72: {  	_ =	shalt  }
0x73: {  	_ =	shalt  }
0x74: {  	_ =	shalt  }
0x75: {  	_ =	shalt  }
0x76: {  	_ =	shalt  }
0x77: {  	_ =	shalt  }
0x78: {  	_ =	shalt  }
0x79: {  	_ =	shalt  }
0x7a: {  	_ =	shalt  }
0x7b: {  	_ =	shalt  }
0x7c: {  	_ =	shalt  }
0x7d: {  	_ =	shalt  }
0x7e: {  	_ =	shalt  }
0x7f: {  	_ =	shalt  }
0x80: {  	_ =	shalt  }
0x81: {  	_ =	shalt  }
0x82: {  	_ =	shalt  }
0x83: {  	_ =	shalt  }
0x84: {  	_ =	shalt  }
0x85: {  	_ =	shalt  }
0x86: {  	_ =	shalt  }
0x87: {  	_ =	shalt  }
.Lfunc_end0:
.L_simem_size_0:
called_computation.1_lowered:
.L_overlay_start_0:
0x88: {  	s2 =	sld [smem:$0x3FD9]  }
0x89: {  	s3 =	sld [smem:$0x3FFE];
	_ =	sdelay $0x1  }
0x8a: {  	s1 =	srdreg.scid  }
0x8b: {  	s0 =	sand.u32 $0x1, s1  }
0x8c: {  	s17 =	sshll.u32 s0, $0xA;
	s2 =	sadd.s32 s3, s2  }
0x8d: {  	s2 =	sadd.s32 s2, s17  }
0x8e: {  	[smem:$0x3FB8] =	sst s2  }
0x8f: {  	_ = 	snop  }
0x90: {  	(tm) =	ssettm $0x1  }
0x91: {  	s18 =	sld [smem:$0x3FFB];
	_ =	sdelay $0x3  }
0x92: {  	_ =	strace s18  }
0x93: {  	s2 =	sld [smem:$0x3FFC];
	_ =	sdelay $0x3  }
0x94: {  	_ =	strace s2  }
0x95: {  	s2 =	sld [smem:$0x3FFD];
	_ =	sdelay $0x3  }
0x96: {  	_ =	strace s2  }
0x97: {  	_ =	strace $0x8FFFFFFF  }
0x98: {  	s19 =	sld [smem:$0x3FDB];
	_ =	sdelay $0x1  }
0x99: {  	s20 =	simm.s32 $_scs_section_size  }
0x9a: {  	s4 =	simm.s32 $_size__tile_overlayer_lowered;
	s5 =	simm.s32 $_tile_overlayer_lowered  }
0x9b: {  	s6 =	simm.s32 $0x1BFF;
	s21 =	sshll.u32 s5, $0x1;
	s3 =	sadd.s32 s20, s19  }
0x9c: {  	s22 =	simm.s32 $0x0;
	s4 =	sshll.u32 s4, $0x1;
	s5 =	sadd.s32 s21, s3  }
0x9d: {  	[timem:s22], [sflag:s6] =	dma.local [hbm:s5], s4  }
0x9e: {  	_ =	swait.ge [sflag:s6], s4  }
0x9f: {  	s4 =	ssub.s32 $0x0, s4;
	[sflag:s6] =	ssyncset.done $0x0  }
0xa0: {  	[sflag:s6] =	ssyncadd.s32 s4;
	_ =	sdelay $0x1  }
0xa1: {  	s23 =	simm.s32 $0x1B8B  }
0xa2: {  	_ =	swait.ge [sflag:s23], $0x1  }
0xa3: {  	[sflag:s23] =	ssyncset.done $0x0  }
0xa4: {  	[sflag:s23] =	ssyncadd.s32 $0xFFFFFFFF  }
0xa5: {  	s4 =	sld [smem:$0x0]  }
0xa6: {  	s5 =	sand.u32 $0xFFFFFFFE, s1  }
0xa7: {  	p0 =	sne.s32 s1, s5  }
0xa8: {  	s5 =	sshll.u32 @p0 s5, $0xE  }
0xa9: {  	s5 =	sadd.s32 @p0 $0x11B8D, s5;
	s6 =	sshll.u32 @p0 s4, $0x11  }
0xaa: {  	s5 =	sor.u32 @p0 s6, s5  }
0xab: {  	[sflag:s5] =	ssyncadd.remote.s32 @p0 $0x1;
	_ =	sdelay $0x1  }
0xac: {  	s5 =	simm.s32 @p0 $0x1B8D  }
0xad: {  	_ =	swait.eq @p0 [sflag:s5], $0x1  }
0xae: {  	[sflag:s5] =	ssyncadd.s32 @p0 $0xFFFFFFFF  }
0xaf: {  	s6 =	sshll.u32 @!p0 s1, $0xE  }
0xb0: {  	s6 =	sor.u32 @!p0 $0x4000, s6;
	s5 =	simm.s32 @!p0 $0x1B8D  }
0xb1: {  	s4 =	sshll.u32 @!p0 s4, $0x11;
	s6 =	sadd.s32 @!p0 $0x11B8D, s6;
	_ =	swait.eq @!p0 [sflag:s5], $0x1  }
0xb2: {  	s4 =	sor.u32 @!p0 s4, s6;
	[sflag:s5] =	ssyncadd.s32 @!p0 $0xFFFFFFFF  }
0xb3: {  	s25 =	simm.s32 $0x1B8E;
	s24 =	sld [smem:$0x3FFE];
	[sflag:s4] =	ssyncadd.remote.s32 @!p0 $0x1  }
0xb4: {  	s26 =	simm.s32 $execute0_lowered;
	[smem:$0x3FD2] =	sst s25  }
0xb5: {  	s5 =	sshll.u32 s26, $0x1;
	_ =	strace $0x8000004C;
	[dreg:$0x1] =	wrdreg $0xFFFFFFFF  }
0xb6: {  	s28 =	simm.s32 $_size_execute0_lowered;
	s3 =	sadd.s32 s3, s5;
	[dreg:$0x0] =	wrdreg $0x0  }
0xb7: {  	s5 =	sshll.u32 s28, $0x1;
	[dreg:$0x2] =	wrdreg s3  }
0xb8: {  	[dreg:$0x3] =	wrdreg s5  }
0xb9: {  	[dreg:$0x4] =	wrdreg $0xC0  }
0xba: {  	_ =	task [dreg:s22], $0x5FFFF  }
0xbb: {  	[dreg:$0x1] =	wrdreg $0xFFFFFFFF  }
0xbc: {  	[dreg:$0x0] =	wrdreg $0x60  }
0xbd: {  	[dreg:$0x2] =	wrdreg s24  }
0xbe: {  	[dreg:$0x3] =	wrdreg $0x71000  }
0xbf: {  	[dreg:$0x4] =	wrdreg $0x9  }
0xc0: {  	_ =	task.clear_ibuf [dreg:s22], $0x5FFFF;
	_ =	strace $0x9000004C  }
0xc1: {  	s29 =	simm.s32 $0x9;
	_ =	strace $0x8000004E  }
0xc2: {  	_ =	swait.ge [sflag:s29], $0x1  }
0xc3: {  	[sflag:s29] =	ssyncadd.s32 $0xFFFFFFFF  }
0xc4: {  	_ =	strace $0x9000004E  }
0xc5: {  	_ =	sfence  }
0xc6: {  	s30 =	sld [smem:$0x0];
	_ =	sdelay $0x2  }
0xc7: {  	s31 =	sshll.u32 s1, $0xD;
	s1 =	sshrl.u32 s1, $0x2  }
0xc8: {  	s4 =	sand.u32 $0x4000, s31;
	s1 =	sadd.s32 s1, s30  }
0xc9: {  	s0 =	sor.u32 s4, s0;
	s1 =	sshll.u32 s1, $0x11  }
0xca: {  	s0 =	sor.u32 s1, s0  }
0xcb: {  	s0 =	sadd.s32 $0x8F2B, s0  }
0xcc: {  	[sflag:s0] =	ssyncadd.remote.s32 $0x1  }
0xcd: {  	_ =	sfence.sel $0xFFFF  }
0xce: {  	[dreg:$0x0] =	wrdreg $0xFFFFFFFF;
	(pc) =	sbr.abs _section_cstart, $3  }
0xcf: {  	[dreg:$0x1] =	wrdreg $0xFFFFFFFF  }
0xd0: {  	_ =	task.clear_ibuf [dreg:s22], $0x2FFFF;
	_ =	strace $0x9FFFFFFF  }
0xd1: {  	(tm) =	ssettm $0x7FFFFFFF  }
tec
execute0_lowered:
.L_overlay_start_1:
0x0: {  	(tag) =	ssettag $0x1  }
0x1: {  	s6 =	rddreg [dreg:$0x0]  }
0x2: {  	s1 =	rddreg [dreg:$0x1]  }
0x3: {  	s0 =	rddreg [dreg:$0x2];
	s3 =	simm.s32 $0x0  }
0x4: {  	s4 =	srdreg.scid;
	s2 =	stileid.u32;
	s13 =	simm.s32 $0x50  }
0x5: {  	s14 =	simm.s32 $0x7080;
	s15 =	simm.s32 $0x4880;
	s16 =	simm.s32 $0x2  }
0x6: {  	s17 =	simm.s32 $0x4080;
	s18 =	simm.s32 $0x1;
	s19 =	simm.s32 $0x80  }
0x7: {  	s20 =	simm.s32 $0x0;
	[smem:$0x7FF] =	sst s3;
	s8 =	sand.u32 $0x1, s4  }
0x8: {  	s4 =	sadd.s32 $0x6E00, s6;
	s7 =	smul.u32 $0x500, s2;
	s5 =	sadd.s32 $0x68C00, s6  }
0x9: {  	s11 =	sshll.u32 s2, $0x1;
	s29 =	ssub.s32 $0x8C, s2;
	s31 =	smul.u32 $0x50, s2  }
.Ltmp0:
0xa: {  	_ =	strace $0x8000004D;
	s9 =	ssub.s32 $0x2, s8;
	(pc) =	sbr.rel .LBB2_1-.Ltmp0, $4  }
0xb: {  	p0 =	seq.s32 s8, $0x1;
	s10 =	sshrl.u32 s9, $0x1;
	s12 =	sadd.s32 s7, s6  }
0xc: {  	s6 =	sor.u32 s11, s8;
	s7 =	sshrl.u32 s29, $0x4;
	s9 =	ssub.s32 s9, s10  }
0xd: {  	s30 =	ssub.s32 $0x9E3, s6;
	s10 =	sadd.s32 $0x40, s31;
	s11 =	sadd.s32 $0x105000, s12  }
0xe: {  	v0 =	vimm.f32 $0.0e+00;
	v1 =	vlaneseq.u32;
	s12 =	sadd.s32 $0x12C200, s12;
	s8 =	sshrl.u32 s30, $0x5;
	s9 =	smax.u32 s9, $0x1  }
.LBB2_15:
0xf: {  	_ =	swait.ge [sflag:s16], $0x2800  }
0x10: {  	[sflag:s16] =	ssyncset.done $0x0  }
0x11: {  	[sflag:s16] =	ssyncadd.s32 $0xFFFFD800  }
.LBB2_16:
0x12: {  	s20 =	sadd.s32 $0x1, s20  }
0x13: {  	p1 =	sne.s32 s20, s9  }
.Ltmp1:
0x14: {  	_ = 	snop;
	(pc) =	sbr.rel @!p1 .LBB2_17-.Ltmp1, $1  }
0x15: {  	_ =	sdelay $0x3  }
.LBB2_1:
0x16: {  	s21 =	simm.s32 $0x0;
	s22 =	simm.s32 $0x200  }
.LBB2_2:
0x17: {  	p1 =	sne.s32 s22, $0x9E00;
	[tilespmem:s21+$0x48F0] =	vst v0  }
0x18: {  	[tilespmem:s21+$0x4880] =	vst v0  }
0x19: {  	[tilespmem:s21+$0x4890] =	vst v0  }
.Ltmp2:
0x1a: {  	[tilespmem:s21+$0x48A0] =	vst v0;
	(pc) =	sbr.rel @p1 .LBB2_2-.Ltmp2, $4  }
0x1b: {  	[tilespmem:s21+$0x48B0] =	vst v0  }
0x1c: {  	[tilespmem:s21+$0x48C0] =	vst v0  }
0x1d: {  	[tilespmem:s21+$0x48D0] =	vst v0  }
0x1e: {  	[tilespmem:s21+$0x48E0] =	vst v0;
	s21 =	sshra.s32 s22, $0x2;
	s22 =	sadd.s32 $0x200, s22  }
0x1f: {  	[tilespmem:s21+$0x48F0] =	vst v0  }
0x20: {  	[tilespmem:s21+$0x4880] =	vst v0  }
0x21: {  	[tilespmem:s21+$0x4890] =	vst v0  }
0x22: {  	[tilespmem:s21+$0x48A0] =	vst v0  }
0x23: {  	[tilespmem:s21+$0x48B0] =	vst v0  }
0x24: {  	[tilespmem:s21+$0x48C0] =	vst v0  }
0x25: {  	[tilespmem:s21+$0x48D0] =	vst v0  }
0x26: {  	[tilespmem:s21+$0x48E0] =	vst v0;
	s29 =	sadd.s32 $0xFFFFFFC0, s10;
	v2 =	vor.u32 s10, v1  }
0x27: {  	s30 =	sadd.s32 $0xFFFFFFF0, s10;
	p1 =	sne.s32 s7, $0x1;
	v3 =	vor.u32 s29, v1;
	[tilespmem:$0x70C0] =	vst v2  }
.Ltmp3:
0x28: {  	s22 =	sadd.s32 $0xFFFFFFD0, s10;
	v2 =	vor.u32 s30, v1;
	[tilespmem:$0x7080] =	vst v3;
	(pc) =	sbr.rel @!p1 .LBB2_5-.Ltmp3, $4  }
0x29: {  	s31 =	sadd.s32 $0xFFFFFFE0, s10;
	v3 =	vor.u32 s22, v1;
	[tilespmem:$0x70B0] =	vst v2  }
0x2a: {  	v2 =	vor.u32 s31, v1;
	[tilespmem:$0x7090] =	vst v3  }
0x2b: {  	s21 =	sadd.s32 $0xFFFFFFFF, s7;
	s22 =	smov.u32 s10;
	[tilespmem:$0x70A0] =	vst v2  }
0x2c: {  	[spmem:s1] =	stream.indirect.scatter [tilespmem:s15], [sflag:$0x2], $0x80, s14, s13, $0xb8;
	[tilespmem:$0x1A980] =	vst v63  }
.LBB2_4:
0x2d: {  	p1 =	sne.s32 s21, $0x1;
	_ =	swait.ge [sflag:s16], $0x2800;
	s22 =	sadd.s32 $0x500, s22  }
0x2e: {  	s21 =	sadd.s32 $0xFFFFFFFF, s21;
	[sflag:s16] =	ssyncset.done $0x0  }
0x2f: {  	s23 =	sadd.s32 $0xFFFFFFC0, s22;
	v2 =	vor.u32 s22, v1;
	[sflag:s16] =	ssyncadd.s32 $0xFFFFD800  }
0x30: {  	s24 =	sadd.s32 $0xFFFFFFE0, s22;
	s25 =	sadd.s32 $0xFFFFFFF0, s22;
	v3 =	vor.u32 s23, v1;
	s23 =	sadd.s32 $0xFFFFFFD0, s22;
	[tilespmem:$0x70C0] =	vst v2  }
.Ltmp4:
0x31: {  	v4 =	vor.u32 s25, v1;
	v2 =	vor.u32 s23, v1;
	[tilespmem:$0x7080] =	vst v3;
	v3 =	vor.u32 s24, v1;
	(pc) =	sbr.rel @p1 .LBB2_4-.Ltmp4, $4  }
0x32: {  	[tilespmem:$0x70B0] =	vst v4  }
0x33: {  	[tilespmem:$0x7090] =	vst v2  }
0x34: {  	[tilespmem:$0x70A0] =	vst v3  }
0x35: {  	[spmem:s1] =	stream.indirect.scatter [tilespmem:s15], [sflag:$0x2], $0x80, s14, s13, $0xb8;
	[tilespmem:$0x1A980] =	vst v63  }
.LBB2_5:
0x36: {  	_ =	swait.ge [sflag:s16], $0x2800  }
0x37: {  	[sflag:s16] =	ssyncset.done $0x0  }
0x38: {  	[sflag:s16] =	ssyncadd.s32 $0xFFFFD800  }
0x39: {  	s21 =	simm.s32 $0x0;
	s22 =	simm.s32 $0x0;
	[bflag:$0x0] =	sbarrier.arrive $0xFFFF  }
.LBB2_6:
0x3a: {  	s23 =	sshll.u32 s22, $0x5  }
0x3b: {  	s23 =	sor.u32 s6, s23  }
0x3c: {  	s24 =	sshll.u32 s23, $0x7  }
0x3d: {  	s24 =	sadd.s32 $0x4E200, s24  }
0x3e: {  	s23 =	sshll.u32 s23, $0x8;
	s24 =	sshrl.u32 s24, $0x3  }
0x3f: {  	s23 =	sand.u32 $0x1FFFFF00, s23;
	s24 =	sadd.s32 s4, s24  }
0x40: {  	[tilespmem:s21], [sflag:$0x1] =	stream.linear.gather [hbm4b:s24+s21], $0x80, $0x38;
	[tilespmem:$0x1A980] =	vst v63  }
0x41: {  	v2 =	vmov s21;
	s23 =	sadd.s32 s5, s23  }
0x42: {  	v2 =	vand.u32 $0xFFFFFFC0, v2;
	[tilespmem:s17], [sflag:$0x1] =	stream.linear.gather [hbm4b:s23+s21], $0x800, $0x38;
	[tilespmem:$0x1A980] =	vst v63  }
0x43: {  	v2 =	vbroadcast v2, $0x0;
	_ =	swait.ge [sflag:s18], $0x80  }
0x44: {  	[sflag:s18] =	ssyncset.done $0x0  }
0x45: {  	[sflag:s18] =	ssyncadd.s32 $0xFFFFFF80  }
0x46: {  	s24 =	simm.s32 $0x1;
	_ =	swait.ge [sflag:s18], $0x800  }
0x47: {  	v3 =	vmov s24;
	[sflag:s18] =	ssyncset.done $0x0  }
0x48: {  	v3 =	vand.u32 $0xFFFFFFC1, v3;
	[sflag:s18] =	ssyncadd.s32 $0xFFFFF800  }
0x49: {  	v3 =	vbroadcast v3, $0x0;
	v2 =	vld.idx.msk [tilespmem:v2+s17+$0x0], $0xffff;
	_ =	sdelay $0x2  }
0x4a: {  	s25 =	simm.s32 $0x2  }
0x4b: {  	v4 =	vmov s25;
	s23 =	simm.s32 $0x180  }
0x4c: {  	[tilespmem:s23+$0xFFFFFF00] =	vst v2;
	v2 =	vand.u32 $0xFFFFFFC2, v4  }
0x4d: {  	v3 =	vld.idx.msk [tilespmem:v3+s17+$0x0], $0xffff;
	v2 =	vbroadcast v2, $0x0;
	_ =	sdelay $0x2  }
0x4e: {  	s26 =	simm.s32 $0x3  }
0x4f: {  	v4 =	vmov s26  }
0x50: {  	[tilespmem:s23+$0xFFFFFF10] =	vst v3;
	v3 =	vand.u32 $0xFFFFFFC3, v4  }
0x51: {  	v2 =	vld.idx.msk [tilespmem:v2+s17+$0x0], $0xffff;
	v3 =	vbroadcast v3, $0x0;
	_ =	sdelay $0x2  }
0x52: {  	s28 =	simm.s32 $0x4  }
0x53: {  	v4 =	vmov s28  }
0x54: {  	[tilespmem:s23+$0xFFFFFF20] =	vst v2;
	v2 =	vand.u32 $0xFFFFFFC4, v4  }
0x55: {  	v3 =	vld.idx.msk [tilespmem:v3+s17+$0x0], $0xffff;
	v2 =	vbroadcast v2, $0x0;
	_ =	sdelay $0x2  }
0x56: {  	s29 =	simm.s32 $0x5  }
0x57: {  	v4 =	vmov s29  }
0x58: {  	[tilespmem:s23+$0xFFFFFF30] =	vst v3;
	v3 =	vand.u32 $0xFFFFFFC5, v4  }
0x59: {  	v2 =	vld.idx.msk [tilespmem:v2+s17+$0x0], $0xffff;
	v3 =	vbroadcast v3, $0x0;
	_ =	sdelay $0x2  }
0x5a: {  	s30 =	simm.s32 $0x6  }
0x5b: {  	v4 =	vmov s30  }
0x5c: {  	[tilespmem:s23+$0xFFFFFF40] =	vst v2;
	v2 =	vand.u32 $0xFFFFFFC6, v4  }
0x5d: {  	v3 =	vld.idx.msk [tilespmem:v3+s17+$0x0], $0xffff;
	v2 =	vbroadcast v2, $0x0;
	_ =	sdelay $0x2  }
0x5e: {  	s31 =	simm.s32 $0x7  }
0x5f: {  	v4 =	vmov s31  }
0x60: {  	[tilespmem:s23+$0xFFFFFF50] =	vst v3;
	v3 =	vand.u32 $0xFFFFFFC7, v4  }
0x61: {  	v2 =	vld.idx.msk [tilespmem:v2+s17+$0x0], $0xffff;
	v3 =	vbroadcast v3, $0x0;
	_ =	sdelay $0x2  }
0x62: {  	s25 =	simm.s32 $0x10  }
0x63: {  	v4 =	vmov s25  }
0x64: {  	[tilespmem:s23+$0xFFFFFF60] =	vst v2;
	v2 =	vand.u32 $0xFFFFFFD0, v4  }
0x65: {  	v3 =	vld.idx.msk [tilespmem:v3+s17+$0x0], $0xffff;
	v2 =	vbroadcast v2, $0x0;
	_ =	sdelay $0x2  }
0x66: {  	s26 =	simm.s32 $0x11  }
0x67: {  	v4 =	vmov s26  }
0x68: {  	[tilespmem:s23+$0xFFFFFF70] =	vst v3;
	v3 =	vand.u32 $0xFFFFFFD1, v4  }
0x69: {  	v2 =	vld.idx.msk [tilespmem:v2+s17+$0x0], $0xffff;
	v3 =	vbroadcast v3, $0x0;
	_ =	sdelay $0x2  }
0x6a: {  	s28 =	simm.s32 $0x12  }
0x6b: {  	v4 =	vmov s28  }
0x6c: {  	[tilespmem:s23+$0xFFFFFF80] =	vst v2;
	v2 =	vand.u32 $0xFFFFFFD2, v4  }
0x6d: {  	v3 =	vld.idx.msk [tilespmem:v3+s17+$0x0], $0xffff;
	v2 =	vbroadcast v2, $0x0;
	_ =	sdelay $0x2  }
0x6e: {  	s29 =	simm.s32 $0x13  }
0x6f: {  	v4 =	vmov s29  }
0x70: {  	[tilespmem:s23+$0xFFFFFF90] =	vst v3;
	v3 =	vand.u32 $0xFFFFFFD3, v4  }
0x71: {  	v2 =	vld.idx.msk [tilespmem:v2+s17+$0x0], $0xffff;
	v3 =	vbroadcast v3, $0x0;
	_ =	sdelay $0x2  }
0x72: {  	s30 =	simm.s32 $0x14  }
0x73: {  	v4 =	vmov s30  }
0x74: {  	[tilespmem:s23+$0xFFFFFFA0] =	vst v2;
	v2 =	vand.u32 $0xFFFFFFD4, v4  }
0x75: {  	v3 =	vld.idx.msk [tilespmem:v3+s17+$0x0], $0xffff;
	v2 =	vbroadcast v2, $0x0;
	_ =	sdelay $0x2  }
0x76: {  	s31 =	simm.s32 $0x15  }
0x77: {  	v4 =	vmov s31  }
0x78: {  	[tilespmem:s23+$0xFFFFFFB0] =	vst v3;
	v3 =	vand.u32 $0xFFFFFFD5, v4  }
0x79: {  	v2 =	vld.idx.msk [tilespmem:v2+s17+$0x0], $0xffff;
	v3 =	vbroadcast v3, $0x0;
	_ =	sdelay $0x2  }
0x7a: {  	s25 =	simm.s32 $0x16  }
0x7b: {  	v4 =	vmov s25  }
0x7c: {  	[tilespmem:s23+$0xFFFFFFC0] =	vst v2;
	v2 =	vand.u32 $0xFFFFFFD6, v4  }
0x7d: {  	v3 =	vld.idx.msk [tilespmem:v3+s17+$0x0], $0xffff;
	v2 =	vbroadcast v2, $0x0;
	_ =	sdelay $0x2  }
0x7e: {  	s26 =	simm.s32 $0x17  }
0x7f: {  	v4 =	vmov s26  }
0x80: {  	[tilespmem:s23+$0xFFFFFFD0] =	vst v3;
	v3 =	vand.u32 $0xFFFFFFD7, v4  }
0x81: {  	v2 =	vld.idx.msk [tilespmem:v2+s17+$0x0], $0xffff;
	v3 =	vbroadcast v3, $0x0;
	_ =	sdelay $0x2  }
0x82: {  	s28 =	simm.s32 $0x20  }
0x83: {  	v4 =	vmov s28  }
0x84: {  	[tilespmem:s23+$0xFFFFFFE0] =	vst v2;
	v2 =	vand.u32 $0xFFFFFFE0, v4  }
0x85: {  	v3 =	vld.idx.msk [tilespmem:v3+s17+$0x0], $0xffff;
	v2 =	vbroadcast v2, $0x0;
	_ =	sdelay $0x2  }
0x86: {  	s29 =	simm.s32 $0x21  }
0x87: {  	v4 =	vmov s29  }
0x88: {  	[tilespmem:s23+$0xFFFFFFF0] =	vst v3;
	v3 =	vand.u32 $0xFFFFFFE1, v4  }
0x89: {  	v2 =	vld.idx.msk [tilespmem:v2+s17+$0x0], $0xffff;
	v3 =	vbroadcast v3, $0x0;
	_ =	sdelay $0x2  }
0x8a: {  	s30 =	simm.s32 $0x22  }
0x8b: {  	v4 =	vmov s30  }
0x8c: {  	[tilespmem:s23+$0x0] =	vst v2;
	v2 =	vand.u32 $0xFFFFFFE2, v4  }
0x8d: {  	v3 =	vld.idx.msk [tilespmem:v3+s17+$0x0], $0xffff;
	v2 =	vbroadcast v2, $0x0;
	_ =	sdelay $0x2  }
0x8e: {  	s31 =	simm.s32 $0x23  }
0x8f: {  	v4 =	vmov s31  }
0x90: {  	[tilespmem:s23+$0x10] =	vst v3;
	v3 =	vand.u32 $0xFFFFFFE3, v4  }
0x91: {  	v2 =	vld.idx.msk [tilespmem:v2+s17+$0x0], $0xffff;
	v3 =	vbroadcast v3, $0x0;
	_ =	sdelay $0x2  }
0x92: {  	s25 =	simm.s32 $0x24  }
0x93: {  	v4 =	vmov s25  }
0x94: {  	[tilespmem:s23+$0x20] =	vst v2;
	v2 =	vand.u32 $0xFFFFFFE4, v4  }
0x95: {  	v3 =	vld.idx.msk [tilespmem:v3+s17+$0x0], $0xffff;
	v2 =	vbroadcast v2, $0x0;
	_ =	sdelay $0x2  }
0x96: {  	s26 =	simm.s32 $0x25  }
0x97: {  	v4 =	vmov s26  }
0x98: {  	[tilespmem:s23+$0x30] =	vst v3;
	v3 =	vand.u32 $0xFFFFFFE5, v4  }
0x99: {  	v2 =	vld.idx.msk [tilespmem:v2+s17+$0x0], $0xffff;
	v3 =	vbroadcast v3, $0x0;
	_ =	sdelay $0x2  }
0x9a: {  	s28 =	simm.s32 $0x26  }
0x9b: {  	v4 =	vmov s28  }
0x9c: {  	[tilespmem:s23+$0x40] =	vst v2;
	v2 =	vand.u32 $0xFFFFFFE6, v4  }
0x9d: {  	v3 =	vld.idx.msk [tilespmem:v3+s17+$0x0], $0xffff;
	v2 =	vbroadcast v2, $0x0;
	_ =	sdelay $0x2  }
0x9e: {  	s29 =	simm.s32 $0x27  }
0x9f: {  	v4 =	vmov s29  }
0xa0: {  	[tilespmem:s23+$0x50] =	vst v3;
	v3 =	vand.u32 $0xFFFFFFE7, v4  }
0xa1: {  	v2 =	vld.idx.msk [tilespmem:v2+s17+$0x0], $0xffff;
	v3 =	vbroadcast v3, $0x0;
	_ =	sdelay $0x2  }
0xa2: {  	s30 =	simm.s32 $0x30  }
0xa3: {  	v4 =	vmov s30  }
0xa4: {  	[tilespmem:s23+$0x60] =	vst v2;
	v2 =	vand.u32 $0xFFFFFFF0, v4  }
0xa5: {  	v3 =	vld.idx.msk [tilespmem:v3+s17+$0x0], $0xffff;
	v2 =	vbroadcast v2, $0x0;
	_ =	sdelay $0x2  }
0xa6: {  	s31 =	simm.s32 $0x31  }
0xa7: {  	v4 =	vmov s31  }
0xa8: {  	[tilespmem:s23+$0x70] =	vst v3;
	v3 =	vand.u32 $0xFFFFFFF1, v4  }
0xa9: {  	v2 =	vld.idx.msk [tilespmem:v2+s17+$0x0], $0xffff;
	v3 =	vbroadcast v3, $0x0;
	_ =	sdelay $0x2  }
0xaa: {  	s25 =	simm.s32 $0x32  }
0xab: {  	v4 =	vmov s25  }
0xac: {  	[tilespmem:s23+$0x80] =	vst v2;
	v2 =	vand.u32 $0xFFFFFFF2, v4  }
0xad: {  	v3 =	vld.idx.msk [tilespmem:v3+s17+$0x0], $0xffff;
	v2 =	vbroadcast v2, $0x0;
	_ =	sdelay $0x2  }
0xae: {  	s26 =	simm.s32 $0x33  }
0xaf: {  	v4 =	vmov s26  }
0xb0: {  	[tilespmem:s23+$0x90] =	vst v3;
	v3 =	vand.u32 $0xFFFFFFF3, v4  }
0xb1: {  	v2 =	vld.idx.msk [tilespmem:v2+s17+$0x0], $0xffff;
	v3 =	vbroadcast v3, $0x0;
	_ =	sdelay $0x2  }
0xb2: {  	s28 =	simm.s32 $0x34  }
0xb3: {  	v4 =	vmov s28  }
0xb4: {  	[tilespmem:s23+$0xA0] =	vst v2;
	v2 =	vand.u32 $0xFFFFFFF4, v4  }
0xb5: {  	v3 =	vld.idx.msk [tilespmem:v3+s17+$0x0], $0xffff;
	v2 =	vbroadcast v2, $0x0;
	_ =	sdelay $0x2  }
0xb6: {  	s29 =	simm.s32 $0x35  }
0xb7: {  	v4 =	vmov s29  }
0xb8: {  	[tilespmem:s23+$0xB0] =	vst v3;
	v3 =	vand.u32 $0xFFFFFFF5, v4  }
0xb9: {  	v2 =	vld.idx.msk [tilespmem:v2+s17+$0x0], $0xffff;
	v3 =	vbroadcast v3, $0x0;
	_ =	sdelay $0x2  }
0xba: {  	s30 =	simm.s32 $0x36  }
0xbb: {  	v4 =	vmov s30  }
0xbc: {  	[tilespmem:s23+$0xC0] =	vst v2;
	v2 =	vand.u32 $0xFFFFFFF6, v4  }
0xbd: {  	v3 =	vld.idx.msk [tilespmem:v3+s17+$0x0], $0xffff;
	v2 =	vbroadcast v2, $0x0;
	_ =	sdelay $0x4  }
0xbe: {  	s31 =	simm.s32 $0x37;
	[tilespmem:s23+$0xD0] =	vst v3  }
0xbf: {  	v4 =	vld.idx.msk [tilespmem:v2+s17+$0x0], $0xffff;
	v2 =	vmov s31  }
0xc0: {  	v2 =	vand.u32 $0xFFFFFFF7, v2  }
0xc1: {  	v2 =	vbroadcast v2, $0x0;
	_ =	sdelay $0x3  }
0xc2: {  	s24 =	simm.s32 $0x40  }
0xc3: {  	s25 =	simm.s32 $0x80;
	v3 =	vmov s24;
	[tilespmem:s23+$0xE0] =	vst v4  }
.LBB2_7:
0xc4: {  	p1 =	sne.s32 s25, $0x7C0;
	v3 =	vand.u32 $0xFFFFFFC0, v3;
	v2 =	vld.idx.msk [tilespmem:v2+s17+$0x0], $0xffff  }
0xc5: {  	v3 =	vbroadcast v3, $0x0;
	_ =	sdelay $0x3  }
0xc6: {  	s26 =	sadd.s32 $0x1, s24  }
0xc7: {  	v4 =	vmov s26;
	[tilespmem:s23+$0xF0] =	vst v2  }
0xc8: {  	v2 =	vld.idx.msk [tilespmem:v3+s17+$0x0], $0xffff;
	v3 =	vand.u32 $0xFFFFFFC1, v4  }
0xc9: {  	v3 =	vbroadcast v3, $0x0;
	_ =	sdelay $0x3  }
0xca: {  	s26 =	sadd.s32 $0x2, s24;
	s23 =	sadd.s32 $0x200, s23  }
0xcb: {  	[tilespmem:s23+$0xFFFFFF00] =	vst v2;
	v2 =	vmov s26  }
0xcc: {  	v3 =	vld.idx.msk [tilespmem:v3+s17+$0x0], $0xffff;
	v2 =	vand.u32 $0xFFFFFFC2, v2  }
0xcd: {  	v2 =	vbroadcast v2, $0x0;
	_ =	sdelay $0x3  }
0xce: {  	s26 =	sadd.s32 $0x3, s24  }
0xcf: {  	[tilespmem:s23+$0xFFFFFF10] =	vst v3;
	v3 =	vmov s26  }
0xd0: {  	v2 =	vld.idx.msk [tilespmem:v2+s17+$0x0], $0xffff;
	v3 =	vand.u32 $0xFFFFFFC3, v3  }
0xd1: {  	v3 =	vbroadcast v3, $0x0;
	_ =	sdelay $0x3  }
0xd2: {  	s26 =	sadd.s32 $0x4, s24  }
0xd3: {  	[tilespmem:s23+$0xFFFFFF20] =	vst v2;
	v2 =	vmov s26  }
0xd4: {  	v3 =	vld.idx.msk [tilespmem:v3+s17+$0x0], $0xffff;
	v2 =	vand.u32 $0xFFFFFFC4, v2  }
0xd5: {  	v2 =	vbroadcast v2, $0x0;
	_ =	sdelay $0x3  }
0xd6: {  	s26 =	sadd.s32 $0x5, s24  }
0xd7: {  	[tilespmem:s23+$0xFFFFFF30] =	vst v3;
	v3 =	vmov s26  }
0xd8: {  	v2 =	vld.idx.msk [tilespmem:v2+s17+$0x0], $0xffff;
	v3 =	vand.u32 $0xFFFFFFC5, v3  }
0xd9: {  	v3 =	vbroadcast v3, $0x0;
	_ =	sdelay $0x3  }
0xda: {  	s26 =	sadd.s32 $0x6, s24  }
0xdb: {  	[tilespmem:s23+$0xFFFFFF40] =	vst v2;
	v2 =	vmov s26  }
0xdc: {  	v3 =	vld.idx.msk [tilespmem:v3+s17+$0x0], $0xffff;
	v2 =	vand.u32 $0xFFFFFFC6, v2  }
0xdd: {  	v2 =	vbroadcast v2, $0x0;
	_ =	sdelay $0x3  }
0xde: {  	s26 =	sadd.s32 $0x7, s24  }
0xdf: {  	[tilespmem:s23+$0xFFFFFF50] =	vst v3;
	v3 =	vmov s26  }
0xe0: {  	v2 =	vld.idx.msk [tilespmem:v2+s17+$0x0], $0xffff;
	v3 =	vand.u32 $0xFFFFFFC7, v3  }
0xe1: {  	v3 =	vbroadcast v3, $0x0;
	_ =	sdelay $0x3  }
0xe2: {  	s26 =	sadd.s32 $0x10, s24  }
0xe3: {  	[tilespmem:s23+$0xFFFFFF60] =	vst v2;
	v2 =	vmov s26  }
0xe4: {  	v3 =	vld.idx.msk [tilespmem:v3+s17+$0x0], $0xffff;
	v2 =	vand.u32 $0xFFFFFFD0, v2  }
0xe5: {  	v2 =	vbroadcast v2, $0x0;
	_ =	sdelay $0x3  }
0xe6: {  	s26 =	sadd.s32 $0x11, s24  }
0xe7: {  	[tilespmem:s23+$0xFFFFFF70] =	vst v3;
	v3 =	vmov s26  }
0xe8: {  	v2 =	vld.idx.msk [tilespmem:v2+s17+$0x0], $0xffff;
	v3 =	vand.u32 $0xFFFFFFD1, v3  }
0xe9: {  	v3 =	vbroadcast v3, $0x0;
	_ =	sdelay $0x3  }
0xea: {  	s26 =	sadd.s32 $0x12, s24  }
0xeb: {  	[tilespmem:s23+$0xFFFFFF80] =	vst v2;
	v2 =	vmov s26  }
0xec: {  	v3 =	vld.idx.msk [tilespmem:v3+s17+$0x0], $0xffff;
	v2 =	vand.u32 $0xFFFFFFD2, v2  }
0xed: {  	v2 =	vbroadcast v2, $0x0;
	_ =	sdelay $0x3  }
0xee: {  	s26 =	sadd.s32 $0x13, s24  }
0xef: {  	[tilespmem:s23+$0xFFFFFF90] =	vst v3;
	v3 =	vmov s26  }
0xf0: {  	v2 =	vld.idx.msk [tilespmem:v2+s17+$0x0], $0xffff;
	v3 =	vand.u32 $0xFFFFFFD3, v3  }
0xf1: {  	v3 =	vbroadcast v3, $0x0;
	_ =	sdelay $0x3  }
0xf2: {  	s26 =	sadd.s32 $0x14, s24  }
0xf3: {  	[tilespmem:s23+$0xFFFFFFA0] =	vst v2;
	v2 =	vmov s26  }
0xf4: {  	v3 =	vld.idx.msk [tilespmem:v3+s17+$0x0], $0xffff;
	v2 =	vand.u32 $0xFFFFFFD4, v2  }
0xf5: {  	v2 =	vbroadcast v2, $0x0;
	_ =	sdelay $0x3  }
0xf6: {  	s26 =	sadd.s32 $0x15, s24  }
0xf7: {  	[tilespmem:s23+$0xFFFFFFB0] =	vst v3;
	v3 =	vmov s26  }
0xf8: {  	v2 =	vld.idx.msk [tilespmem:v2+s17+$0x0], $0xffff;
	v3 =	vand.u32 $0xFFFFFFD5, v3  }
0xf9: {  	v3 =	vbroadcast v3, $0x0;
	_ =	sdelay $0x3  }
0xfa: {  	s26 =	sadd.s32 $0x16, s24  }
0xfb: {  	[tilespmem:s23+$0xFFFFFFC0] =	vst v2;
	v2 =	vmov s26  }
0xfc: {  	v3 =	vld.idx.msk [tilespmem:v3+s17+$0x0], $0xffff;
	v2 =	vand.u32 $0xFFFFFFD6, v2  }
0xfd: {  	v2 =	vbroadcast v2, $0x0;
	_ =	sdelay $0x3  }
0xfe: {  	s26 =	sadd.s32 $0x17, s24  }
0xff: {  	[tilespmem:s23+$0xFFFFFFD0] =	vst v3;
	v3 =	vmov s26  }
0x100: {  	v2 =	vld.idx.msk [tilespmem:v2+s17+$0x0], $0xffff;
	v3 =	vand.u32 $0xFFFFFFD7, v3  }
0x101: {  	v3 =	vbroadcast v3, $0x0;
	_ =	sdelay $0x3  }
0x102: {  	s26 =	sadd.s32 $0x20, s24  }
0x103: {  	[tilespmem:s23+$0xFFFFFFE0] =	vst v2;
	v2 =	vmov s26  }
0x104: {  	v3 =	vld.idx.msk [tilespmem:v3+s17+$0x0], $0xffff;
	v2 =	vand.u32 $0xFFFFFFE0, v2  }
0x105: {  	v2 =	vbroadcast v2, $0x0;
	_ =	sdelay $0x3  }
0x106: {  	s26 =	sadd.s32 $0x21, s24  }
0x107: {  	[tilespmem:s23+$0xFFFFFFF0] =	vst v3;
	v3 =	vmov s26  }
0x108: {  	v2 =	vld.idx.msk [tilespmem:v2+s17+$0x0], $0xffff;
	v3 =	vand.u32 $0xFFFFFFE1, v3  }
0x109: {  	v3 =	vbroadcast v3, $0x0;
	_ =	sdelay $0x3  }
0x10a: {  	s26 =	sadd.s32 $0x22, s24  }
0x10b: {  	[tilespmem:s23+$0x0] =	vst v2;
	v2 =	vmov s26  }
0x10c: {  	v3 =	vld.idx.msk [tilespmem:v3+s17+$0x0], $0xffff;
	v2 =	vand.u32 $0xFFFFFFE2, v2  }
0x10d: {  	v2 =	vbroadcast v2, $0x0;
	_ =	sdelay $0x3  }
0x10e: {  	s26 =	sadd.s32 $0x23, s24  }
0x10f: {  	[tilespmem:s23+$0x10] =	vst v3;
	v3 =	vmov s26  }
0x110: {  	v2 =	vld.idx.msk [tilespmem:v2+s17+$0x0], $0xffff;
	v3 =	vand.u32 $0xFFFFFFE3, v3  }
0x111: {  	v3 =	vbroadcast v3, $0x0;
	_ =	sdelay $0x3  }
0x112: {  	s26 =	sadd.s32 $0x24, s24  }
0x113: {  	[tilespmem:s23+$0x20] =	vst v2;
	v2 =	vmov s26  }
0x114: {  	v3 =	vld.idx.msk [tilespmem:v3+s17+$0x0], $0xffff;
	v2 =	vand.u32 $0xFFFFFFE4, v2  }
0x115: {  	v2 =	vbroadcast v2, $0x0;
	_ =	sdelay $0x3  }
0x116: {  	s26 =	sadd.s32 $0x25, s24  }
0x117: {  	[tilespmem:s23+$0x30] =	vst v3;
	v3 =	vmov s26  }
0x118: {  	v2 =	vld.idx.msk [tilespmem:v2+s17+$0x0], $0xffff;
	v3 =	vand.u32 $0xFFFFFFE5, v3  }
0x119: {  	v3 =	vbroadcast v3, $0x0;
	_ =	sdelay $0x3  }
0x11a: {  	s26 =	sadd.s32 $0x26, s24  }
0x11b: {  	[tilespmem:s23+$0x40] =	vst v2;
	v2 =	vmov s26  }
0x11c: {  	v3 =	vld.idx.msk [tilespmem:v3+s17+$0x0], $0xffff;
	v2 =	vand.u32 $0xFFFFFFE6, v2  }
0x11d: {  	v2 =	vbroadcast v2, $0x0;
	_ =	sdelay $0x3  }
0x11e: {  	s26 =	sadd.s32 $0x27, s24  }
0x11f: {  	[tilespmem:s23+$0x50] =	vst v3;
	v3 =	vmov s26  }
0x120: {  	v2 =	vld.idx.msk [tilespmem:v2+s17+$0x0], $0xffff;
	v3 =	vand.u32 $0xFFFFFFE7, v3  }
0x121: {  	v3 =	vbroadcast v3, $0x0;
	_ =	sdelay $0x3  }
0x122: {  	s26 =	sadd.s32 $0x30, s24  }
0x123: {  	[tilespmem:s23+$0x60] =	vst v2;
	v2 =	vmov s26  }
0x124: {  	v3 =	vld.idx.msk [tilespmem:v3+s17+$0x0], $0xffff;
	v2 =	vand.u32 $0xFFFFFFF0, v2  }
0x125: {  	v2 =	vbroadcast v2, $0x0;
	_ =	sdelay $0x3  }
0x126: {  	s26 =	sadd.s32 $0x31, s24  }
0x127: {  	[tilespmem:s23+$0x70] =	vst v3;
	v3 =	vmov s26  }
0x128: {  	v2 =	vld.idx.msk [tilespmem:v2+s17+$0x0], $0xffff;
	v3 =	vand.u32 $0xFFFFFFF1, v3  }
0x129: {  	v3 =	vbroadcast v3, $0x0;
	_ =	sdelay $0x3  }
0x12a: {  	s26 =	sadd.s32 $0x32, s24  }
0x12b: {  	[tilespmem:s23+$0x80] =	vst v2;
	v2 =	vmov s26  }
0x12c: {  	v3 =	vld.idx.msk [tilespmem:v3+s17+$0x0], $0xffff;
	v2 =	vand.u32 $0xFFFFFFF2, v2  }
0x12d: {  	v2 =	vbroadcast v2, $0x0;
	_ =	sdelay $0x3  }
0x12e: {  	s26 =	sadd.s32 $0x33, s24  }
0x12f: {  	[tilespmem:s23+$0x90] =	vst v3;
	v3 =	vmov s26  }
0x130: {  	v2 =	vld.idx.msk [tilespmem:v2+s17+$0x0], $0xffff;
	v3 =	vand.u32 $0xFFFFFFF3, v3  }
0x131: {  	v3 =	vbroadcast v3, $0x0;
	_ =	sdelay $0x3  }
0x132: {  	s26 =	sadd.s32 $0x34, s24  }
0x133: {  	[tilespmem:s23+$0xA0] =	vst v2;
	v2 =	vmov s26  }
0x134: {  	v3 =	vld.idx.msk [tilespmem:v3+s17+$0x0], $0xffff;
	v2 =	vand.u32 $0xFFFFFFF4, v2  }
0x135: {  	v2 =	vbroadcast v2, $0x0;
	_ =	sdelay $0x3  }
0x136: {  	s26 =	sadd.s32 $0x35, s24  }
0x137: {  	[tilespmem:s23+$0xB0] =	vst v3;
	v3 =	vmov s26  }
0x138: {  	v2 =	vld.idx.msk [tilespmem:v2+s17+$0x0], $0xffff;
	v3 =	vand.u32 $0xFFFFFFF5, v3  }
0x139: {  	v3 =	vbroadcast v3, $0x0;
	_ =	sdelay $0x3  }
0x13a: {  	s26 =	sadd.s32 $0x36, s24  }
0x13b: {  	[tilespmem:s23+$0xC0] =	vst v2;
	v2 =	vmov s26  }
0x13c: {  	v3 =	vld.idx.msk [tilespmem:v3+s17+$0x0], $0xffff;
	v2 =	vand.u32 $0xFFFFFFF6, v2  }
0x13d: {  	v2 =	vbroadcast v2, $0x0;
	_ =	sdelay $0x3  }
0x13e: {  	s26 =	sadd.s32 $0x37, s24;
	s24 =	smov.u32 s25  }
0x13f: {  	[tilespmem:s23+$0xD0] =	vst v3;
	v3 =	vmov s26  }
0x140: {  	v4 =	vld.idx.msk [tilespmem:v2+s17+$0x0], $0xffff;
	v2 =	vand.u32 $0xFFFFFFF7, v3  }
0x141: {  	v2 =	vbroadcast v2, $0x0  }
.Ltmp5:
0x142: {  	(pc) =	sbr.rel @p1 .LBB2_7-.Ltmp5, $2  }
0x143: {  	_ =	sdelay $0x2  }
0x144: {  	s25 =	sadd.s32 $0x40, s25;
	v3 =	vmov s24;
	[tilespmem:s23+$0xE0] =	vst v4  }
0x145: {  	_ =	sdelay $0x2  }
0x146: {  	v3 =	vand.u32 $0xFFFFFFC0, v3  }
0x147: {  	v2 =	vld.idx.msk [tilespmem:v2+s17+$0x0], $0xffff;
	v3 =	vbroadcast v3, $0x0;
	_ =	sdelay $0x2  }
0x148: {  	s25 =	sadd.s32 $0x1, s24  }
0x149: {  	v4 =	vmov s25  }
0x14a: {  	[tilespmem:s23+$0xF0] =	vst v2;
	v2 =	vand.u32 $0xFFFFFFC1, v4  }
0x14b: {  	v2 =	vbroadcast v2, $0x0;
	v3 =	vld.idx.msk [tilespmem:v3+s17+$0x0], $0xffff;
	_ =	sdelay $0x2  }
0x14c: {  	s26 =	sadd.s32 $0x2, s24  }
0x14d: {  	v34 =	vmov s26;
	s23 =	sadd.s32 $0x200, s23  }
0x14e: {  	[tilespmem:s23+$0xFFFFFF00] =	vst v3;
	v3 =	vand.u32 $0xFFFFFFC2, v34  }
0x14f: {  	v2 =	vld.idx.msk [tilespmem:v2+s17+$0x0], $0xffff;
	v3 =	vbroadcast v3, $0x0;
	_ =	sdelay $0x2  }
0x150: {  	s28 =	sadd.s32 $0x3, s24  }
0x151: {  	v35 =	vmov s28  }
0x152: {  	[tilespmem:s23+$0xFFFFFF10] =	vst v2;
	v2 =	vand.u32 $0xFFFFFFC3, v35  }
0x153: {  	v3 =	vld.idx.msk [tilespmem:v3+s17+$0x0], $0xffff;
	v2 =	vbroadcast v2, $0x0;
	_ =	sdelay $0x2  }
0x154: {  	s29 =	sadd.s32 $0x4, s24  }
0x155: {  	v36 =	vmov s29  }
0x156: {  	[tilespmem:s23+$0xFFFFFF20] =	vst v3;
	v3 =	vand.u32 $0xFFFFFFC4, v36  }
0x157: {  	v2 =	vld.idx.msk [tilespmem:v2+s17+$0x0], $0xffff;
	v3 =	vbroadcast v3, $0x0;
	_ =	sdelay $0x2  }
0x158: {  	s30 =	sadd.s32 $0x5, s24  }
0x159: {  	v37 =	vmov s30  }
0x15a: {  	[tilespmem:s23+$0xFFFFFF30] =	vst v2;
	v2 =	vand.u32 $0xFFFFFFC5, v37  }
0x15b: {  	v3 =	vld.idx.msk [tilespmem:v3+s17+$0x0], $0xffff;
	v2 =	vbroadcast v2, $0x0;
	_ =	sdelay $0x2  }
0x15c: {  	s31 =	sadd.s32 $0x6, s24  }
0x15d: {  	v38 =	vmov s31  }
0x15e: {  	[tilespmem:s23+$0xFFFFFF40] =	vst v3;
	v3 =	vand.u32 $0xFFFFFFC6, v38  }
0x15f: {  	v2 =	vld.idx.msk [tilespmem:v2+s17+$0x0], $0xffff;
	v3 =	vbroadcast v3, $0x0;
	_ =	sdelay $0x2  }
0x160: {  	s26 =	sadd.s32 $0x7, s24  }
0x161: {  	v39 =	vmov s26  }
0x162: {  	[tilespmem:s23+$0xFFFFFF50] =	vst v2;
	v2 =	vand.u32 $0xFFFFFFC7, v39  }
0x163: {  	v3 =	vld.idx.msk [tilespmem:v3+s17+$0x0], $0xffff;
	v2 =	vbroadcast v2, $0x0;
	_ =	sdelay $0x2  }
0x164: {  	s28 =	sadd.s32 $0x10, s24  }
0x165: {  	v40 =	vmov s28  }
0x166: {  	[tilespmem:s23+$0xFFFFFF60] =	vst v3;
	v3 =	vand.u32 $0xFFFFFFD0, v40  }
0x167: {  	v2 =	vld.idx.msk [tilespmem:v2+s17+$0x0], $0xffff;
	v3 =	vbroadcast v3, $0x0;
	_ =	sdelay $0x2  }
0x168: {  	s29 =	sadd.s32 $0x11, s24  }
0x169: {  	v41 =	vmov s29  }
0x16a: {  	[tilespmem:s23+$0xFFFFFF70] =	vst v2;
	v2 =	vand.u32 $0xFFFFFFD1, v41  }
0x16b: {  	v3 =	vld.idx.msk [tilespmem:v3+s17+$0x0], $0xffff;
	v2 =	vbroadcast v2, $0x0;
	_ =	sdelay $0x2  }
0x16c: {  	s30 =	sadd.s32 $0x12, s24  }
0x16d: {  	v42 =	vmov s30  }
0x16e: {  	[tilespmem:s23+$0xFFFFFF80] =	vst v3;
	v3 =	vand.u32 $0xFFFFFFD2, v42  }
0x16f: {  	v2 =	vld.idx.msk [tilespmem:v2+s17+$0x0], $0xffff;
	v3 =	vbroadcast v3, $0x0;
	_ =	sdelay $0x2  }
0x170: {  	s31 =	sadd.s32 $0x13, s24  }
0x171: {  	v43 =	vmov s31  }
0x172: {  	[tilespmem:s23+$0xFFFFFF90] =	vst v2;
	v2 =	vand.u32 $0xFFFFFFD3, v43  }
0x173: {  	v3 =	vld.idx.msk [tilespmem:v3+s17+$0x0], $0xffff;
	v2 =	vbroadcast v2, $0x0;
	_ =	sdelay $0x2  }
0x174: {  	s26 =	sadd.s32 $0x14, s24  }
0x175: {  	v44 =	vmov s26  }
0x176: {  	[tilespmem:s23+$0xFFFFFFA0] =	vst v3;
	v3 =	vand.u32 $0xFFFFFFD4, v44  }
0x177: {  	v2 =	vld.idx.msk [tilespmem:v2+s17+$0x0], $0xffff;
	v3 =	vbroadcast v3, $0x0;
	_ =	sdelay $0x2  }
0x178: {  	s28 =	sadd.s32 $0x15, s24  }
0x179: {  	v45 =	vmov s28  }
0x17a: {  	[tilespmem:s23+$0xFFFFFFB0] =	vst v2;
	v2 =	vand.u32 $0xFFFFFFD5, v45  }
0x17b: {  	v3 =	vld.idx.msk [tilespmem:v3+s17+$0x0], $0xffff;
	v2 =	vbroadcast v2, $0x0;
	_ =	sdelay $0x2  }
0x17c: {  	s29 =	sadd.s32 $0x16, s24  }
0x17d: {  	v46 =	vmov s29  }
0x17e: {  	[tilespmem:s23+$0xFFFFFFC0] =	vst v3;
	v3 =	vand.u32 $0xFFFFFFD6, v46  }
0x17f: {  	v2 =	vld.idx.msk [tilespmem:v2+s17+$0x0], $0xffff;
	v3 =	vbroadcast v3, $0x0;
	_ =	sdelay $0x2  }
0x180: {  	s30 =	sadd.s32 $0x17, s24  }
0x181: {  	v47 =	vmov s30  }
0x182: {  	[tilespmem:s23+$0xFFFFFFD0] =	vst v2;
	v2 =	vand.u32 $0xFFFFFFD7, v47  }
0x183: {  	v3 =	vld.idx.msk [tilespmem:v3+s17+$0x0], $0xffff;
	v2 =	vbroadcast v2, $0x0;
	_ =	sdelay $0x2  }
0x184: {  	s31 =	sadd.s32 $0x20, s24  }
0x185: {  	v48 =	vmov s31  }
0x186: {  	[tilespmem:s23+$0xFFFFFFE0] =	vst v3;
	v3 =	vand.u32 $0xFFFFFFE0, v48  }
0x187: {  	v2 =	vld.idx.msk [tilespmem:v2+s17+$0x0], $0xffff;
	v3 =	vbroadcast v3, $0x0;
	_ =	sdelay $0x2  }
0x188: {  	s26 =	sadd.s32 $0x21, s24  }
0x189: {  	v49 =	vmov s26  }
0x18a: {  	[tilespmem:s23+$0xFFFFFFF0] =	vst v2;
	v2 =	vand.u32 $0xFFFFFFE1, v49  }
0x18b: {  	v3 =	vld.idx.msk [tilespmem:v3+s17+$0x0], $0xffff;
	v2 =	vbroadcast v2, $0x0;
	_ =	sdelay $0x2  }
0x18c: {  	s28 =	sadd.s32 $0x22, s24  }
0x18d: {  	v50 =	vmov s28  }
0x18e: {  	[tilespmem:s23+$0x0] =	vst v3;
	v3 =	vand.u32 $0xFFFFFFE2, v50  }
0x18f: {  	v2 =	vld.idx.msk [tilespmem:v2+s17+$0x0], $0xffff;
	v3 =	vbroadcast v3, $0x0;
	_ =	sdelay $0x2  }
0x190: {  	s29 =	sadd.s32 $0x23, s24  }
0x191: {  	v51 =	vmov s29  }
0x192: {  	[tilespmem:s23+$0x10] =	vst v2;
	v2 =	vand.u32 $0xFFFFFFE3, v51  }
0x193: {  	v3 =	vld.idx.msk [tilespmem:v3+s17+$0x0], $0xffff;
	v2 =	vbroadcast v2, $0x0;
	_ =	sdelay $0x2  }
0x194: {  	s30 =	sadd.s32 $0x24, s24  }
0x195: {  	v52 =	vmov s30  }
0x196: {  	[tilespmem:s23+$0x20] =	vst v3;
	v3 =	vand.u32 $0xFFFFFFE4, v52  }
0x197: {  	v2 =	vld.idx.msk [tilespmem:v2+s17+$0x0], $0xffff;
	v3 =	vbroadcast v3, $0x0;
	_ =	sdelay $0x2  }
0x198: {  	s31 =	sadd.s32 $0x25, s24  }
0x199: {  	v53 =	vmov s31  }
0x19a: {  	[tilespmem:s23+$0x30] =	vst v2;
	v2 =	vand.u32 $0xFFFFFFE5, v53  }
0x19b: {  	v3 =	vld.idx.msk [tilespmem:v3+s17+$0x0], $0xffff;
	v2 =	vbroadcast v2, $0x0;
	_ =	sdelay $0x2  }
0x19c: {  	s26 =	sadd.s32 $0x26, s24  }
0x19d: {  	v54 =	vmov s26  }
0x19e: {  	[tilespmem:s23+$0x40] =	vst v3;
	v3 =	vand.u32 $0xFFFFFFE6, v54  }
0x19f: {  	v2 =	vld.idx.msk [tilespmem:v2+s17+$0x0], $0xffff;
	v3 =	vbroadcast v3, $0x0;
	_ =	sdelay $0x2  }
0x1a0: {  	s28 =	sadd.s32 $0x27, s24  }
0x1a1: {  	v55 =	vmov s28  }
0x1a2: {  	[tilespmem:s23+$0x50] =	vst v2;
	v2 =	vand.u32 $0xFFFFFFE7, v55  }
0x1a3: {  	v3 =	vld.idx.msk [tilespmem:v3+s17+$0x0], $0xffff;
	v2 =	vbroadcast v2, $0x0;
	_ =	sdelay $0x2  }
0x1a4: {  	s29 =	sadd.s32 $0x30, s24  }
0x1a5: {  	v56 =	vmov s29  }
0x1a6: {  	[tilespmem:s23+$0x60] =	vst v3;
	v3 =	vand.u32 $0xFFFFFFF0, v56  }
0x1a7: {  	v2 =	vld.idx.msk [tilespmem:v2+s17+$0x0], $0xffff;
	v3 =	vbroadcast v3, $0x0;
	_ =	sdelay $0x2  }
0x1a8: {  	s30 =	sadd.s32 $0x31, s24  }
0x1a9: {  	v57 =	vmov s30  }
0x1aa: {  	[tilespmem:s23+$0x70] =	vst v2;
	v2 =	vand.u32 $0xFFFFFFF1, v57  }
0x1ab: {  	v3 =	vld.idx.msk [tilespmem:v3+s17+$0x0], $0xffff;
	v2 =	vbroadcast v2, $0x0;
	_ =	sdelay $0x2  }
0x1ac: {  	s31 =	sadd.s32 $0x32, s24  }
0x1ad: {  	v58 =	vmov s31  }
0x1ae: {  	[tilespmem:s23+$0x80] =	vst v3;
	v3 =	vand.u32 $0xFFFFFFF2, v58  }
0x1af: {  	v2 =	vld.idx.msk [tilespmem:v2+s17+$0x0], $0xffff;
	v3 =	vbroadcast v3, $0x0;
	_ =	sdelay $0x2  }
0x1b0: {  	s26 =	sadd.s32 $0x33, s24  }
0x1b1: {  	v59 =	vmov s26  }
0x1b2: {  	[tilespmem:s23+$0x90] =	vst v2;
	v2 =	vand.u32 $0xFFFFFFF3, v59  }
0x1b3: {  	v3 =	vld.idx.msk [tilespmem:v3+s17+$0x0], $0xffff;
	v2 =	vbroadcast v2, $0x0;
	_ =	sdelay $0x2  }
0x1b4: {  	s28 =	sadd.s32 $0x34, s24  }
0x1b5: {  	v60 =	vmov s28  }
0x1b6: {  	[tilespmem:s23+$0xA0] =	vst v3;
	v3 =	vand.u32 $0xFFFFFFF4, v60  }
0x1b7: {  	v2 =	vld.idx.msk [tilespmem:v2+s17+$0x0], $0xffff;
	v3 =	vbroadcast v3, $0x0;
	_ =	sdelay $0x2  }
0x1b8: {  	s29 =	sadd.s32 $0x35, s24  }
0x1b9: {  	v61 =	vmov s29  }
0x1ba: {  	[tilespmem:s23+$0xB0] =	vst v2;
	v2 =	vand.u32 $0xFFFFFFF5, v61  }
0x1bb: {  	v3 =	vld.idx.msk [tilespmem:v3+s17+$0x0], $0xffff;
	v2 =	vbroadcast v2, $0x0;
	_ =	sdelay $0x2  }
0x1bc: {  	s30 =	sadd.s32 $0x36, s24  }
0x1bd: {  	v62 =	vmov s30  }
0x1be: {  	[tilespmem:s23+$0xC0] =	vst v3;
	v3 =	vand.u32 $0xFFFFFFF6, v62  }
0x1bf: {  	v2 =	vld.idx.msk [tilespmem:v2+s17+$0x0], $0xffff;
	v3 =	vbroadcast v3, $0x0;
	_ =	sdelay $0x2  }
0x1c0: {  	s31 =	sadd.s32 $0x37, s24  }
0x1c1: {  	v63 =	vmov s31  }
0x1c2: {  	[tilespmem:s23+$0xD0] =	vst v2;
	v2 =	vand.u32 $0xFFFFFFF7, v63  }
0x1c3: {  	v3 =	vld.idx.msk [tilespmem:v3+s17+$0x0], $0xffff;
	v2 =	vbroadcast v2, $0x0;
	_ =	sdelay $0x4  }
0x1c4: {  	[tilespmem:s23+$0xE0] =	vst v3  }
0x1c5: {  	v2 =	vld.idx.msk [tilespmem:v2+s17+$0x0], $0xffff;
	_ =	sdelay $0x2  }
0x1c6: {  	s22 =	sadd.s32 $0x1, s22  }
0x1c7: {  	p1 =	sne.s32 s22, s8  }
.Ltmp6:
0x1c8: {  	[tilespmem:s23+$0xF0] =	vst v2;
	(pc) =	sbr.rel @p1 .LBB2_6-.Ltmp6, $4  }
0x1c9: {  	[spmem:s1] =	stream.indirect.scatter.add.f32 [tilespmem:s19], [sflag:$0x2], $0x80, s3, s19, $0xb8;
	[tilespmem:$0x1A980] =	vst v63  }
0x1ca: {  	_ =	swait.ge [sflag:s16], $0x4000  }
0x1cb: {  	[sflag:s16] =	ssyncset.done $0x0  }
0x1cc: {  	[sflag:s16] =	ssyncadd.s32 $0xFFFFC000  }
.Ltmp7:
0x1cd: {  	(pc) =	sbr.rel @!p0 .LBB2_10-.Ltmp7, $3  }
0x1ce: {  	_ =	sdelay $0x1  }
0x1cf: {  	[bflag:$0x0] =	sbarrier.arrive $0xFFFF;
	s21 =	sadd.s32 $0xFFFFFFC0, s10  }
0x1d0: {  	v2 =	vor.u32 s10, v1;
	v3 =	vor.u32 s21, v1;
	s21 =	sadd.s32 $0xFFFFFFF0, s10  }
0x1d1: {  	[tilespmem:$0x70C0] =	vst v2  }
0x1d2: {  	s22 =	sadd.s32 $0xFFFFFFD0, s10;
	[tilespmem:$0x7080] =	vst v3;
	v2 =	vor.u32 s21, v1  }
0x1d3: {  	s31 =	sadd.s32 $0xFFFFFFE0, s10;
	v3 =	vor.u32 s22, v1;
	[tilespmem:$0x70B0] =	vst v2  }
0x1d4: {  	v2 =	vor.u32 s31, v1;
	[tilespmem:$0x7090] =	vst v3  }
0x1d5: {  	p1 =	sne.s32 s7, $0x1;
	[tilespmem:$0x70A0] =	vst v2  }
0x1d6: {  	[tilespmem:s15], [sflag:$0x2] =	stream.indirect.gather [spmem:s1], $0x80, s14, s13, $0xb8;
	[tilespmem:$0x1A980] =	vst v63  }
.Ltmp8:
0x1d7: {  	_ = 	snop;
	(pc) =	sbr.rel @!p1 .LBB2_15-.Ltmp8, $4  }
0x1d8: {  	_ =	swait.ge [sflag:s16], $0x2800  }
0x1d9: {  	s21 =	sadd.s32 $0xFFFFFFFF, s7;
	[sflag:s16] =	ssyncset.done $0x0  }
0x1da: {  	s23 =	smov.u32 s10;
	s22 =	smov.u32 s12;
	[sflag:s16] =	ssyncadd.s32 $0xFFFFD800  }
0x1db: {  	[hbm4b:s12+s3] =	stream.linear.scatter [tilespmem:s15], [sflag:$0x2], $0x2800, $0x38;
	[tilespmem:$0x1A980] =	vst v63  }
.LBB2_14:
0x1dc: {  	_ =	swait.ge [sflag:s16], $0x2800;
	s22 =	sadd.s32 $0x5000, s22;
	s23 =	sadd.s32 $0x500, s23  }
0x1dd: {  	p1 =	sne.s32 s21, $0x1;
	s21 =	sadd.s32 $0xFFFFFFFF, s21;
	[sflag:s16] =	ssyncset.done $0x0  }
0x1de: {  	s24 =	sadd.s32 $0xFFFFFFC0, s23;
	v2 =	vor.u32 s23, v1;
	[sflag:s16] =	ssyncadd.s32 $0xFFFFD800  }
0x1df: {  	s25 =	sadd.s32 $0xFFFFFFE0, s23;
	s26 =	sadd.s32 $0xFFFFFFF0, s23;
	v3 =	vor.u32 s24, v1;
	s24 =	sadd.s32 $0xFFFFFFD0, s23;
	[tilespmem:$0x70C0] =	vst v2  }
0x1e0: {  	v4 =	vor.u32 s26, v1;
	v2 =	vor.u32 s24, v1;
	[tilespmem:$0x7080] =	vst v3;
	v3 =	vor.u32 s25, v1  }
0x1e1: {  	[tilespmem:$0x70B0] =	vst v4  }
0x1e2: {  	[tilespmem:$0x7090] =	vst v2  }
0x1e3: {  	[tilespmem:$0x70A0] =	vst v3  }
0x1e4: {  	[tilespmem:s15], [sflag:$0x2] =	stream.indirect.gather [spmem:s1], $0x80, s14, s13, $0xb8;
	[tilespmem:$0x1A980] =	vst v63  }
.Ltmp9:
0x1e5: {  	_ = 	snop;
	(pc) =	sbr.rel @p1 .LBB2_14-.Ltmp9, $4  }
0x1e6: {  	_ =	swait.ge [sflag:s16], $0x2800  }
0x1e7: {  	[sflag:s16] =	ssyncset.done $0x0  }
0x1e8: {  	[sflag:s16] =	ssyncadd.s32 $0xFFFFD800  }
0x1e9: {  	[hbm4b:s22+s3] =	stream.linear.scatter [tilespmem:s15], [sflag:$0x2], $0x2800, $0x38;
	[tilespmem:$0x1A980] =	vst v63  }
.Ltmp10:
0x1ea: {  	_ = 	snop;
	(pc) =	sbr.rel .LBB2_15-.Ltmp10, $1  }
0x1eb: {  	_ =	sdelay $0x3  }
.LBB2_10:
0x1ec: {  	[tilespmem:$0x70C0] =	vst v2  }
0x1ed: {  	s22 =	sadd.s32 $0xFFFFFFD0, s10;
	[tilespmem:$0x7080] =	vst v3;
	v2 =	vor.u32 s21, v1  }
0x1ee: {  	s31 =	sadd.s32 $0xFFFFFFE0, s10;
	v3 =	vor.u32 s22, v1;
	[tilespmem:$0x70B0] =	vst v2  }
0x1ef: {  	v2 =	vor.u32 s31, v1;
	[tilespmem:$0x7090] =	vst v3  }
0x1f0: {  	p1 =	seq.s32 s7, $0x1;
	[tilespmem:$0x70A0] =	vst v2  }
0x1f1: {  	[tilespmem:s15], [sflag:$0x2] =	stream.indirect.gather [spmem:s1], $0x80, s14, s13, $0xb8;
	[tilespmem:$0x1A980] =	vst v63  }
.Ltmp11:
0x1f2: {  	_ = 	snop;
	(pc) =	sbr.rel @p1 .LBB2_12-.Ltmp11, $4  }
0x1f3: {  	_ =	swait.ge [sflag:s16], $0x2800  }
0x1f4: {  	s21 =	sadd.s32 $0xFFFFFFFF, s7;
	[sflag:s16] =	ssyncset.done $0x0  }
0x1f5: {  	s23 =	smov.u32 s10;
	s22 =	smov.u32 s11;
	[sflag:s16] =	ssyncadd.s32 $0xFFFFD800  }
0x1f6: {  	[hbm4b:s11+s3] =	stream.linear.scatter [tilespmem:s15], [sflag:$0x2], $0x2800, $0x38;
	[tilespmem:$0x1A980] =	vst v63  }
.LBB2_11:
0x1f7: {  	_ =	swait.ge [sflag:s16], $0x2800;
	s22 =	sadd.s32 $0x5000, s22;
	s23 =	sadd.s32 $0x500, s23  }
0x1f8: {  	p1 =	seq.s32 s21, $0x1;
	s21 =	sadd.s32 $0xFFFFFFFF, s21;
	[sflag:s16] =	ssyncset.done $0x0  }
0x1f9: {  	s24 =	sadd.s32 $0xFFFFFFC0, s23;
	v2 =	vor.u32 s23, v1;
	[sflag:s16] =	ssyncadd.s32 $0xFFFFD800  }
0x1fa: {  	s25 =	sadd.s32 $0xFFFFFFE0, s23;
	s26 =	sadd.s32 $0xFFFFFFF0, s23;
	v3 =	vor.u32 s24, v1;
	s24 =	sadd.s32 $0xFFFFFFD0, s23;
	[tilespmem:$0x70C0] =	vst v2  }
0x1fb: {  	v4 =	vor.u32 s26, v1;
	v2 =	vor.u32 s24, v1;
	[tilespmem:$0x7080] =	vst v3;
	v3 =	vor.u32 s25, v1  }
0x1fc: {  	[tilespmem:$0x70B0] =	vst v4  }
0x1fd: {  	[tilespmem:$0x7090] =	vst v2  }
0x1fe: {  	[tilespmem:$0x70A0] =	vst v3  }
0x1ff: {  	[tilespmem:s15], [sflag:$0x2] =	stream.indirect.gather [spmem:s1], $0x80, s14, s13, $0xb8;
	[tilespmem:$0x1A980] =	vst v63  }
.Ltmp12:
0x200: {  	_ = 	snop;
	(pc) =	sbr.rel @!p1 .LBB2_11-.Ltmp12, $4  }
0x201: {  	_ =	swait.ge [sflag:s16], $0x2800  }
0x202: {  	[sflag:s16] =	ssyncset.done $0x0  }
0x203: {  	[sflag:s16] =	ssyncadd.s32 $0xFFFFD800  }
0x204: {  	[hbm4b:s22+s3] =	stream.linear.scatter [tilespmem:s15], [sflag:$0x2], $0x2800, $0x38;
	[tilespmem:$0x1A980] =	vst v63  }
.LBB2_12:
.Ltmp13:
0x205: {  	(pc) =	sbr.rel .LBB2_16-.Ltmp13, $4  }
0x206: {  	_ = 	snop  }
0x207: {  	_ =	swait.ge [sflag:s16], $0x2800  }
0x208: {  	[sflag:s16] =	ssyncset.done $0x0  }
0x209: {  	[sflag:s16] =	ssyncadd.s32 $0xFFFFD800  }
.LBB2_17:
0x20a: {  	_ =	sfence.sel $0x180000  }
0x20b: {  	[bflag:$0x0] =	sbarrier.arrive $0xFFFF  }
0x20c: {  	p0 =	sne.s32 s2, $0x0;
	_ =	strace $0x9000004D  }
0x20d: {  	s0 =	sadd.s32 @!p0 $0x100000, s0;
	[bflag:$0x2] =	sbarrier.arrive $0xFFFF  }
0x20e: {  	[sflag:s0] =	ssyncadd.tile.s32 @!p0 $0x1;
	_ =	shalt  }
.Lfunc_end2:
_tile_overlayer_lowered:
.L_overlay_start_2:
0x20f: {  	(tag) =	ssettag $0x2  }
0x210: {  	s0 =	rddreg [dreg:$0x0];
	s2 =	stileid.u32  }
0x211: {  	s1 =	rddreg [dreg:$0x1];
	p0 =	sne.s32 s2, $0x0  }
0x212: {  	s3 =	rddreg [dreg:$0x2];
	[bflag:$0x3] =	sbarrier.arrive $0xFFFF;
	s2 =	simm.s32 @!p0 $0x1C02  }
0x213: {  	[timem:s3], [sflag:s2] =	dma.local @!p0 [hbm:s0], s1  }
0x214: {  	s0 =	simm.s32 @!p0 $0x2  }
0x215: {  	_ =	swait.ge @!p0 [sflag:s0], s1  }
0x216: {  	s1 =	ssub.s32 @!p0 $0x0, s1;
	[sflag:s0] =	ssyncset.done @!p0 $0x0  }
0x217: {  	[sflag:s0] =	ssyncadd.s32 @!p0 s1  }
0x218: {  	[bflag:$0x3] =	sbarrier.arrive $0xFFFF  }
0x219: {  	_ =	shalt  }

// kernel: kernel.13.cloned.1.call-start
scs
__scs_entry_jumppad:
0x0: {  	(pc) =	sbr.rel $0x88, $3  }
0x1: {  	(tag) =	ssettag $0x0;
	lr =	simm.s32 $0x1  }
0x2: {  	[smem:$0x3F91] =	sst lr;
	_ =	strace $0xD0000000  }
0x3: {  	_ = 	snop  }
0x4: {  	_ = 	snop  }
0x5: {  	_ = 	snop  }
0x6: {  	_ = 	snop  }
0x7: {  	_ = 	snop  }
__scs_overlays_trampoline_lowered:
0x8: {  	[smem:$0x3FA0] =	sst s0  }
0x9: {  	[smem:$0x3FA1] =	sst s1  }
0xa: {  	[smem:$0x3FA2] =	sst s2  }
0xb: {  	[smem:$0x3FA3] =	sst s3  }
0xc: {  	[smem:$0x3FA4] =	sst s4  }
0xd: {  	[smem:$0x3FA5] =	sst s5  }
0xe: {  	[smem:$0x3FA6] =	sst s6  }
0xf: {  	[smem:$0x3FA7] =	sst s7  }
0x10: {  	[smem:$0x3FA8] =	sst s8  }
0x11: {  	[smem:$0x3FA9] =	sst s9;
	s0 =	simm.s32 @!p0 $0x0  }
0x12: {  	s1 =	sld [smem:$0x3F8F];
	s0 =	simm.s32 @p0 $0x1  }
0x13: {  	[smem:$0x3FAA] =	sst s0;
	s0 =	simm.s32 @!p1 $0x0  }
0x14: {  	s2 =	sld [smem:$0x3F8E];
	s0 =	simm.s32 @p1 $0x1  }
0x15: {  	[smem:$0x3FAB] =	sst s0;
	s0 =	simm.s32 @!p2 $0x0  }
0x16: {  	s3 =	sld [smem:$0x3FDB];
	s0 =	simm.s32 @p2 $0x1  }
0x17: {  	s4 =	simm.s32 $0x1BF5;
	[smem:$0x3FAD] =	sst s0  }
0x18: {  	s0 =	sld [smem:$0x3F90];
	_ =	swait.ge [sflag:s4], $0x0  }
0x19: {  	s7 =	sld [smem:$0x3F91]  }
0x1a: {  	s8 =	sadd.s32 $0xFFFFE003, lr  }
0x1b: {  	s9 =	sadd.s32 $0xFFFFFEF7, lr;
	s5 =	simm.s32 $0xFFFFFFFF;
	p2 =	slt.u32 s8, $0xFFFFF086  }
0x1c: {  	p1 =	slt.u32 s9, $0xF7A;
	s5 =	simm.s32 @!p2 $0x0  }
0x1d: {  	s5 =	simm.s32 @p1 $0x1;
	p0 =	seq.s32 s7, s2  }
0x1e: {  	s7 =	smul.u32 @!p0 $0xF7A, s2;
	p2 =	seq.s32 @!p0 s5, $0x0  }
0x1f: {  	s9 =	smul.u32 $0xF7A, s1;
	s8 =	simm.s32 @!p0 $0x1BF5;
	p2 =	por !p2, p0  }
0x20: {  	[sflag:s8] =	ssyncset.s32 @!p0 $0xFFFFF086;
	s6 =	sadd.s32 @!p0 s3, s7;
	s7 =	simm.s32 @!p0 $0x108  }
0x21: {  	s3 =	sadd.s32 s3, s9;
	s6 =	sadd.s32 @!p0 $0x88, s6;
	s7 =	simm.s32 @p2 $0x1082  }
0x22: {  	[simem:s7], [sflag:s8] =	dma.local @!p0 [hbm:s6], $0xF7A  }
0x23: {  	s9 =	sor.u32 $0xD0000000, s2;
	s6 =	simm.s32 $0x108;
	_ =	swait.ge @!p0 [sflag:s8], $0x0  }
0x24: {  	s3 =	sadd.s32 $0x88, s3;
	s6 =	simm.s32 @!p1 $0x1082;
	[sflag:s4] =	ssyncset.s32 $0xFFFFF086  }
0x25: {  	[simem:s6], [sflag:s4] =	dma.local [hbm:s3], $0xF7A  }
0x26: {  	[smem:$0x3F91] =	sst s1;
	(tag) =	ssettag s2;
	_ =	strace s9  }
0x27: {  	s1 =	sld [smem:$0x3FA1]  }
0x28: {  	s2 =	sld [smem:$0x3FA2]  }
0x29: {  	s4 =	sld [smem:$0x3FA4]  }
0x2a: {  	p0 =	seq.s32 s5, $0x0;
	s5 =	sld [smem:$0x3FA5]  }
0x2b: {  	s6 =	sld [smem:$0x3FA6]  }
0x2c: {  	s7 =	sld [smem:$0x3FA7]  }
0x2d: {  	s3 =	simm.s32 $0x108;
	s8 =	sld [smem:$0x3FA8]  }
0x2e: {  	s3 =	simm.s32 @!p0 $0x1082;
	s9 =	sld [smem:$0x3FA9]  }
0x2f: {  	lr =	sadd.s32 s0, s3;
	s0 =	sld [smem:$0x3FA0]  }
0x30: {  	s3 =	sld [smem:$0x3FA3]  }
0x31: {  	[smem:$0x3FAC] =	sst s10  }
0x32: {  	s10 =	sld [smem:$0x3FAA];
	_ =	sdelay $0x3  }
0x33: {  	p0 =	seq.s32 s10, $0x1;
	s10 =	sld [smem:$0x3FAC];
	_ =	sdelay $0x3  }
0x34: {  	[smem:$0x3FAC] =	sst s10  }
0x35: {  	s10 =	sld [smem:$0x3FAB];
	_ =	sdelay $0x3  }
0x36: {  	p1 =	seq.s32 s10, $0x1;
	s10 =	sld [smem:$0x3FAC];
	_ =	sdelay $0x3  }
0x37: {  	[smem:$0x3FAC] =	sst s10  }
0x38: {  	s10 =	sld [smem:$0x3FAD]  }
0x39: {  	_ = 	snop;
	(pc) =	sbr.ind lr, $3  }
0x3a: {  	_ = 	snop  }
0x3b: {  	_ = 	snop  }
0x3c: {  	p2 =	seq.s32 s10, $0x1;
	s10 =	sld [smem:$0x3FAC]  }
0x3d: {  	_ =	shalt  }
0x3e: {  	_ =	shalt  }
0x3f: {  	_ =	shalt  }
0x40: {  	_ =	shalt  }
0x41: {  	_ =	shalt  }
0x42: {  	_ =	shalt  }
0x43: {  	_ =	shalt  }
0x44: {  	_ =	shalt  }
0x45: {  	_ =	shalt  }
0x46: {  	_ =	shalt  }
0x47: {  	_ =	shalt  }
0x48: {  	_ =	shalt  }
0x49: {  	_ =	shalt  }
0x4a: {  	_ =	shalt  }
0x4b: {  	_ =	shalt  }
0x4c: {  	_ =	shalt  }
0x4d: {  	_ =	shalt  }
0x4e: {  	_ =	shalt  }
0x4f: {  	_ =	shalt  }
0x50: {  	_ =	shalt  }
0x51: {  	_ =	shalt  }
0x52: {  	_ =	shalt  }
0x53: {  	_ =	shalt  }
0x54: {  	_ =	shalt  }
0x55: {  	_ =	shalt  }
0x56: {  	_ =	shalt  }
0x57: {  	_ =	shalt  }
0x58: {  	_ =	shalt  }
0x59: {  	_ =	shalt  }
0x5a: {  	_ =	shalt  }
0x5b: {  	_ =	shalt  }
0x5c: {  	_ =	shalt  }
0x5d: {  	_ =	shalt  }
0x5e: {  	_ =	shalt  }
0x5f: {  	_ =	shalt  }
0x60: {  	_ =	shalt  }
0x61: {  	_ =	shalt  }
0x62: {  	_ =	shalt  }
0x63: {  	_ =	shalt  }
0x64: {  	_ =	shalt  }
0x65: {  	_ =	shalt  }
0x66: {  	_ =	shalt  }
0x67: {  	_ =	shalt  }
0x68: {  	_ =	shalt  }
0x69: {  	_ =	shalt  }
0x6a: {  	_ =	shalt  }
0x6b: {  	_ =	shalt  }
0x6c: {  	_ =	shalt  }
0x6d: {  	_ =	shalt  }
0x6e: {  	_ =	shalt  }
0x6f: {  	_ =	shalt  }
0x70: {  	_ =	shalt  }
0x71: {  	_ =	shalt  }
0x72: {  	_ =	shalt  }
0x73: {  	_ =	shalt  }
0x74: {  	_ =	shalt  }
0x75: {  	_ =	shalt  }
0x76: {  	_ =	shalt  }
0x77: {  	_ =	shalt  }
0x78: {  	_ =	shalt  }
0x79: {  	_ =	shalt  }
0x7a: {  	_ =	shalt  }
0x7b: {  	_ =	shalt  }
0x7c: {  	_ =	shalt  }
0x7d: {  	_ =	shalt  }
0x7e: {  	_ =	shalt  }
0x7f: {  	_ =	shalt  }
0x80: {  	_ =	shalt  }
0x81: {  	_ =	shalt  }
0x82: {  	_ =	shalt  }
0x83: {  	_ =	shalt  }
0x84: {  	_ =	shalt  }
0x85: {  	_ =	shalt  }
0x86: {  	_ =	shalt  }
0x87: {  	_ =	shalt  }
.Lfunc_end0:
.L_simem_size_0:
called_computation.2_lowered:
.L_overlay_start_0:
0x88: {  	s2 =	sld [smem:$0x3FD9]  }
0x89: {  	s3 =	sld [smem:$0x3FFE];
	_ =	sdelay $0x1  }
0x8a: {  	s1 =	srdreg.scid  }
0x8b: {  	s0 =	sand.u32 $0x1, s1  }
0x8c: {  	s17 =	sshll.u32 s0, $0xA;
	s2 =	sadd.s32 s3, s2  }
0x8d: {  	s2 =	sadd.s32 s2, s17  }
0x8e: {  	[smem:$0x3FB8] =	sst s2  }
0x8f: {  	_ = 	snop  }
0x90: {  	s2 =	sld [smem:$0x3FD0];
	(tm) =	ssettm $0x1  }
0x91: {  	s18 =	sld [smem:$0x3FFB];
	_ =	sdelay $0x3  }
0x92: {  	_ =	strace s18  }
0x93: {  	s3 =	sld [smem:$0x3FFC];
	_ =	sdelay $0x3  }
0x94: {  	_ =	strace s3  }
0x95: {  	s3 =	sld [smem:$0x3FFD];
	_ =	sdelay $0x3  }
0x96: {  	_ =	strace s3  }
0x97: {  	_ =	strace $0x8FFFFFFF  }
0x98: {  	s19 =	sld [smem:$0x3FDB];
	_ =	sdelay $0x1  }
0x99: {  	s4 =	simm.s32 $_scs_section_size  }
0x9a: {  	s5 =	simm.s32 $_size__tile_overlayer_lowered;
	s6 =	simm.s32 $_tile_overlayer_lowered  }
0x9b: {  	s22 =	simm.s32 $0x1BFF;
	s21 =	sshll.u32 s6, $0x1;
	s3 =	sadd.s32 s4, s19  }
0x9c: {  	s7 =	simm.s32 $0x0;
	s20 =	sshll.u32 s5, $0x1;
	s5 =	sadd.s32 s21, s3  }
0x9d: {  	[timem:s7], [sflag:s22] =	dma.local [hbm:s5], s20  }
0x9e: {  	_ =	swait.ge [sflag:s22], s20  }
0x9f: {  	s4 =	ssub.s32 $0x0, s20;
	[sflag:s22] =	ssyncset.done $0x0  }
0xa0: {  	[sflag:s22] =	ssyncadd.s32 s4;
	_ =	sdelay $0x1  }
0xa1: {  	s23 =	simm.s32 $0x1B8B  }
0xa2: {  	_ =	swait.ge [sflag:s23], $0x1  }
0xa3: {  	[sflag:s23] =	ssyncset.done $0x0  }
0xa4: {  	s25 =	simm.s32 $0x1B8E;
	s24 =	sld [smem:$0x3FFE];
	[sflag:s23] =	ssyncadd.s32 $0xFFFFFFFF  }
0xa5: {  	s26 =	simm.s32 $execute0_lowered;
	[smem:$0x3FD2] =	sst s25  }
0xa6: {  	s5 =	sshll.u32 s26, $0x1;
	_ =	strace $0x80000049;
	[dreg:$0x1] =	wrdreg $0xFFFFFFFF  }
0xa7: {  	s28 =	simm.s32 $_size_execute0_lowered;
	s3 =	sadd.s32 s3, s5;
	[dreg:$0x0] =	wrdreg $0x0  }
0xa8: {  	s5 =	sshll.u32 s28, $0x1;
	[dreg:$0x2] =	wrdreg s3  }
0xa9: {  	[dreg:$0x3] =	wrdreg s5  }
0xaa: {  	[dreg:$0x4] =	wrdreg $0xC0  }
0xab: {  	_ =	task [dreg:s7], $0x5FFFF  }
0xac: {  	[dreg:$0x1] =	wrdreg $0xFFFFFFFF  }
0xad: {  	[dreg:$0x0] =	wrdreg $0x60  }
0xae: {  	[dreg:$0x2] =	wrdreg s2  }
0xaf: {  	[dreg:$0x3] =	wrdreg s24  }
0xb0: {  	[dreg:$0x4] =	wrdreg $0xB1800  }
0xb1: {  	[dreg:$0x5] =	wrdreg $0xA  }
0xb2: {  	_ =	task.clear_ibuf [dreg:s7], $0x6FFFF;
	_ =	strace $0x90000049  }
0xb3: {  	s29 =	simm.s32 $0xA;
	_ =	strace $0x8000004B  }
0xb4: {  	_ =	swait.ge [sflag:s29], $0x1  }
0xb5: {  	[sflag:s29] =	ssyncadd.s32 $0xFFFFFFFF  }
0xb6: {  	_ =	strace $0x9000004B  }
0xb7: {  	_ =	sfence  }
0xb8: {  	s30 =	sld [smem:$0x0];
	_ =	sdelay $0x2  }
0xb9: {  	s31 =	sshll.u32 s1, $0xD;
	s1 =	sshrl.u32 s1, $0x2  }
0xba: {  	s3 =	sand.u32 $0x4000, s31;
	s1 =	sadd.s32 s1, s30  }
0xbb: {  	s0 =	sor.u32 s3, s0;
	s1 =	sshll.u32 s1, $0x11  }
0xbc: {  	s0 =	sor.u32 s1, s0  }
0xbd: {  	s0 =	sadd.s32 $0x8F2B, s0  }
0xbe: {  	[sflag:s0] =	ssyncadd.remote.s32 $0x1  }
0xbf: {  	_ =	sfence.sel $0xFFFF  }
0xc0: {  	[dreg:$0x0] =	wrdreg $0xFFFFFFFF;
	(pc) =	sbr.abs _section_cstart, $3  }
0xc1: {  	[dreg:$0x1] =	wrdreg $0xFFFFFFFF  }
0xc2: {  	_ =	task.clear_ibuf [dreg:s7], $0x2FFFF;
	_ =	strace $0x9FFFFFFF  }
0xc3: {  	(tm) =	ssettm $0x7FFFFFFF  }
tec
execute0_lowered:
.L_overlay_start_1:
0x0: {  	(tag) =	ssettag $0x1  }
0x1: {  	s1 =	rddreg [dreg:$0x0]  }
0x2: {  	s0 =	rddreg [dreg:$0x1]  }
0x3: {  	s2 =	rddreg [dreg:$0x2]  }
0x4: {  	s4 =	simm.s32 $0x0;
	s5 =	srdreg.scid;
	s3 =	stileid.u32  }
0x5: {  	s14 =	simm.s32 $0x50;
	s15 =	simm.s32 $0xB100;
	s16 =	simm.s32 $0x8900  }
0x6: {  	s17 =	simm.s32 $0x2;
	s18 =	simm.s32 $0x80;
	s19 =	simm.s32 $0x8100  }
0x7: {  	s20 =	simm.s32 $0x1;
	s21 =	simm.s32 $0x100;
	s22 =	simm.s32 $0x4100  }
0x8: {  	s23 =	simm.s32 $0x0;
	[smem:$0x7FF] =	sst s4;
	s9 =	sand.u32 $0x1, s5  }
0x9: {  	s7 =	smul.u32 $0x500, s3;
	s5 =	sadd.s32 $0x6E00, s0;
	s6 =	sadd.s32 $0x68C00, s0  }
0xa: {  	s29 =	sshll.u32 s3, $0x1;
	s30 =	ssub.s32 $0x8C, s3;
	s11 =	smul.u32 $0x50, s3  }
.Ltmp0:
0xb: {  	_ =	strace $0x8000004A;
	s8 =	ssub.s32 $0x2, s9;
	(pc) =	sbr.rel .LBB2_1-.Ltmp0, $4  }
0xc: {  	p0 =	seq.s32 s9, $0x1;
	s10 =	sshrl.u32 s8, $0x1;
	s0 =	sadd.s32 s7, s0  }
0xd: {  	s7 =	sor.u32 s29, s9;
	s11 =	sadd.s32 $0x40, s11;
	s10 =	ssub.s32 s8, s10  }
0xe: {  	s8 =	sshrl.u32 s30, $0x4;
	s31 =	ssub.s32 $0x9E3, s7;
	s12 =	sadd.s32 $0x1A800, s0  }
0xf: {  	v0 =	vimm.f32 $0.0e+00;
	v1 =	vlaneseq.u32;
	s13 =	sadd.s32 $0x41A00, s0;
	s9 =	sshrl.u32 s31, $0x5;
	s10 =	smax.u32 s10, $0x1  }
.LBB2_15:
0x10: {  	_ =	swait.ge [sflag:s17], $0x2800  }
0x11: {  	[sflag:s17] =	ssyncset.done $0x0  }
0x12: {  	[sflag:s17] =	ssyncadd.s32 $0xFFFFD800  }
.LBB2_16:
0x13: {  	s23 =	sadd.s32 $0x1, s23  }
0x14: {  	p1 =	sne.s32 s23, s10  }
.Ltmp1:
0x15: {  	_ = 	snop;
	(pc) =	sbr.rel @!p1 .LBB2_17-.Ltmp1, $1  }
0x16: {  	_ =	sdelay $0x3  }
.LBB2_1:
0x17: {  	s24 =	simm.s32 $0x0;
	s25 =	simm.s32 $0x200  }
.LBB2_2:
0x18: {  	p1 =	sne.s32 s25, $0x9E00;
	[tilespmem:s24+$0x8970] =	vst v0  }
0x19: {  	[tilespmem:s24+$0x8900] =	vst v0  }
0x1a: {  	[tilespmem:s24+$0x8910] =	vst v0  }
.Ltmp2:
0x1b: {  	[tilespmem:s24+$0x8920] =	vst v0;
	(pc) =	sbr.rel @p1 .LBB2_2-.Ltmp2, $4  }
0x1c: {  	[tilespmem:s24+$0x8930] =	vst v0  }
0x1d: {  	[tilespmem:s24+$0x8940] =	vst v0  }
0x1e: {  	[tilespmem:s24+$0x8950] =	vst v0  }
0x1f: {  	[tilespmem:s24+$0x8960] =	vst v0;
	s24 =	sshra.s32 s25, $0x2;
	s25 =	sadd.s32 $0x200, s25  }
0x20: {  	[tilespmem:s24+$0x8970] =	vst v0  }
0x21: {  	[tilespmem:s24+$0x8900] =	vst v0  }
0x22: {  	[tilespmem:s24+$0x8910] =	vst v0  }
0x23: {  	[tilespmem:s24+$0x8920] =	vst v0  }
0x24: {  	[tilespmem:s24+$0x8930] =	vst v0  }
0x25: {  	[tilespmem:s24+$0x8940] =	vst v0  }
0x26: {  	[tilespmem:s24+$0x8950] =	vst v0  }
0x27: {  	[tilespmem:s24+$0x8960] =	vst v0;
	s0 =	sadd.s32 $0xFFFFFFC0, s11;
	v2 =	vor.u32 s11, v1  }
0x28: {  	s29 =	sadd.s32 $0xFFFFFFF0, s11;
	p1 =	sne.s32 s8, $0x1;
	v3 =	vor.u32 s0, v1;
	[tilespmem:$0xB140] =	vst v2  }
.Ltmp3:
0x29: {  	s30 =	sadd.s32 $0xFFFFFFD0, s11;
	v2 =	vor.u32 s29, v1;
	[tilespmem:$0xB100] =	vst v3;
	(pc) =	sbr.rel @!p1 .LBB2_5-.Ltmp3, $4  }
0x2a: {  	s31 =	sadd.s32 $0xFFFFFFE0, s11;
	v3 =	vor.u32 s30, v1;
	[tilespmem:$0xB130] =	vst v2  }
0x2b: {  	v2 =	vor.u32 s31, v1;
	[tilespmem:$0xB110] =	vst v3  }
0x2c: {  	s24 =	sadd.s32 $0xFFFFFFFF, s8;
	s25 =	smov.u32 s11;
	[tilespmem:$0xB120] =	vst v2  }
0x2d: {  	[spmem:s2] =	stream.indirect.scatter [tilespmem:s16], [sflag:$0x2], $0x80, s15, s14, $0xb8;
	[tilespmem:$0x1EA00] =	vst v63  }
.LBB2_4:
0x2e: {  	p1 =	sne.s32 s24, $0x1;
	_ =	swait.ge [sflag:s17], $0x2800;
	s25 =	sadd.s32 $0x500, s25  }
0x2f: {  	s24 =	sadd.s32 $0xFFFFFFFF, s24;
	[sflag:s17] =	ssyncset.done $0x0  }
0x30: {  	s0 =	sadd.s32 $0xFFFFFFC0, s25;
	v2 =	vor.u32 s25, v1;
	[sflag:s17] =	ssyncadd.s32 $0xFFFFD800  }
0x31: {  	s26 =	sadd.s32 $0xFFFFFFE0, s25;
	s28 =	sadd.s32 $0xFFFFFFF0, s25;
	v3 =	vor.u32 s0, v1;
	s0 =	sadd.s32 $0xFFFFFFD0, s25;
	[tilespmem:$0xB140] =	vst v2  }
.Ltmp4:
0x32: {  	v4 =	vor.u32 s28, v1;
	v2 =	vor.u32 s0, v1;
	[tilespmem:$0xB100] =	vst v3;
	v3 =	vor.u32 s26, v1;
	(pc) =	sbr.rel @p1 .LBB2_4-.Ltmp4, $4  }
0x33: {  	[tilespmem:$0xB130] =	vst v4  }
0x34: {  	[tilespmem:$0xB110] =	vst v2  }
0x35: {  	[tilespmem:$0xB120] =	vst v3  }
0x36: {  	[spmem:s2] =	stream.indirect.scatter [tilespmem:s16], [sflag:$0x2], $0x80, s15, s14, $0xb8;
	[tilespmem:$0x1EA00] =	vst v63  }
.LBB2_5:
0x37: {  	_ =	swait.ge [sflag:s17], $0x2800  }
0x38: {  	[sflag:s17] =	ssyncset.done $0x0  }
0x39: {  	[sflag:s17] =	ssyncadd.s32 $0xFFFFD800  }
0x3a: {  	s24 =	simm.s32 $0x0;
	s25 =	simm.s32 $0x0;
	[bflag:$0x0] =	sbarrier.arrive $0xFFFF  }
.LBB2_6:
0x3b: {  	s0 =	sshll.u32 s25, $0x5  }
0x3c: {  	s0 =	sor.u32 s7, s0  }
0x3d: {  	s26 =	sshll.u32 s0, $0x7  }
0x3e: {  	s28 =	sshrl.u32 s26, $0x3;
	s26 =	sadd.s32 $0x4E200, s26  }
0x3f: {  	s0 =	sshll.u32 s0, $0x8;
	s28 =	sadd.s32 s5, s28;
	s26 =	sshrl.u32 s26, $0x3  }
0x40: {  	[tilespmem:s24], [sflag:$0x1] =	stream.linear.gather [hbm4b:s28+s24], $0x80, $0x38;
	[tilespmem:$0x1EA00] =	vst v63  }
0x41: {  	s0 =	sand.u32 $0x1FFFFF00, s0;
	s26 =	sadd.s32 s5, s26  }
0x42: {  	[tilespmem:s18], [sflag:$0x1] =	stream.linear.gather [hbm4b:s26+s24], $0x80, $0x38;
	[tilespmem:$0x1EA00] =	vst v63  }
0x43: {  	s0 =	sadd.s32 s6, s0  }
0x44: {  	[tilespmem:s19], [sflag:$0x1] =	stream.linear.gather [hbm4b:s0+s24], $0x800, $0x38;
	[tilespmem:$0x1EA00] =	vst v63  }
0x45: {  	_ =	swait.ge [sflag:s20], $0x80  }
0x46: {  	[sflag:s20] =	ssyncset.done $0x0  }
0x47: {  	[sflag:s20] =	ssyncadd.s32 $0xFFFFFF80  }
0x48: {  	_ =	swait.ge [sflag:s20], $0x80  }
0x49: {  	[sflag:s20] =	ssyncset.done $0x0  }
0x4a: {  	v2 =	vmov s24;
	[sflag:s20] =	ssyncadd.s32 $0xFFFFFF80  }
0x4b: {  	v2 =	vand.u32 $0xFFFFFFC0, v2;
	[tilespmem:s21], [sflag:$0x1] =	stream.indirect.gather [hbm4b:s1+s18], $0x80, s24, s18, $0xb8;
	[tilespmem:$0x1EA00] =	vst v63  }
0x4c: {  	v2 =	vbroadcast v2, $0x0;
	_ =	swait.ge [sflag:s20], $0x800  }
0x4d: {  	[sflag:s20] =	ssyncset.done $0x0  }
0x4e: {  	[sflag:s20] =	ssyncadd.s32 $0xFFFFF800  }
0x4f: {  	_ =	swait.ge [sflag:s20], $0x4000  }
0x50: {  	[sflag:s20] =	ssyncset.done $0x0  }
0x51: {  	[sflag:s20] =	ssyncadd.s32 $0xFFFFC000  }
0x52: {  	s28 =	simm.s32 $0x200;
	s26 =	simm.s32 $0x1;
	v2 =	vld.idx.msk [tilespmem:v2+s19+$0x0], $0xffff  }
0x53: {  	v4 =	vmov s26;
	v3 =	vld [tilespmem:s28+$0xFFFFFF00]  }
0x54: {  	v4 =	vand.u32 $0xFFFFFFC1, v4  }
0x55: {  	v4 =	vbroadcast v4, $0x0;
	_ =	sdelay $0x2  }
0x56: {  	v2 =	vmul.f32 v3, v2  }
0x57: {  	s26 =	simm.s32 $0x4200  }
0x58: {  	[tilespmem:s26+$0xFFFFFF00] =	vst v2  }
0x59: {  	s31 =	simm.s32 $0x2;
	v2 =	vld.idx.msk [tilespmem:v4+s19+$0x0], $0xffff  }
0x5a: {  	v3 =	vld [tilespmem:s28+$0xFFFFFF10];
	v4 =	vmov s31  }
0x5b: {  	v4 =	vand.u32 $0xFFFFFFC2, v4  }
0x5c: {  	v4 =	vbroadcast v4, $0x0;
	_ =	sdelay $0x2  }
0x5d: {  	v2 =	vmul.f32 v3, v2;
	_ =	sdelay $0x1  }
0x5e: {  	[tilespmem:s26+$0xFFFFFF10] =	vst v2  }
0x5f: {  	s31 =	simm.s32 $0x3;
	v2 =	vld.idx.msk [tilespmem:v4+s19+$0x0], $0xffff  }
0x60: {  	v3 =	vld [tilespmem:s28+$0xFFFFFF20];
	v4 =	vmov s31  }
0x61: {  	v4 =	vand.u32 $0xFFFFFFC3, v4  }
0x62: {  	v4 =	vbroadcast v4, $0x0;
	_ =	sdelay $0x2  }
0x63: {  	v2 =	vmul.f32 v3, v2;
	_ =	sdelay $0x1  }
0x64: {  	[tilespmem:s26+$0xFFFFFF20] =	vst v2  }
0x65: {  	s31 =	simm.s32 $0x4;
	v2 =	vld.idx.msk [tilespmem:v4+s19+$0x0], $0xffff  }
0x66: {  	v3 =	vld [tilespmem:s28+$0xFFFFFF30];
	v4 =	vmov s31  }
0x67: {  	v4 =	vand.u32 $0xFFFFFFC4, v4  }
0x68: {  	v4 =	vbroadcast v4, $0x0;
	_ =	sdelay $0x2  }
0x69: {  	v2 =	vmul.f32 v3, v2;
	_ =	sdelay $0x1  }
0x6a: {  	[tilespmem:s26+$0xFFFFFF30] =	vst v2  }
0x6b: {  	s31 =	simm.s32 $0x5;
	v2 =	vld.idx.msk [tilespmem:v4+s19+$0x0], $0xffff  }
0x6c: {  	v3 =	vld [tilespmem:s28+$0xFFFFFF40];
	v4 =	vmov s31  }
0x6d: {  	v4 =	vand.u32 $0xFFFFFFC5, v4  }
0x6e: {  	v4 =	vbroadcast v4, $0x0;
	_ =	sdelay $0x2  }
0x6f: {  	v2 =	vmul.f32 v3, v2;
	_ =	sdelay $0x1  }
0x70: {  	[tilespmem:s26+$0xFFFFFF40] =	vst v2  }
0x71: {  	s31 =	simm.s32 $0x6;
	v2 =	vld.idx.msk [tilespmem:v4+s19+$0x0], $0xffff  }
0x72: {  	v3 =	vld [tilespmem:s28+$0xFFFFFF50];
	v4 =	vmov s31  }
0x73: {  	v4 =	vand.u32 $0xFFFFFFC6, v4  }
0x74: {  	v4 =	vbroadcast v4, $0x0;
	_ =	sdelay $0x2  }
0x75: {  	v2 =	vmul.f32 v3, v2;
	_ =	sdelay $0x1  }
0x76: {  	[tilespmem:s26+$0xFFFFFF50] =	vst v2  }
0x77: {  	s31 =	simm.s32 $0x7;
	v2 =	vld.idx.msk [tilespmem:v4+s19+$0x0], $0xffff  }
0x78: {  	v3 =	vld [tilespmem:s28+$0xFFFFFF60];
	v4 =	vmov s31  }
0x79: {  	v4 =	vand.u32 $0xFFFFFFC7, v4  }
0x7a: {  	v4 =	vbroadcast v4, $0x0;
	_ =	sdelay $0x2  }
0x7b: {  	v2 =	vmul.f32 v3, v2;
	_ =	sdelay $0x1  }
0x7c: {  	[tilespmem:s26+$0xFFFFFF60] =	vst v2  }
0x7d: {  	s31 =	simm.s32 $0x10;
	v2 =	vld.idx.msk [tilespmem:v4+s19+$0x0], $0xffff  }
0x7e: {  	v3 =	vld [tilespmem:s28+$0xFFFFFF70];
	v4 =	vmov s31  }
0x7f: {  	v4 =	vand.u32 $0xFFFFFFD0, v4  }
0x80: {  	v4 =	vbroadcast v4, $0x0;
	_ =	sdelay $0x2  }
0x81: {  	v2 =	vmul.f32 v3, v2;
	_ =	sdelay $0x1  }
0x82: {  	[tilespmem:s26+$0xFFFFFF70] =	vst v2  }
0x83: {  	s31 =	simm.s32 $0x11;
	v2 =	vld.idx.msk [tilespmem:v4+s19+$0x0], $0xffff  }
0x84: {  	v3 =	vld [tilespmem:s28+$0xFFFFFF80];
	v4 =	vmov s31  }
0x85: {  	v4 =	vand.u32 $0xFFFFFFD1, v4  }
0x86: {  	v4 =	vbroadcast v4, $0x0;
	_ =	sdelay $0x2  }
0x87: {  	v2 =	vmul.f32 v3, v2;
	_ =	sdelay $0x1  }
0x88: {  	[tilespmem:s26+$0xFFFFFF80] =	vst v2  }
0x89: {  	s31 =	simm.s32 $0x12;
	v2 =	vld.idx.msk [tilespmem:v4+s19+$0x0], $0xffff  }
0x8a: {  	v3 =	vld [tilespmem:s28+$0xFFFFFF90];
	v4 =	vmov s31  }
0x8b: {  	v4 =	vand.u32 $0xFFFFFFD2, v4  }
0x8c: {  	v4 =	vbroadcast v4, $0x0;
	_ =	sdelay $0x2  }
0x8d: {  	v2 =	vmul.f32 v3, v2;
	_ =	sdelay $0x1  }
0x8e: {  	[tilespmem:s26+$0xFFFFFF90] =	vst v2  }
0x8f: {  	s31 =	simm.s32 $0x13;
	v2 =	vld.idx.msk [tilespmem:v4+s19+$0x0], $0xffff  }
0x90: {  	v3 =	vld [tilespmem:s28+$0xFFFFFFA0];
	v4 =	vmov s31  }
0x91: {  	v4 =	vand.u32 $0xFFFFFFD3, v4  }
0x92: {  	v4 =	vbroadcast v4, $0x0;
	_ =	sdelay $0x2  }
0x93: {  	v2 =	vmul.f32 v3, v2;
	_ =	sdelay $0x1  }
0x94: {  	[tilespmem:s26+$0xFFFFFFA0] =	vst v2  }
0x95: {  	s31 =	simm.s32 $0x14;
	v2 =	vld.idx.msk [tilespmem:v4+s19+$0x0], $0xffff  }
0x96: {  	v3 =	vld [tilespmem:s28+$0xFFFFFFB0];
	v4 =	vmov s31  }
0x97: {  	v4 =	vand.u32 $0xFFFFFFD4, v4  }
0x98: {  	v4 =	vbroadcast v4, $0x0;
	_ =	sdelay $0x2  }
0x99: {  	v2 =	vmul.f32 v3, v2;
	_ =	sdelay $0x1  }
0x9a: {  	[tilespmem:s26+$0xFFFFFFB0] =	vst v2  }
0x9b: {  	s31 =	simm.s32 $0x15;
	v2 =	vld.idx.msk [tilespmem:v4+s19+$0x0], $0xffff  }
0x9c: {  	v3 =	vld [tilespmem:s28+$0xFFFFFFC0];
	v4 =	vmov s31  }
0x9d: {  	v4 =	vand.u32 $0xFFFFFFD5, v4  }
0x9e: {  	v4 =	vbroadcast v4, $0x0;
	_ =	sdelay $0x2  }
0x9f: {  	v2 =	vmul.f32 v3, v2;
	_ =	sdelay $0x1  }
0xa0: {  	[tilespmem:s26+$0xFFFFFFC0] =	vst v2  }
0xa1: {  	s31 =	simm.s32 $0x16;
	v2 =	vld.idx.msk [tilespmem:v4+s19+$0x0], $0xffff  }
0xa2: {  	v3 =	vld [tilespmem:s28+$0xFFFFFFD0];
	v4 =	vmov s31  }
0xa3: {  	v4 =	vand.u32 $0xFFFFFFD6, v4  }
0xa4: {  	v4 =	vbroadcast v4, $0x0;
	_ =	sdelay $0x2  }
0xa5: {  	v2 =	vmul.f32 v3, v2;
	_ =	sdelay $0x1  }
0xa6: {  	[tilespmem:s26+$0xFFFFFFD0] =	vst v2  }
0xa7: {  	s31 =	simm.s32 $0x17;
	v2 =	vld.idx.msk [tilespmem:v4+s19+$0x0], $0xffff  }
0xa8: {  	v3 =	vld [tilespmem:s28+$0xFFFFFFE0];
	v4 =	vmov s31  }
0xa9: {  	v4 =	vand.u32 $0xFFFFFFD7, v4  }
0xaa: {  	v4 =	vbroadcast v4, $0x0;
	_ =	sdelay $0x2  }
0xab: {  	v2 =	vmul.f32 v3, v2;
	_ =	sdelay $0x1  }
0xac: {  	[tilespmem:s26+$0xFFFFFFE0] =	vst v2  }
0xad: {  	s31 =	simm.s32 $0x20;
	v2 =	vld.idx.msk [tilespmem:v4+s19+$0x0], $0xffff  }
0xae: {  	v3 =	vld [tilespmem:s28+$0xFFFFFFF0];
	v4 =	vmov s31  }
0xaf: {  	v4 =	vand.u32 $0xFFFFFFE0, v4  }
0xb0: {  	v4 =	vbroadcast v4, $0x0;
	_ =	sdelay $0x2  }
0xb1: {  	v2 =	vmul.f32 v3, v2;
	_ =	sdelay $0x1  }
0xb2: {  	[tilespmem:s26+$0xFFFFFFF0] =	vst v2  }
0xb3: {  	s31 =	simm.s32 $0x21;
	v2 =	vld.idx.msk [tilespmem:v4+s19+$0x0], $0xffff  }
0xb4: {  	v3 =	vld [tilespmem:s28+$0x0];
	v4 =	vmov s31  }
0xb5: {  	v4 =	vand.u32 $0xFFFFFFE1, v4  }
0xb6: {  	v4 =	vbroadcast v4, $0x0;
	_ =	sdelay $0x2  }
0xb7: {  	v2 =	vmul.f32 v3, v2;
	_ =	sdelay $0x1  }
0xb8: {  	[tilespmem:s26+$0x0] =	vst v2  }
0xb9: {  	s31 =	simm.s32 $0x22;
	v2 =	vld.idx.msk [tilespmem:v4+s19+$0x0], $0xffff  }
0xba: {  	v3 =	vld [tilespmem:s28+$0x10];
	v4 =	vmov s31  }
0xbb: {  	v4 =	vand.u32 $0xFFFFFFE2, v4  }
0xbc: {  	v4 =	vbroadcast v4, $0x0;
	_ =	sdelay $0x2  }
0xbd: {  	v2 =	vmul.f32 v3, v2;
	_ =	sdelay $0x1  }
0xbe: {  	[tilespmem:s26+$0x10] =	vst v2  }
0xbf: {  	s31 =	simm.s32 $0x23;
	v2 =	vld.idx.msk [tilespmem:v4+s19+$0x0], $0xffff  }
0xc0: {  	v3 =	vld [tilespmem:s28+$0x20];
	v4 =	vmov s31  }
0xc1: {  	v4 =	vand.u32 $0xFFFFFFE3, v4  }
0xc2: {  	v4 =	vbroadcast v4, $0x0;
	_ =	sdelay $0x2  }
0xc3: {  	v2 =	vmul.f32 v3, v2;
	_ =	sdelay $0x1  }
0xc4: {  	[tilespmem:s26+$0x20] =	vst v2  }
0xc5: {  	s31 =	simm.s32 $0x24;
	v2 =	vld.idx.msk [tilespmem:v4+s19+$0x0], $0xffff  }
0xc6: {  	v3 =	vld [tilespmem:s28+$0x30];
	v4 =	vmov s31  }
0xc7: {  	v4 =	vand.u32 $0xFFFFFFE4, v4  }
0xc8: {  	v4 =	vbroadcast v4, $0x0;
	_ =	sdelay $0x2  }
0xc9: {  	v2 =	vmul.f32 v3, v2;
	_ =	sdelay $0x1  }
0xca: {  	[tilespmem:s26+$0x30] =	vst v2  }
0xcb: {  	s31 =	simm.s32 $0x25;
	v2 =	vld.idx.msk [tilespmem:v4+s19+$0x0], $0xffff  }
0xcc: {  	v3 =	vld [tilespmem:s28+$0x40];
	v4 =	vmov s31  }
0xcd: {  	v4 =	vand.u32 $0xFFFFFFE5, v4  }
0xce: {  	v4 =	vbroadcast v4, $0x0;
	_ =	sdelay $0x2  }
0xcf: {  	v2 =	vmul.f32 v3, v2;
	_ =	sdelay $0x1  }
0xd0: {  	[tilespmem:s26+$0x40] =	vst v2  }
0xd1: {  	s31 =	simm.s32 $0x26;
	v2 =	vld.idx.msk [tilespmem:v4+s19+$0x0], $0xffff  }
0xd2: {  	v3 =	vld [tilespmem:s28+$0x50];
	v4 =	vmov s31  }
0xd3: {  	v4 =	vand.u32 $0xFFFFFFE6, v4  }
0xd4: {  	v4 =	vbroadcast v4, $0x0;
	_ =	sdelay $0x2  }
0xd5: {  	v2 =	vmul.f32 v3, v2;
	_ =	sdelay $0x1  }
0xd6: {  	[tilespmem:s26+$0x50] =	vst v2  }
0xd7: {  	s31 =	simm.s32 $0x27;
	v2 =	vld.idx.msk [tilespmem:v4+s19+$0x0], $0xffff  }
0xd8: {  	v3 =	vld [tilespmem:s28+$0x60];
	v4 =	vmov s31  }
0xd9: {  	v4 =	vand.u32 $0xFFFFFFE7, v4  }
0xda: {  	v4 =	vbroadcast v4, $0x0;
	_ =	sdelay $0x2  }
0xdb: {  	v2 =	vmul.f32 v3, v2;
	_ =	sdelay $0x1  }
0xdc: {  	[tilespmem:s26+$0x60] =	vst v2  }
0xdd: {  	s31 =	simm.s32 $0x30;
	v2 =	vld.idx.msk [tilespmem:v4+s19+$0x0], $0xffff  }
0xde: {  	v3 =	vld [tilespmem:s28+$0x70];
	v4 =	vmov s31  }
0xdf: {  	v4 =	vand.u32 $0xFFFFFFF0, v4  }
0xe0: {  	v4 =	vbroadcast v4, $0x0;
	_ =	sdelay $0x2  }
0xe1: {  	v2 =	vmul.f32 v3, v2;
	_ =	sdelay $0x1  }
0xe2: {  	[tilespmem:s26+$0x70] =	vst v2  }
0xe3: {  	s31 =	simm.s32 $0x31;
	v2 =	vld.idx.msk [tilespmem:v4+s19+$0x0], $0xffff  }
0xe4: {  	v3 =	vld [tilespmem:s28+$0x80];
	v4 =	vmov s31  }
0xe5: {  	v4 =	vand.u32 $0xFFFFFFF1, v4  }
0xe6: {  	v4 =	vbroadcast v4, $0x0;
	_ =	sdelay $0x2  }
0xe7: {  	v2 =	vmul.f32 v3, v2;
	_ =	sdelay $0x1  }
0xe8: {  	[tilespmem:s26+$0x80] =	vst v2  }
0xe9: {  	s31 =	simm.s32 $0x32;
	v2 =	vld.idx.msk [tilespmem:v4+s19+$0x0], $0xffff  }
0xea: {  	v3 =	vld [tilespmem:s28+$0x90];
	v4 =	vmov s31  }
0xeb: {  	v4 =	vand.u32 $0xFFFFFFF2, v4  }
0xec: {  	v4 =	vbroadcast v4, $0x0;
	_ =	sdelay $0x2  }
0xed: {  	v2 =	vmul.f32 v3, v2;
	_ =	sdelay $0x1  }
0xee: {  	[tilespmem:s26+$0x90] =	vst v2  }
0xef: {  	s31 =	simm.s32 $0x33;
	v2 =	vld.idx.msk [tilespmem:v4+s19+$0x0], $0xffff  }
0xf0: {  	v3 =	vld [tilespmem:s28+$0xA0];
	v4 =	vmov s31  }
0xf1: {  	v4 =	vand.u32 $0xFFFFFFF3, v4  }
0xf2: {  	v4 =	vbroadcast v4, $0x0;
	_ =	sdelay $0x2  }
0xf3: {  	v2 =	vmul.f32 v3, v2;
	_ =	sdelay $0x1  }
0xf4: {  	[tilespmem:s26+$0xA0] =	vst v2  }
0xf5: {  	s31 =	simm.s32 $0x34;
	v2 =	vld.idx.msk [tilespmem:v4+s19+$0x0], $0xffff  }
0xf6: {  	v3 =	vld [tilespmem:s28+$0xB0];
	v4 =	vmov s31  }
0xf7: {  	v4 =	vand.u32 $0xFFFFFFF4, v4  }
0xf8: {  	v4 =	vbroadcast v4, $0x0;
	_ =	sdelay $0x2  }
0xf9: {  	v2 =	vmul.f32 v3, v2;
	_ =	sdelay $0x1  }
0xfa: {  	[tilespmem:s26+$0xB0] =	vst v2  }
0xfb: {  	s31 =	simm.s32 $0x35;
	v2 =	vld.idx.msk [tilespmem:v4+s19+$0x0], $0xffff  }
0xfc: {  	v3 =	vld [tilespmem:s28+$0xC0];
	v4 =	vmov s31  }
0xfd: {  	v4 =	vand.u32 $0xFFFFFFF5, v4  }
0xfe: {  	v4 =	vbroadcast v4, $0x0;
	_ =	sdelay $0x2  }
0xff: {  	v2 =	vmul.f32 v3, v2;
	_ =	sdelay $0x1  }
0x100: {  	[tilespmem:s26+$0xC0] =	vst v2  }
0x101: {  	s31 =	simm.s32 $0x36;
	v2 =	vld.idx.msk [tilespmem:v4+s19+$0x0], $0xffff  }
0x102: {  	v3 =	vld [tilespmem:s28+$0xD0];
	v4 =	vmov s31  }
0x103: {  	v4 =	vand.u32 $0xFFFFFFF6, v4  }
0x104: {  	v4 =	vbroadcast v4, $0x0;
	_ =	sdelay $0x2  }
0x105: {  	v2 =	vmul.f32 v3, v2;
	_ =	sdelay $0x1  }
0x106: {  	[tilespmem:s26+$0xD0] =	vst v2  }
0x107: {  	s31 =	simm.s32 $0x37;
	v2 =	vld.idx.msk [tilespmem:v4+s19+$0x0], $0xffff  }
0x108: {  	v3 =	vld [tilespmem:s28+$0xE0];
	v4 =	vmov s31  }
0x109: {  	v4 =	vand.u32 $0xFFFFFFF7, v4  }
0x10a: {  	v4 =	vbroadcast v4, $0x0;
	_ =	sdelay $0x2  }
0x10b: {  	v2 =	vmul.f32 v3, v2;
	_ =	sdelay $0x1  }
0x10c: {  	[tilespmem:s26+$0xE0] =	vst v2  }
0x10d: {  	s29 =	simm.s32 $0x40;
	v3 =	vld.idx.msk [tilespmem:v4+s19+$0x0], $0xffff  }
0x10e: {  	v2 =	vmov s29;
	v4 =	vld [tilespmem:s28+$0xF0]  }
0x10f: {  	v2 =	vand.u32 $0xFFFFFFC0, v2  }
0x110: {  	v2 =	vbroadcast v2, $0x0;
	_ =	sdelay $0x2  }
0x111: {  	s30 =	simm.s32 $0x80;
	v3 =	vmul.f32 v4, v3  }
.LBB2_7:
0x112: {  	s28 =	sadd.s32 $0x200, s28  }
0x113: {  	s31 =	smov.u32 s30;
	s0 =	sadd.s32 $0x40, s30;
	[tilespmem:s26+$0xF0] =	vst v3;
	s26 =	sadd.s32 $0x200, s26  }
0x114: {  	p1 =	sne.s32 s30, $0x7C0;
	s30 =	sadd.s32 $0x1, s29;
	v2 =	vld.idx.msk [tilespmem:v2+s19+$0x0], $0xffff  }
0x115: {  	v4 =	vmov s30;
	v3 =	vld [tilespmem:s28+$0xFFFFFF00]  }
0x116: {  	v4 =	vand.u32 $0xFFFFFFC1, v4  }
0x117: {  	v4 =	vbroadcast v4, $0x0;
	_ =	sdelay $0x2  }
0x118: {  	v2 =	vmul.f32 v3, v2;
	_ =	sdelay $0x1  }
0x119: {  	[tilespmem:s26+$0xFFFFFF00] =	vst v2  }
0x11a: {  	s30 =	sadd.s32 $0x2, s29;
	v2 =	vld.idx.msk [tilespmem:v4+s19+$0x0], $0xffff  }
0x11b: {  	v4 =	vmov s30;
	v3 =	vld [tilespmem:s28+$0xFFFFFF10]  }
0x11c: {  	v4 =	vand.u32 $0xFFFFFFC2, v4  }
0x11d: {  	v4 =	vbroadcast v4, $0x0;
	_ =	sdelay $0x2  }
0x11e: {  	v2 =	vmul.f32 v3, v2;
	_ =	sdelay $0x1  }
0x11f: {  	[tilespmem:s26+$0xFFFFFF10] =	vst v2  }
0x120: {  	s30 =	sadd.s32 $0x3, s29;
	v2 =	vld.idx.msk [tilespmem:v4+s19+$0x0], $0xffff  }
0x121: {  	v4 =	vmov s30;
	v3 =	vld [tilespmem:s28+$0xFFFFFF20]  }
0x122: {  	v4 =	vand.u32 $0xFFFFFFC3, v4  }
0x123: {  	v4 =	vbroadcast v4, $0x0;
	_ =	sdelay $0x2  }
0x124: {  	v2 =	vmul.f32 v3, v2;
	_ =	sdelay $0x1  }
0x125: {  	[tilespmem:s26+$0xFFFFFF20] =	vst v2  }
0x126: {  	s30 =	sadd.s32 $0x4, s29;
	v2 =	vld.idx.msk [tilespmem:v4+s19+$0x0], $0xffff  }
0x127: {  	v4 =	vmov s30;
	v3 =	vld [tilespmem:s28+$0xFFFFFF30]  }
0x128: {  	v4 =	vand.u32 $0xFFFFFFC4, v4  }
0x129: {  	v4 =	vbroadcast v4, $0x0;
	_ =	sdelay $0x2  }
0x12a: {  	v2 =	vmul.f32 v3, v2;
	_ =	sdelay $0x1  }
0x12b: {  	[tilespmem:s26+$0xFFFFFF30] =	vst v2  }
0x12c: {  	s30 =	sadd.s32 $0x5, s29;
	v2 =	vld.idx.msk [tilespmem:v4+s19+$0x0], $0xffff  }
0x12d: {  	v4 =	vmov s30;
	v3 =	vld [tilespmem:s28+$0xFFFFFF40]  }
0x12e: {  	v4 =	vand.u32 $0xFFFFFFC5, v4  }
0x12f: {  	v4 =	vbroadcast v4, $0x0;
	_ =	sdelay $0x2  }
0x130: {  	v2 =	vmul.f32 v3, v2;
	_ =	sdelay $0x1  }
0x131: {  	[tilespmem:s26+$0xFFFFFF40] =	vst v2  }
0x132: {  	s30 =	sadd.s32 $0x6, s29;
	v2 =	vld.idx.msk [tilespmem:v4+s19+$0x0], $0xffff  }
0x133: {  	v4 =	vmov s30;
	v3 =	vld [tilespmem:s28+$0xFFFFFF50]  }
0x134: {  	v4 =	vand.u32 $0xFFFFFFC6, v4  }
0x135: {  	v4 =	vbroadcast v4, $0x0;
	_ =	sdelay $0x2  }
0x136: {  	v2 =	vmul.f32 v3, v2;
	_ =	sdelay $0x1  }
0x137: {  	[tilespmem:s26+$0xFFFFFF50] =	vst v2  }
0x138: {  	s30 =	sadd.s32 $0x7, s29;
	v2 =	vld.idx.msk [tilespmem:v4+s19+$0x0], $0xffff  }
0x139: {  	v4 =	vmov s30;
	v3 =	vld [tilespmem:s28+$0xFFFFFF60]  }
0x13a: {  	v4 =	vand.u32 $0xFFFFFFC7, v4  }
0x13b: {  	v4 =	vbroadcast v4, $0x0;
	_ =	sdelay $0x2  }
0x13c: {  	v2 =	vmul.f32 v3, v2;
	_ =	sdelay $0x1  }
0x13d: {  	[tilespmem:s26+$0xFFFFFF60] =	vst v2  }
0x13e: {  	s30 =	sadd.s32 $0x10, s29;
	v2 =	vld.idx.msk [tilespmem:v4+s19+$0x0], $0xffff  }
0x13f: {  	v4 =	vmov s30;
	v3 =	vld [tilespmem:s28+$0xFFFFFF70]  }
0x140: {  	v4 =	vand.u32 $0xFFFFFFD0, v4  }
0x141: {  	v4 =	vbroadcast v4, $0x0;
	_ =	sdelay $0x2  }
0x142: {  	v2 =	vmul.f32 v3, v2;
	_ =	sdelay $0x1  }
0x143: {  	[tilespmem:s26+$0xFFFFFF70] =	vst v2  }
0x144: {  	s30 =	sadd.s32 $0x11, s29;
	v2 =	vld.idx.msk [tilespmem:v4+s19+$0x0], $0xffff  }
0x145: {  	v4 =	vmov s30;
	v3 =	vld [tilespmem:s28+$0xFFFFFF80]  }
0x146: {  	v4 =	vand.u32 $0xFFFFFFD1, v4  }
0x147: {  	v4 =	vbroadcast v4, $0x0;
	_ =	sdelay $0x2  }
0x148: {  	v2 =	vmul.f32 v3, v2;
	_ =	sdelay $0x1  }
0x149: {  	[tilespmem:s26+$0xFFFFFF80] =	vst v2  }
0x14a: {  	s30 =	sadd.s32 $0x12, s29;
	v2 =	vld.idx.msk [tilespmem:v4+s19+$0x0], $0xffff  }
0x14b: {  	v4 =	vmov s30;
	v3 =	vld [tilespmem:s28+$0xFFFFFF90]  }
0x14c: {  	v4 =	vand.u32 $0xFFFFFFD2, v4  }
0x14d: {  	v4 =	vbroadcast v4, $0x0;
	_ =	sdelay $0x2  }
0x14e: {  	v2 =	vmul.f32 v3, v2;
	_ =	sdelay $0x1  }
0x14f: {  	[tilespmem:s26+$0xFFFFFF90] =	vst v2  }
0x150: {  	s30 =	sadd.s32 $0x13, s29;
	v2 =	vld.idx.msk [tilespmem:v4+s19+$0x0], $0xffff  }
0x151: {  	v4 =	vmov s30;
	v3 =	vld [tilespmem:s28+$0xFFFFFFA0]  }
0x152: {  	v4 =	vand.u32 $0xFFFFFFD3, v4  }
0x153: {  	v4 =	vbroadcast v4, $0x0;
	_ =	sdelay $0x2  }
0x154: {  	v2 =	vmul.f32 v3, v2;
	_ =	sdelay $0x1  }
0x155: {  	[tilespmem:s26+$0xFFFFFFA0] =	vst v2  }
0x156: {  	s30 =	sadd.s32 $0x14, s29;
	v2 =	vld.idx.msk [tilespmem:v4+s19+$0x0], $0xffff  }
0x157: {  	v4 =	vmov s30;
	v3 =	vld [tilespmem:s28+$0xFFFFFFB0]  }
0x158: {  	v4 =	vand.u32 $0xFFFFFFD4, v4  }
0x159: {  	v4 =	vbroadcast v4, $0x0;
	_ =	sdelay $0x2  }
0x15a: {  	v2 =	vmul.f32 v3, v2;
	_ =	sdelay $0x1  }
0x15b: {  	[tilespmem:s26+$0xFFFFFFB0] =	vst v2  }
0x15c: {  	s30 =	sadd.s32 $0x15, s29;
	v2 =	vld.idx.msk [tilespmem:v4+s19+$0x0], $0xffff  }
0x15d: {  	v4 =	vmov s30;
	v3 =	vld [tilespmem:s28+$0xFFFFFFC0]  }
0x15e: {  	v4 =	vand.u32 $0xFFFFFFD5, v4  }
0x15f: {  	v4 =	vbroadcast v4, $0x0;
	_ =	sdelay $0x2  }
0x160: {  	v2 =	vmul.f32 v3, v2;
	_ =	sdelay $0x1  }
0x161: {  	[tilespmem:s26+$0xFFFFFFC0] =	vst v2  }
0x162: {  	s30 =	sadd.s32 $0x16, s29;
	v2 =	vld.idx.msk [tilespmem:v4+s19+$0x0], $0xffff  }
0x163: {  	v4 =	vmov s30;
	v3 =	vld [tilespmem:s28+$0xFFFFFFD0]  }
0x164: {  	v4 =	vand.u32 $0xFFFFFFD6, v4  }
0x165: {  	v4 =	vbroadcast v4, $0x0;
	_ =	sdelay $0x2  }
0x166: {  	v2 =	vmul.f32 v3, v2;
	_ =	sdelay $0x1  }
0x167: {  	[tilespmem:s26+$0xFFFFFFD0] =	vst v2  }
0x168: {  	s30 =	sadd.s32 $0x17, s29;
	v2 =	vld.idx.msk [tilespmem:v4+s19+$0x0], $0xffff  }
0x169: {  	v4 =	vmov s30;
	v3 =	vld [tilespmem:s28+$0xFFFFFFE0]  }
0x16a: {  	v4 =	vand.u32 $0xFFFFFFD7, v4  }
0x16b: {  	v4 =	vbroadcast v4, $0x0;
	_ =	sdelay $0x2  }
0x16c: {  	v2 =	vmul.f32 v3, v2;
	_ =	sdelay $0x1  }
0x16d: {  	[tilespmem:s26+$0xFFFFFFE0] =	vst v2  }
0x16e: {  	s30 =	sadd.s32 $0x20, s29;
	v2 =	vld.idx.msk [tilespmem:v4+s19+$0x0], $0xffff  }
0x16f: {  	v4 =	vmov s30;
	v3 =	vld [tilespmem:s28+$0xFFFFFFF0]  }
0x170: {  	v4 =	vand.u32 $0xFFFFFFE0, v4  }
0x171: {  	v4 =	vbroadcast v4, $0x0;
	_ =	sdelay $0x2  }
0x172: {  	v2 =	vmul.f32 v3, v2;
	_ =	sdelay $0x1  }
0x173: {  	[tilespmem:s26+$0xFFFFFFF0] =	vst v2  }
0x174: {  	s30 =	sadd.s32 $0x21, s29;
	v2 =	vld.idx.msk [tilespmem:v4+s19+$0x0], $0xffff  }
0x175: {  	v4 =	vmov s30;
	v3 =	vld [tilespmem:s28+$0x0]  }
0x176: {  	v4 =	vand.u32 $0xFFFFFFE1, v4  }
0x177: {  	v4 =	vbroadcast v4, $0x0;
	_ =	sdelay $0x2  }
0x178: {  	v2 =	vmul.f32 v3, v2;
	_ =	sdelay $0x1  }
0x179: {  	[tilespmem:s26+$0x0] =	vst v2  }
0x17a: {  	s30 =	sadd.s32 $0x22, s29;
	v2 =	vld.idx.msk [tilespmem:v4+s19+$0x0], $0xffff  }
0x17b: {  	v4 =	vmov s30;
	v3 =	vld [tilespmem:s28+$0x10]  }
0x17c: {  	v4 =	vand.u32 $0xFFFFFFE2, v4  }
0x17d: {  	v4 =	vbroadcast v4, $0x0;
	_ =	sdelay $0x2  }
0x17e: {  	v2 =	vmul.f32 v3, v2;
	_ =	sdelay $0x1  }
0x17f: {  	[tilespmem:s26+$0x10] =	vst v2  }
0x180: {  	s30 =	sadd.s32 $0x23, s29;
	v2 =	vld.idx.msk [tilespmem:v4+s19+$0x0], $0xffff  }
0x181: {  	v4 =	vmov s30;
	v3 =	vld [tilespmem:s28+$0x20]  }
0x182: {  	v4 =	vand.u32 $0xFFFFFFE3, v4  }
0x183: {  	v4 =	vbroadcast v4, $0x0;
	_ =	sdelay $0x2  }
0x184: {  	v2 =	vmul.f32 v3, v2;
	_ =	sdelay $0x1  }
0x185: {  	[tilespmem:s26+$0x20] =	vst v2  }
0x186: {  	s30 =	sadd.s32 $0x24, s29;
	v2 =	vld.idx.msk [tilespmem:v4+s19+$0x0], $0xffff  }
0x187: {  	v4 =	vmov s30;
	v3 =	vld [tilespmem:s28+$0x30]  }
0x188: {  	v4 =	vand.u32 $0xFFFFFFE4, v4  }
0x189: {  	v4 =	vbroadcast v4, $0x0;
	_ =	sdelay $0x2  }
0x18a: {  	v2 =	vmul.f32 v3, v2;
	_ =	sdelay $0x1  }
0x18b: {  	[tilespmem:s26+$0x30] =	vst v2  }
0x18c: {  	s30 =	sadd.s32 $0x25, s29;
	v2 =	vld.idx.msk [tilespmem:v4+s19+$0x0], $0xffff  }
0x18d: {  	v4 =	vmov s30;
	v3 =	vld [tilespmem:s28+$0x40]  }
0x18e: {  	v4 =	vand.u32 $0xFFFFFFE5, v4  }
0x18f: {  	v4 =	vbroadcast v4, $0x0;
	_ =	sdelay $0x2  }
0x190: {  	v2 =	vmul.f32 v3, v2;
	_ =	sdelay $0x1  }
0x191: {  	[tilespmem:s26+$0x40] =	vst v2  }
0x192: {  	s30 =	sadd.s32 $0x26, s29;
	v2 =	vld.idx.msk [tilespmem:v4+s19+$0x0], $0xffff  }
0x193: {  	v4 =	vmov s30;
	v3 =	vld [tilespmem:s28+$0x50]  }
0x194: {  	v4 =	vand.u32 $0xFFFFFFE6, v4  }
0x195: {  	v4 =	vbroadcast v4, $0x0;
	_ =	sdelay $0x2  }
0x196: {  	v2 =	vmul.f32 v3, v2;
	_ =	sdelay $0x1  }
0x197: {  	[tilespmem:s26+$0x50] =	vst v2  }
0x198: {  	s30 =	sadd.s32 $0x27, s29;
	v2 =	vld.idx.msk [tilespmem:v4+s19+$0x0], $0xffff  }
0x199: {  	v4 =	vmov s30;
	v3 =	vld [tilespmem:s28+$0x60]  }
0x19a: {  	v4 =	vand.u32 $0xFFFFFFE7, v4  }
0x19b: {  	v4 =	vbroadcast v4, $0x0;
	_ =	sdelay $0x2  }
0x19c: {  	v2 =	vmul.f32 v3, v2;
	_ =	sdelay $0x1  }
0x19d: {  	[tilespmem:s26+$0x60] =	vst v2  }
0x19e: {  	s30 =	sadd.s32 $0x30, s29;
	v2 =	vld.idx.msk [tilespmem:v4+s19+$0x0], $0xffff  }
0x19f: {  	v4 =	vmov s30;
	v3 =	vld [tilespmem:s28+$0x70]  }
0x1a0: {  	v4 =	vand.u32 $0xFFFFFFF0, v4  }
0x1a1: {  	v4 =	vbroadcast v4, $0x0;
	_ =	sdelay $0x2  }
0x1a2: {  	v2 =	vmul.f32 v3, v2;
	_ =	sdelay $0x1  }
0x1a3: {  	[tilespmem:s26+$0x70] =	vst v2  }
0x1a4: {  	s30 =	sadd.s32 $0x31, s29;
	v2 =	vld.idx.msk [tilespmem:v4+s19+$0x0], $0xffff  }
0x1a5: {  	v4 =	vmov s30;
	v3 =	vld [tilespmem:s28+$0x80]  }
0x1a6: {  	v4 =	vand.u32 $0xFFFFFFF1, v4  }
0x1a7: {  	v4 =	vbroadcast v4, $0x0;
	_ =	sdelay $0x2  }
0x1a8: {  	v2 =	vmul.f32 v3, v2;
	_ =	sdelay $0x1  }
0x1a9: {  	[tilespmem:s26+$0x80] =	vst v2  }
0x1aa: {  	s30 =	sadd.s32 $0x32, s29;
	v2 =	vld.idx.msk [tilespmem:v4+s19+$0x0], $0xffff  }
0x1ab: {  	v4 =	vmov s30;
	v3 =	vld [tilespmem:s28+$0x90]  }
0x1ac: {  	v4 =	vand.u32 $0xFFFFFFF2, v4  }
0x1ad: {  	v4 =	vbroadcast v4, $0x0;
	_ =	sdelay $0x2  }
0x1ae: {  	v2 =	vmul.f32 v3, v2;
	_ =	sdelay $0x1  }
0x1af: {  	[tilespmem:s26+$0x90] =	vst v2  }
0x1b0: {  	s30 =	sadd.s32 $0x33, s29;
	v2 =	vld.idx.msk [tilespmem:v4+s19+$0x0], $0xffff  }
0x1b1: {  	v4 =	vmov s30;
	v3 =	vld [tilespmem:s28+$0xA0]  }
0x1b2: {  	v4 =	vand.u32 $0xFFFFFFF3, v4  }
0x1b3: {  	v4 =	vbroadcast v4, $0x0;
	_ =	sdelay $0x2  }
0x1b4: {  	v2 =	vmul.f32 v3, v2;
	_ =	sdelay $0x1  }
0x1b5: {  	[tilespmem:s26+$0xA0] =	vst v2  }
0x1b6: {  	s30 =	sadd.s32 $0x34, s29;
	v2 =	vld.idx.msk [tilespmem:v4+s19+$0x0], $0xffff  }
0x1b7: {  	v4 =	vmov s30;
	v3 =	vld [tilespmem:s28+$0xB0]  }
0x1b8: {  	v4 =	vand.u32 $0xFFFFFFF4, v4  }
0x1b9: {  	v4 =	vbroadcast v4, $0x0;
	_ =	sdelay $0x2  }
0x1ba: {  	v2 =	vmul.f32 v3, v2;
	_ =	sdelay $0x1  }
0x1bb: {  	[tilespmem:s26+$0xB0] =	vst v2  }
0x1bc: {  	s30 =	sadd.s32 $0x35, s29;
	v2 =	vld.idx.msk [tilespmem:v4+s19+$0x0], $0xffff  }
0x1bd: {  	v4 =	vmov s30;
	v3 =	vld [tilespmem:s28+$0xC0]  }
0x1be: {  	v4 =	vand.u32 $0xFFFFFFF5, v4  }
0x1bf: {  	v4 =	vbroadcast v4, $0x0;
	_ =	sdelay $0x2  }
0x1c0: {  	v2 =	vmul.f32 v3, v2;
	_ =	sdelay $0x1  }
0x1c1: {  	[tilespmem:s26+$0xC0] =	vst v2  }
0x1c2: {  	s30 =	sadd.s32 $0x36, s29;
	v2 =	vld.idx.msk [tilespmem:v4+s19+$0x0], $0xffff  }
0x1c3: {  	v4 =	vmov s30;
	v3 =	vld [tilespmem:s28+$0xD0]  }
0x1c4: {  	v4 =	vand.u32 $0xFFFFFFF6, v4  }
0x1c5: {  	v4 =	vbroadcast v4, $0x0;
	_ =	sdelay $0x2  }
0x1c6: {  	v2 =	vmul.f32 v3, v2;
	_ =	sdelay $0x1  }
0x1c7: {  	[tilespmem:s26+$0xD0] =	vst v2  }
0x1c8: {  	s30 =	sadd.s32 $0x37, s29;
	s29 =	smov.u32 s31;
	v2 =	vld.idx.msk [tilespmem:v4+s19+$0x0], $0xffff  }
0x1c9: {  	v4 =	vmov s30;
	v3 =	vld [tilespmem:s28+$0xE0]  }
0x1ca: {  	v4 =	vand.u32 $0xFFFFFFF7, v4  }
0x1cb: {  	v4 =	vbroadcast v4, $0x0;
	_ =	sdelay $0x2  }
0x1cc: {  	v2 =	vmul.f32 v3, v2;
	_ =	sdelay $0x1  }
0x1cd: {  	[tilespmem:s26+$0xE0] =	vst v2  }
0x1ce: {  	v3 =	vld.idx.msk [tilespmem:v4+s19+$0x0], $0xffff  }
0x1cf: {  	v2 =	vmov s29;
	v4 =	vld [tilespmem:s28+$0xF0]  }
.Ltmp5:
0x1d0: {  	v2 =	vand.u32 $0xFFFFFFC0, v2;
	(pc) =	sbr.rel @p1 .LBB2_7-.Ltmp5, $2  }
0x1d1: {  	v2 =	vbroadcast v2, $0x0;
	_ =	sdelay $0x2  }
0x1d2: {  	s30 =	smov.u32 s0;
	v3 =	vmul.f32 v4, v3  }
0x1d3: {  	_ =	sdelay $0x2  }
0x1d4: {  	[tilespmem:s26+$0xF0] =	vst v3  }
0x1d5: {  	s28 =	sadd.s32 $0x200, s28;
	s0 =	sadd.s32 $0x1, s29;
	v2 =	vld.idx.msk [tilespmem:v2+s19+$0x0], $0xffff  }
0x1d6: {  	v4 =	vmov s0;
	v3 =	vld [tilespmem:s28+$0xFFFFFF00]  }
0x1d7: {  	v4 =	vand.u32 $0xFFFFFFC1, v4  }
0x1d8: {  	v4 =	vbroadcast v4, $0x0;
	_ =	sdelay $0x2  }
0x1d9: {  	v2 =	vmul.f32 v3, v2  }
0x1da: {  	s26 =	sadd.s32 $0x200, s26  }
0x1db: {  	[tilespmem:s26+$0xFFFFFF00] =	vst v2  }
0x1dc: {  	s30 =	sadd.s32 $0x2, s29;
	v2 =	vld.idx.msk [tilespmem:v4+s19+$0x0], $0xffff  }
0x1dd: {  	v34 =	vmov s30;
	v3 =	vld [tilespmem:s28+$0xFFFFFF10]  }
0x1de: {  	v4 =	vand.u32 $0xFFFFFFC2, v34  }
0x1df: {  	v4 =	vbroadcast v4, $0x0;
	_ =	sdelay $0x2  }
0x1e0: {  	v2 =	vmul.f32 v3, v2;
	_ =	sdelay $0x1  }
0x1e1: {  	[tilespmem:s26+$0xFFFFFF10] =	vst v2  }
0x1e2: {  	s31 =	sadd.s32 $0x3, s29;
	v2 =	vld.idx.msk [tilespmem:v4+s19+$0x0], $0xffff  }
0x1e3: {  	v35 =	vmov s31;
	v3 =	vld [tilespmem:s28+$0xFFFFFF20]  }
0x1e4: {  	v4 =	vand.u32 $0xFFFFFFC3, v35  }
0x1e5: {  	v4 =	vbroadcast v4, $0x0;
	_ =	sdelay $0x2  }
0x1e6: {  	v2 =	vmul.f32 v3, v2;
	_ =	sdelay $0x1  }
0x1e7: {  	[tilespmem:s26+$0xFFFFFF20] =	vst v2  }
0x1e8: {  	s30 =	sadd.s32 $0x4, s29;
	v2 =	vld.idx.msk [tilespmem:v4+s19+$0x0], $0xffff  }
0x1e9: {  	v36 =	vmov s30;
	v3 =	vld [tilespmem:s28+$0xFFFFFF30]  }
0x1ea: {  	v4 =	vand.u32 $0xFFFFFFC4, v36  }
0x1eb: {  	v4 =	vbroadcast v4, $0x0;
	_ =	sdelay $0x2  }
0x1ec: {  	v2 =	vmul.f32 v3, v2;
	_ =	sdelay $0x1  }
0x1ed: {  	[tilespmem:s26+$0xFFFFFF30] =	vst v2  }
0x1ee: {  	s31 =	sadd.s32 $0x5, s29;
	v2 =	vld.idx.msk [tilespmem:v4+s19+$0x0], $0xffff  }
0x1ef: {  	v37 =	vmov s31;
	v3 =	vld [tilespmem:s28+$0xFFFFFF40]  }
0x1f0: {  	v4 =	vand.u32 $0xFFFFFFC5, v37  }
0x1f1: {  	v4 =	vbroadcast v4, $0x0;
	_ =	sdelay $0x2  }
0x1f2: {  	v2 =	vmul.f32 v3, v2;
	_ =	sdelay $0x1  }
0x1f3: {  	[tilespmem:s26+$0xFFFFFF40] =	vst v2  }
0x1f4: {  	s30 =	sadd.s32 $0x6, s29;
	v2 =	vld.idx.msk [tilespmem:v4+s19+$0x0], $0xffff  }
0x1f5: {  	v38 =	vmov s30;
	v3 =	vld [tilespmem:s28+$0xFFFFFF50]  }
0x1f6: {  	v4 =	vand.u32 $0xFFFFFFC6, v38  }
0x1f7: {  	v4 =	vbroadcast v4, $0x0;
	_ =	sdelay $0x2  }
0x1f8: {  	v2 =	vmul.f32 v3, v2;
	_ =	sdelay $0x1  }
0x1f9: {  	[tilespmem:s26+$0xFFFFFF50] =	vst v2  }
0x1fa: {  	s31 =	sadd.s32 $0x7, s29;
	v2 =	vld.idx.msk [tilespmem:v4+s19+$0x0], $0xffff  }
0x1fb: {  	v39 =	vmov s31;
	v3 =	vld [tilespmem:s28+$0xFFFFFF60]  }
0x1fc: {  	v4 =	vand.u32 $0xFFFFFFC7, v39  }
0x1fd: {  	v4 =	vbroadcast v4, $0x0;
	_ =	sdelay $0x2  }
0x1fe: {  	v2 =	vmul.f32 v3, v2;
	_ =	sdelay $0x1  }
0x1ff: {  	[tilespmem:s26+$0xFFFFFF60] =	vst v2  }
0x200: {  	s30 =	sadd.s32 $0x10, s29;
	v2 =	vld.idx.msk [tilespmem:v4+s19+$0x0], $0xffff  }
0x201: {  	v40 =	vmov s30;
	v3 =	vld [tilespmem:s28+$0xFFFFFF70]  }
0x202: {  	v4 =	vand.u32 $0xFFFFFFD0, v40  }
0x203: {  	v4 =	vbroadcast v4, $0x0;
	_ =	sdelay $0x2  }
0x204: {  	v2 =	vmul.f32 v3, v2;
	_ =	sdelay $0x1  }
0x205: {  	[tilespmem:s26+$0xFFFFFF70] =	vst v2  }
0x206: {  	s31 =	sadd.s32 $0x11, s29;
	v2 =	vld.idx.msk [tilespmem:v4+s19+$0x0], $0xffff  }
0x207: {  	v41 =	vmov s31;
	v3 =	vld [tilespmem:s28+$0xFFFFFF80]  }
0x208: {  	v4 =	vand.u32 $0xFFFFFFD1, v41  }
0x209: {  	v4 =	vbroadcast v4, $0x0;
	_ =	sdelay $0x2  }
0x20a: {  	v2 =	vmul.f32 v3, v2;
	_ =	sdelay $0x1  }
0x20b: {  	[tilespmem:s26+$0xFFFFFF80] =	vst v2  }
0x20c: {  	s30 =	sadd.s32 $0x12, s29;
	v2 =	vld.idx.msk [tilespmem:v4+s19+$0x0], $0xffff  }
0x20d: {  	v42 =	vmov s30;
	v3 =	vld [tilespmem:s28+$0xFFFFFF90]  }
0x20e: {  	v4 =	vand.u32 $0xFFFFFFD2, v42  }
0x20f: {  	v4 =	vbroadcast v4, $0x0;
	_ =	sdelay $0x2  }
0x210: {  	v2 =	vmul.f32 v3, v2;
	_ =	sdelay $0x1  }
0x211: {  	[tilespmem:s26+$0xFFFFFF90] =	vst v2  }
0x212: {  	s31 =	sadd.s32 $0x13, s29;
	v2 =	vld.idx.msk [tilespmem:v4+s19+$0x0], $0xffff  }
0x213: {  	v43 =	vmov s31;
	v3 =	vld [tilespmem:s28+$0xFFFFFFA0]  }
0x214: {  	v4 =	vand.u32 $0xFFFFFFD3, v43  }
0x215: {  	v4 =	vbroadcast v4, $0x0;
	_ =	sdelay $0x2  }
0x216: {  	v2 =	vmul.f32 v3, v2;
	_ =	sdelay $0x1  }
0x217: {  	[tilespmem:s26+$0xFFFFFFA0] =	vst v2  }
0x218: {  	s30 =	sadd.s32 $0x14, s29;
	v2 =	vld.idx.msk [tilespmem:v4+s19+$0x0], $0xffff  }
0x219: {  	v44 =	vmov s30;
	v3 =	vld [tilespmem:s28+$0xFFFFFFB0]  }
0x21a: {  	v4 =	vand.u32 $0xFFFFFFD4, v44  }
0x21b: {  	v4 =	vbroadcast v4, $0x0;
	_ =	sdelay $0x2  }
0x21c: {  	v2 =	vmul.f32 v3, v2;
	_ =	sdelay $0x1  }
0x21d: {  	[tilespmem:s26+$0xFFFFFFB0] =	vst v2  }
0x21e: {  	s31 =	sadd.s32 $0x15, s29;
	v2 =	vld.idx.msk [tilespmem:v4+s19+$0x0], $0xffff  }
0x21f: {  	v45 =	vmov s31;
	v3 =	vld [tilespmem:s28+$0xFFFFFFC0]  }
0x220: {  	v4 =	vand.u32 $0xFFFFFFD5, v45  }
0x221: {  	v4 =	vbroadcast v4, $0x0;
	_ =	sdelay $0x2  }
0x222: {  	v2 =	vmul.f32 v3, v2;
	_ =	sdelay $0x1  }
0x223: {  	[tilespmem:s26+$0xFFFFFFC0] =	vst v2  }
0x224: {  	s30 =	sadd.s32 $0x16, s29;
	v2 =	vld.idx.msk [tilespmem:v4+s19+$0x0], $0xffff  }
0x225: {  	v46 =	vmov s30;
	v3 =	vld [tilespmem:s28+$0xFFFFFFD0]  }
0x226: {  	v4 =	vand.u32 $0xFFFFFFD6, v46  }
0x227: {  	v4 =	vbroadcast v4, $0x0;
	_ =	sdelay $0x2  }
0x228: {  	v2 =	vmul.f32 v3, v2;
	_ =	sdelay $0x1  }
0x229: {  	[tilespmem:s26+$0xFFFFFFD0] =	vst v2  }
0x22a: {  	s31 =	sadd.s32 $0x17, s29;
	v2 =	vld.idx.msk [tilespmem:v4+s19+$0x0], $0xffff  }
0x22b: {  	v47 =	vmov s31;
	v3 =	vld [tilespmem:s28+$0xFFFFFFE0]  }
0x22c: {  	v4 =	vand.u32 $0xFFFFFFD7, v47  }
0x22d: {  	v4 =	vbroadcast v4, $0x0;
	_ =	sdelay $0x2  }
0x22e: {  	v2 =	vmul.f32 v3, v2;
	_ =	sdelay $0x1  }
0x22f: {  	[tilespmem:s26+$0xFFFFFFE0] =	vst v2  }
0x230: {  	s30 =	sadd.s32 $0x20, s29;
	v2 =	vld.idx.msk [tilespmem:v4+s19+$0x0], $0xffff  }
0x231: {  	v48 =	vmov s30;
	v3 =	vld [tilespmem:s28+$0xFFFFFFF0]  }
0x232: {  	v4 =	vand.u32 $0xFFFFFFE0, v48  }
0x233: {  	v4 =	vbroadcast v4, $0x0;
	_ =	sdelay $0x2  }
0x234: {  	v2 =	vmul.f32 v3, v2;
	_ =	sdelay $0x1  }
0x235: {  	[tilespmem:s26+$0xFFFFFFF0] =	vst v2  }
0x236: {  	s31 =	sadd.s32 $0x21, s29;
	v2 =	vld.idx.msk [tilespmem:v4+s19+$0x0], $0xffff  }
0x237: {  	v49 =	vmov s31;
	v3 =	vld [tilespmem:s28+$0x0]  }
0x238: {  	v4 =	vand.u32 $0xFFFFFFE1, v49  }
0x239: {  	v4 =	vbroadcast v4, $0x0;
	_ =	sdelay $0x2  }
0x23a: {  	v2 =	vmul.f32 v3, v2;
	_ =	sdelay $0x1  }
0x23b: {  	[tilespmem:s26+$0x0] =	vst v2  }
0x23c: {  	s30 =	sadd.s32 $0x22, s29;
	v2 =	vld.idx.msk [tilespmem:v4+s19+$0x0], $0xffff  }
0x23d: {  	v50 =	vmov s30;
	v3 =	vld [tilespmem:s28+$0x10]  }
0x23e: {  	v4 =	vand.u32 $0xFFFFFFE2, v50  }
0x23f: {  	v4 =	vbroadcast v4, $0x0;
	_ =	sdelay $0x2  }
0x240: {  	v2 =	vmul.f32 v3, v2;
	_ =	sdelay $0x1  }
0x241: {  	[tilespmem:s26+$0x10] =	vst v2  }
0x242: {  	s31 =	sadd.s32 $0x23, s29;
	v2 =	vld.idx.msk [tilespmem:v4+s19+$0x0], $0xffff  }
0x243: {  	v51 =	vmov s31;
	v3 =	vld [tilespmem:s28+$0x20]  }
0x244: {  	v4 =	vand.u32 $0xFFFFFFE3, v51  }
0x245: {  	v4 =	vbroadcast v4, $0x0;
	_ =	sdelay $0x2  }
0x246: {  	v2 =	vmul.f32 v3, v2;
	_ =	sdelay $0x1  }
0x247: {  	[tilespmem:s26+$0x20] =	vst v2  }
0x248: {  	s30 =	sadd.s32 $0x24, s29;
	v2 =	vld.idx.msk [tilespmem:v4+s19+$0x0], $0xffff  }
0x249: {  	v52 =	vmov s30;
	v3 =	vld [tilespmem:s28+$0x30]  }
0x24a: {  	v4 =	vand.u32 $0xFFFFFFE4, v52  }
0x24b: {  	v4 =	vbroadcast v4, $0x0;
	_ =	sdelay $0x2  }
0x24c: {  	v2 =	vmul.f32 v3, v2;
	_ =	sdelay $0x1  }
0x24d: {  	[tilespmem:s26+$0x30] =	vst v2  }
0x24e: {  	s31 =	sadd.s32 $0x25, s29;
	v2 =	vld.idx.msk [tilespmem:v4+s19+$0x0], $0xffff  }
0x24f: {  	v53 =	vmov s31;
	v3 =	vld [tilespmem:s28+$0x40]  }
0x250: {  	v4 =	vand.u32 $0xFFFFFFE5, v53  }
0x251: {  	v4 =	vbroadcast v4, $0x0;
	_ =	sdelay $0x2  }
0x252: {  	v2 =	vmul.f32 v3, v2;
	_ =	sdelay $0x1  }
0x253: {  	[tilespmem:s26+$0x40] =	vst v2  }
0x254: {  	s30 =	sadd.s32 $0x26, s29;
	v2 =	vld.idx.msk [tilespmem:v4+s19+$0x0], $0xffff  }
0x255: {  	v54 =	vmov s30;
	v3 =	vld [tilespmem:s28+$0x50]  }
0x256: {  	v4 =	vand.u32 $0xFFFFFFE6, v54  }
0x257: {  	v4 =	vbroadcast v4, $0x0;
	_ =	sdelay $0x2  }
0x258: {  	v2 =	vmul.f32 v3, v2;
	_ =	sdelay $0x1  }
0x259: {  	[tilespmem:s26+$0x50] =	vst v2  }
0x25a: {  	s31 =	sadd.s32 $0x27, s29;
	v2 =	vld.idx.msk [tilespmem:v4+s19+$0x0], $0xffff  }
0x25b: {  	v55 =	vmov s31;
	v3 =	vld [tilespmem:s28+$0x60]  }
0x25c: {  	v4 =	vand.u32 $0xFFFFFFE7, v55  }
0x25d: {  	v4 =	vbroadcast v4, $0x0;
	_ =	sdelay $0x2  }
0x25e: {  	v2 =	vmul.f32 v3, v2;
	_ =	sdelay $0x1  }
0x25f: {  	[tilespmem:s26+$0x60] =	vst v2  }
0x260: {  	s30 =	sadd.s32 $0x30, s29;
	v2 =	vld.idx.msk [tilespmem:v4+s19+$0x0], $0xffff  }
0x261: {  	v56 =	vmov s30;
	v3 =	vld [tilespmem:s28+$0x70]  }
0x262: {  	v4 =	vand.u32 $0xFFFFFFF0, v56  }
0x263: {  	v4 =	vbroadcast v4, $0x0;
	_ =	sdelay $0x2  }
0x264: {  	v2 =	vmul.f32 v3, v2;
	_ =	sdelay $0x1  }
0x265: {  	[tilespmem:s26+$0x70] =	vst v2  }
0x266: {  	s31 =	sadd.s32 $0x31, s29;
	v2 =	vld.idx.msk [tilespmem:v4+s19+$0x0], $0xffff  }
0x267: {  	v57 =	vmov s31;
	v3 =	vld [tilespmem:s28+$0x80]  }
0x268: {  	v4 =	vand.u32 $0xFFFFFFF1, v57  }
0x269: {  	v4 =	vbroadcast v4, $0x0;
	_ =	sdelay $0x2  }
0x26a: {  	v2 =	vmul.f32 v3, v2;
	_ =	sdelay $0x1  }
0x26b: {  	[tilespmem:s26+$0x80] =	vst v2  }
0x26c: {  	s30 =	sadd.s32 $0x32, s29;
	v2 =	vld.idx.msk [tilespmem:v4+s19+$0x0], $0xffff  }
0x26d: {  	v58 =	vmov s30;
	v3 =	vld [tilespmem:s28+$0x90]  }
0x26e: {  	v4 =	vand.u32 $0xFFFFFFF2, v58  }
0x26f: {  	v4 =	vbroadcast v4, $0x0;
	_ =	sdelay $0x2  }
0x270: {  	v2 =	vmul.f32 v3, v2;
	_ =	sdelay $0x1  }
0x271: {  	[tilespmem:s26+$0x90] =	vst v2  }
0x272: {  	s31 =	sadd.s32 $0x33, s29;
	v2 =	vld.idx.msk [tilespmem:v4+s19+$0x0], $0xffff  }
0x273: {  	v59 =	vmov s31;
	v3 =	vld [tilespmem:s28+$0xA0]  }
0x274: {  	v4 =	vand.u32 $0xFFFFFFF3, v59  }
0x275: {  	v4 =	vbroadcast v4, $0x0;
	_ =	sdelay $0x2  }
0x276: {  	v2 =	vmul.f32 v3, v2;
	_ =	sdelay $0x1  }
0x277: {  	[tilespmem:s26+$0xA0] =	vst v2  }
0x278: {  	s30 =	sadd.s32 $0x34, s29;
	v2 =	vld.idx.msk [tilespmem:v4+s19+$0x0], $0xffff  }
0x279: {  	v60 =	vmov s30;
	v3 =	vld [tilespmem:s28+$0xB0]  }
0x27a: {  	v4 =	vand.u32 $0xFFFFFFF4, v60  }
0x27b: {  	v4 =	vbroadcast v4, $0x0;
	_ =	sdelay $0x2  }
0x27c: {  	v2 =	vmul.f32 v3, v2;
	_ =	sdelay $0x1  }
0x27d: {  	[tilespmem:s26+$0xB0] =	vst v2  }
0x27e: {  	s31 =	sadd.s32 $0x35, s29;
	v2 =	vld.idx.msk [tilespmem:v4+s19+$0x0], $0xffff  }
0x27f: {  	v61 =	vmov s31;
	v3 =	vld [tilespmem:s28+$0xC0]  }
0x280: {  	v4 =	vand.u32 $0xFFFFFFF5, v61  }
0x281: {  	v4 =	vbroadcast v4, $0x0;
	_ =	sdelay $0x2  }
0x282: {  	v2 =	vmul.f32 v3, v2;
	_ =	sdelay $0x1  }
0x283: {  	[tilespmem:s26+$0xC0] =	vst v2  }
0x284: {  	s30 =	sadd.s32 $0x36, s29;
	v2 =	vld.idx.msk [tilespmem:v4+s19+$0x0], $0xffff  }
0x285: {  	v62 =	vmov s30;
	v3 =	vld [tilespmem:s28+$0xD0]  }
0x286: {  	v4 =	vand.u32 $0xFFFFFFF6, v62  }
0x287: {  	v4 =	vbroadcast v4, $0x0;
	_ =	sdelay $0x2  }
0x288: {  	v2 =	vmul.f32 v3, v2;
	_ =	sdelay $0x1  }
0x289: {  	[tilespmem:s26+$0xD0] =	vst v2  }
0x28a: {  	s31 =	sadd.s32 $0x37, s29;
	v2 =	vld.idx.msk [tilespmem:v4+s19+$0x0], $0xffff  }
0x28b: {  	v63 =	vmov s31;
	v3 =	vld [tilespmem:s28+$0xE0]  }
0x28c: {  	v4 =	vand.u32 $0xFFFFFFF7, v63  }
0x28d: {  	v4 =	vbroadcast v4, $0x0;
	_ =	sdelay $0x2  }
0x28e: {  	v2 =	vmul.f32 v3, v2;
	_ =	sdelay $0x1  }
0x28f: {  	[tilespmem:s26+$0xE0] =	vst v2  }
0x290: {  	v2 =	vld.idx.msk [tilespmem:v4+s19+$0x0], $0xffff  }
0x291: {  	v3 =	vld [tilespmem:s28+$0xF0];
	_ =	sdelay $0x4  }
0x292: {  	s25 =	sadd.s32 $0x1, s25;
	v2 =	vmul.f32 v3, v2  }
0x293: {  	p1 =	sne.s32 s25, s9  }
.Ltmp6:
0x294: {  	[tilespmem:s26+$0xF0] =	vst v2;
	(pc) =	sbr.rel @p1 .LBB2_6-.Ltmp6, $4  }
0x295: {  	[spmem:s2] =	stream.indirect.scatter.add.f32 [tilespmem:s22], [sflag:$0x2], $0x80, s18, s18, $0xb8;
	[tilespmem:$0x1EA00] =	vst v63  }
0x296: {  	_ =	swait.ge [sflag:s17], $0x4000  }
0x297: {  	[sflag:s17] =	ssyncset.done $0x0  }
0x298: {  	[sflag:s17] =	ssyncadd.s32 $0xFFFFC000  }
.Ltmp7:
0x299: {  	(pc) =	sbr.rel @!p0 .LBB2_10-.Ltmp7, $3  }
0x29a: {  	_ =	sdelay $0x1  }
0x29b: {  	[bflag:$0x0] =	sbarrier.arrive $0xFFFF;
	s0 =	sadd.s32 $0xFFFFFFC0, s11  }
0x29c: {  	v2 =	vor.u32 s11, v1;
	v3 =	vor.u32 s0, v1;
	s0 =	sadd.s32 $0xFFFFFFF0, s11  }
0x29d: {  	[tilespmem:$0xB140] =	vst v2  }
0x29e: {  	s24 =	sadd.s32 $0xFFFFFFD0, s11;
	[tilespmem:$0xB100] =	vst v3;
	v2 =	vor.u32 s0, v1  }
0x29f: {  	s31 =	sadd.s32 $0xFFFFFFE0, s11;
	v3 =	vor.u32 s24, v1;
	[tilespmem:$0xB130] =	vst v2  }
0x2a0: {  	v2 =	vor.u32 s31, v1;
	[tilespmem:$0xB110] =	vst v3  }
0x2a1: {  	p1 =	sne.s32 s8, $0x1;
	[tilespmem:$0xB120] =	vst v2  }
0x2a2: {  	[tilespmem:s16], [sflag:$0x2] =	stream.indirect.gather [spmem:s2], $0x80, s15, s14, $0xb8;
	[tilespmem:$0x1EA00] =	vst v63  }
.Ltmp8:
0x2a3: {  	_ = 	snop;
	(pc) =	sbr.rel @!p1 .LBB2_15-.Ltmp8, $4  }
0x2a4: {  	_ =	swait.ge [sflag:s17], $0x2800  }
0x2a5: {  	s25 =	smov.u32 s13;
	[sflag:s17] =	ssyncset.done $0x0  }
0x2a6: {  	s26 =	smov.u32 s11;
	s24 =	sadd.s32 $0xFFFFFFFF, s8;
	[sflag:s17] =	ssyncadd.s32 $0xFFFFD800  }
0x2a7: {  	[hbm4b:s13+s4] =	stream.linear.scatter [tilespmem:s16], [sflag:$0x2], $0x2800, $0x38;
	[tilespmem:$0x1EA00] =	vst v63  }
.LBB2_14:
0x2a8: {  	_ =	swait.ge [sflag:s17], $0x2800;
	s25 =	sadd.s32 $0x5000, s25;
	s26 =	sadd.s32 $0x500, s26  }
0x2a9: {  	p1 =	sne.s32 s24, $0x1;
	s24 =	sadd.s32 $0xFFFFFFFF, s24;
	[sflag:s17] =	ssyncset.done $0x0  }
0x2aa: {  	s0 =	sadd.s32 $0xFFFFFFC0, s26;
	v2 =	vor.u32 s26, v1;
	[sflag:s17] =	ssyncadd.s32 $0xFFFFD800  }
0x2ab: {  	s28 =	sadd.s32 $0xFFFFFFE0, s26;
	s29 =	sadd.s32 $0xFFFFFFF0, s26;
	v3 =	vor.u32 s0, v1;
	s0 =	sadd.s32 $0xFFFFFFD0, s26;
	[tilespmem:$0xB140] =	vst v2  }
0x2ac: {  	v4 =	vor.u32 s29, v1;
	v2 =	vor.u32 s0, v1;
	[tilespmem:$0xB100] =	vst v3;
	v3 =	vor.u32 s28, v1  }
0x2ad: {  	[tilespmem:$0xB130] =	vst v4  }
0x2ae: {  	[tilespmem:$0xB110] =	vst v2  }
0x2af: {  	[tilespmem:$0xB120] =	vst v3  }
0x2b0: {  	[tilespmem:s16], [sflag:$0x2] =	stream.indirect.gather [spmem:s2], $0x80, s15, s14, $0xb8;
	[tilespmem:$0x1EA00] =	vst v63  }
.Ltmp9:
0x2b1: {  	_ = 	snop;
	(pc) =	sbr.rel @p1 .LBB2_14-.Ltmp9, $4  }
0x2b2: {  	_ =	swait.ge [sflag:s17], $0x2800  }
0x2b3: {  	[sflag:s17] =	ssyncset.done $0x0  }
0x2b4: {  	[sflag:s17] =	ssyncadd.s32 $0xFFFFD800  }
0x2b5: {  	[hbm4b:s25+s4] =	stream.linear.scatter [tilespmem:s16], [sflag:$0x2], $0x2800, $0x38;
	[tilespmem:$0x1EA00] =	vst v63  }
.Ltmp10:
0x2b6: {  	_ = 	snop;
	(pc) =	sbr.rel .LBB2_15-.Ltmp10, $1  }
0x2b7: {  	_ =	sdelay $0x3  }
.LBB2_10:
0x2b8: {  	[tilespmem:$0xB140] =	vst v2  }
0x2b9: {  	s24 =	sadd.s32 $0xFFFFFFD0, s11;
	[tilespmem:$0xB100] =	vst v3;
	v2 =	vor.u32 s0, v1  }
0x2ba: {  	s31 =	sadd.s32 $0xFFFFFFE0, s11;
	v3 =	vor.u32 s24, v1;
	[tilespmem:$0xB130] =	vst v2  }
0x2bb: {  	v2 =	vor.u32 s31, v1;
	[tilespmem:$0xB110] =	vst v3  }
0x2bc: {  	p1 =	seq.s32 s8, $0x1;
	[tilespmem:$0xB120] =	vst v2  }
0x2bd: {  	[tilespmem:s16], [sflag:$0x2] =	stream.indirect.gather [spmem:s2], $0x80, s15, s14, $0xb8;
	[tilespmem:$0x1EA00] =	vst v63  }
.Ltmp11:
0x2be: {  	_ = 	snop;
	(pc) =	sbr.rel @p1 .LBB2_12-.Ltmp11, $4  }
0x2bf: {  	_ =	swait.ge [sflag:s17], $0x2800  }
0x2c0: {  	s25 =	smov.u32 s12;
	[sflag:s17] =	ssyncset.done $0x0  }
0x2c1: {  	s26 =	smov.u32 s11;
	s24 =	sadd.s32 $0xFFFFFFFF, s8;
	[sflag:s17] =	ssyncadd.s32 $0xFFFFD800  }
0x2c2: {  	[hbm4b:s12+s4] =	stream.linear.scatter [tilespmem:s16], [sflag:$0x2], $0x2800, $0x38;
	[tilespmem:$0x1EA00] =	vst v63  }
.LBB2_11:
0x2c3: {  	_ =	swait.ge [sflag:s17], $0x2800;
	s25 =	sadd.s32 $0x5000, s25;
	s26 =	sadd.s32 $0x500, s26  }
0x2c4: {  	p1 =	seq.s32 s24, $0x1;
	s24 =	sadd.s32 $0xFFFFFFFF, s24;
	[sflag:s17] =	ssyncset.done $0x0  }
0x2c5: {  	s0 =	sadd.s32 $0xFFFFFFC0, s26;
	v2 =	vor.u32 s26, v1;
	[sflag:s17] =	ssyncadd.s32 $0xFFFFD800  }
0x2c6: {  	s28 =	sadd.s32 $0xFFFFFFE0, s26;
	s29 =	sadd.s32 $0xFFFFFFF0, s26;
	v3 =	vor.u32 s0, v1;
	s0 =	sadd.s32 $0xFFFFFFD0, s26;
	[tilespmem:$0xB140] =	vst v2  }
0x2c7: {  	v4 =	vor.u32 s29, v1;
	v2 =	vor.u32 s0, v1;
	[tilespmem:$0xB100] =	vst v3;
	v3 =	vor.u32 s28, v1  }
0x2c8: {  	[tilespmem:$0xB130] =	vst v4  }
0x2c9: {  	[tilespmem:$0xB110] =	vst v2  }
0x2ca: {  	[tilespmem:$0xB120] =	vst v3  }
0x2cb: {  	[tilespmem:s16], [sflag:$0x2] =	stream.indirect.gather [spmem:s2], $0x80, s15, s14, $0xb8;
	[tilespmem:$0x1EA00] =	vst v63  }
.Ltmp12:
0x2cc: {  	_ = 	snop;
	(pc) =	sbr.rel @!p1 .LBB2_11-.Ltmp12, $4  }
0x2cd: {  	_ =	swait.ge [sflag:s17], $0x2800  }
0x2ce: {  	[sflag:s17] =	ssyncset.done $0x0  }
0x2cf: {  	[sflag:s17] =	ssyncadd.s32 $0xFFFFD800  }
0x2d0: {  	[hbm4b:s25+s4] =	stream.linear.scatter [tilespmem:s16], [sflag:$0x2], $0x2800, $0x38;
	[tilespmem:$0x1EA00] =	vst v63  }
.LBB2_12:
.Ltmp13:
0x2d1: {  	(pc) =	sbr.rel .LBB2_16-.Ltmp13, $4  }
0x2d2: {  	_ = 	snop  }
0x2d3: {  	_ =	swait.ge [sflag:s17], $0x2800  }
0x2d4: {  	[sflag:s17] =	ssyncset.done $0x0  }
0x2d5: {  	[sflag:s17] =	ssyncadd.s32 $0xFFFFD800  }
.LBB2_17:
0x2d6: {  	_ =	sfence.sel $0x180000  }
0x2d7: {  	[bflag:$0x0] =	sbarrier.arrive $0xFFFF  }
0x2d8: {  	_ =	strace $0x9000004A  }
0x2d9: {  	[bflag:$0x2] =	sbarrier.arrive $0xFFFF  }
0x2da: {  	p0 =	sne.s32 s3, $0x0;
	s0 =	rddreg [dreg:$0x3]  }
0x2db: {  	s0 =	sadd.s32 @!p0 $0x100000, s0  }
0x2dc: {  	[sflag:s0] =	ssyncadd.tile.s32 @!p0 $0x1;
	_ =	shalt  }
.Lfunc_end2:
_tile_overlayer_lowered:
.L_overlay_start_2:
0x2dd: {  	(tag) =	ssettag $0x2  }
0x2de: {  	s0 =	rddreg [dreg:$0x0];
	s2 =	stileid.u32  }
0x2df: {  	s1 =	rddreg [dreg:$0x1];
	p0 =	sne.s32 s2, $0x0  }
0x2e0: {  	s3 =	rddreg [dreg:$0x2];
	[bflag:$0x3] =	sbarrier.arrive $0xFFFF;
	s2 =	simm.s32 @!p0 $0x1C02  }
0x2e1: {  	[timem:s3], [sflag:s2] =	dma.local @!p0 [hbm:s0], s1  }
0x2e2: {  	s0 =	simm.s32 @!p0 $0x2  }
0x2e3: {  	_ =	swait.ge @!p0 [sflag:s0], s1  }
0x2e4: {  	s1 =	ssub.s32 @!p0 $0x0, s1;
	[sflag:s0] =	ssyncset.done @!p0 $0x0  }
0x2e5: {  	[sflag:s0] =	ssyncadd.s32 @!p0 s1  }
0x2e6: {  	[bflag:$0x3] =	sbarrier.arrive $0xFFFF  }
0x2e7: {  	_ =	shalt  }

// kernel: kernel.7.cloned.1.call-start
scs
__scs_entry_jumppad:
0x0: {  	(pc) =	sbr.rel $0x88, $3  }
0x1: {  	(tag) =	ssettag $0x0;
	lr =	simm.s32 $0x1  }
0x2: {  	[smem:$0x3F91] =	sst lr;
	_ =	strace $0xD0000000  }
0x3: {  	_ = 	snop  }
0x4: {  	_ = 	snop  }
0x5: {  	_ = 	snop  }
0x6: {  	_ = 	snop  }
0x7: {  	_ = 	snop  }
__scs_overlays_trampoline_lowered:
0x8: {  	[smem:$0x3FA0] =	sst s0  }
0x9: {  	[smem:$0x3FA1] =	sst s1  }
0xa: {  	[smem:$0x3FA2] =	sst s2  }
0xb: {  	[smem:$0x3FA3] =	sst s3  }
0xc: {  	[smem:$0x3FA4] =	sst s4  }
0xd: {  	[smem:$0x3FA5] =	sst s5  }
0xe: {  	[smem:$0x3FA6] =	sst s6  }
0xf: {  	[smem:$0x3FA7] =	sst s7  }
0x10: {  	[smem:$0x3FA8] =	sst s8  }
0x11: {  	[smem:$0x3FA9] =	sst s9;
	s0 =	simm.s32 @!p0 $0x0  }
0x12: {  	s1 =	sld [smem:$0x3F8F];
	s0 =	simm.s32 @p0 $0x1  }
0x13: {  	[smem:$0x3FAA] =	sst s0;
	s0 =	simm.s32 @!p1 $0x0  }
0x14: {  	s2 =	sld [smem:$0x3F8E];
	s0 =	simm.s32 @p1 $0x1  }
0x15: {  	[smem:$0x3FAB] =	sst s0;
	s0 =	simm.s32 @!p2 $0x0  }
0x16: {  	s3 =	sld [smem:$0x3FDB];
	s0 =	simm.s32 @p2 $0x1  }
0x17: {  	s4 =	simm.s32 $0x1BF5;
	[smem:$0x3FAD] =	sst s0  }
0x18: {  	s0 =	sld [smem:$0x3F90];
	_ =	swait.ge [sflag:s4], $0x0  }
0x19: {  	s7 =	sld [smem:$0x3F91]  }
0x1a: {  	s8 =	sadd.s32 $0xFFFFE003, lr  }
0x1b: {  	s9 =	sadd.s32 $0xFFFFFEF7, lr;
	s5 =	simm.s32 $0xFFFFFFFF;
	p2 =	slt.u32 s8, $0xFFFFF086  }
0x1c: {  	p1 =	slt.u32 s9, $0xF7A;
	s5 =	simm.s32 @!p2 $0x0  }
0x1d: {  	s5 =	simm.s32 @p1 $0x1;
	p0 =	seq.s32 s7, s2  }
0x1e: {  	s7 =	smul.u32 @!p0 $0xF7A, s2;
	p2 =	seq.s32 @!p0 s5, $0x0  }
0x1f: {  	s9 =	smul.u32 $0xF7A, s1;
	s8 =	simm.s32 @!p0 $0x1BF5;
	p2 =	por !p2, p0  }
0x20: {  	[sflag:s8] =	ssyncset.s32 @!p0 $0xFFFFF086;
	s6 =	sadd.s32 @!p0 s3, s7;
	s7 =	simm.s32 @!p0 $0x108  }
0x21: {  	s3 =	sadd.s32 s3, s9;
	s6 =	sadd.s32 @!p0 $0x88, s6;
	s7 =	simm.s32 @p2 $0x1082  }
0x22: {  	[simem:s7], [sflag:s8] =	dma.local @!p0 [hbm:s6], $0xF7A  }
0x23: {  	s9 =	sor.u32 $0xD0000000, s2;
	s6 =	simm.s32 $0x108;
	_ =	swait.ge @!p0 [sflag:s8], $0x0  }
0x24: {  	s3 =	sadd.s32 $0x88, s3;
	s6 =	simm.s32 @!p1 $0x1082;
	[sflag:s4] =	ssyncset.s32 $0xFFFFF086  }
0x25: {  	[simem:s6], [sflag:s4] =	dma.local [hbm:s3], $0xF7A  }
0x26: {  	[smem:$0x3F91] =	sst s1;
	(tag) =	ssettag s2;
	_ =	strace s9  }
0x27: {  	s1 =	sld [smem:$0x3FA1]  }
0x28: {  	s2 =	sld [smem:$0x3FA2]  }
0x29: {  	s4 =	sld [smem:$0x3FA4]  }
0x2a: {  	p0 =	seq.s32 s5, $0x0;
	s5 =	sld [smem:$0x3FA5]  }
0x2b: {  	s6 =	sld [smem:$0x3FA6]  }
0x2c: {  	s7 =	sld [smem:$0x3FA7]  }
0x2d: {  	s3 =	simm.s32 $0x108;
	s8 =	sld [smem:$0x3FA8]  }
0x2e: {  	s3 =	simm.s32 @!p0 $0x1082;
	s9 =	sld [smem:$0x3FA9]  }
0x2f: {  	lr =	sadd.s32 s0, s3;
	s0 =	sld [smem:$0x3FA0]  }
0x30: {  	s3 =	sld [smem:$0x3FA3]  }
0x31: {  	[smem:$0x3FAC] =	sst s10  }
0x32: {  	s10 =	sld [smem:$0x3FAA];
	_ =	sdelay $0x3  }
0x33: {  	p0 =	seq.s32 s10, $0x1;
	s10 =	sld [smem:$0x3FAC];
	_ =	sdelay $0x3  }
0x34: {  	[smem:$0x3FAC] =	sst s10  }
0x35: {  	s10 =	sld [smem:$0x3FAB];
	_ =	sdelay $0x3  }
0x36: {  	p1 =	seq.s32 s10, $0x1;
	s10 =	sld [smem:$0x3FAC];
	_ =	sdelay $0x3  }
0x37: {  	[smem:$0x3FAC] =	sst s10  }
0x38: {  	s10 =	sld [smem:$0x3FAD]  }
0x39: {  	_ = 	snop;
	(pc) =	sbr.ind lr, $3  }
0x3a: {  	_ = 	snop  }
0x3b: {  	_ = 	snop  }
0x3c: {  	p2 =	seq.s32 s10, $0x1;
	s10 =	sld [smem:$0x3FAC]  }
0x3d: {  	_ =	shalt  }
0x3e: {  	_ =	shalt  }
0x3f: {  	_ =	shalt  }
0x40: {  	_ =	shalt  }
0x41: {  	_ =	shalt  }
0x42: {  	_ =	shalt  }
0x43: {  	_ =	shalt  }
0x44: {  	_ =	shalt  }
0x45: {  	_ =	shalt  }
0x46: {  	_ =	shalt  }
0x47: {  	_ =	shalt  }
0x48: {  	_ =	shalt  }
0x49: {  	_ =	shalt  }
0x4a: {  	_ =	shalt  }
0x4b: {  	_ =	shalt  }
0x4c: {  	_ =	shalt  }
0x4d: {  	_ =	shalt  }
0x4e: {  	_ =	shalt  }
0x4f: {  	_ =	shalt  }
0x50: {  	_ =	shalt  }
0x51: {  	_ =	shalt  }
0x52: {  	_ =	shalt  }
0x53: {  	_ =	shalt  }
0x54: {  	_ =	shalt  }
0x55: {  	_ =	shalt  }
0x56: {  	_ =	shalt  }
0x57: {  	_ =	shalt  }
0x58: {  	_ =	shalt  }
0x59: {  	_ =	shalt  }
0x5a: {  	_ =	shalt  }
0x5b: {  	_ =	shalt  }
0x5c: {  	_ =	shalt  }
0x5d: {  	_ =	shalt  }
0x5e: {  	_ =	shalt  }
0x5f: {  	_ =	shalt  }
0x60: {  	_ =	shalt  }
0x61: {  	_ =	shalt  }
0x62: {  	_ =	shalt  }
0x63: {  	_ =	shalt  }
0x64: {  	_ =	shalt  }
0x65: {  	_ =	shalt  }
0x66: {  	_ =	shalt  }
0x67: {  	_ =	shalt  }
0x68: {  	_ =	shalt  }
0x69: {  	_ =	shalt  }
0x6a: {  	_ =	shalt  }
0x6b: {  	_ =	shalt  }
0x6c: {  	_ =	shalt  }
0x6d: {  	_ =	shalt  }
0x6e: {  	_ =	shalt  }
0x6f: {  	_ =	shalt  }
0x70: {  	_ =	shalt  }
0x71: {  	_ =	shalt  }
0x72: {  	_ =	shalt  }
0x73: {  	_ =	shalt  }
0x74: {  	_ =	shalt  }
0x75: {  	_ =	shalt  }
0x76: {  	_ =	shalt  }
0x77: {  	_ =	shalt  }
0x78: {  	_ =	shalt  }
0x79: {  	_ =	shalt  }
0x7a: {  	_ =	shalt  }
0x7b: {  	_ =	shalt  }
0x7c: {  	_ =	shalt  }
0x7d: {  	_ =	shalt  }
0x7e: {  	_ =	shalt  }
0x7f: {  	_ =	shalt  }
0x80: {  	_ =	shalt  }
0x81: {  	_ =	shalt  }
0x82: {  	_ =	shalt  }
0x83: {  	_ =	shalt  }
0x84: {  	_ =	shalt  }
0x85: {  	_ =	shalt  }
0x86: {  	_ =	shalt  }
0x87: {  	_ =	shalt  }
.Lfunc_end0:
.L_simem_size_0:
called_computation_lowered:
.L_overlay_start_0:
0x88: {  	s2 =	sld [smem:$0x3FD9]  }
0x89: {  	s3 =	sld [smem:$0x3FFE];
	_ =	sdelay $0x1  }
0x8a: {  	s1 =	srdreg.scid  }
0x8b: {  	s0 =	sand.u32 $0x1, s1  }
0x8c: {  	s16 =	sshll.u32 s0, $0xA;
	s2 =	sadd.s32 s3, s2  }
0x8d: {  	s2 =	sadd.s32 s2, s16  }
0x8e: {  	[smem:$0x3FB8] =	sst s2  }
0x8f: {  	_ = 	snop  }
0x90: {  	(tm) =	ssettm $0x1  }
0x91: {  	s17 =	sld [smem:$0x3FFB];
	_ =	sdelay $0x3  }
0x92: {  	_ =	strace s17  }
0x93: {  	s2 =	sld [smem:$0x3FFC];
	_ =	sdelay $0x3  }
0x94: {  	_ =	strace s2  }
0x95: {  	s2 =	sld [smem:$0x3FFD];
	_ =	sdelay $0x3  }
0x96: {  	_ =	strace s2  }
0x97: {  	_ =	strace $0x8FFFFFFF  }
0x98: {  	s18 =	sld [smem:$0x3FDB];
	_ =	sdelay $0x1  }
0x99: {  	s19 =	simm.s32 $_scs_section_size  }
0x9a: {  	s4 =	simm.s32 $_size__tile_overlayer_lowered;
	s5 =	simm.s32 $_tile_overlayer_lowered  }
0x9b: {  	s22 =	simm.s32 $0x1BFF;
	s21 =	sshll.u32 s5, $0x1;
	s2 =	sadd.s32 s19, s18  }
0x9c: {  	s6 =	simm.s32 $0x0;
	s20 =	sshll.u32 s4, $0x1;
	s4 =	sadd.s32 s21, s2  }
0x9d: {  	[timem:s6], [sflag:s22] =	dma.local [hbm:s4], s20  }
0x9e: {  	_ =	swait.ge [sflag:s22], s20  }
0x9f: {  	s3 =	ssub.s32 $0x0, s20;
	[sflag:s22] =	ssyncset.done $0x0  }
0xa0: {  	[sflag:s22] =	ssyncadd.s32 s3;
	_ =	sdelay $0x1  }
0xa1: {  	s23 =	simm.s32 $0x1B8B  }
0xa2: {  	_ =	swait.ge [sflag:s23], $0x1  }
0xa3: {  	[sflag:s23] =	ssyncset.done $0x0  }
0xa4: {  	s25 =	simm.s32 $0x1B8E;
	s24 =	sld [smem:$0x3FFE];
	[sflag:s23] =	ssyncadd.s32 $0xFFFFFFFF  }
0xa5: {  	s26 =	simm.s32 $execute0_lowered;
	[smem:$0x3FD2] =	sst s25  }
0xa6: {  	s4 =	sshll.u32 s26, $0x1;
	_ =	strace $0x80000046;
	[dreg:$0x1] =	wrdreg $0xFFFFFFFF  }
0xa7: {  	s28 =	simm.s32 $_size_execute0_lowered;
	s2 =	sadd.s32 s2, s4;
	[dreg:$0x0] =	wrdreg $0x0  }
0xa8: {  	s4 =	sshll.u32 s28, $0x1;
	[dreg:$0x2] =	wrdreg s2  }
0xa9: {  	[dreg:$0x3] =	wrdreg s4  }
0xaa: {  	[dreg:$0x4] =	wrdreg $0xC0  }
0xab: {  	_ =	task [dreg:s6], $0x5FFFF  }
0xac: {  	[dreg:$0x1] =	wrdreg $0xFFFFFFFF  }
0xad: {  	[dreg:$0x0] =	wrdreg $0x60  }
0xae: {  	[dreg:$0x2] =	wrdreg s24  }
0xaf: {  	[dreg:$0x3] =	wrdreg $0x9  }
0xb0: {  	_ =	task.clear_ibuf [dreg:s6], $0x4FFFF;
	_ =	strace $0x90000046  }
0xb1: {  	s29 =	simm.s32 $0x9;
	_ =	strace $0x80000048  }
0xb2: {  	_ =	swait.ge [sflag:s29], $0x1  }
0xb3: {  	[sflag:s29] =	ssyncadd.s32 $0xFFFFFFFF  }
0xb4: {  	_ =	strace $0x90000048  }
0xb5: {  	_ =	sfence  }
0xb6: {  	s30 =	sld [smem:$0x0];
	_ =	sdelay $0x2  }
0xb7: {  	s31 =	sshll.u32 s1, $0xD;
	s1 =	sshrl.u32 s1, $0x2  }
0xb8: {  	s3 =	sand.u32 $0x4000, s31;
	s1 =	sadd.s32 s1, s30  }
0xb9: {  	s0 =	sor.u32 s3, s0;
	s1 =	sshll.u32 s1, $0x11  }
0xba: {  	s0 =	sor.u32 s1, s0  }
0xbb: {  	s0 =	sadd.s32 $0x8F2B, s0  }
0xbc: {  	[sflag:s0] =	ssyncadd.remote.s32 $0x1  }
0xbd: {  	_ =	sfence.sel $0xFFFF  }
0xbe: {  	[dreg:$0x0] =	wrdreg $0xFFFFFFFF;
	(pc) =	sbr.abs _section_cstart, $3  }
0xbf: {  	[dreg:$0x1] =	wrdreg $0xFFFFFFFF  }
0xc0: {  	_ =	task.clear_ibuf [dreg:s6], $0x2FFFF;
	_ =	strace $0x9FFFFFFF  }
0xc1: {  	(tm) =	ssettm $0x7FFFFFFF  }
tec
execute0_lowered:
.L_overlay_start_1:
0x0: {  	(tag) =	ssettag $0x1  }
0x1: {  	v0 =	vimm.s32 $0xFEDCBA98;
	v1 =	vimm.s32 $0x76543210  }
0x2: {  	v2 =	vimm.s32 $0x13121110;
	v3 =	vimm.s32 $0x1B1A1918;
	v0 =	vunpack.c.l.s4.s8 v0  }
0x3: {  	v4 =	vimm.s32 $0x1F1E1D1C;
	vm0 =	vcmask $0x1F10;
	v1 =	vunpack.c.l.s4.s8 v1  }
0x4: {  	v5 =	vimm.s32 $0x27262524;
	v6 =	vimm.s32 $0x2F2E2D2C;
	v0 =	vunpack.c.0.s8.s32 v0  }
0x5: {  	s9 =	rddreg [dreg:$0x0];
	s1 =	simm.s32 $0x0;
	v7 =	vimm.s32 $0x33323130;
	v8 =	vimm.s32 $0x37363534;
	v1 =	vunpack.c.0.s8.s32 v1  }
0x6: {  	s8 =	srdreg.scid;
	s5 =	stileid.u32;
	s13 =	simm.s32 $0x8100;
	v3 =	vunpack.c.0.s8.s32 v3;
	v4 =	vunpack.c.0.s8.s32 v4;
	v0 =	vand.u32 $0xF, v0  }
0x7: {  	s14 =	simm.s32 $0x8500;
	s15 =	simm.s32 $0x1;
	s16 =	simm.s32 $0x100;
	v0 =	vcombine.low v0, v1;
	v1 =	vunpack.c.0.s8.s32 v2;
	v2 =	vimm.s32 $0x17161514  }
0x8: {  	v9 =	vimm.s32 $0x3B3A3938;
	v10 =	vimm.s32 $0x3F3E3D3C;
	s17 =	simm.s32 $0x4100;
	s18 =	simm.s32 $0x2;
	s19 =	simm.s32 $0x9100;
	v2 =	vunpack.c.0.s8.s32 v2  }
0x9: {  	s20 =	simm.s32 $0x8900;
	s21 =	simm.s32 $0x3;
	[smem:$0x7FF] =	sst s1;
	v6 =	vunpack.c.0.s8.s32 v6;
	v3 =	vsel vm0, v4, v3;
	v4 =	vunpack.c.0.s8.s32 v5  }
0xa: {  	s22 =	simm.s32 $0x0;
	s2 =	sadd.s32 $0x1A800, s9;
	s3 =	sadd.s32 $0x41A00, s9;
	v5 =	vimm.s32 $0x2B2A2928;
	v1 =	vsel vm0, v2, v1;
	v2 =	vimm.s32 $0x23222120  }
0xb: {  	s4 =	sadd.s32 $0x6E00, s9;
	s6 =	sadd.s32 $0x4FC800, s9;
	s8 =	sand.u32 $0x1, s8;
	v7 =	vunpack.c.0.s8.s32 v7;
	v5 =	vunpack.c.0.s8.s32 v5;
	v2 =	vunpack.c.0.s8.s32 v2  }
0xc: {  	s7 =	sadd.s32 $0x54AA00, s9;
	s10 =	sshll.u32 s5, $0x1;
	v8 =	vunpack.c.0.s8.s32 v8;
	v9 =	vunpack.c.0.s8.s32 v9;
	v10 =	vunpack.c.0.s8.s32 v10;
	s11 =	ssub.s32 $0x2, s8  }
0xd: {  	s9 =	sadd.s32 $0x68C00, s9;
	s8 =	sor.u32 s10, s8;
	s31 =	sshrl.u32 s11, $0x1;
	v1 =	vcombine.low v3, v1;
	v3 =	vsel vm0, v4, v2;
	v4 =	vsel vm0, v6, v5  }
0xe: {  	_ =	strace $0x80000047;
	s12 =	ssub.s32 $0x9E3, s8;
	s11 =	ssub.s32 s11, s31;
	v5 =	vsel vm0, v8, v7;
	v6 =	vsel vm0, v10, v9;
	v2 =	vlaneseq.u32  }
0xf: {  	s10 =	sshrl.u32 s12, $0x5;
	s12 =	simm.s32 $0x80;
	s11 =	smax.u32 s11, $0x1;
	v2 =	vand.u32 $0x7, v2;
	v3 =	vcombine.low v4, v3;
	v4 =	vcombine.low v6, v5  }
.LBB2_1:
0x10: {  	s23 =	simm.s32 $0x0  }
.LBB2_2:
0x11: {  	s24 =	sshll.u32 s23, $0x5  }
0x12: {  	s24 =	sor.u32 s8, s24  }
0x13: {  	s25 =	sshll.u32 s24, $0x7  }
0x14: {  	s26 =	sshrl.u32 s25, $0x3  }
0x15: {  	s28 =	simm.s32 $0x0;
	s0 =	sadd.s32 $0x4E200, s25;
	s26 =	sadd.s32 s4, s26  }
0x16: {  	[tilespmem:s28], [sflag:$0x1] =	stream.linear.gather [hbm4b:s26+s28], $0x80, $0x38;
	[tilespmem:$0x9180] =	vst v63  }
0x17: {  	s26 =	sshrl.u32 s0, $0x3  }
0x18: {  	s25 =	sand.u32 $0x1FFFFF80, s25;
	s26 =	sadd.s32 s4, s26  }
0x19: {  	[tilespmem:s12], [sflag:$0x1] =	stream.linear.gather [hbm4b:s26+s28], $0x80, $0x38;
	[tilespmem:$0x9180] =	vst v63  }
0x1a: {  	s31 =	sadd.s32 s6, s25  }
0x1b: {  	[tilespmem:s13], [sflag:$0x2] =	stream.linear.gather [hbm4b:s31+s28], $0x400, $0x38;
	[tilespmem:$0x9180] =	vst v63  }
0x1c: {  	s25 =	sadd.s32 s7, s25  }
0x1d: {  	[tilespmem:s14], [sflag:$0x2] =	stream.linear.gather [hbm4b:s25+s28], $0x400, $0x38;
	[tilespmem:$0x9180] =	vst v63  }
0x1e: {  	_ =	swait.ge [sflag:s15], $0x80  }
0x1f: {  	[sflag:s15] =	ssyncset.done $0x0  }
0x20: {  	[sflag:s15] =	ssyncadd.s32 $0xFFFFFF80  }
0x21: {  	_ =	swait.ge [sflag:s15], $0x80  }
0x22: {  	[sflag:s15] =	ssyncset.done $0x0  }
0x23: {  	[sflag:s15] =	ssyncadd.s32 $0xFFFFFF80  }
0x24: {  	[tilespmem:s16], [sflag:$0x1] =	stream.indirect.gather [hbm4b:s2+s12], $0x80, s28, s12, $0xb8;
	[tilespmem:$0x9180] =	vst v63  }
0x25: {  	_ = 	snop  }
0x26: {  	[tilespmem:s17], [sflag:$0x2] =	stream.indirect.gather [hbm4b:s3+s12], $0x80, s12, s12, $0xb8;
	[tilespmem:$0x9180] =	vst v63  }
0x27: {  	_ =	swait.ge [sflag:s18], $0x400  }
0x28: {  	[sflag:s18] =	ssyncset.done $0x0  }
0x29: {  	[sflag:s18] =	ssyncadd.s32 $0xFFFFFC00  }
0x2a: {  	_ =	swait.ge [sflag:s18], $0x400  }
0x2b: {  	[sflag:s18] =	ssyncset.done $0x0  }
0x2c: {  	[sflag:s18] =	ssyncadd.s32 $0xFFFFFC00  }
0x2d: {  	_ =	swait.ge [sflag:s15], $0x4000  }
0x2e: {  	[sflag:s15] =	ssyncset.done $0x0  }
0x2f: {  	[sflag:s15] =	ssyncadd.s32 $0xFFFFC000  }
0x30: {  	_ =	swait.ge [sflag:s18], $0x4000  }
0x31: {  	[sflag:s18] =	ssyncset.done $0x0  }
0x32: {  	s25 =	simm.s32 $0x200;
	[sflag:s18] =	ssyncadd.s32 $0xFFFFC000  }
0x33: {  	s26 =	simm.s32 $0x4200;
	v5 =	vld [tilespmem:s25+$0xFFFFFF00]  }
0x34: {  	v6 =	vld [tilespmem:s26+$0xFFFFFF10]  }
0x35: {  	v7 =	vld [tilespmem:s25+$0xFFFFFF10]  }
0x36: {  	v8 =	vld [tilespmem:s26+$0xFFFFFF00]  }
0x37: {  	v9 =	vld [tilespmem:s26+$0xFFFFFF20]  }
0x38: {  	v10 =	vld [tilespmem:s25+$0xFFFFFF20]  }
0x39: {  	v11 =	vld [tilespmem:s26+$0xFFFFFF30]  }
0x3a: {  	v12 =	vld [tilespmem:s25+$0xFFFFFF30]  }
0x3b: {  	v6 =	vmul.f32 v6, v7;
	v5 =	vmul.f32 v8, v5;
	v7 =	vld [tilespmem:s26+$0xFFFFFF40]  }
0x3c: {  	v8 =	vld [tilespmem:s25+$0xFFFFFF40]  }
0x3d: {  	v5 =	vadd.f32 v6, v5;
	v6 =	vmul.f32 v9, v10;
	v9 =	vld [tilespmem:s26+$0xFFFFFF50]  }
0x3e: {  	v10 =	vld [tilespmem:s25+$0xFFFFFF50]  }
0x3f: {  	v48 =	vld [tilespmem:s25+$0xFFFFFF60];
	v5 =	vadd.f32 v6, v5;
	v6 =	vmul.f32 v11, v12  }
0x40: {  	v11 =	vld [tilespmem:s26+$0xFFFFFF60]  }
0x41: {  	v5 =	vadd.f32 v6, v5;
	v6 =	vmul.f32 v7, v8;
	v7 =	vld [tilespmem:s26+$0xFFFFFF70]  }
0x42: {  	v8 =	vld [tilespmem:s25+$0xFFFFFF70]  }
0x43: {  	v5 =	vadd.f32 v6, v5;
	v6 =	vmul.f32 v9, v10;
	_ =	sdelay $0x1  }
0x44: {  	v5 =	vadd.f32 v6, v5;
	v6 =	vmul.f32 v11, v48;
	_ =	sdelay $0x1  }
0x45: {  	v5 =	vadd.f32 v6, v5;
	v6 =	vmul.f32 v7, v8;
	_ =	sdelay $0x1  }
0x46: {  	v5 =	vadd.f32 v6, v5;
	_ =	sdelay $0x1  }
0x47: {  	[tilespmem:$0x9100] =	vst v5  }
0x48: {  	v6 =	vld [tilespmem:s26+$0xFFFFFF90]  }
0x49: {  	v7 =	vld [tilespmem:s25+$0xFFFFFF80]  }
0x4a: {  	v8 =	vld [tilespmem:s25+$0xFFFFFF90]  }
0x4b: {  	v9 =	vld [tilespmem:s26+$0xFFFFFF80]  }
0x4c: {  	v10 =	vld [tilespmem:s26+$0xFFFFFFA0]  }
0x4d: {  	v11 =	vld [tilespmem:s25+$0xFFFFFFA0]  }
0x4e: {  	v49 =	vld [tilespmem:s26+$0xFFFFFFB0]  }
0x4f: {  	v13 =	vld [tilespmem:s25+$0xFFFFFFB0]  }
0x50: {  	v6 =	vmul.f32 v6, v8;
	v7 =	vmul.f32 v9, v7;
	v8 =	vld [tilespmem:s26+$0xFFFFFFC0]  }
0x51: {  	v9 =	vld [tilespmem:s25+$0xFFFFFFC0]  }
0x52: {  	v10 =	vmul.f32 v10, v11;
	v11 =	vld [tilespmem:s25+$0xFFFFFFD0];
	v6 =	vadd.f32 v6, v7  }
0x53: {  	v7 =	vld [tilespmem:s26+$0xFFFFFFD0]  }
0x54: {  	v50 =	vld [tilespmem:s26+$0xFFFFFFE0];
	v6 =	vadd.f32 v10, v6;
	v10 =	vmul.f32 v49, v13  }
0x55: {  	v51 =	vld [tilespmem:s25+$0xFFFFFFE0]  }
0x56: {  	v8 =	vmul.f32 v8, v9;
	v9 =	vld [tilespmem:s26+$0xFFFFFFF0];
	v6 =	vadd.f32 v10, v6  }
0x57: {  	v10 =	vld [tilespmem:s25+$0xFFFFFFF0]  }
0x58: {  	v7 =	vmul.f32 v7, v11;
	v6 =	vadd.f32 v8, v6;
	_ =	sdelay $0x1  }
0x59: {  	v6 =	vadd.f32 v7, v6;
	v7 =	vmul.f32 v50, v51;
	_ =	sdelay $0x1  }
0x5a: {  	v6 =	vadd.f32 v7, v6;
	v7 =	vmul.f32 v9, v10;
	_ =	sdelay $0x1  }
0x5b: {  	v7 =	vadd.f32 v7, v6;
	_ =	sdelay $0x1  }
0x5c: {  	[tilespmem:$0x9110] =	vst v7  }
0x5d: {  	v6 =	vld [tilespmem:s25+$0x0]  }
0x5e: {  	v8 =	vld [tilespmem:s26+$0x0]  }
0x5f: {  	v9 =	vld [tilespmem:s26+$0x10]  }
0x60: {  	v10 =	vld [tilespmem:s25+$0x10]  }
0x61: {  	v11 =	vld [tilespmem:s26+$0x20]  }
0x62: {  	v52 =	vld [tilespmem:s25+$0x20]  }
0x63: {  	v53 =	vld [tilespmem:s26+$0x30]  }
0x64: {  	v14 =	vld [tilespmem:s25+$0x30]  }
0x65: {  	v6 =	vmul.f32 v8, v6;
	v8 =	vmul.f32 v9, v10;
	v9 =	vld [tilespmem:s26+$0x40]  }
0x66: {  	v10 =	vld [tilespmem:s25+$0x40]  }
0x67: {  	v54 =	vld [tilespmem:s25+$0x50];
	v6 =	vadd.f32 v8, v6;
	v8 =	vmul.f32 v11, v52  }
0x68: {  	v11 =	vld [tilespmem:s26+$0x50]  }
0x69: {  	v55 =	vld [tilespmem:s26+$0x60];
	v6 =	vadd.f32 v8, v6;
	v8 =	vmul.f32 v53, v14  }
0x6a: {  	v56 =	vld [tilespmem:s25+$0x60]  }
0x6b: {  	v6 =	vadd.f32 v8, v6;
	v8 =	vmul.f32 v9, v10;
	v9 =	vld [tilespmem:s26+$0x70]  }
0x6c: {  	v10 =	vld [tilespmem:s25+$0x70]  }
0x6d: {  	v6 =	vadd.f32 v8, v6;
	v8 =	vmul.f32 v11, v54;
	_ =	sdelay $0x1  }
0x6e: {  	v6 =	vadd.f32 v8, v6;
	v8 =	vmul.f32 v55, v56;
	_ =	sdelay $0x1  }
0x6f: {  	v6 =	vadd.f32 v8, v6;
	v8 =	vmul.f32 v9, v10;
	_ =	sdelay $0x1  }
0x70: {  	v8 =	vadd.f32 v8, v6;
	_ =	sdelay $0x1  }
0x71: {  	[tilespmem:$0x9120] =	vst v8  }
0x72: {  	v6 =	vld [tilespmem:s26+$0x90]  }
0x73: {  	v9 =	vld [tilespmem:s26+$0x80]  }
0x74: {  	v10 =	vld [tilespmem:s25+$0x80]  }
0x75: {  	v11 =	vld [tilespmem:s25+$0x90]  }
0x76: {  	v57 =	vld [tilespmem:s26+$0xA0]  }
0x77: {  	v58 =	vld [tilespmem:s25+$0xA0]  }
0x78: {  	v59 =	vld [tilespmem:s26+$0xB0]  }
0x79: {  	v15 =	vld [tilespmem:s25+$0xB0]  }
0x7a: {  	v9 =	vmul.f32 v9, v10;
	v6 =	vmul.f32 v6, v11;
	v10 =	vld [tilespmem:s26+$0xC0]  }
0x7b: {  	v11 =	vld [tilespmem:s25+$0xC0]  }
0x7c: {  	v60 =	vld [tilespmem:s26+$0xD0];
	v6 =	vadd.f32 v6, v9;
	v9 =	vmul.f32 v57, v58  }
0x7d: {  	v61 =	vld [tilespmem:s25+$0xD0]  }
0x7e: {  	v62 =	vld [tilespmem:s26+$0xE0];
	v6 =	vadd.f32 v9, v6;
	v9 =	vmul.f32 v59, v15  }
0x7f: {  	v63 =	vld [tilespmem:s25+$0xE0]  }
0x80: {  	v6 =	vadd.f32 v9, v6;
	v9 =	vmul.f32 v10, v11;
	v10 =	vld [tilespmem:s26+$0xF0]  }
0x81: {  	v11 =	vld [tilespmem:s25+$0xF0]  }
0x82: {  	v6 =	vadd.f32 v9, v6;
	v9 =	vmul.f32 v60, v61;
	_ =	sdelay $0x1  }
0x83: {  	v6 =	vadd.f32 v9, v6;
	v9 =	vmul.f32 v62, v63;
	_ =	sdelay $0x1  }
0x84: {  	v6 =	vadd.f32 v9, v6;
	v9 =	vmul.f32 v10, v11  }
0x85: {  	v10 =	vor.u32 s28, v2  }
0x86: {  	v6 =	vadd.f32 v9, v6;
	_ =	sdelay $0x1  }
0x87: {  	[tilespmem:$0x9130] =	vst v6  }
0x88: {  	v9 =	vld.idx.msk [tilespmem:v0+s19+$0x0], $0xffff  }
0x89: {  	v11 =	vld.idx.msk [tilespmem:v10+s13+$0x0], $0xffff  }
0x8a: {  	v10 =	vld.idx.msk [tilespmem:v10+s14+$0x0], $0xffff;
	_ =	sdelay $0x4  }
0x8b: {  	v5 =	vadd.f32 v9, v5;
	v9 =	vadd.f32 v10, v11;
	_ =	sdelay $0x1  }
0x8c: {  	v5 =	vadd.f32 v9, v5;
	_ =	sdelay $0x1  }
0x8d: {  	v5 =	vmul.f32 $1.442695020e+00, v5;
	_ =	sdelay $0x1  }
0x8e: {  	(erf) = vpow2.f32 v5;
	_ =	sdelay $0x4  }
0x8f: {  	s28 =	simm.s32 $0x8  }
0x90: {  	v5 =	vor.u32 s28, v2;
	_ =	sdelay $0x2  }
0x91: {  	s28 =	simm.s32 $0x8920;
	v9 =	vpop (erf)  }
0x92: {  	[tilespmem:s28+$0xFFFFFFE0] =	vst v9  }
0x93: {  	v9 =	vld.idx.msk [tilespmem:v5+s13+$0x0], $0xffff  }
0x94: {  	v10 =	vld.idx.msk [tilespmem:v1+s19+$0x0], $0xffff  }
0x95: {  	v5 =	vld.idx.msk [tilespmem:v5+s14+$0x0], $0xffff;
	_ =	sdelay $0x4  }
0x96: {  	v7 =	vadd.f32 v10, v7;
	v5 =	vadd.f32 v5, v9;
	_ =	sdelay $0x1  }
0x97: {  	v5 =	vadd.f32 v5, v7;
	_ =	sdelay $0x1  }
0x98: {  	v5 =	vmul.f32 $1.442695020e+00, v5;
	_ =	sdelay $0x1  }
0x99: {  	(erf) = vpow2.f32 v5;
	_ =	sdelay $0x4  }
0x9a: {  	s29 =	simm.s32 $0x10  }
0x9b: {  	v5 =	vor.u32 s29, v2;
	_ =	sdelay $0x2  }
0x9c: {  	v7 =	vpop (erf)  }
0x9d: {  	[tilespmem:s28+$0xFFFFFFF0] =	vst v7  }
0x9e: {  	v7 =	vld.idx.msk [tilespmem:v5+s13+$0x0], $0xffff  }
0x9f: {  	v9 =	vld.idx.msk [tilespmem:v3+s19+$0x0], $0xffff  }
0xa0: {  	v5 =	vld.idx.msk [tilespmem:v5+s14+$0x0], $0xffff;
	_ =	sdelay $0x4  }
0xa1: {  	v8 =	vadd.f32 v9, v8;
	v5 =	vadd.f32 v5, v7;
	_ =	sdelay $0x1  }
0xa2: {  	v5 =	vadd.f32 v5, v8;
	_ =	sdelay $0x1  }
0xa3: {  	v5 =	vmul.f32 $1.442695020e+00, v5;
	_ =	sdelay $0x1  }
0xa4: {  	(erf) = vpow2.f32 v5;
	_ =	sdelay $0x4  }
0xa5: {  	s29 =	simm.s32 $0x18  }
0xa6: {  	v8 =	vor.u32 s29, v2;
	_ =	sdelay $0x2  }
0xa7: {  	v5 =	vpop (erf)  }
0xa8: {  	[tilespmem:s28+$0x0] =	vst v5  }
0xa9: {  	v5 =	vld.idx.msk [tilespmem:v8+s14+$0x0], $0xffff  }
0xaa: {  	v7 =	vld.idx.msk [tilespmem:v4+s19+$0x0], $0xffff  }
0xab: {  	s30 =	simm.s32 $0x20;
	s29 =	simm.s32 $0x8920;
	v8 =	vld.idx.msk [tilespmem:v8+s13+$0x0], $0xffff  }
.LBB2_3:
0xac: {  	_ = 	snop  }
0xad: {  	s28 =	sadd.s32 $0x40, s28;
	s25 =	sadd.s32 $0x200, s25;
	s26 =	sadd.s32 $0x200, s26  }
0xae: {  	p0 =	sne.s32 s30, $0x3E0;
	s31 =	smov.u32 s30;
	s30 =	sadd.s32 $0x20, s30  }
0xaf: {  	v6 =	vadd.f32 v7, v6  }
0xb0: {  	v5 =	vadd.f32 v5, v8;
	_ =	sdelay $0x1  }
0xb1: {  	v5 =	vadd.f32 v5, v6;
	_ =	sdelay $0x1  }
0xb2: {  	v5 =	vmul.f32 $1.442695020e+00, v5;
	_ =	sdelay $0x1  }
0xb3: {  	(erf) = vpow2.f32 v5;
	_ =	sdelay $0x8  }
0xb4: {  	v5 =	vpop (erf)  }
0xb5: {  	[tilespmem:s29+$0x10] =	vst v5;
	s29 =	smov.u32 s28  }
0xb6: {  	v5 =	vld [tilespmem:s25+$0xFFFFFF00]  }
0xb7: {  	v6 =	vld [tilespmem:s26+$0xFFFFFF10]  }
0xb8: {  	v7 =	vld [tilespmem:s25+$0xFFFFFF10]  }
0xb9: {  	v8 =	vld [tilespmem:s26+$0xFFFFFF00]  }
0xba: {  	v9 =	vld [tilespmem:s26+$0xFFFFFF20]  }
0xbb: {  	v10 =	vld [tilespmem:s25+$0xFFFFFF20]  }
0xbc: {  	v11 =	vld [tilespmem:s26+$0xFFFFFF30]  }
0xbd: {  	v6 =	vmul.f32 v6, v7;
	v7 =	vld [tilespmem:s25+$0xFFFFFF30]  }
0xbe: {  	v5 =	vmul.f32 v8, v5;
	v8 =	vld [tilespmem:s26+$0xFFFFFF40]  }
0xbf: {  	v12 =	vld [tilespmem:s25+$0xFFFFFF40]  }
0xc0: {  	v5 =	vadd.f32 v6, v5;
	v6 =	vmul.f32 v9, v10;
	v9 =	vld [tilespmem:s26+$0xFFFFFF50]  }
0xc1: {  	v10 =	vld [tilespmem:s25+$0xFFFFFF50]  }
0xc2: {  	v5 =	vadd.f32 v6, v5;
	v6 =	vmul.f32 v11, v7;
	v7 =	vld [tilespmem:s26+$0xFFFFFF60]  }
0xc3: {  	v11 =	vld [tilespmem:s25+$0xFFFFFF60]  }
0xc4: {  	v5 =	vadd.f32 v6, v5;
	v6 =	vmul.f32 v8, v12;
	v8 =	vld [tilespmem:s26+$0xFFFFFF70]  }
0xc5: {  	v12 =	vld [tilespmem:s25+$0xFFFFFF70]  }
0xc6: {  	v5 =	vadd.f32 v6, v5;
	v6 =	vmul.f32 v9, v10;
	_ =	sdelay $0x1  }
0xc7: {  	v5 =	vadd.f32 v6, v5;
	v6 =	vmul.f32 v7, v11;
	_ =	sdelay $0x1  }
0xc8: {  	v5 =	vadd.f32 v6, v5;
	v6 =	vmul.f32 v8, v12;
	_ =	sdelay $0x1  }
0xc9: {  	v5 =	vadd.f32 v6, v5;
	_ =	sdelay $0x1  }
0xca: {  	[tilespmem:$0x9100] =	vst v5  }
0xcb: {  	v6 =	vld [tilespmem:s26+$0xFFFFFFA0]  }
0xcc: {  	v7 =	vld [tilespmem:s26+$0xFFFFFF90]  }
0xcd: {  	v8 =	vld [tilespmem:s25+$0xFFFFFF80]  }
0xce: {  	v9 =	vld [tilespmem:s25+$0xFFFFFFA0]  }
0xcf: {  	v10 =	vld [tilespmem:s25+$0xFFFFFF90]  }
0xd0: {  	v11 =	vld [tilespmem:s26+$0xFFFFFF80];
	_ =	sdelay $0x2  }
0xd1: {  	v6 =	vmul.f32 v6, v9;
	v9 =	vld [tilespmem:s26+$0xFFFFFFB0]  }
0xd2: {  	v7 =	vmul.f32 v7, v10;
	v10 =	vld [tilespmem:s25+$0xFFFFFFB0]  }
0xd3: {  	v8 =	vmul.f32 v11, v8;
	v11 =	vld [tilespmem:s26+$0xFFFFFFC0]  }
0xd4: {  	v12 =	vld [tilespmem:s25+$0xFFFFFFC0]  }
0xd5: {  	v7 =	vadd.f32 v7, v8;
	v8 =	vld [tilespmem:s26+$0xFFFFFFD0]  }
0xd6: {  	v13 =	vld [tilespmem:s25+$0xFFFFFFD0]  }
0xd7: {  	v6 =	vadd.f32 v6, v7;
	v7 =	vmul.f32 v9, v10;
	v9 =	vld [tilespmem:s26+$0xFFFFFFE0]  }
0xd8: {  	v10 =	vld [tilespmem:s25+$0xFFFFFFE0]  }
0xd9: {  	v6 =	vadd.f32 v7, v6;
	v7 =	vmul.f32 v11, v12;
	v11 =	vld [tilespmem:s26+$0xFFFFFFF0]  }
0xda: {  	v12 =	vld [tilespmem:s25+$0xFFFFFFF0]  }
0xdb: {  	v6 =	vadd.f32 v7, v6;
	v7 =	vmul.f32 v8, v13;
	_ =	sdelay $0x1  }
0xdc: {  	v6 =	vadd.f32 v7, v6;
	v7 =	vmul.f32 v9, v10;
	_ =	sdelay $0x1  }
0xdd: {  	v6 =	vadd.f32 v7, v6;
	v7 =	vmul.f32 v11, v12;
	_ =	sdelay $0x1  }
0xde: {  	v7 =	vadd.f32 v7, v6;
	_ =	sdelay $0x1  }
0xdf: {  	[tilespmem:$0x9110] =	vst v7  }
0xe0: {  	v6 =	vld [tilespmem:s25+$0x0]  }
0xe1: {  	v8 =	vld [tilespmem:s26+$0x0]  }
0xe2: {  	v9 =	vld [tilespmem:s26+$0x10]  }
0xe3: {  	v10 =	vld [tilespmem:s25+$0x10]  }
0xe4: {  	v11 =	vld [tilespmem:s26+$0x20]  }
0xe5: {  	v12 =	vld [tilespmem:s25+$0x20]  }
0xe6: {  	v6 =	vmul.f32 v8, v6;
	v8 =	vld [tilespmem:s26+$0x30]  }
0xe7: {  	v13 =	vld [tilespmem:s25+$0x30]  }
0xe8: {  	v9 =	vmul.f32 v9, v10;
	v10 =	vld [tilespmem:s26+$0x40]  }
0xe9: {  	v14 =	vld [tilespmem:s25+$0x40]  }
0xea: {  	v6 =	vadd.f32 v9, v6;
	v9 =	vmul.f32 v11, v12;
	v11 =	vld [tilespmem:s26+$0x50]  }
0xeb: {  	v12 =	vld [tilespmem:s25+$0x50]  }
0xec: {  	v6 =	vadd.f32 v9, v6;
	v8 =	vmul.f32 v8, v13;
	v9 =	vld [tilespmem:s26+$0x60]  }
0xed: {  	v13 =	vld [tilespmem:s25+$0x60]  }
0xee: {  	v6 =	vadd.f32 v8, v6;
	v8 =	vmul.f32 v10, v14;
	v10 =	vld [tilespmem:s26+$0x70]  }
0xef: {  	v14 =	vld [tilespmem:s25+$0x70]  }
0xf0: {  	v6 =	vadd.f32 v8, v6;
	v8 =	vmul.f32 v11, v12;
	_ =	sdelay $0x1  }
0xf1: {  	v6 =	vadd.f32 v8, v6;
	v8 =	vmul.f32 v9, v13;
	_ =	sdelay $0x1  }
0xf2: {  	v6 =	vadd.f32 v8, v6;
	v8 =	vmul.f32 v10, v14;
	_ =	sdelay $0x1  }
0xf3: {  	v8 =	vadd.f32 v8, v6;
	_ =	sdelay $0x1  }
0xf4: {  	[tilespmem:$0x9120] =	vst v8  }
0xf5: {  	v6 =	vld [tilespmem:s26+$0x90]  }
0xf6: {  	v9 =	vld [tilespmem:s26+$0x80]  }
0xf7: {  	v10 =	vld [tilespmem:s25+$0x80]  }
0xf8: {  	v11 =	vld [tilespmem:s25+$0x90]  }
0xf9: {  	v12 =	vld [tilespmem:s26+$0xA0]  }
0xfa: {  	v13 =	vld [tilespmem:s25+$0xA0]  }
0xfb: {  	v14 =	vld [tilespmem:s26+$0xB0]  }
0xfc: {  	v9 =	vmul.f32 v9, v10;
	v10 =	vld [tilespmem:s25+$0xB0]  }
0xfd: {  	v6 =	vmul.f32 v6, v11;
	v11 =	vld [tilespmem:s26+$0xC0]  }
0xfe: {  	v15 =	vld [tilespmem:s25+$0xC0]  }
0xff: {  	v6 =	vadd.f32 v6, v9;
	v9 =	vmul.f32 v12, v13;
	v12 =	vld [tilespmem:s26+$0xD0]  }
0x100: {  	v13 =	vld [tilespmem:s25+$0xD0]  }
0x101: {  	v6 =	vadd.f32 v9, v6;
	v9 =	vmul.f32 v14, v10;
	v10 =	vld [tilespmem:s26+$0xE0]  }
0x102: {  	v14 =	vld [tilespmem:s25+$0xE0]  }
0x103: {  	v6 =	vadd.f32 v9, v6;
	v9 =	vmul.f32 v11, v15;
	v11 =	vld [tilespmem:s26+$0xF0]  }
0x104: {  	v15 =	vld [tilespmem:s25+$0xF0]  }
0x105: {  	v6 =	vadd.f32 v9, v6;
	v9 =	vmul.f32 v12, v13;
	_ =	sdelay $0x1  }
0x106: {  	v6 =	vadd.f32 v9, v6;
	v9 =	vmul.f32 v10, v14;
	_ =	sdelay $0x1  }
0x107: {  	v6 =	vadd.f32 v9, v6;
	v9 =	vmul.f32 v11, v15  }
0x108: {  	v10 =	vor.u32 s31, v2  }
0x109: {  	v6 =	vadd.f32 v9, v6;
	_ =	sdelay $0x1  }
0x10a: {  	[tilespmem:$0x9130] =	vst v6  }
0x10b: {  	v9 =	vld.idx.msk [tilespmem:v0+s19+$0x0], $0xffff  }
0x10c: {  	v11 =	vld.idx.msk [tilespmem:v10+s13+$0x0], $0xffff  }
0x10d: {  	v10 =	vld.idx.msk [tilespmem:v10+s14+$0x0], $0xffff;
	_ =	sdelay $0x3  }
0x10e: {  	v5 =	vadd.f32 v9, v5;
	_ =	sdelay $0x1  }
0x10f: {  	v9 =	vadd.f32 v10, v11;
	_ =	sdelay $0x1  }
0x110: {  	v5 =	vadd.f32 v9, v5;
	_ =	sdelay $0x1  }
0x111: {  	v5 =	vmul.f32 $1.442695020e+00, v5;
	_ =	sdelay $0x1  }
0x112: {  	(erf) = vpow2.f32 v5;
	_ =	sdelay $0x4  }
0x113: {  	s0 =	sadd.s32 $0x8, s31  }
0x114: {  	v5 =	vor.u32 s0, v2;
	_ =	sdelay $0x2  }
0x115: {  	v9 =	vpop (erf)  }
0x116: {  	[tilespmem:s28+$0xFFFFFFE0] =	vst v9  }
0x117: {  	v9 =	vld.idx.msk [tilespmem:v5+s13+$0x0], $0xffff  }
0x118: {  	v10 =	vld.idx.msk [tilespmem:v1+s19+$0x0], $0xffff  }
0x119: {  	v5 =	vld.idx.msk [tilespmem:v5+s14+$0x0], $0xffff;
	_ =	sdelay $0x4  }
0x11a: {  	v7 =	vadd.f32 v10, v7  }
0x11b: {  	v5 =	vadd.f32 v5, v9;
	_ =	sdelay $0x1  }
0x11c: {  	v5 =	vadd.f32 v5, v7;
	_ =	sdelay $0x1  }
0x11d: {  	v5 =	vmul.f32 $1.442695020e+00, v5;
	_ =	sdelay $0x1  }
0x11e: {  	(erf) = vpow2.f32 v5;
	_ =	sdelay $0x4  }
0x11f: {  	s0 =	sadd.s32 $0x10, s31  }
0x120: {  	v5 =	vor.u32 s0, v2;
	_ =	sdelay $0x2  }
0x121: {  	v7 =	vpop (erf)  }
0x122: {  	[tilespmem:s28+$0xFFFFFFF0] =	vst v7  }
0x123: {  	v7 =	vld.idx.msk [tilespmem:v5+s13+$0x0], $0xffff  }
0x124: {  	v9 =	vld.idx.msk [tilespmem:v3+s19+$0x0], $0xffff  }
0x125: {  	v5 =	vld.idx.msk [tilespmem:v5+s14+$0x0], $0xffff;
	_ =	sdelay $0x4  }
0x126: {  	v8 =	vadd.f32 v9, v8  }
0x127: {  	v5 =	vadd.f32 v5, v7;
	_ =	sdelay $0x1  }
0x128: {  	v5 =	vadd.f32 v5, v8;
	_ =	sdelay $0x1  }
0x129: {  	v5 =	vmul.f32 $1.442695020e+00, v5;
	_ =	sdelay $0x1  }
0x12a: {  	(erf) = vpow2.f32 v5;
	_ =	sdelay $0x4  }
0x12b: {  	s0 =	sadd.s32 $0x18, s31  }
0x12c: {  	v8 =	vor.u32 s0, v2;
	_ =	sdelay $0x2  }
.Ltmp0:
0x12d: {  	v5 =	vpop (erf);
	(pc) =	sbr.rel @p0 .LBB2_3-.Ltmp0, $4  }
0x12e: {  	[tilespmem:s28+$0x0] =	vst v5  }
0x12f: {  	v5 =	vld.idx.msk [tilespmem:v8+s14+$0x0], $0xffff  }
0x130: {  	v7 =	vld.idx.msk [tilespmem:v4+s19+$0x0], $0xffff  }
0x131: {  	v8 =	vld.idx.msk [tilespmem:v8+s13+$0x0], $0xffff  }
0x132: {  	_ =	sdelay $0x3  }
0x133: {  	v6 =	vadd.f32 v7, v6;
	v5 =	vadd.f32 v5, v8;
	_ =	sdelay $0x1  }
0x134: {  	v5 =	vadd.f32 v5, v6;
	_ =	sdelay $0x1  }
0x135: {  	v5 =	vmul.f32 $1.442695020e+00, v5;
	_ =	sdelay $0x1  }
0x136: {  	(erf) = vpow2.f32 v5;
	_ =	sdelay $0x7  }
0x137: {  	s0 =	sshll.u32 s24, $0x8;
	s23 =	sadd.s32 $0x1, s23  }
0x138: {  	s0 =	sand.u32 $0x1FFFFF00, s0;
	p0 =	sne.s32 s23, s10;
	v5 =	vpop (erf)  }
.Ltmp1:
0x139: {  	s0 =	sadd.s32 s9, s0;
	[tilespmem:s29+$0x10] =	vst v5;
	(pc) =	sbr.rel @p0 .LBB2_2-.Ltmp1, $4  }
0x13a: {  	[hbm4b:s0+s1] =	stream.linear.scatter [tilespmem:s20], [sflag:$0x3], $0x800, $0x38;
	[tilespmem:$0x9180] =	vst v63  }
0x13b: {  	_ =	swait.ge [sflag:s21], $0x800  }
0x13c: {  	[sflag:s21] =	ssyncset.done $0x0  }
0x13d: {  	[sflag:s21] =	ssyncadd.s32 $0xFFFFF800  }
0x13e: {  	s22 =	sadd.s32 $0x1, s22  }
0x13f: {  	p0 =	sne.s32 s22, s11  }
.Ltmp2:
0x140: {  	_ = 	snop;
	(pc) =	sbr.rel @p0 .LBB2_1-.Ltmp2, $1  }
0x141: {  	_ =	sdelay $0x3  }
0x142: {  	_ =	sfence.sel $0x180000  }
0x143: {  	[bflag:$0x0] =	sbarrier.arrive $0xFFFF  }
0x144: {  	_ =	strace $0x90000047  }
0x145: {  	[bflag:$0x2] =	sbarrier.arrive $0xFFFF  }
0x146: {  	p0 =	sne.s32 s5, $0x0;
	s0 =	rddreg [dreg:$0x1]  }
0x147: {  	s0 =	sadd.s32 @!p0 $0x100000, s0  }
0x148: {  	[sflag:s0] =	ssyncadd.tile.s32 @!p0 $0x1;
	_ =	shalt  }
.Lfunc_end2:
_tile_overlayer_lowered:
.L_overlay_start_2:
0x149: {  	(tag) =	ssettag $0x2  }
0x14a: {  	s0 =	rddreg [dreg:$0x0];
	s2 =	stileid.u32  }
0x14b: {  	s1 =	rddreg [dreg:$0x1];
	p0 =	sne.s32 s2, $0x0  }
0x14c: {  	s3 =	rddreg [dreg:$0x2];
	[bflag:$0x3] =	sbarrier.arrive $0xFFFF;
	s2 =	simm.s32 @!p0 $0x1C03  }
0x14d: {  	[timem:s3], [sflag:s2] =	dma.local @!p0 [hbm:s0], s1  }
0x14e: {  	s0 =	simm.s32 @!p0 $0x3  }
0x14f: {  	_ =	swait.ge @!p0 [sflag:s0], s1  }
0x150: {  	s1 =	ssub.s32 @!p0 $0x0, s1;
	[sflag:s0] =	ssyncset.done @!p0 $0x0  }
0x151: {  	[sflag:s0] =	ssyncadd.s32 @!p0 s1  }
0x152: {  	[bflag:$0x3] =	sbarrier.arrive $0xFFFF  }
0x153: {  	_ =	shalt  }

</sc_bundles>
